<compile_context>
chip_gen: v7x
topology: tpu7x:2x2x1
jax: 0.10.2.dev20260603
libtpu: 0.0.44.dev20260713+nightly
codegen_flags: <defaults>
</compile_context>

<pallas_src>
import math

import jax
from jax import lax
import jax.numpy as jnp
from jax.experimental import pallas as pl
from jax.experimental.pallas import tpu as pltpu
from jax.experimental.pallas import tpu_sc as plsc

D_MODEL = 768
SCALE = math.sqrt(D_MODEL)
LANES = 16
NC, NS = 2, 16
NW = NC * NS
CHUNK = 64
NBUF = 2
AHEAD = 1


def kernel(x, table):
    x = x.astype(jnp.int32)
    batch, seq = x.shape
    n = batch * seq
    b_per_w = n // NW
    n_chunks = b_per_w // CHUNK
    w_per_row = seq // b_per_w

    mesh = plsc.VectorSubcoreMesh(core_axis_name="c", subcore_axis_name="s")

    @jax.jit
    @pl.kernel(
        out_type=jax.ShapeDtypeStruct((batch, seq, D_MODEL), jnp.float32),
        mesh=mesh,
        scratch_types=[
            pltpu.VMEM((b_per_w,), jnp.int32),
        ]
        + [pltpu.VMEM((CHUNK, D_MODEL), jnp.float32)] * NBUF
        + [pltpu.SemaphoreType.DMA] * (2 * NBUF),
    )
    def emb_kernel(tab_hbm, idx_hbm, out_hbm, idx_v, *scratch):
        bufs = scratch[:NBUF]
        gsems = scratch[NBUF : 2 * NBUF]
        osems = scratch[2 * NBUF :]
        wid = lax.axis_index("s") * NC + lax.axis_index("c")
        row = wid // w_per_row
        off = (wid % w_per_row) * b_per_w
        pltpu.sync_copy(idx_hbm.at[row, pl.ds(off, b_per_w)], idx_v)

        def gather(c):
            buf = c % NBUF
            return pltpu.async_copy(
                tab_hbm.at[idx_v.at[pl.ds(c * CHUNK, CHUNK)]], bufs[buf], gsems[buf]
            )

        def scale(buf):
            rows = bufs[buf]

            @pl.loop(0, CHUNK)
            def _(r):
                for col in range(0, D_MODEL, LANES):
                    rows.at[r, pl.ds(col, LANES)][...] = (
                        rows.at[r, pl.ds(col, LANES)][...] * SCALE
                    )

        def put(c):
            buf = c % NBUF
            return pltpu.async_copy(
                bufs[buf], out_hbm.at[row, pl.ds(off + c * CHUNK, CHUNK)], osems[buf]
            )

        gathers = {c: gather(c) for c in range(min(AHEAD, n_chunks))}
        puts = {}
        for c in range(n_chunks):
            g = c + AHEAD
            if g < n_chunks:
                if g - NBUF >= 0:
                    puts[g - NBUF].wait()
                gathers[g] = gather(g)
            gathers[c].wait()
            scale(c % NBUF)
            puts[c] = put(c)
        for c in range(max(0, n_chunks - NBUF), n_chunks):
            puts[c].wait()

    return emb_kernel(table, x)

# --- scband reference (transcript-rebuilt; emitter-appended) ---
"""Pipeline reference for scband-token-embedding-36026185679196 (READ-ONLY COPY).

The authoritative reference and input builder live on the scoring server;
editing this copy changes nothing except your own understanding.
"""

import math
import jax, jax.numpy as jnp
import numpy as np

VOCAB = 100000
D_MODEL = 768
PADDING_IDX = 0
BATCH = 4
SEQ = 2048


def setup_inputs(seed: int = 0) -> dict:
    key = jax.random.key(seed)
    k_idx, k_w = jax.random.split(key)
    x = jax.random.randint(k_idx, (BATCH, SEQ), 0, VOCAB, dtype=jnp.int64 if jax.config.jax_enable_x64 else jnp.int32)
    # nn.init.normal_(weight, mean=0, std=d_model**-0.5); padding_idx row zeroed
    table = jax.random.normal(k_w, (VOCAB, D_MODEL), dtype=jnp.float32) * (D_MODEL ** -0.5)
    table = table.at[PADDING_IDX].set(0.0)
    return {"x": x, "table": table}


def reference(x, table):
    # embedding lookup (gather) with padding_idx row forced to zero, scaled by sqrt(d_model)
    t = table.at[PADDING_IDX].set(0.0)
    emb = jnp.take(t, x, axis=0)
    return emb * math.sqrt(D_MODEL)

if __name__ == "__main__":
    import jax
    _d = setup_inputs()
    print(jax.jit(kernel)(*tuple(_d.values())))

</pallas_src>

<mosaic_0001>
#map = affine_map<(d0, d1) -> (0, 0)>
#map1 = affine_map<(d0, d1) -> (0, 0, 0)>
module attributes {stable_mosaic.version = 14 : i64} {
  func.func @emb_kernel(%arg0: i32, %arg1: i32, %arg2: memref<100000x768xf32, #tpu.memory_space<hbm>>, %arg3: memref<4x2048xi32, #tpu.memory_space<hbm>>, %arg4: memref<4x2048x768xf32, #tpu.memory_space<hbm>>, %arg5: memref<256xi32, #tpu.memory_space<vmem>>, %arg6: memref<64x768xf32, #tpu.memory_space<vmem>>, %arg7: memref<64x768xf32, #tpu.memory_space<vmem>>, %arg8: memref<!tpu.dma_semaphore, #tpu.memory_space<semaphore_mem>>, %arg9: memref<!tpu.dma_semaphore, #tpu.memory_space<semaphore_mem>>, %arg10: memref<!tpu.dma_semaphore, #tpu.memory_space<semaphore_mem>>, %arg11: memref<!tpu.dma_semaphore, #tpu.memory_space<semaphore_mem>>) attributes {dimension_semantics = [#tpu.dimension_semantics<core_parallel>, #tpu.dimension_semantics<subcore_parallel>], iteration_bounds = array<i64: 2, 16>, scalar_prefetch = 0 : i64, scratch_operands = 7 : i64, tpu.core_type = #tpu.core_type<sc_vector_subcore>, window_params = [{transform_indices = #map}, {transform_indices = #map}, {transform_indices = #map1}]} {
    %mul3A = arith.constant 2 : i32
    %mul3A_0 = arith.muli %arg1, %mul3A : i32
    %add3A = arith.addi %mul3A_0, %arg0 : i32
    %jit3A = arith.constant 8 : i32
    %div3A = arith.divsi %add3A, %jit3A : i32
    %sign3A = arith.constant 0 : i32
    %sign3A_1 = arith.cmpi sgt, %add3A, %sign3A : i32
    %sign3A_2 = arith.extui %sign3A_1 : i1 to i32
    %sign3A_3 = arith.constant 0 : i32
    %sign3A_4 = arith.cmpi slt, %add3A, %sign3A_3 : i32
    %sign3A_5 = arith.extui %sign3A_4 : i1 to i32
    %sign3A_6 = arith.subi %sign3A_2, %sign3A_5 : i32
    %sign3A_7 = arith.constant 0 : i32
    %sign3A_8 = arith.cmpi sgt, %jit3A, %sign3A_7 : i32
    %sign3A_9 = arith.extui %sign3A_8 : i1 to i32
    %sign3A_10 = arith.constant 0 : i32
    %sign3A_11 = arith.cmpi slt, %jit3A, %sign3A_10 : i32
    %sign3A_12 = arith.extui %sign3A_11 : i1 to i32
    %sign3A_13 = arith.subi %sign3A_9, %sign3A_12 : i32
    %ne3A = arith.cmpi ne, %sign3A_6, %sign3A_13 : i32
    %rem3A = arith.remsi %add3A, %jit3A : i32
    %ne3A_14 = arith.constant 0 : i32
    %ne3A_15 = arith.cmpi ne, %rem3A, %ne3A_14 : i32
    %and3A = arith.andi %ne3A, %ne3A_15 : i1
    %sub3A = arith.constant 1 : i32
    %sub3A_16 = arith.subi %div3A, %sub3A : i32
    %select_n3A = arith.select %and3A, %sub3A_16, %div3A : i32
    %jit3A_17 = arith.constant 8 : i32
    %eq3A = arith.constant 0 : i32
    %eq3A_18 = arith.cmpi eq, %jit3A_17, %eq3A : i32
    %jit3A_19 = arith.constant 1 : i32
    %select_n3A_20 = arith.select %eq3A_18, %jit3A_19, %jit3A_17 : i32
    %rem3A_21 = arith.remsi %add3A, %select_n3A_20 : i32
    %ne3A_22 = arith.constant 0 : i32
    %ne3A_23 = arith.cmpi ne, %rem3A_21, %ne3A_22 : i32
    %lt3A = arith.constant 0 : i32
    %lt3A_24 = arith.cmpi slt, %rem3A_21, %lt3A : i32
    %lt3A_25 = arith.constant 0 : i32
    %lt3A_26 = arith.cmpi slt, %select_n3A_20, %lt3A_25 : i32
    %ne3A_27 = arith.xori %lt3A_24, %lt3A_26 : i1
    %and3A_28 = arith.andi %ne3A_27, %ne3A_23 : i1
    %add3A_29 = arith.addi %rem3A_21, %select_n3A_20 : i32
    %select_n3A_30 = arith.select %and3A_28, %add3A_29, %rem3A_21 : i32
    %mul3A_31 = arith.constant 256 : i32
    %mul3A_32 = arith.muli %select_n3A_30, %mul3A_31 : i32
    "tpu.region"() ({
      %run_scoped3A = tpu.sem_alloc : memref<!tpu.dma_semaphore, #tpu.memory_space<semaphore_mem>>
      %dma_start3A_146 = tpu.memref_slice %arg3[%select_n3A, %mul3A_32] : memref<4x2048xi32, #tpu.memory_space<hbm>> -> memref<1x256xi32, #tpu.memory_space<hbm>>
      %dma_start3A_147 = tpu.memref_squeeze %dma_start3A_146 : memref<1x256xi32, #tpu.memory_space<hbm>> -> memref<256xi32, #tpu.memory_space<hbm>>
      %dma_start3A_148 = tpu.memref_slice %arg3[%select_n3A, %mul3A_32] : memref<4x2048xi32, #tpu.memory_space<hbm>> -> memref<1x256xi32, #tpu.memory_space<hbm>>
      %dma_start3A_149 = tpu.memref_squeeze %dma_start3A_148 : memref<1x256xi32, #tpu.memory_space<hbm>> -> memref<256xi32, #tpu.memory_space<hbm>>
      tpu.enqueue_dma source(%dma_start3A_149 : memref<256xi32, #tpu.memory_space<hbm>>) target(%arg5 : memref<256xi32, #tpu.memory_space<vmem>>) target_semaphore(%run_scoped3A : memref<!tpu.dma_semaphore, #tpu.memory_space<semaphore_mem>>)
      %dma_wait3A_150 = tpu.memref_slice %arg3[%select_n3A, %mul3A_32] : memref<4x2048xi32, #tpu.memory_space<hbm>> -> memref<1x256xi32, #tpu.memory_space<hbm>>
      %dma_wait3A_151 = tpu.memref_squeeze %dma_wait3A_150 : memref<1x256xi32, #tpu.memory_space<hbm>> -> memref<256xi32, #tpu.memory_space<hbm>>
      %dma_wait3A_152 = tpu.memref_slice %arg3[%select_n3A, %mul3A_32] : memref<4x2048xi32, #tpu.memory_space<hbm>> -> memref<1x256xi32, #tpu.memory_space<hbm>>
      %dma_wait3A_153 = tpu.memref_squeeze %dma_wait3A_152 : memref<1x256xi32, #tpu.memory_space<hbm>> -> memref<256xi32, #tpu.memory_space<hbm>>
      tpu.wait_dma2 semaphore(%run_scoped3A : memref<!tpu.dma_semaphore, #tpu.memory_space<semaphore_mem>>) src(%dma_wait3A_153 : memref<256xi32, #tpu.memory_space<hbm>>) dst(%arg5 : memref<256xi32, #tpu.memory_space<vmem>>)
      tpu.yield
    }) : () -> ()
    %dma_start3A = arith.constant 0 : i32
    %dma_start3A_33 = tpu.memref_slice %arg5[%dma_start3A] : memref<256xi32, #tpu.memory_space<vmem>> -> memref<64xi32, #tpu.memory_space<vmem>>
    %dma_start3A_34 = arith.constant 0 : i32
    %dma_start3A_35 = arith.constant 0 : i32
    %dma_start3A_36 = tpu.memref_slice %arg2[%dma_start3A_34, %dma_start3A_35] : memref<100000x768xf32, #tpu.memory_space<hbm>> -> memref<100000x768xf32, #tpu.memory_space<hbm>>
    tpu.enqueue_indirect_dma source(%dma_start3A_36 : memref<100000x768xf32, #tpu.memory_space<hbm>>) target(%arg6 : memref<64x768xf32, #tpu.memory_space<vmem>>) offsets(%dma_start3A_33 : memref<64xi32, #tpu.memory_space<vmem>>) semaphore(%arg8 : memref<!tpu.dma_semaphore, #tpu.memory_space<semaphore_mem>>)
    %dma_start3A_37 = arith.constant 64 : i32
    %dma_start3A_38 = tpu.memref_slice %arg5[%dma_start3A_37] : memref<256xi32, #tpu.memory_space<vmem>> -> memref<64xi32, #tpu.memory_space<vmem>>
    %dma_start3A_39 = arith.constant 0 : i32
    %dma_start3A_40 = arith.constant 0 : i32
    %dma_start3A_41 = tpu.memref_slice %arg2[%dma_start3A_39, %dma_start3A_40] : memref<100000x768xf32, #tpu.memory_space<hbm>> -> memref<100000x768xf32, #tpu.memory_space<hbm>>
    tpu.enqueue_indirect_dma source(%dma_start3A_41 : memref<100000x768xf32, #tpu.memory_space<hbm>>) target(%arg7 : memref<64x768xf32, #tpu.memory_space<vmem>>) offsets(%dma_start3A_38 : memref<64xi32, #tpu.memory_space<vmem>>) semaphore(%arg9 : memref<!tpu.dma_semaphore, #tpu.memory_space<semaphore_mem>>)
    %dma_wait3A = arith.constant 0 : i32
    %dma_wait3A_42 = tpu.memref_slice %arg5[%dma_wait3A] : memref<256xi32, #tpu.memory_space<vmem>> -> memref<64xi32, #tpu.memory_space<vmem>>
    %dma_wait3A_43 = arith.constant 0 : i32
    %dma_wait3A_44 = arith.constant 0 : i32
    %dma_wait3A_45 = tpu.memref_slice %arg2[%dma_wait3A_43, %dma_wait3A_44] : memref<100000x768xf32, #tpu.memory_space<hbm>> -> memref<100000x768xf32, #tpu.memory_space<hbm>>
    tpu.wait_indirect_dma semaphore(%arg8 : memref<!tpu.dma_semaphore, #tpu.memory_space<semaphore_mem>>) src(%dma_wait3A_45 : memref<100000x768xf32, #tpu.memory_space<hbm>>) dst(%arg6 : memref<64x768xf32, #tpu.memory_space<vmem>>)
    %scan3A = arith.constant 0 : i32
    %scan3A_46 = arith.constant 64 : i32
    %scan3A_47 = arith.addi %scan3A, %scan3A_46 : i32
    %scan3A_48 = arith.constant 1 : i32
    scf.for %scan3A_146 = %scan3A to %scan3A_47 step %scan3A_48  : i32 {
      %mul3A_147 = arith.constant 1 : i32
      %mul3A_148 = arith.muli %scan3A_146, %mul3A_147 : i32
      %add3A_149 = arith.constant 0 : i32
      %add3A_150 = arith.addi %add3A_149, %mul3A_148 : i32
      %get3A = arith.index_cast %add3A_150 : i32 to index
      %get3A_151 = arith.constant 0 : index
      %get3A_152 = tpu.vector_load %arg6[%get3A, %get3A_151] {strides = array<i32>} : memref<64x768xf32, #tpu.memory_space<vmem>>, vector<1x16xf32>,
      %get3A_153 = vector.shape_cast %get3A_152 : vector<1x16xf32> to vector<16xf32>
      %mul3A_154 = arith.constant 27.7128124 : f32
      %mul3A_155 = vector.broadcast %mul3A_154 : f32 to vector<16xf32>
      %mul3A_156 = arith.mulf %get3A_153, %mul3A_155 : vector<16xf32>
      %swap3A = arith.index_cast %add3A_150 : i32 to index
      %swap3A_157 = arith.constant 0 : index
      %swap3A_158 = tpu.vector_load %arg6[%swap3A, %swap3A_157] {strides = array<i32>} : memref<64x768xf32, #tpu.memory_space<vmem>>, vector<1x16xf32>,
      %swap3A_159 = vector.shape_cast %swap3A_158 : vector<1x16xf32> to vector<16xf32>
      %swap3A_160 = vector.shape_cast %mul3A_156 : vector<16xf32> to vector<1x16xf32>
      tpu.vector_store %arg6[%swap3A, %swap3A_157], %swap3A_160 {strides = array<i32>} : memref<64x768xf32, #tpu.memory_space<vmem>>, vector<1x16xf32>,
      %get3A_161 = arith.index_cast %add3A_150 : i32 to index
      %get3A_162 = arith.constant 16 : index
      %get3A_163 = tpu.vector_load %arg6[%get3A_161, %get3A_162] {strides = array<i32>} : memref<64x768xf32, #tpu.memory_space<vmem>>, vector<1x16xf32>,
      %get3A_164 = vector.shape_cast %get3A_163 : vector<1x16xf32> to vector<16xf32>
      %mul3A_165 = arith.constant 27.7128124 : f32
      %mul3A_166 = vector.broadcast %mul3A_165 : f32 to vector<16xf32>
      %mul3A_167 = arith.mulf %get3A_164, %mul3A_166 : vector<16xf32>
      %swap3A_168 = arith.index_cast %add3A_150 : i32 to index
      %swap3A_169 = arith.constant 16 : index
      %swap3A_170 = tpu.vector_load %arg6[%swap3A_168, %swap3A_169] {strides = array<i32>} : memref<64x768xf32, #tpu.memory_space<vmem>>, vector<1x16xf32>,
      %swap3A_171 = vector.shape_cast %swap3A_170 : vector<1x16xf32> to vector<16xf32>
      %swap3A_172 = vector.shape_cast %mul3A_167 : vector<16xf32> to vector<1x16xf32>
      tpu.vector_store %arg6[%swap3A_168, %swap3A_169], %swap3A_172 {strides = array<i32>} : memref<64x768xf32, #tpu.memory_space<vmem>>, vector<1x16xf32>,
      %get3A_173 = arith.index_cast %add3A_150 : i32 to index
      %get3A_174 = arith.constant 32 : index
      %get3A_175 = tpu.vector_load %arg6[%get3A_173, %get3A_174] {strides = array<i32>} : memref<64x768xf32, #tpu.memory_space<vmem>>, vector<1x16xf32>,
      %get3A_176 = vector.shape_cast %get3A_175 : vector<1x16xf32> to vector<16xf32>
      %mul3A_177 = arith.constant 27.7128124 : f32
      %mul3A_178 = vector.broadcast %mul3A_177 : f32 to vector<16xf32>
      %mul3A_179 = arith.mulf %get3A_176, %mul3A_178 : vector<16xf32>
      %swap3A_180 = arith.index_cast %add3A_150 : i32 to index
      %swap3A_181 = arith.constant 32 : index
      %swap3A_182 = tpu.vector_load %arg6[%swap3A_180, %swap3A_181] {strides = array<i32>} : memref<64x768xf32, #tpu.memory_space<vmem>>, vector<1x16xf32>,
      %swap3A_183 = vector.shape_cast %swap3A_182 : vector<1x16xf32> to vector<16xf32>
      %swap3A_184 = vector.shape_cast %mul3A_179 : vector<16xf32> to vector<1x16xf32>
      tpu.vector_store %arg6[%swap3A_180, %swap3A_181], %swap3A_184 {strides = array<i32>} : memref<64x768xf32, #tpu.memory_space<vmem>>, vector<1x16xf32>,
      %get3A_185 = arith.index_cast %add3A_150 : i32 to index
      %get3A_186 = arith.constant 48 : index
      %get3A_187 = tpu.vector_load %arg6[%get3A_185, %get3A_186] {strides = array<i32>} : memref<64x768xf32, #tpu.memory_space<vmem>>, vector<1x16xf32>,
      %get3A_188 = vector.shape_cast %get3A_187 : vector<1x16xf32> to vector<16xf32>
      %mul3A_189 = arith.constant 27.7128124 : f32
      %mul3A_190 = vector.broadcast %mul3A_189 : f32 to vector<16xf32>
      %mul3A_191 = arith.mulf %get3A_188, %mul3A_190 : vector<16xf32>
      %swap3A_192 = arith.index_cast %add3A_150 : i32 to index
      %swap3A_193 = arith.constant 48 : index
      %swap3A_194 = tpu.vector_load %arg6[%swap3A_192, %swap3A_193] {strides = array<i32>} : memref<64x768xf32, #tpu.memory_space<vmem>>, vector<1x16xf32>,
      %swap3A_195 = vector.shape_cast %swap3A_194 : vector<1x16xf32> to vector<16xf32>
      %swap3A_196 = vector.shape_cast %mul3A_191 : vector<16xf32> to vector<1x16xf32>
      tpu.vector_store %arg6[%swap3A_192, %swap3A_193], %swap3A_196 {strides = array<i32>} : memref<64x768xf32, #tpu.memory_space<vmem>>, vector<1x16xf32>,
      %get3A_197 = arith.index_cast %add3A_150 : i32 to index
      %get3A_198 = arith.constant 64 : index
      %get3A_199 = tpu.vector_load %arg6[%get3A_197, %get3A_198] {strides = array<i32>} : memref<64x768xf32, #tpu.memory_space<vmem>>, vector<1x16xf32>,
      %get3A_200 = vector.shape_cast %get3A_199 : vector<1x16xf32> to vector<16xf32>
      %mul3A_201 = arith.constant 27.7128124 : f32
      %mul3A_202 = vector.broadcast %mul3A_201 : f32 to vector<16xf32>
      %mul3A_203 = arith.mulf %get3A_200, %mul3A_202 : vector<16xf32>
      %swap3A_204 = arith.index_cast %add3A_150 : i32 to index
      %swap3A_205 = arith.constant 64 : index
      %swap3A_206 = tpu.vector_load %arg6[%swap3A_204, %swap3A_205] {strides = array<i32>} : memref<64x768xf32, #tpu.memory_space<vmem>>, vector<1x16xf32>,
      %swap3A_207 = vector.shape_cast %swap3A_206 : vector<1x16xf32> to vector<16xf32>
      %swap3A_208 = vector.shape_cast %mul3A_203 : vector<16xf32> to vector<1x16xf32>
      tpu.vector_store %arg6[%swap3A_204, %swap3A_205], %swap3A_208 {strides = array<i32>} : memref<64x768xf32, #tpu.memory_space<vmem>>, vector<1x16xf32>,
      %get3A_209 = arith.index_cast %add3A_150 : i32 to index
      %get3A_210 = arith.constant 80 : index
      %get3A_211 = tpu.vector_load %arg6[%get3A_209, %get3A_210] {strides = array<i32>} : memref<64x768xf32, #tpu.memory_space<vmem>>, vector<1x16xf32>,
      %get3A_212 = vector.shape_cast %get3A_211 : vector<1x16xf32> to vector<16xf32>
      %mul3A_213 = arith.constant 27.7128124 : f32
      %mul3A_214 = vector.broadcast %mul3A_213 : f32 to vector<16xf32>
      %mul3A_215 = arith.mulf %get3A_212, %mul3A_214 : vector<16xf32>
      %swap3A_216 = arith.index_cast %add3A_150 : i32 to index
      %swap3A_217 = arith.constant 80 : index
      %swap3A_218 = tpu.vector_load %arg6[%swap3A_216, %swap3A_217] {strides = array<i32>} : memref<64x768xf32, #tpu.memory_space<vmem>>, vector<1x16xf32>,
      %swap3A_219 = vector.shape_cast %swap3A_218 : vector<1x16xf32> to vector<16xf32>
      %swap3A_220 = vector.shape_cast %mul3A_215 : vector<16xf32> to vector<1x16xf32>
      tpu.vector_store %arg6[%swap3A_216, %swap3A_217], %swap3A_220 {strides = array<i32>} : memref<64x768xf32, #tpu.memory_space<vmem>>, vector<1x16xf32>,
      %get3A_221 = arith.index_cast %add3A_150 : i32 to index
      %get3A_222 = arith.constant 96 : index
      %get3A_223 = tpu.vector_load %arg6[%get3A_221, %get3A_222] {strides = array<i32>} : memref<64x768xf32, #tpu.memory_space<vmem>>, vector<1x16xf32>,
      %get3A_224 = vector.shape_cast %get3A_223 : vector<1x16xf32> to vector<16xf32>
      %mul3A_225 = arith.constant 27.7128124 : f32
      %mul3A_226 = vector.broadcast %mul3A_225 : f32 to vector<16xf32>
      %mul3A_227 = arith.mulf %get3A_224, %mul3A_226 : vector<16xf32>
      %swap3A_228 = arith.index_cast %add3A_150 : i32 to index
      %swap3A_229 = arith.constant 96 : index
      %swap3A_230 = tpu.vector_load %arg6[%swap3A_228, %swap3A_229] {strides = array<i32>} : memref<64x768xf32, #tpu.memory_space<vmem>>, vector<1x16xf32>,
      %swap3A_231 = vector.shape_cast %swap3A_230 : vector<1x16xf32> to vector<16xf32>
      %swap3A_232 = vector.shape_cast %mul3A_227 : vector<16xf32> to vector<1x16xf32>
      tpu.vector_store %arg6[%swap3A_228, %swap3A_229], %swap3A_232 {strides = array<i32>} : memref<64x768xf32, #tpu.memory_space<vmem>>, vector<1x16xf32>,
      %get3A_233 = arith.index_cast %add3A_150 : i32 to index
      %get3A_234 = arith.constant 112 : index
      %get3A_235 = tpu.vector_load %arg6[%get3A_233, %get3A_234] {strides = array<i32>} : memref<64x768xf32, #tpu.memory_space<vmem>>, vector<1x16xf32>,
      %get3A_236 = vector.shape_cast %get3A_235 : vector<1x16xf32> to vector<16xf32>
      %mul3A_237 = arith.constant 27.7128124 : f32
      %mul3A_238 = vector.broadcast %mul3A_237 : f32 to vector<16xf32>
      %mul3A_239 = arith.mulf %get3A_236, %mul3A_238 : vector<16xf32>
      %swap3A_240 = arith.index_cast %add3A_150 : i32 to index
      %swap3A_241 = arith.constant 112 : index
      %swap3A_242 = tpu.vector_load %arg6[%swap3A_240, %swap3A_241] {strides = array<i32>} : memref<64x768xf32, #tpu.memory_space<vmem>>, vector<1x16xf32>,
      %swap3A_243 = vector.shape_cast %swap3A_242 : vector<1x16xf32> to vector<16xf32>
      %swap3A_244 = vector.shape_cast %mul3A_239 : vector<16xf32> to vector<1x16xf32>
      tpu.vector_store %arg6[%swap3A_240, %swap3A_241], %swap3A_244 {strides = array<i32>} : memref<64x768xf32, #tpu.memory_space<vmem>>, vector<1x16xf32>,
      %get3A_245 = arith.index_cast %add3A_150 : i32 to index
      %get3A_246 = arith.constant 128 : index
      %get3A_247 = tpu.vector_load %arg6[%get3A_245, %get3A_246] {strides = array<i32>} : memref<64x768xf32, #tpu.memory_space<vmem>>, vector<1x16xf32>,
      %get3A_248 = vector.shape_cast %get3A_247 : vector<1x16xf32> to vector<16xf32>
      %mul3A_249 = arith.constant 27.7128124 : f32
      %mul3A_250 = vector.broadcast %mul3A_249 : f32 to vector<16xf32>
      %mul3A_251 = arith.mulf %get3A_248, %mul3A_250 : vector<16xf32>
      %swap3A_252 = arith.index_cast %add3A_150 : i32 to index
      %swap3A_253 = arith.constant 128 : index
      %swap3A_254 = tpu.vector_load %arg6[%swap3A_252, %swap3A_253] {strides = array<i32>} : memref<64x768xf32, #tpu.memory_space<vmem>>, vector<1x16xf32>,
      %swap3A_255 = vector.shape_cast %swap3A_254 : vector<1x16xf32> to vector<16xf32>
      %swap3A_256 = vector.shape_cast %mul3A_251 : vector<16xf32> to vector<1x16xf32>
      tpu.vector_store %arg6[%swap3A_252, %swap3A_253], %swap3A_256 {strides = array<i32>} : memref<64x768xf32, #tpu.memory_space<vmem>>, vector<1x16xf32>,
      %get3A_257 = arith.index_cast %add3A_150 : i32 to index
      %get3A_258 = arith.constant 144 : index
      %get3A_259 = tpu.vector_load %arg6[%get3A_257, %get3A_258] {strides = array<i32>} : memref<64x768xf32, #tpu.memory_space<vmem>>, vector<1x16xf32>,
      %get3A_260 = vector.shape_cast %get3A_259 : vector<1x16xf32> to vector<16xf32>
      %mul3A_261 = arith.constant 27.7128124 : f32
      %mul3A_262 = vector.broadcast %mul3A_261 : f32 to vector<16xf32>
      %mul3A_263 = arith.mulf %get3A_260, %mul3A_262 : vector<16xf32>
      %swap3A_264 = arith.index_cast %add3A_150 : i32 to index
      %swap3A_265 = arith.constant 144 : index
      %swap3A_266 = tpu.vector_load %arg6[%swap3A_264, %swap3A_265] {strides = array<i32>} : memref<64x768xf32, #tpu.memory_space<vmem>>, vector<1x16xf32>,
      %swap3A_267 = vector.shape_cast %swap3A_266 : vector<1x16xf32> to vector<16xf32>
      %swap3A_268 = vector.shape_cast %mul3A_263 : vector<16xf32> to vector<1x16xf32>
      tpu.vector_store %arg6[%swap3A_264, %swap3A_265], %swap3A_268 {strides = array<i32>} : memref<64x768xf32, #tpu.memory_space<vmem>>, vector<1x16xf32>,
      %get3A_269 = arith.index_cast %add3A_150 : i32 to index
      %get3A_270 = arith.constant 160 : index
      %get3A_271 = tpu.vector_load %arg6[%get3A_269, %get3A_270] {strides = array<i32>} : memref<64x768xf32, #tpu.memory_space<vmem>>, vector<1x16xf32>,
      %get3A_272 = vector.shape_cast %get3A_271 : vector<1x16xf32> to vector<16xf32>
      %mul3A_273 = arith.constant 27.7128124 : f32
      %mul3A_274 = vector.broadcast %mul3A_273 : f32 to vector<16xf32>
      %mul3A_275 = arith.mulf %get3A_272, %mul3A_274 : vector<16xf32>
      %swap3A_276 = arith.index_cast %add3A_150 : i32 to index
      %swap3A_277 = arith.constant 160 : index
      %swap3A_278 = tpu.vector_load %arg6[%swap3A_276, %swap3A_277] {strides = array<i32>} : memref<64x768xf32, #tpu.memory_space<vmem>>, vector<1x16xf32>,
      %swap3A_279 = vector.shape_cast %swap3A_278 : vector<1x16xf32> to vector<16xf32>
      %swap3A_280 = vector.shape_cast %mul3A_275 : vector<16xf32> to vector<1x16xf32>
      tpu.vector_store %arg6[%swap3A_276, %swap3A_277], %swap3A_280 {strides = array<i32>} : memref<64x768xf32, #tpu.memory_space<vmem>>, vector<1x16xf32>,
      %get3A_281 = arith.index_cast %add3A_150 : i32 to index
      %get3A_282 = arith.constant 176 : index
      %get3A_283 = tpu.vector_load %arg6[%get3A_281, %get3A_282] {strides = array<i32>} : memref<64x768xf32, #tpu.memory_space<vmem>>, vector<1x16xf32>,
      %get3A_284 = vector.shape_cast %get3A_283 : vector<1x16xf32> to vector<16xf32>
      %mul3A_285 = arith.constant 27.7128124 : f32
      %mul3A_286 = vector.broadcast %mul3A_285 : f32 to vector<16xf32>
      %mul3A_287 = arith.mulf %get3A_284, %mul3A_286 : vector<16xf32>
      %swap3A_288 = arith.index_cast %add3A_150 : i32 to index
      %swap3A_289 = arith.constant 176 : index
      %swap3A_290 = tpu.vector_load %arg6[%swap3A_288, %swap3A_289] {strides = array<i32>} : memref<64x768xf32, #tpu.memory_space<vmem>>, vector<1x16xf32>,
      %swap3A_291 = vector.shape_cast %swap3A_290 : vector<1x16xf32> to vector<16xf32>
      %swap3A_292 = vector.shape_cast %mul3A_287 : vector<16xf32> to vector<1x16xf32>
      tpu.vector_store %arg6[%swap3A_288, %swap3A_289], %swap3A_292 {strides = array<i32>} : memref<64x768xf32, #tpu.memory_space<vmem>>, vector<1x16xf32>,
      %get3A_293 = arith.index_cast %add3A_150 : i32 to index
      %get3A_294 = arith.constant 192 : index
      %get3A_295 = tpu.vector_load %arg6[%get3A_293, %get3A_294] {strides = array<i32>} : memref<64x768xf32, #tpu.memory_space<vmem>>, vector<1x16xf32>,
      %get3A_296 = vector.shape_cast %get3A_295 : vector<1x16xf32> to vector<16xf32>
      %mul3A_297 = arith.constant 27.7128124 : f32
      %mul3A_298 = vector.broadcast %mul3A_297 : f32 to vector<16xf32>
      %mul3A_299 = arith.mulf %get3A_296, %mul3A_298 : vector<16xf32>
      %swap3A_300 = arith.index_cast %add3A_150 : i32 to index
      %swap3A_301 = arith.constant 192 : index
      %swap3A_302 = tpu.vector_load %arg6[%swap3A_300, %swap3A_301] {strides = array<i32>} : memref<64x768xf32, #tpu.memory_space<vmem>>, vector<1x16xf32>,
      %swap3A_303 = vector.shape_cast %swap3A_302 : vector<1x16xf32> to vector<16xf32>
      %swap3A_304 = vector.shape_cast %mul3A_299 : vector<16xf32> to vector<1x16xf32>
      tpu.vector_store %arg6[%swap3A_300, %swap3A_301], %swap3A_304 {strides = array<i32>} : memref<64x768xf32, #tpu.memory_space<vmem>>, vector<1x16xf32>,
      %get3A_305 = arith.index_cast %add3A_150 : i32 to index
      %get3A_306 = arith.constant 208 : index
      %get3A_307 = tpu.vector_load %arg6[%get3A_305, %get3A_306] {strides = array<i32>} : memref<64x768xf32, #tpu.memory_space<vmem>>, vector<1x16xf32>,
      %get3A_308 = vector.shape_cast %get3A_307 : vector<1x16xf32> to vector<16xf32>
      %mul3A_309 = arith.constant 27.7128124 : f32
      %mul3A_310 = vector.broadcast %mul3A_309 : f32 to vector<16xf32>
      %mul3A_311 = arith.mulf %get3A_308, %mul3A_310 : vector<16xf32>
      %swap3A_312 = arith.index_cast %add3A_150 : i32 to index
      %swap3A_313 = arith.constant 208 : index
      %swap3A_314 = tpu.vector_load %arg6[%swap3A_312, %swap3A_313] {strides = array<i32>} : memref<64x768xf32, #tpu.memory_space<vmem>>, vector<1x16xf32>,
      %swap3A_315 = vector.shape_cast %swap3A_314 : vector<1x16xf32> to vector<16xf32>
      %swap3A_316 = vector.shape_cast %mul3A_311 : vector<16xf32> to vector<1x16xf32>
      tpu.vector_store %arg6[%swap3A_312, %swap3A_313], %swap3A_316 {strides = array<i32>} : memref<64x768xf32, #tpu.memory_space<vmem>>, vector<1x16xf32>,
      %get3A_317 = arith.index_cast %add3A_150 : i32 to index
      %get3A_318 = arith.constant 224 : index
      %get3A_319 = tpu.vector_load %arg6[%get3A_317, %get3A_318] {strides = array<i32>} : memref<64x768xf32, #tpu.memory_space<vmem>>, vector<1x16xf32>,
      %get3A_320 = vector.shape_cast %get3A_319 : vector<1x16xf32> to vector<16xf32>
      %mul3A_321 = arith.constant 27.7128124 : f32
      %mul3A_322 = vector.broadcast %mul3A_321 : f32 to vector<16xf32>
      %mul3A_323 = arith.mulf %get3A_320, %mul3A_322 : vector<16xf32>
      %swap3A_324 = arith.index_cast %add3A_150 : i32 to index
      %swap3A_325 = arith.constant 224 : index
      %swap3A_326 = tpu.vector_load %arg6[%swap3A_324, %swap3A_325] {strides = array<i32>} : memref<64x768xf32, #tpu.memory_space<vmem>>, vector<1x16xf32>,
      %swap3A_327 = vector.shape_cast %swap3A_326 : vector<1x16xf32> to vector<16xf32>
      %swap3A_328 = vector.shape_cast %mul3A_323 : vector<16xf32> to vector<1x16xf32>
      tpu.vector_store %arg6[%swap3A_324, %swap3A_325], %swap3A_328 {strides = array<i32>} : memref<64x768xf32, #tpu.memory_space<vmem>>, vector<1x16xf32>,
      %get3A_329 = arith.index_cast %add3A_150 : i32 to index
      %get3A_330 = arith.constant 240 : index
      %get3A_331 = tpu.vector_load %arg6[%get3A_329, %get3A_330] {strides = array<i32>} : memref<64x768xf32, #tpu.memory_space<vmem>>, vector<1x16xf32>,
      %get3A_332 = vector.shape_cast %get3A_331 : vector<1x16xf32> to vector<16xf32>
      %mul3A_333 = arith.constant 27.7128124 : f32
      %mul3A_334 = vector.broadcast %mul3A_333 : f32 to vector<16xf32>
      %mul3A_335 = arith.mulf %get3A_332, %mul3A_334 : vector<16xf32>
      %swap3A_336 = arith.index_cast %add3A_150 : i32 to index
      %swap3A_337 = arith.constant 240 : index
      %swap3A_338 = tpu.vector_load %arg6[%swap3A_336, %swap3A_337] {strides = array<i32>} : memref<64x768xf32, #tpu.memory_space<vmem>>, vector<1x16xf32>,
      %swap3A_339 = vector.shape_cast %swap3A_338 : vector<1x16xf32> to vector<16xf32>
      %swap3A_340 = vector.shape_cast %mul3A_335 : vector<16xf32> to vector<1x16xf32>
      tpu.vector_store %arg6[%swap3A_336, %swap3A_337], %swap3A_340 {strides = array<i32>} : memref<64x768xf32, #tpu.memory_space<vmem>>, vector<1x16xf32>,
      %get3A_341 = arith.index_cast %add3A_150 : i32 to index
      %get3A_342 = arith.constant 256 : index
      %get3A_343 = tpu.vector_load %arg6[%get3A_341, %get3A_342] {strides = array<i32>} : memref<64x768xf32, #tpu.memory_space<vmem>>, vector<1x16xf32>,
      %get3A_344 = vector.shape_cast %get3A_343 : vector<1x16xf32> to vector<16xf32>
      %mul3A_345 = arith.constant 27.7128124 : f32
      %mul3A_346 = vector.broadcast %mul3A_345 : f32 to vector<16xf32>
      %mul3A_347 = arith.mulf %get3A_344, %mul3A_346 : vector<16xf32>
      %swap3A_348 = arith.index_cast %add3A_150 : i32 to index
      %swap3A_349 = arith.constant 256 : index
      %swap3A_350 = tpu.vector_load %arg6[%swap3A_348, %swap3A_349] {strides = array<i32>} : memref<64x768xf32, #tpu.memory_space<vmem>>, vector<1x16xf32>,
      %swap3A_351 = vector.shape_cast %swap3A_350 : vector<1x16xf32> to vector<16xf32>
      %swap3A_352 = vector.shape_cast %mul3A_347 : vector<16xf32> to vector<1x16xf32>
      tpu.vector_store %arg6[%swap3A_348, %swap3A_349], %swap3A_352 {strides = array<i32>} : memref<64x768xf32, #tpu.memory_space<vmem>>, vector<1x16xf32>,
      %get3A_353 = arith.index_cast %add3A_150 : i32 to index
      %get3A_354 = arith.constant 272 : index
      %get3A_355 = tpu.vector_load %arg6[%get3A_353, %get3A_354] {strides = array<i32>} : memref<64x768xf32, #tpu.memory_space<vmem>>, vector<1x16xf32>,
      %get3A_356 = vector.shape_cast %get3A_355 : vector<1x16xf32> to vector<16xf32>
      %mul3A_357 = arith.constant 27.7128124 : f32
      %mul3A_358 = vector.broadcast %mul3A_357 : f32 to vector<16xf32>
      %mul3A_359 = arith.mulf %get3A_356, %mul3A_358 : vector<16xf32>
      %swap3A_360 = arith.index_cast %add3A_150 : i32 to index
      %swap3A_361 = arith.constant 272 : index
      %swap3A_362 = tpu.vector_load %arg6[%swap3A_360, %swap3A_361] {strides = array<i32>} : memref<64x768xf32, #tpu.memory_space<vmem>>, vector<1x16xf32>,
      %swap3A_363 = vector.shape_cast %swap3A_362 : vector<1x16xf32> to vector<16xf32>
      %swap3A_364 = vector.shape_cast %mul3A_359 : vector<16xf32> to vector<1x16xf32>
      tpu.vector_store %arg6[%swap3A_360, %swap3A_361], %swap3A_364 {strides = array<i32>} : memref<64x768xf32, #tpu.memory_space<vmem>>, vector<1x16xf32>,
      %get3A_365 = arith.index_cast %add3A_150 : i32 to index
      %get3A_366 = arith.constant 288 : index
      %get3A_367 = tpu.vector_load %arg6[%get3A_365, %get3A_366] {strides = array<i32>} : memref<64x768xf32, #tpu.memory_space<vmem>>, vector<1x16xf32>,
      %get3A_368 = vector.shape_cast %get3A_367 : vector<1x16xf32> to vector<16xf32>
      %mul3A_369 = arith.constant 27.7128124 : f32
      %mul3A_370 = vector.broadcast %mul3A_369 : f32 to vector<16xf32>
      %mul3A_371 = arith.mulf %get3A_368, %mul3A_370 : vector<16xf32>
      %swap3A_372 = arith.index_cast %add3A_150 : i32 to index
      %swap3A_373 = arith.constant 288 : index
      %swap3A_374 = tpu.vector_load %arg6[%swap3A_372, %swap3A_373] {strides = array<i32>} : memref<64x768xf32, #tpu.memory_space<vmem>>, vector<1x16xf32>,
      %swap3A_375 = vector.shape_cast %swap3A_374 : vector<1x16xf32> to vector<16xf32>
      %swap3A_376 = vector.shape_cast %mul3A_371 : vector<16xf32> to vector<1x16xf32>
      tpu.vector_store %arg6[%swap3A_372, %swap3A_373], %swap3A_376 {strides = array<i32>} : memref<64x768xf32, #tpu.memory_space<vmem>>, vector<1x16xf32>,
      %get3A_377 = arith.index_cast %add3A_150 : i32 to index
      %get3A_378 = arith.constant 304 : index
      %get3A_379 = tpu.vector_load %arg6[%get3A_377, %get3A_378] {strides = array<i32>} : memref<64x768xf32, #tpu.memory_space<vmem>>, vector<1x16xf32>,
      %get3A_380 = vector.shape_cast %get3A_379 : vector<1x16xf32> to vector<16xf32>
      %mul3A_381 = arith.constant 27.7128124 : f32
      %mul3A_382 = vector.broadcast %mul3A_381 : f32 to vector<16xf32>
      %mul3A_383 = arith.mulf %get3A_380, %mul3A_382 : vector<16xf32>
      %swap3A_384 = arith.index_cast %add3A_150 : i32 to index
      %swap3A_385 = arith.constant 304 : index
      %swap3A_386 = tpu.vector_load %arg6[%swap3A_384, %swap3A_385] {strides = array<i32>} : memref<64x768xf32, #tpu.memory_space<vmem>>, vector<1x16xf32>,
      %swap3A_387 = vector.shape_cast %swap3A_386 : vector<1x16xf32> to vector<16xf32>
      %swap3A_388 = vector.shape_cast %mul3A_383 : vector<16xf32> to vector<1x16xf32>
      tpu.vector_store %arg6[%swap3A_384, %swap3A_385], %swap3A_388 {strides = array<i32>} : memref<64x768xf32, #tpu.memory_space<vmem>>, vector<1x16xf32>,
      %get3A_389 = arith.index_cast %add3A_150 : i32 to index
      %get3A_390 = arith.constant 320 : index
      %get3A_391 = tpu.vector_load %arg6[%get3A_389, %get3A_390] {strides = array<i32>} : memref<64x768xf32, #tpu.memory_space<vmem>>, vector<1x16xf32>,
      %get3A_392 = vector.shape_cast %get3A_391 : vector<1x16xf32> to vector<16xf32>
      %mul3A_393 = arith.constant 27.7128124 : f32
      %mul3A_394 = vector.broadcast %mul3A_393 : f32 to vector<16xf32>
      %mul3A_395 = arith.mulf %get3A_392, %mul3A_394 : vector<16xf32>
      %swap3A_396 = arith.index_cast %add3A_150 : i32 to index
      %swap3A_397 = arith.constant 320 : index
      %swap3A_398 = tpu.vector_load %arg6[%swap3A_396, %swap3A_397] {strides = array<i32>} : memref<64x768xf32, #tpu.memory_space<vmem>>, vector<1x16xf32>,
      %swap3A_399 = vector.shape_cast %swap3A_398 : vector<1x16xf32> to vector<16xf32>
      %swap3A_400 = vector.shape_cast %mul3A_395 : vector<16xf32> to vector<1x16xf32>
      tpu.vector_store %arg6[%swap3A_396, %swap3A_397], %swap3A_400 {strides = array<i32>} : memref<64x768xf32, #tpu.memory_space<vmem>>, vector<1x16xf32>,
      %get3A_401 = arith.index_cast %add3A_150 : i32 to index
      %get3A_402 = arith.constant 336 : index
      %get3A_403 = tpu.vector_load %arg6[%get3A_401, %get3A_402] {strides = array<i32>} : memref<64x768xf32, #tpu.memory_space<vmem>>, vector<1x16xf32>,
      %get3A_404 = vector.shape_cast %get3A_403 : vector<1x16xf32> to vector<16xf32>
      %mul3A_405 = arith.constant 27.7128124 : f32
      %mul3A_406 = vector.broadcast %mul3A_405 : f32 to vector<16xf32>
      %mul3A_407 = arith.mulf %get3A_404, %mul3A_406 : vector<16xf32>
      %swap3A_408 = arith.index_cast %add3A_150 : i32 to index
      %swap3A_409 = arith.constant 336 : index
      %swap3A_410 = tpu.vector_load %arg6[%swap3A_408, %swap3A_409] {strides = array<i32>} : memref<64x768xf32, #tpu.memory_space<vmem>>, vector<1x16xf32>,
      %swap3A_411 = vector.shape_cast %swap3A_410 : vector<1x16xf32> to vector<16xf32>
      %swap3A_412 = vector.shape_cast %mul3A_407 : vector<16xf32> to vector<1x16xf32>
      tpu.vector_store %arg6[%swap3A_408, %swap3A_409], %swap3A_412 {strides = array<i32>} : memref<64x768xf32, #tpu.memory_space<vmem>>, vector<1x16xf32>,
      %get3A_413 = arith.index_cast %add3A_150 : i32 to index
      %get3A_414 = arith.constant 352 : index
      %get3A_415 = tpu.vector_load %arg6[%get3A_413, %get3A_414] {strides = array<i32>} : memref<64x768xf32, #tpu.memory_space<vmem>>, vector<1x16xf32>,
      %get3A_416 = vector.shape_cast %get3A_415 : vector<1x16xf32> to vector<16xf32>
      %mul3A_417 = arith.constant 27.7128124 : f32
      %mul3A_418 = vector.broadcast %mul3A_417 : f32 to vector<16xf32>
      %mul3A_419 = arith.mulf %get3A_416, %mul3A_418 : vector<16xf32>
      %swap3A_420 = arith.index_cast %add3A_150 : i32 to index
      %swap3A_421 = arith.constant 352 : index
      %swap3A_422 = tpu.vector_load %arg6[%swap3A_420, %swap3A_421] {strides = array<i32>} : memref<64x768xf32, #tpu.memory_space<vmem>>, vector<1x16xf32>,
      %swap3A_423 = vector.shape_cast %swap3A_422 : vector<1x16xf32> to vector<16xf32>
      %swap3A_424 = vector.shape_cast %mul3A_419 : vector<16xf32> to vector<1x16xf32>
      tpu.vector_store %arg6[%swap3A_420, %swap3A_421], %swap3A_424 {strides = array<i32>} : memref<64x768xf32, #tpu.memory_space<vmem>>, vector<1x16xf32>,
      %get3A_425 = arith.index_cast %add3A_150 : i32 to index
      %get3A_426 = arith.constant 368 : index
      %get3A_427 = tpu.vector_load %arg6[%get3A_425, %get3A_426] {strides = array<i32>} : memref<64x768xf32, #tpu.memory_space<vmem>>, vector<1x16xf32>,
      %get3A_428 = vector.shape_cast %get3A_427 : vector<1x16xf32> to vector<16xf32>
      %mul3A_429 = arith.constant 27.7128124 : f32
      %mul3A_430 = vector.broadcast %mul3A_429 : f32 to vector<16xf32>
      %mul3A_431 = arith.mulf %get3A_428, %mul3A_430 : vector<16xf32>
      %swap3A_432 = arith.index_cast %add3A_150 : i32 to index
      %swap3A_433 = arith.constant 368 : index
      %swap3A_434 = tpu.vector_load %arg6[%swap3A_432, %swap3A_433] {strides = array<i32>} : memref<64x768xf32, #tpu.memory_space<vmem>>, vector<1x16xf32>,
      %swap3A_435 = vector.shape_cast %swap3A_434 : vector<1x16xf32> to vector<16xf32>
      %swap3A_436 = vector.shape_cast %mul3A_431 : vector<16xf32> to vector<1x16xf32>
      tpu.vector_store %arg6[%swap3A_432, %swap3A_433], %swap3A_436 {strides = array<i32>} : memref<64x768xf32, #tpu.memory_space<vmem>>, vector<1x16xf32>,
      %get3A_437 = arith.index_cast %add3A_150 : i32 to index
      %get3A_438 = arith.constant 384 : index
      %get3A_439 = tpu.vector_load %arg6[%get3A_437, %get3A_438] {strides = array<i32>} : memref<64x768xf32, #tpu.memory_space<vmem>>, vector<1x16xf32>,
      %get3A_440 = vector.shape_cast %get3A_439 : vector<1x16xf32> to vector<16xf32>
      %mul3A_441 = arith.constant 27.7128124 : f32
      %mul3A_442 = vector.broadcast %mul3A_441 : f32 to vector<16xf32>
      %mul3A_443 = arith.mulf %get3A_440, %mul3A_442 : vector<16xf32>
      %swap3A_444 = arith.index_cast %add3A_150 : i32 to index
      %swap3A_445 = arith.constant 384 : index
      %swap3A_446 = tpu.vector_load %arg6[%swap3A_444, %swap3A_445] {strides = array<i32>} : memref<64x768xf32, #tpu.memory_space<vmem>>, vector<1x16xf32>,
      %swap3A_447 = vector.shape_cast %swap3A_446 : vector<1x16xf32> to vector<16xf32>
      %swap3A_448 = vector.shape_cast %mul3A_443 : vector<16xf32> to vector<1x16xf32>
      tpu.vector_store %arg6[%swap3A_444, %swap3A_445], %swap3A_448 {strides = array<i32>} : memref<64x768xf32, #tpu.memory_space<vmem>>, vector<1x16xf32>,
      %get3A_449 = arith.index_cast %add3A_150 : i32 to index
      %get3A_450 = arith.constant 400 : index
      %get3A_451 = tpu.vector_load %arg6[%get3A_449, %get3A_450] {strides = array<i32>} : memref<64x768xf32, #tpu.memory_space<vmem>>, vector<1x16xf32>,
      %get3A_452 = vector.shape_cast %get3A_451 : vector<1x16xf32> to vector<16xf32>
      %mul3A_453 = arith.constant 27.7128124 : f32
      %mul3A_454 = vector.broadcast %mul3A_453 : f32 to vector<16xf32>
      %mul3A_455 = arith.mulf %get3A_452, %mul3A_454 : vector<16xf32>
      %swap3A_456 = arith.index_cast %add3A_150 : i32 to index
      %swap3A_457 = arith.constant 400 : index
      %swap3A_458 = tpu.vector_load %arg6[%swap3A_456, %swap3A_457] {strides = array<i32>} : memref<64x768xf32, #tpu.memory_space<vmem>>, vector<1x16xf32>,
      %swap3A_459 = vector.shape_cast %swap3A_458 : vector<1x16xf32> to vector<16xf32>
      %swap3A_460 = vector.shape_cast %mul3A_455 : vector<16xf32> to vector<1x16xf32>
      tpu.vector_store %arg6[%swap3A_456, %swap3A_457], %swap3A_460 {strides = array<i32>} : memref<64x768xf32, #tpu.memory_space<vmem>>, vector<1x16xf32>,
      %get3A_461 = arith.index_cast %add3A_150 : i32 to index
      %get3A_462 = arith.constant 416 : index
      %get3A_463 = tpu.vector_load %arg6[%get3A_461, %get3A_462] {strides = array<i32>} : memref<64x768xf32, #tpu.memory_space<vmem>>, vector<1x16xf32>,
      %get3A_464 = vector.shape_cast %get3A_463 : vector<1x16xf32> to vector<16xf32>
      %mul3A_465 = arith.constant 27.7128124 : f32
      %mul3A_466 = vector.broadcast %mul3A_465 : f32 to vector<16xf32>
      %mul3A_467 = arith.mulf %get3A_464, %mul3A_466 : vector<16xf32>
      %swap3A_468 = arith.index_cast %add3A_150 : i32 to index
      %swap3A_469 = arith.constant 416 : index
      %swap3A_470 = tpu.vector_load %arg6[%swap3A_468, %swap3A_469] {strides = array<i32>} : memref<64x768xf32, #tpu.memory_space<vmem>>, vector<1x16xf32>,
      %swap3A_471 = vector.shape_cast %swap3A_470 : vector<1x16xf32> to vector<16xf32>
      %swap3A_472 = vector.shape_cast %mul3A_467 : vector<16xf32> to vector<1x16xf32>
      tpu.vector_store %arg6[%swap3A_468, %swap3A_469], %swap3A_472 {strides = array<i32>} : memref<64x768xf32, #tpu.memory_space<vmem>>, vector<1x16xf32>,
      %get3A_473 = arith.index_cast %add3A_150 : i32 to index
      %get3A_474 = arith.constant 432 : index
      %get3A_475 = tpu.vector_load %arg6[%get3A_473, %get3A_474] {strides = array<i32>} : memref<64x768xf32, #tpu.memory_space<vmem>>, vector<1x16xf32>,
      %get3A_476 = vector.shape_cast %get3A_475 : vector<1x16xf32> to vector<16xf32>
      %mul3A_477 = arith.constant 27.7128124 : f32
      %mul3A_478 = vector.broadcast %mul3A_477 : f32 to vector<16xf32>
      %mul3A_479 = arith.mulf %get3A_476, %mul3A_478 : vector<16xf32>
      %swap3A_480 = arith.index_cast %add3A_150 : i32 to index
      %swap3A_481 = arith.constant 432 : index
      %swap3A_482 = tpu.vector_load %arg6[%swap3A_480, %swap3A_481] {strides = array<i32>} : memref<64x768xf32, #tpu.memory_space<vmem>>, vector<1x16xf32>,
      %swap3A_483 = vector.shape_cast %swap3A_482 : vector<1x16xf32> to vector<16xf32>
      %swap3A_484 = vector.shape_cast %mul3A_479 : vector<16xf32> to vector<1x16xf32>
      tpu.vector_store %arg6[%swap3A_480, %swap3A_481], %swap3A_484 {strides = array<i32>} : memref<64x768xf32, #tpu.memory_space<vmem>>, vector<1x16xf32>,
      %get3A_485 = arith.index_cast %add3A_150 : i32 to index
      %get3A_486 = arith.constant 448 : index
      %get3A_487 = tpu.vector_load %arg6[%get3A_485, %get3A_486] {strides = array<i32>} : memref<64x768xf32, #tpu.memory_space<vmem>>, vector<1x16xf32>,
      %get3A_488 = vector.shape_cast %get3A_487 : vector<1x16xf32> to vector<16xf32>
      %mul3A_489 = arith.constant 27.7128124 : f32
      %mul3A_490 = vector.broadcast %mul3A_489 : f32 to vector<16xf32>
      %mul3A_491 = arith.mulf %get3A_488, %mul3A_490 : vector<16xf32>
      %swap3A_492 = arith.index_cast %add3A_150 : i32 to index
      %swap3A_493 = arith.constant 448 : index
      %swap3A_494 = tpu.vector_load %arg6[%swap3A_492, %swap3A_493] {strides = array<i32>} : memref<64x768xf32, #tpu.memory_space<vmem>>, vector<1x16xf32>,
      %swap3A_495 = vector.shape_cast %swap3A_494 : vector<1x16xf32> to vector<16xf32>
      %swap3A_496 = vector.shape_cast %mul3A_491 : vector<16xf32> to vector<1x16xf32>
      tpu.vector_store %arg6[%swap3A_492, %swap3A_493], %swap3A_496 {strides = array<i32>} : memref<64x768xf32, #tpu.memory_space<vmem>>, vector<1x16xf32>,
      %get3A_497 = arith.index_cast %add3A_150 : i32 to index
      %get3A_498 = arith.constant 464 : index
      %get3A_499 = tpu.vector_load %arg6[%get3A_497, %get3A_498] {strides = array<i32>} : memref<64x768xf32, #tpu.memory_space<vmem>>, vector<1x16xf32>,
      %get3A_500 = vector.shape_cast %get3A_499 : vector<1x16xf32> to vector<16xf32>
      %mul3A_501 = arith.constant 27.7128124 : f32
      %mul3A_502 = vector.broadcast %mul3A_501 : f32 to vector<16xf32>
      %mul3A_503 = arith.mulf %get3A_500, %mul3A_502 : vector<16xf32>
      %swap3A_504 = arith.index_cast %add3A_150 : i32 to index
      %swap3A_505 = arith.constant 464 : index
      %swap3A_506 = tpu.vector_load %arg6[%swap3A_504, %swap3A_505] {strides = array<i32>} : memref<64x768xf32, #tpu.memory_space<vmem>>, vector<1x16xf32>,
      %swap3A_507 = vector.shape_cast %swap3A_506 : vector<1x16xf32> to vector<16xf32>
      %swap3A_508 = vector.shape_cast %mul3A_503 : vector<16xf32> to vector<1x16xf32>
      tpu.vector_store %arg6[%swap3A_504, %swap3A_505], %swap3A_508 {strides = array<i32>} : memref<64x768xf32, #tpu.memory_space<vmem>>, vector<1x16xf32>,
      %get3A_509 = arith.index_cast %add3A_150 : i32 to index
      %get3A_510 = arith.constant 480 : index
      %get3A_511 = tpu.vector_load %arg6[%get3A_509, %get3A_510] {strides = array<i32>} : memref<64x768xf32, #tpu.memory_space<vmem>>, vector<1x16xf32>,
      %get3A_512 = vector.shape_cast %get3A_511 : vector<1x16xf32> to vector<16xf32>
      %mul3A_513 = arith.constant 27.7128124 : f32
      %mul3A_514 = vector.broadcast %mul3A_513 : f32 to vector<16xf32>
      %mul3A_515 = arith.mulf %get3A_512, %mul3A_514 : vector<16xf32>
      %swap3A_516 = arith.index_cast %add3A_150 : i32 to index
      %swap3A_517 = arith.constant 480 : index
      %swap3A_518 = tpu.vector_load %arg6[%swap3A_516, %swap3A_517] {strides = array<i32>} : memref<64x768xf32, #tpu.memory_space<vmem>>, vector<1x16xf32>,
      %swap3A_519 = vector.shape_cast %swap3A_518 : vector<1x16xf32> to vector<16xf32>
      %swap3A_520 = vector.shape_cast %mul3A_515 : vector<16xf32> to vector<1x16xf32>
      tpu.vector_store %arg6[%swap3A_516, %swap3A_517], %swap3A_520 {strides = array<i32>} : memref<64x768xf32, #tpu.memory_space<vmem>>, vector<1x16xf32>,
      %get3A_521 = arith.index_cast %add3A_150 : i32 to index
      %get3A_522 = arith.constant 496 : index
      %get3A_523 = tpu.vector_load %arg6[%get3A_521, %get3A_522] {strides = array<i32>} : memref<64x768xf32, #tpu.memory_space<vmem>>, vector<1x16xf32>,
      %get3A_524 = vector.shape_cast %get3A_523 : vector<1x16xf32> to vector<16xf32>
      %mul3A_525 = arith.constant 27.7128124 : f32
      %mul3A_526 = vector.broadcast %mul3A_525 : f32 to vector<16xf32>
      %mul3A_527 = arith.mulf %get3A_524, %mul3A_526 : vector<16xf32>
      %swap3A_528 = arith.index_cast %add3A_150 : i32 to index
      %swap3A_529 = arith.constant 496 : index
      %swap3A_530 = tpu.vector_load %arg6[%swap3A_528, %swap3A_529] {strides = array<i32>} : memref<64x768xf32, #tpu.memory_space<vmem>>, vector<1x16xf32>,
      %swap3A_531 = vector.shape_cast %swap3A_530 : vector<1x16xf32> to vector<16xf32>
      %swap3A_532 = vector.shape_cast %mul3A_527 : vector<16xf32> to vector<1x16xf32>
      tpu.vector_store %arg6[%swap3A_528, %swap3A_529], %swap3A_532 {strides = array<i32>} : memref<64x768xf32, #tpu.memory_space<vmem>>, vector<1x16xf32>,
      %get3A_533 = arith.index_cast %add3A_150 : i32 to index
      %get3A_534 = arith.constant 512 : index
      %get3A_535 = tpu.vector_load %arg6[%get3A_533, %get3A_534] {strides = array<i32>} : memref<64x768xf32, #tpu.memory_space<vmem>>, vector<1x16xf32>,
      %get3A_536 = vector.shape_cast %get3A_535 : vector<1x16xf32> to vector<16xf32>
      %mul3A_537 = arith.constant 27.7128124 : f32
      %mul3A_538 = vector.broadcast %mul3A_537 : f32 to vector<16xf32>
      %mul3A_539 = arith.mulf %get3A_536, %mul3A_538 : vector<16xf32>
      %swap3A_540 = arith.index_cast %add3A_150 : i32 to index
      %swap3A_541 = arith.constant 512 : index
      %swap3A_542 = tpu.vector_load %arg6[%swap3A_540, %swap3A_541] {strides = array<i32>} : memref<64x768xf32, #tpu.memory_space<vmem>>, vector<1x16xf32>,
      %swap3A_543 = vector.shape_cast %swap3A_542 : vector<1x16xf32> to vector<16xf32>
      %swap3A_544 = vector.shape_cast %mul3A_539 : vector<16xf32> to vector<1x16xf32>
      tpu.vector_store %arg6[%swap3A_540, %swap3A_541], %swap3A_544 {strides = array<i32>} : memref<64x768xf32, #tpu.memory_space<vmem>>, vector<1x16xf32>,
      %get3A_545 = arith.index_cast %add3A_150 : i32 to index
      %get3A_546 = arith.constant 528 : index
      %get3A_547 = tpu.vector_load %arg6[%get3A_545, %get3A_546] {strides = array<i32>} : memref<64x768xf32, #tpu.memory_space<vmem>>, vector<1x16xf32>,
      %get3A_548 = vector.shape_cast %get3A_547 : vector<1x16xf32> to vector<16xf32>
      %mul3A_549 = arith.constant 27.7128124 : f32
      %mul3A_550 = vector.broadcast %mul3A_549 : f32 to vector<16xf32>
      %mul3A_551 = arith.mulf %get3A_548, %mul3A_550 : vector<16xf32>
      %swap3A_552 = arith.index_cast %add3A_150 : i32 to index
      %swap3A_553 = arith.constant 528 : index
      %swap3A_554 = tpu.vector_load %arg6[%swap3A_552, %swap3A_553] {strides = array<i32>} : memref<64x768xf32, #tpu.memory_space<vmem>>, vector<1x16xf32>,
      %swap3A_555 = vector.shape_cast %swap3A_554 : vector<1x16xf32> to vector<16xf32>
      %swap3A_556 = vector.shape_cast %mul3A_551 : vector<16xf32> to vector<1x16xf32>
      tpu.vector_store %arg6[%swap3A_552, %swap3A_553], %swap3A_556 {strides = array<i32>} : memref<64x768xf32, #tpu.memory_space<vmem>>, vector<1x16xf32>,
      %get3A_557 = arith.index_cast %add3A_150 : i32 to index
      %get3A_558 = arith.constant 544 : index
      %get3A_559 = tpu.vector_load %arg6[%get3A_557, %get3A_558] {strides = array<i32>} : memref<64x768xf32, #tpu.memory_space<vmem>>, vector<1x16xf32>,
      %get3A_560 = vector.shape_cast %get3A_559 : vector<1x16xf32> to vector<16xf32>
      %mul3A_561 = arith.constant 27.7128124 : f32
      %mul3A_562 = vector.broadcast %mul3A_561 : f32 to vector<16xf32>
      %mul3A_563 = arith.mulf %get3A_560, %mul3A_562 : vector<16xf32>
      %swap3A_564 = arith.index_cast %add3A_150 : i32 to index
      %swap3A_565 = arith.constant 544 : index
      %swap3A_566 = tpu.vector_load %arg6[%swap3A_564, %swap3A_565] {strides = array<i32>} : memref<64x768xf32, #tpu.memory_space<vmem>>, vector<1x16xf32>,
      %swap3A_567 = vector.shape_cast %swap3A_566 : vector<1x16xf32> to vector<16xf32>
      %swap3A_568 = vector.shape_cast %mul3A_563 : vector<16xf32> to vector<1x16xf32>
      tpu.vector_store %arg6[%swap3A_564, %swap3A_565], %swap3A_568 {strides = array<i32>} : memref<64x768xf32, #tpu.memory_space<vmem>>, vector<1x16xf32>,
      %get3A_569 = arith.index_cast %add3A_150 : i32 to index
      %get3A_570 = arith.constant 560 : index
      %get3A_571 = tpu.vector_load %arg6[%get3A_569, %get3A_570] {strides = array<i32>} : memref<64x768xf32, #tpu.memory_space<vmem>>, vector<1x16xf32>,
      %get3A_572 = vector.shape_cast %get3A_571 : vector<1x16xf32> to vector<16xf32>
      %mul3A_573 = arith.constant 27.7128124 : f32
      %mul3A_574 = vector.broadcast %mul3A_573 : f32 to vector<16xf32>
      %mul3A_575 = arith.mulf %get3A_572, %mul3A_574 : vector<16xf32>
      %swap3A_576 = arith.index_cast %add3A_150 : i32 to index
      %swap3A_577 = arith.constant 560 : index
      %swap3A_578 = tpu.vector_load %arg6[%swap3A_576, %swap3A_577] {strides = array<i32>} : memref<64x768xf32, #tpu.memory_space<vmem>>, vector<1x16xf32>,
      %swap3A_579 = vector.shape_cast %swap3A_578 : vector<1x16xf32> to vector<16xf32>
      %swap3A_580 = vector.shape_cast %mul3A_575 : vector<16xf32> to vector<1x16xf32>
      tpu.vector_store %arg6[%swap3A_576, %swap3A_577], %swap3A_580 {strides = array<i32>} : memref<64x768xf32, #tpu.memory_space<vmem>>, vector<1x16xf32>,
      %get3A_581 = arith.index_cast %add3A_150 : i32 to index
      %get3A_582 = arith.constant 576 : index
      %get3A_583 = tpu.vector_load %arg6[%get3A_581, %get3A_582] {strides = array<i32>} : memref<64x768xf32, #tpu.memory_space<vmem>>, vector<1x16xf32>,
      %get3A_584 = vector.shape_cast %get3A_583 : vector<1x16xf32> to vector<16xf32>
      %mul3A_585 = arith.constant 27.7128124 : f32
      %mul3A_586 = vector.broadcast %mul3A_585 : f32 to vector<16xf32>
      %mul3A_587 = arith.mulf %get3A_584, %mul3A_586 : vector<16xf32>
      %swap3A_588 = arith.index_cast %add3A_150 : i32 to index
      %swap3A_589 = arith.constant 576 : index
      %swap3A_590 = tpu.vector_load %arg6[%swap3A_588, %swap3A_589] {strides = array<i32>} : memref<64x768xf32, #tpu.memory_space<vmem>>, vector<1x16xf32>,
      %swap3A_591 = vector.shape_cast %swap3A_590 : vector<1x16xf32> to vector<16xf32>
      %swap3A_592 = vector.shape_cast %mul3A_587 : vector<16xf32> to vector<1x16xf32>
      tpu.vector_store %arg6[%swap3A_588, %swap3A_589], %swap3A_592 {strides = array<i32>} : memref<64x768xf32, #tpu.memory_space<vmem>>, vector<1x16xf32>,
      %get3A_593 = arith.index_cast %add3A_150 : i32 to index
      %get3A_594 = arith.constant 592 : index
      %get3A_595 = tpu.vector_load %arg6[%get3A_593, %get3A_594] {strides = array<i32>} : memref<64x768xf32, #tpu.memory_space<vmem>>, vector<1x16xf32>,
      %get3A_596 = vector.shape_cast %get3A_595 : vector<1x16xf32> to vector<16xf32>
      %mul3A_597 = arith.constant 27.7128124 : f32
      %mul3A_598 = vector.broadcast %mul3A_597 : f32 to vector<16xf32>
      %mul3A_599 = arith.mulf %get3A_596, %mul3A_598 : vector<16xf32>
      %swap3A_600 = arith.index_cast %add3A_150 : i32 to index
      %swap3A_601 = arith.constant 592 : index
      %swap3A_602 = tpu.vector_load %arg6[%swap3A_600, %swap3A_601] {strides = array<i32>} : memref<64x768xf32, #tpu.memory_space<vmem>>, vector<1x16xf32>,
      %swap3A_603 = vector.shape_cast %swap3A_602 : vector<1x16xf32> to vector<16xf32>
      %swap3A_604 = vector.shape_cast %mul3A_599 : vector<16xf32> to vector<1x16xf32>
      tpu.vector_store %arg6[%swap3A_600, %swap3A_601], %swap3A_604 {strides = array<i32>} : memref<64x768xf32, #tpu.memory_space<vmem>>, vector<1x16xf32>,
      %get3A_605 = arith.index_cast %add3A_150 : i32 to index
      %get3A_606 = arith.constant 608 : index
      %get3A_607 = tpu.vector_load %arg6[%get3A_605, %get3A_606] {strides = array<i32>} : memref<64x768xf32, #tpu.memory_space<vmem>>, vector<1x16xf32>,
      %get3A_608 = vector.shape_cast %get3A_607 : vector<1x16xf32> to vector<16xf32>
      %mul3A_609 = arith.constant 27.7128124 : f32
      %mul3A_610 = vector.broadcast %mul3A_609 : f32 to vector<16xf32>
      %mul3A_611 = arith.mulf %get3A_608, %mul3A_610 : vector<16xf32>
      %swap3A_612 = arith.index_cast %add3A_150 : i32 to index
      %swap3A_613 = arith.constant 608 : index
      %swap3A_614 = tpu.vector_load %arg6[%swap3A_612, %swap3A_613] {strides = array<i32>} : memref<64x768xf32, #tpu.memory_space<vmem>>, vector<1x16xf32>,
      %swap3A_615 = vector.shape_cast %swap3A_614 : vector<1x16xf32> to vector<16xf32>
      %swap3A_616 = vector.shape_cast %mul3A_611 : vector<16xf32> to vector<1x16xf32>
      tpu.vector_store %arg6[%swap3A_612, %swap3A_613], %swap3A_616 {strides = array<i32>} : memref<64x768xf32, #tpu.memory_space<vmem>>, vector<1x16xf32>,
      %get3A_617 = arith.index_cast %add3A_150 : i32 to index
      %get3A_618 = arith.constant 624 : index
      %get3A_619 = tpu.vector_load %arg6[%get3A_617, %get3A_618] {strides = array<i32>} : memref<64x768xf32, #tpu.memory_space<vmem>>, vector<1x16xf32>,
      %get3A_620 = vector.shape_cast %get3A_619 : vector<1x16xf32> to vector<16xf32>
      %mul3A_621 = arith.constant 27.7128124 : f32
      %mul3A_622 = vector.broadcast %mul3A_621 : f32 to vector<16xf32>
      %mul3A_623 = arith.mulf %get3A_620, %mul3A_622 : vector<16xf32>
      %swap3A_624 = arith.index_cast %add3A_150 : i32 to index
      %swap3A_625 = arith.constant 624 : index
      %swap3A_626 = tpu.vector_load %arg6[%swap3A_624, %swap3A_625] {strides = array<i32>} : memref<64x768xf32, #tpu.memory_space<vmem>>, vector<1x16xf32>,
      %swap3A_627 = vector.shape_cast %swap3A_626 : vector<1x16xf32> to vector<16xf32>
      %swap3A_628 = vector.shape_cast %mul3A_623 : vector<16xf32> to vector<1x16xf32>
      tpu.vector_store %arg6[%swap3A_624, %swap3A_625], %swap3A_628 {strides = array<i32>} : memref<64x768xf32, #tpu.memory_space<vmem>>, vector<1x16xf32>,
      %get3A_629 = arith.index_cast %add3A_150 : i32 to index
      %get3A_630 = arith.constant 640 : index
      %get3A_631 = tpu.vector_load %arg6[%get3A_629, %get3A_630] {strides = array<i32>} : memref<64x768xf32, #tpu.memory_space<vmem>>, vector<1x16xf32>,
      %get3A_632 = vector.shape_cast %get3A_631 : vector<1x16xf32> to vector<16xf32>
      %mul3A_633 = arith.constant 27.7128124 : f32
      %mul3A_634 = vector.broadcast %mul3A_633 : f32 to vector<16xf32>
      %mul3A_635 = arith.mulf %get3A_632, %mul3A_634 : vector<16xf32>
      %swap3A_636 = arith.index_cast %add3A_150 : i32 to index
      %swap3A_637 = arith.constant 640 : index
      %swap3A_638 = tpu.vector_load %arg6[%swap3A_636, %swap3A_637] {strides = array<i32>} : memref<64x768xf32, #tpu.memory_space<vmem>>, vector<1x16xf32>,
      %swap3A_639 = vector.shape_cast %swap3A_638 : vector<1x16xf32> to vector<16xf32>
      %swap3A_640 = vector.shape_cast %mul3A_635 : vector<16xf32> to vector<1x16xf32>
      tpu.vector_store %arg6[%swap3A_636, %swap3A_637], %swap3A_640 {strides = array<i32>} : memref<64x768xf32, #tpu.memory_space<vmem>>, vector<1x16xf32>,
      %get3A_641 = arith.index_cast %add3A_150 : i32 to index
      %get3A_642 = arith.constant 656 : index
      %get3A_643 = tpu.vector_load %arg6[%get3A_641, %get3A_642] {strides = array<i32>} : memref<64x768xf32, #tpu.memory_space<vmem>>, vector<1x16xf32>,
      %get3A_644 = vector.shape_cast %get3A_643 : vector<1x16xf32> to vector<16xf32>
      %mul3A_645 = arith.constant 27.7128124 : f32
      %mul3A_646 = vector.broadcast %mul3A_645 : f32 to vector<16xf32>
      %mul3A_647 = arith.mulf %get3A_644, %mul3A_646 : vector<16xf32>
      %swap3A_648 = arith.index_cast %add3A_150 : i32 to index
      %swap3A_649 = arith.constant 656 : index
      %swap3A_650 = tpu.vector_load %arg6[%swap3A_648, %swap3A_649] {strides = array<i32>} : memref<64x768xf32, #tpu.memory_space<vmem>>, vector<1x16xf32>,
      %swap3A_651 = vector.shape_cast %swap3A_650 : vector<1x16xf32> to vector<16xf32>
      %swap3A_652 = vector.shape_cast %mul3A_647 : vector<16xf32> to vector<1x16xf32>
      tpu.vector_store %arg6[%swap3A_648, %swap3A_649], %swap3A_652 {strides = array<i32>} : memref<64x768xf32, #tpu.memory_space<vmem>>, vector<1x16xf32>,
      %get3A_653 = arith.index_cast %add3A_150 : i32 to index
      %get3A_654 = arith.constant 672 : index
      %get3A_655 = tpu.vector_load %arg6[%get3A_653, %get3A_654] {strides = array<i32>} : memref<64x768xf32, #tpu.memory_space<vmem>>, vector<1x16xf32>,
      %get3A_656 = vector.shape_cast %get3A_655 : vector<1x16xf32> to vector<16xf32>
      %mul3A_657 = arith.constant 27.7128124 : f32
      %mul3A_658 = vector.broadcast %mul3A_657 : f32 to vector<16xf32>
      %mul3A_659 = arith.mulf %get3A_656, %mul3A_658 : vector<16xf32>
      %swap3A_660 = arith.index_cast %add3A_150 : i32 to index
      %swap3A_661 = arith.constant 672 : index
      %swap3A_662 = tpu.vector_load %arg6[%swap3A_660, %swap3A_661] {strides = array<i32>} : memref<64x768xf32, #tpu.memory_space<vmem>>, vector<1x16xf32>,
      %swap3A_663 = vector.shape_cast %swap3A_662 : vector<1x16xf32> to vector<16xf32>
      %swap3A_664 = vector.shape_cast %mul3A_659 : vector<16xf32> to vector<1x16xf32>
      tpu.vector_store %arg6[%swap3A_660, %swap3A_661], %swap3A_664 {strides = array<i32>} : memref<64x768xf32, #tpu.memory_space<vmem>>, vector<1x16xf32>,
      %get3A_665 = arith.index_cast %add3A_150 : i32 to index
      %get3A_666 = arith.constant 688 : index
      %get3A_667 = tpu.vector_load %arg6[%get3A_665, %get3A_666] {strides = array<i32>} : memref<64x768xf32, #tpu.memory_space<vmem>>, vector<1x16xf32>,
      %get3A_668 = vector.shape_cast %get3A_667 : vector<1x16xf32> to vector<16xf32>
      %mul3A_669 = arith.constant 27.7128124 : f32
      %mul3A_670 = vector.broadcast %mul3A_669 : f32 to vector<16xf32>
      %mul3A_671 = arith.mulf %get3A_668, %mul3A_670 : vector<16xf32>
      %swap3A_672 = arith.index_cast %add3A_150 : i32 to index
      %swap3A_673 = arith.constant 688 : index
      %swap3A_674 = tpu.vector_load %arg6[%swap3A_672, %swap3A_673] {strides = array<i32>} : memref<64x768xf32, #tpu.memory_space<vmem>>, vector<1x16xf32>,
      %swap3A_675 = vector.shape_cast %swap3A_674 : vector<1x16xf32> to vector<16xf32>
      %swap3A_676 = vector.shape_cast %mul3A_671 : vector<16xf32> to vector<1x16xf32>
      tpu.vector_store %arg6[%swap3A_672, %swap3A_673], %swap3A_676 {strides = array<i32>} : memref<64x768xf32, #tpu.memory_space<vmem>>, vector<1x16xf32>,
      %get3A_677 = arith.index_cast %add3A_150 : i32 to index
      %get3A_678 = arith.constant 704 : index
      %get3A_679 = tpu.vector_load %arg6[%get3A_677, %get3A_678] {strides = array<i32>} : memref<64x768xf32, #tpu.memory_space<vmem>>, vector<1x16xf32>,
      %get3A_680 = vector.shape_cast %get3A_679 : vector<1x16xf32> to vector<16xf32>
      %mul3A_681 = arith.constant 27.7128124 : f32
      %mul3A_682 = vector.broadcast %mul3A_681 : f32 to vector<16xf32>
      %mul3A_683 = arith.mulf %get3A_680, %mul3A_682 : vector<16xf32>
      %swap3A_684 = arith.index_cast %add3A_150 : i32 to index
      %swap3A_685 = arith.constant 704 : index
      %swap3A_686 = tpu.vector_load %arg6[%swap3A_684, %swap3A_685] {strides = array<i32>} : memref<64x768xf32, #tpu.memory_space<vmem>>, vector<1x16xf32>,
      %swap3A_687 = vector.shape_cast %swap3A_686 : vector<1x16xf32> to vector<16xf32>
      %swap3A_688 = vector.shape_cast %mul3A_683 : vector<16xf32> to vector<1x16xf32>
      tpu.vector_store %arg6[%swap3A_684, %swap3A_685], %swap3A_688 {strides = array<i32>} : memref<64x768xf32, #tpu.memory_space<vmem>>, vector<1x16xf32>,
      %get3A_689 = arith.index_cast %add3A_150 : i32 to index
      %get3A_690 = arith.constant 720 : index
      %get3A_691 = tpu.vector_load %arg6[%get3A_689, %get3A_690] {strides = array<i32>} : memref<64x768xf32, #tpu.memory_space<vmem>>, vector<1x16xf32>,
      %get3A_692 = vector.shape_cast %get3A_691 : vector<1x16xf32> to vector<16xf32>
      %mul3A_693 = arith.constant 27.7128124 : f32
      %mul3A_694 = vector.broadcast %mul3A_693 : f32 to vector<16xf32>
      %mul3A_695 = arith.mulf %get3A_692, %mul3A_694 : vector<16xf32>
      %swap3A_696 = arith.index_cast %add3A_150 : i32 to index
      %swap3A_697 = arith.constant 720 : index
      %swap3A_698 = tpu.vector_load %arg6[%swap3A_696, %swap3A_697] {strides = array<i32>} : memref<64x768xf32, #tpu.memory_space<vmem>>, vector<1x16xf32>,
      %swap3A_699 = vector.shape_cast %swap3A_698 : vector<1x16xf32> to vector<16xf32>
      %swap3A_700 = vector.shape_cast %mul3A_695 : vector<16xf32> to vector<1x16xf32>
      tpu.vector_store %arg6[%swap3A_696, %swap3A_697], %swap3A_700 {strides = array<i32>} : memref<64x768xf32, #tpu.memory_space<vmem>>, vector<1x16xf32>,
      %get3A_701 = arith.index_cast %add3A_150 : i32 to index
      %get3A_702 = arith.constant 736 : index
      %get3A_703 = tpu.vector_load %arg6[%get3A_701, %get3A_702] {strides = array<i32>} : memref<64x768xf32, #tpu.memory_space<vmem>>, vector<1x16xf32>,
      %get3A_704 = vector.shape_cast %get3A_703 : vector<1x16xf32> to vector<16xf32>
      %mul3A_705 = arith.constant 27.7128124 : f32
      %mul3A_706 = vector.broadcast %mul3A_705 : f32 to vector<16xf32>
      %mul3A_707 = arith.mulf %get3A_704, %mul3A_706 : vector<16xf32>
      %swap3A_708 = arith.index_cast %add3A_150 : i32 to index
      %swap3A_709 = arith.constant 736 : index
      %swap3A_710 = tpu.vector_load %arg6[%swap3A_708, %swap3A_709] {strides = array<i32>} : memref<64x768xf32, #tpu.memory_space<vmem>>, vector<1x16xf32>,
      %swap3A_711 = vector.shape_cast %swap3A_710 : vector<1x16xf32> to vector<16xf32>
      %swap3A_712 = vector.shape_cast %mul3A_707 : vector<16xf32> to vector<1x16xf32>
      tpu.vector_store %arg6[%swap3A_708, %swap3A_709], %swap3A_712 {strides = array<i32>} : memref<64x768xf32, #tpu.memory_space<vmem>>, vector<1x16xf32>,
      %get3A_713 = arith.index_cast %add3A_150 : i32 to index
      %get3A_714 = arith.constant 752 : index
      %get3A_715 = tpu.vector_load %arg6[%get3A_713, %get3A_714] {strides = array<i32>} : memref<64x768xf32, #tpu.memory_space<vmem>>, vector<1x16xf32>,
      %get3A_716 = vector.shape_cast %get3A_715 : vector<1x16xf32> to vector<16xf32>
      %mul3A_717 = arith.constant 27.7128124 : f32
      %mul3A_718 = vector.broadcast %mul3A_717 : f32 to vector<16xf32>
      %mul3A_719 = arith.mulf %get3A_716, %mul3A_718 : vector<16xf32>
      %swap3A_720 = arith.index_cast %add3A_150 : i32 to index
      %swap3A_721 = arith.constant 752 : index
      %swap3A_722 = tpu.vector_load %arg6[%swap3A_720, %swap3A_721] {strides = array<i32>} : memref<64x768xf32, #tpu.memory_space<vmem>>, vector<1x16xf32>,
      %swap3A_723 = vector.shape_cast %swap3A_722 : vector<1x16xf32> to vector<16xf32>
      %swap3A_724 = vector.shape_cast %mul3A_719 : vector<16xf32> to vector<1x16xf32>
      tpu.vector_store %arg6[%swap3A_720, %swap3A_721], %swap3A_724 {strides = array<i32>} : memref<64x768xf32, #tpu.memory_space<vmem>>, vector<1x16xf32>,
    }
    %scan3A_49 = arith.constant 64 : i32
    %add3A_50 = arith.constant 0 : i32
    %add3A_51 = arith.addi %mul3A_32, %add3A_50 : i32
    %dma_start3A_52 = arith.constant 0 : i32
    %dma_start3A_53 = tpu.memref_slice %arg4[%select_n3A, %add3A_51, %dma_start3A_52] : memref<4x2048x768xf32, #tpu.memory_space<hbm>> -> memref<1x64x768xf32, #tpu.memory_space<hbm>>
    %dma_start3A_54 = tpu.memref_squeeze %dma_start3A_53 : memref<1x64x768xf32, #tpu.memory_space<hbm>> -> memref<64x768xf32, #tpu.memory_space<hbm>>
    %dma_start3A_55 = arith.constant 0 : i32
    %dma_start3A_56 = tpu.memref_slice %arg4[%select_n3A, %add3A_51, %dma_start3A_55] : memref<4x2048x768xf32, #tpu.memory_space<hbm>> -> memref<1x64x768xf32, #tpu.memory_space<hbm>>
    %dma_start3A_57 = tpu.memref_squeeze %dma_start3A_56 : memref<1x64x768xf32, #tpu.memory_space<hbm>> -> memref<64x768xf32, #tpu.memory_space<hbm>>
    tpu.enqueue_dma source(%arg6 : memref<64x768xf32, #tpu.memory_space<vmem>>) target(%dma_start3A_57 : memref<64x768xf32, #tpu.memory_space<hbm>>) target_semaphore(%arg10 : memref<!tpu.dma_semaphore, #tpu.memory_space<semaphore_mem>>)
    %dma_wait3A_58 = arith.constant 0 : i32
    %dma_wait3A_59 = tpu.memref_slice %arg4[%select_n3A, %add3A_51, %dma_wait3A_58] : memref<4x2048x768xf32, #tpu.memory_space<hbm>> -> memref<1x64x768xf32, #tpu.memory_space<hbm>>
    %dma_wait3A_60 = tpu.memref_squeeze %dma_wait3A_59 : memref<1x64x768xf32, #tpu.memory_space<hbm>> -> memref<64x768xf32, #tpu.memory_space<hbm>>
    %dma_wait3A_61 = arith.constant 0 : i32
    %dma_wait3A_62 = tpu.memref_slice %arg4[%select_n3A, %add3A_51, %dma_wait3A_61] : memref<4x2048x768xf32, #tpu.memory_space<hbm>> -> memref<1x64x768xf32, #tpu.memory_space<hbm>>
    %dma_wait3A_63 = tpu.memref_squeeze %dma_wait3A_62 : memref<1x64x768xf32, #tpu.memory_space<hbm>> -> memref<64x768xf32, #tpu.memory_space<hbm>>
    tpu.wait_dma2 semaphore(%arg10 : memref<!tpu.dma_semaphore, #tpu.memory_space<semaphore_mem>>) src(%arg6 : memref<64x768xf32, #tpu.memory_space<vmem>>) dst(%dma_wait3A_63 : memref<64x768xf32, #tpu.memory_space<hbm>>)
    %dma_start3A_64 = arith.constant 128 : i32
    %dma_start3A_65 = tpu.memref_slice %arg5[%dma_start3A_64] : memref<256xi32, #tpu.memory_space<vmem>> -> memref<64xi32, #tpu.memory_space<vmem>>
    %dma_start3A_66 = arith.constant 0 : i32
    %dma_start3A_67 = arith.constant 0 : i32
    %dma_start3A_68 = tpu.memref_slice %arg2[%dma_start3A_66, %dma_start3A_67] : memref<100000x768xf32, #tpu.memory_space<hbm>> -> memref<100000x768xf32, #tpu.memory_space<hbm>>
    tpu.enqueue_indirect_dma source(%dma_start3A_68 : memref<100000x768xf32, #tpu.memory_space<hbm>>) target(%arg6 : memref<64x768xf32, #tpu.memory_space<vmem>>) offsets(%dma_start3A_65 : memref<64xi32, #tpu.memory_space<vmem>>) semaphore(%arg8 : memref<!tpu.dma_semaphore, #tpu.memory_space<semaphore_mem>>)
    %dma_wait3A_69 = arith.constant 64 : i32
    %dma_wait3A_70 = tpu.memref_slice %arg5[%dma_wait3A_69] : memref<256xi32, #tpu.memory_space<vmem>> -> memref<64xi32, #tpu.memory_space<vmem>>
    %dma_wait3A_71 = arith.constant 0 : i32
    %dma_wait3A_72 = arith.constant 0 : i32
    %dma_wait3A_73 = tpu.memref_slice %arg2[%dma_wait3A_71, %dma_wait3A_72] : memref<100000x768xf32, #tpu.memory_space<hbm>> -> memref<100000x768xf32, #tpu.memory_space<hbm>>
    tpu.wait_indirect_dma semaphore(%arg9 : memref<!tpu.dma_semaphore, #tpu.memory_space<semaphore_mem>>) src(%dma_wait3A_73 : memref<100000x768xf32, #tpu.memory_space<hbm>>) dst(%arg7 : memref<64x768xf32, #tpu.memory_space<vmem>>)
    %scan3A_74 = arith.constant 0 : i32
    %scan3A_75 = arith.constant 64 : i32
    %scan3A_76 = arith.addi %scan3A_74, %scan3A_75 : i32
    %scan3A_77 = arith.constant 1 : i32
    scf.for %scan3A_146 = %scan3A_74 to %scan3A_76 step %scan3A_77  : i32 {
      %mul3A_147 = arith.constant 1 : i32
      %mul3A_148 = arith.muli %scan3A_146, %mul3A_147 : i32
      %add3A_149 = arith.constant 0 : i32
      %add3A_150 = arith.addi %add3A_149, %mul3A_148 : i32
      %get3A = arith.index_cast %add3A_150 : i32 to index
      %get3A_151 = arith.constant 0 : index
      %get3A_152 = tpu.vector_load %arg7[%get3A, %get3A_151] {strides = array<i32>} : memref<64x768xf32, #tpu.memory_space<vmem>>, vector<1x16xf32>,
      %get3A_153 = vector.shape_cast %get3A_152 : vector<1x16xf32> to vector<16xf32>
      %mul3A_154 = arith.constant 27.7128124 : f32
      %mul3A_155 = vector.broadcast %mul3A_154 : f32 to vector<16xf32>
      %mul3A_156 = arith.mulf %get3A_153, %mul3A_155 : vector<16xf32>
      %swap3A = arith.index_cast %add3A_150 : i32 to index
      %swap3A_157 = arith.constant 0 : index
      %swap3A_158 = tpu.vector_load %arg7[%swap3A, %swap3A_157] {strides = array<i32>} : memref<64x768xf32, #tpu.memory_space<vmem>>, vector<1x16xf32>,
      %swap3A_159 = vector.shape_cast %swap3A_158 : vector<1x16xf32> to vector<16xf32>
      %swap3A_160 = vector.shape_cast %mul3A_156 : vector<16xf32> to vector<1x16xf32>
      tpu.vector_store %arg7[%swap3A, %swap3A_157], %swap3A_160 {strides = array<i32>} : memref<64x768xf32, #tpu.memory_space<vmem>>, vector<1x16xf32>,
      %get3A_161 = arith.index_cast %add3A_150 : i32 to index
      %get3A_162 = arith.constant 16 : index
      %get3A_163 = tpu.vector_load %arg7[%get3A_161, %get3A_162] {strides = array<i32>} : memref<64x768xf32, #tpu.memory_space<vmem>>, vector<1x16xf32>,
      %get3A_164 = vector.shape_cast %get3A_163 : vector<1x16xf32> to vector<16xf32>
      %mul3A_165 = arith.constant 27.7128124 : f32
      %mul3A_166 = vector.broadcast %mul3A_165 : f32 to vector<16xf32>
      %mul3A_167 = arith.mulf %get3A_164, %mul3A_166 : vector<16xf32>
      %swap3A_168 = arith.index_cast %add3A_150 : i32 to index
      %swap3A_169 = arith.constant 16 : index
      %swap3A_170 = tpu.vector_load %arg7[%swap3A_168, %swap3A_169] {strides = array<i32>} : memref<64x768xf32, #tpu.memory_space<vmem>>, vector<1x16xf32>,
      %swap3A_171 = vector.shape_cast %swap3A_170 : vector<1x16xf32> to vector<16xf32>
      %swap3A_172 = vector.shape_cast %mul3A_167 : vector<16xf32> to vector<1x16xf32>
      tpu.vector_store %arg7[%swap3A_168, %swap3A_169], %swap3A_172 {strides = array<i32>} : memref<64x768xf32, #tpu.memory_space<vmem>>, vector<1x16xf32>,
      %get3A_173 = arith.index_cast %add3A_150 : i32 to index
      %get3A_174 = arith.constant 32 : index
      %get3A_175 = tpu.vector_load %arg7[%get3A_173, %get3A_174] {strides = array<i32>} : memref<64x768xf32, #tpu.memory_space<vmem>>, vector<1x16xf32>,
      %get3A_176 = vector.shape_cast %get3A_175 : vector<1x16xf32> to vector<16xf32>
      %mul3A_177 = arith.constant 27.7128124 : f32
      %mul3A_178 = vector.broadcast %mul3A_177 : f32 to vector<16xf32>
      %mul3A_179 = arith.mulf %get3A_176, %mul3A_178 : vector<16xf32>
      %swap3A_180 = arith.index_cast %add3A_150 : i32 to index
      %swap3A_181 = arith.constant 32 : index
      %swap3A_182 = tpu.vector_load %arg7[%swap3A_180, %swap3A_181] {strides = array<i32>} : memref<64x768xf32, #tpu.memory_space<vmem>>, vector<1x16xf32>,
      %swap3A_183 = vector.shape_cast %swap3A_182 : vector<1x16xf32> to vector<16xf32>
      %swap3A_184 = vector.shape_cast %mul3A_179 : vector<16xf32> to vector<1x16xf32>
      tpu.vector_store %arg7[%swap3A_180, %swap3A_181], %swap3A_184 {strides = array<i32>} : memref<64x768xf32, #tpu.memory_space<vmem>>, vector<1x16xf32>,
      %get3A_185 = arith.index_cast %add3A_150 : i32 to index
      %get3A_186 = arith.constant 48 : index
      %get3A_187 = tpu.vector_load %arg7[%get3A_185, %get3A_186] {strides = array<i32>} : memref<64x768xf32, #tpu.memory_space<vmem>>, vector<1x16xf32>,
      %get3A_188 = vector.shape_cast %get3A_187 : vector<1x16xf32> to vector<16xf32>
      %mul3A_189 = arith.constant 27.7128124 : f32
      %mul3A_190 = vector.broadcast %mul3A_189 : f32 to vector<16xf32>
      %mul3A_191 = arith.mulf %get3A_188, %mul3A_190 : vector<16xf32>
      %swap3A_192 = arith.index_cast %add3A_150 : i32 to index
      %swap3A_193 = arith.constant 48 : index
      %swap3A_194 = tpu.vector_load %arg7[%swap3A_192, %swap3A_193] {strides = array<i32>} : memref<64x768xf32, #tpu.memory_space<vmem>>, vector<1x16xf32>,
      %swap3A_195 = vector.shape_cast %swap3A_194 : vector<1x16xf32> to vector<16xf32>
      %swap3A_196 = vector.shape_cast %mul3A_191 : vector<16xf32> to vector<1x16xf32>
      tpu.vector_store %arg7[%swap3A_192, %swap3A_193], %swap3A_196 {strides = array<i32>} : memref<64x768xf32, #tpu.memory_space<vmem>>, vector<1x16xf32>,
      %get3A_197 = arith.index_cast %add3A_150 : i32 to index
      %get3A_198 = arith.constant 64 : index
      %get3A_199 = tpu.vector_load %arg7[%get3A_197, %get3A_198] {strides = array<i32>} : memref<64x768xf32, #tpu.memory_space<vmem>>, vector<1x16xf32>,
      %get3A_200 = vector.shape_cast %get3A_199 : vector<1x16xf32> to vector<16xf32>
      %mul3A_201 = arith.constant 27.7128124 : f32
      %mul3A_202 = vector.broadcast %mul3A_201 : f32 to vector<16xf32>
      %mul3A_203 = arith.mulf %get3A_200, %mul3A_202 : vector<16xf32>
      %swap3A_204 = arith.index_cast %add3A_150 : i32 to index
      %swap3A_205 = arith.constant 64 : index
      %swap3A_206 = tpu.vector_load %arg7[%swap3A_204, %swap3A_205] {strides = array<i32>} : memref<64x768xf32, #tpu.memory_space<vmem>>, vector<1x16xf32>,
      %swap3A_207 = vector.shape_cast %swap3A_206 : vector<1x16xf32> to vector<16xf32>
      %swap3A_208 = vector.shape_cast %mul3A_203 : vector<16xf32> to vector<1x16xf32>
      tpu.vector_store %arg7[%swap3A_204, %swap3A_205], %swap3A_208 {strides = array<i32>} : memref<64x768xf32, #tpu.memory_space<vmem>>, vector<1x16xf32>,
      %get3A_209 = arith.index_cast %add3A_150 : i32 to index
      %get3A_210 = arith.constant 80 : index
      %get3A_211 = tpu.vector_load %arg7[%get3A_209, %get3A_210] {strides = array<i32>} : memref<64x768xf32, #tpu.memory_space<vmem>>, vector<1x16xf32>,
      %get3A_212 = vector.shape_cast %get3A_211 : vector<1x16xf32> to vector<16xf32>
      %mul3A_213 = arith.constant 27.7128124 : f32
      %mul3A_214 = vector.broadcast %mul3A_213 : f32 to vector<16xf32>
      %mul3A_215 = arith.mulf %get3A_212, %mul3A_214 : vector<16xf32>
      %swap3A_216 = arith.index_cast %add3A_150 : i32 to index
      %swap3A_217 = arith.constant 80 : index
      %swap3A_218 = tpu.vector_load %arg7[%swap3A_216, %swap3A_217] {strides = array<i32>} : memref<64x768xf32, #tpu.memory_space<vmem>>, vector<1x16xf32>,
      %swap3A_219 = vector.shape_cast %swap3A_218 : vector<1x16xf32> to vector<16xf32>
      %swap3A_220 = vector.shape_cast %mul3A_215 : vector<16xf32> to vector<1x16xf32>
      tpu.vector_store %arg7[%swap3A_216, %swap3A_217], %swap3A_220 {strides = array<i32>} : memref<64x768xf32, #tpu.memory_space<vmem>>, vector<1x16xf32>,
      %get3A_221 = arith.index_cast %add3A_150 : i32 to index
      %get3A_222 = arith.constant 96 : index
      %get3A_223 = tpu.vector_load %arg7[%get3A_221, %get3A_222] {strides = array<i32>} : memref<64x768xf32, #tpu.memory_space<vmem>>, vector<1x16xf32>,
      %get3A_224 = vector.shape_cast %get3A_223 : vector<1x16xf32> to vector<16xf32>
      %mul3A_225 = arith.constant 27.7128124 : f32
      %mul3A_226 = vector.broadcast %mul3A_225 : f32 to vector<16xf32>
      %mul3A_227 = arith.mulf %get3A_224, %mul3A_226 : vector<16xf32>
      %swap3A_228 = arith.index_cast %add3A_150 : i32 to index
      %swap3A_229 = arith.constant 96 : index
      %swap3A_230 = tpu.vector_load %arg7[%swap3A_228, %swap3A_229] {strides = array<i32>} : memref<64x768xf32, #tpu.memory_space<vmem>>, vector<1x16xf32>,
      %swap3A_231 = vector.shape_cast %swap3A_230 : vector<1x16xf32> to vector<16xf32>
      %swap3A_232 = vector.shape_cast %mul3A_227 : vector<16xf32> to vector<1x16xf32>
      tpu.vector_store %arg7[%swap3A_228, %swap3A_229], %swap3A_232 {strides = array<i32>} : memref<64x768xf32, #tpu.memory_space<vmem>>, vector<1x16xf32>,
      %get3A_233 = arith.index_cast %add3A_150 : i32 to index
      %get3A_234 = arith.constant 112 : index
      %get3A_235 = tpu.vector_load %arg7[%get3A_233, %get3A_234] {strides = array<i32>} : memref<64x768xf32, #tpu.memory_space<vmem>>, vector<1x16xf32>,
      %get3A_236 = vector.shape_cast %get3A_235 : vector<1x16xf32> to vector<16xf32>
      %mul3A_237 = arith.constant 27.7128124 : f32
      %mul3A_238 = vector.broadcast %mul3A_237 : f32 to vector<16xf32>
      %mul3A_239 = arith.mulf %get3A_236, %mul3A_238 : vector<16xf32>
      %swap3A_240 = arith.index_cast %add3A_150 : i32 to index
      %swap3A_241 = arith.constant 112 : index
      %swap3A_242 = tpu.vector_load %arg7[%swap3A_240, %swap3A_241] {strides = array<i32>} : memref<64x768xf32, #tpu.memory_space<vmem>>, vector<1x16xf32>,
      %swap3A_243 = vector.shape_cast %swap3A_242 : vector<1x16xf32> to vector<16xf32>
      %swap3A_244 = vector.shape_cast %mul3A_239 : vector<16xf32> to vector<1x16xf32>
      tpu.vector_store %arg7[%swap3A_240, %swap3A_241], %swap3A_244 {strides = array<i32>} : memref<64x768xf32, #tpu.memory_space<vmem>>, vector<1x16xf32>,
      %get3A_245 = arith.index_cast %add3A_150 : i32 to index
      %get3A_246 = arith.constant 128 : index
      %get3A_247 = tpu.vector_load %arg7[%get3A_245, %get3A_246] {strides = array<i32>} : memref<64x768xf32, #tpu.memory_space<vmem>>, vector<1x16xf32>,
      %get3A_248 = vector.shape_cast %get3A_247 : vector<1x16xf32> to vector<16xf32>
      %mul3A_249 = arith.constant 27.7128124 : f32
      %mul3A_250 = vector.broadcast %mul3A_249 : f32 to vector<16xf32>
      %mul3A_251 = arith.mulf %get3A_248, %mul3A_250 : vector<16xf32>
      %swap3A_252 = arith.index_cast %add3A_150 : i32 to index
      %swap3A_253 = arith.constant 128 : index
      %swap3A_254 = tpu.vector_load %arg7[%swap3A_252, %swap3A_253] {strides = array<i32>} : memref<64x768xf32, #tpu.memory_space<vmem>>, vector<1x16xf32>,
      %swap3A_255 = vector.shape_cast %swap3A_254 : vector<1x16xf32> to vector<16xf32>
      %swap3A_256 = vector.shape_cast %mul3A_251 : vector<16xf32> to vector<1x16xf32>
      tpu.vector_store %arg7[%swap3A_252, %swap3A_253], %swap3A_256 {strides = array<i32>} : memref<64x768xf32, #tpu.memory_space<vmem>>, vector<1x16xf32>,
      %get3A_257 = arith.index_cast %add3A_150 : i32 to index
      %get3A_258 = arith.constant 144 : index
      %get3A_259 = tpu.vector_load %arg7[%get3A_257, %get3A_258] {strides = array<i32>} : memref<64x768xf32, #tpu.memory_space<vmem>>, vector<1x16xf32>,
      %get3A_260 = vector.shape_cast %get3A_259 : vector<1x16xf32> to vector<16xf32>
      %mul3A_261 = arith.constant 27.7128124 : f32
      %mul3A_262 = vector.broadcast %mul3A_261 : f32 to vector<16xf32>
      %mul3A_263 = arith.mulf %get3A_260, %mul3A_262 : vector<16xf32>
      %swap3A_264 = arith.index_cast %add3A_150 : i32 to index
      %swap3A_265 = arith.constant 144 : index
      %swap3A_266 = tpu.vector_load %arg7[%swap3A_264, %swap3A_265] {strides = array<i32>} : memref<64x768xf32, #tpu.memory_space<vmem>>, vector<1x16xf32>,
      %swap3A_267 = vector.shape_cast %swap3A_266 : vector<1x16xf32> to vector<16xf32>
      %swap3A_268 = vector.shape_cast %mul3A_263 : vector<16xf32> to vector<1x16xf32>
      tpu.vector_store %arg7[%swap3A_264, %swap3A_265], %swap3A_268 {strides = array<i32>} : memref<64x768xf32, #tpu.memory_space<vmem>>, vector<1x16xf32>,
      %get3A_269 = arith.index_cast %add3A_150 : i32 to index
      %get3A_270 = arith.constant 160 : index
      %get3A_271 = tpu.vector_load %arg7[%get3A_269, %get3A_270] {strides = array<i32>} : memref<64x768xf32, #tpu.memory_space<vmem>>, vector<1x16xf32>,
      %get3A_272 = vector.shape_cast %get3A_271 : vector<1x16xf32> to vector<16xf32>
      %mul3A_273 = arith.constant 27.7128124 : f32
      %mul3A_274 = vector.broadcast %mul3A_273 : f32 to vector<16xf32>
      %mul3A_275 = arith.mulf %get3A_272, %mul3A_274 : vector<16xf32>
      %swap3A_276 = arith.index_cast %add3A_150 : i32 to index
      %swap3A_277 = arith.constant 160 : index
      %swap3A_278 = tpu.vector_load %arg7[%swap3A_276, %swap3A_277] {strides = array<i32>} : memref<64x768xf32, #tpu.memory_space<vmem>>, vector<1x16xf32>,
      %swap3A_279 = vector.shape_cast %swap3A_278 : vector<1x16xf32> to vector<16xf32>
      %swap3A_280 = vector.shape_cast %mul3A_275 : vector<16xf32> to vector<1x16xf32>
      tpu.vector_store %arg7[%swap3A_276, %swap3A_277], %swap3A_280 {strides = array<i32>} : memref<64x768xf32, #tpu.memory_space<vmem>>, vector<1x16xf32>,
      %get3A_281 = arith.index_cast %add3A_150 : i32 to index
      %get3A_282 = arith.constant 176 : index
      %get3A_283 = tpu.vector_load %arg7[%get3A_281, %get3A_282] {strides = array<i32>} : memref<64x768xf32, #tpu.memory_space<vmem>>, vector<1x16xf32>,
      %get3A_284 = vector.shape_cast %get3A_283 : vector<1x16xf32> to vector<16xf32>
      %mul3A_285 = arith.constant 27.7128124 : f32
      %mul3A_286 = vector.broadcast %mul3A_285 : f32 to vector<16xf32>
      %mul3A_287 = arith.mulf %get3A_284, %mul3A_286 : vector<16xf32>
      %swap3A_288 = arith.index_cast %add3A_150 : i32 to index
      %swap3A_289 = arith.constant 176 : index
      %swap3A_290 = tpu.vector_load %arg7[%swap3A_288, %swap3A_289] {strides = array<i32>} : memref<64x768xf32, #tpu.memory_space<vmem>>, vector<1x16xf32>,
      %swap3A_291 = vector.shape_cast %swap3A_290 : vector<1x16xf32> to vector<16xf32>
      %swap3A_292 = vector.shape_cast %mul3A_287 : vector<16xf32> to vector<1x16xf32>
      tpu.vector_store %arg7[%swap3A_288, %swap3A_289], %swap3A_292 {strides = array<i32>} : memref<64x768xf32, #tpu.memory_space<vmem>>, vector<1x16xf32>,
      %get3A_293 = arith.index_cast %add3A_150 : i32 to index
      %get3A_294 = arith.constant 192 : index
      %get3A_295 = tpu.vector_load %arg7[%get3A_293, %get3A_294] {strides = array<i32>} : memref<64x768xf32, #tpu.memory_space<vmem>>, vector<1x16xf32>,
      %get3A_296 = vector.shape_cast %get3A_295 : vector<1x16xf32> to vector<16xf32>
      %mul3A_297 = arith.constant 27.7128124 : f32
      %mul3A_298 = vector.broadcast %mul3A_297 : f32 to vector<16xf32>
      %mul3A_299 = arith.mulf %get3A_296, %mul3A_298 : vector<16xf32>
      %swap3A_300 = arith.index_cast %add3A_150 : i32 to index
      %swap3A_301 = arith.constant 192 : index
      %swap3A_302 = tpu.vector_load %arg7[%swap3A_300, %swap3A_301] {strides = array<i32>} : memref<64x768xf32, #tpu.memory_space<vmem>>, vector<1x16xf32>,
      %swap3A_303 = vector.shape_cast %swap3A_302 : vector<1x16xf32> to vector<16xf32>
      %swap3A_304 = vector.shape_cast %mul3A_299 : vector<16xf32> to vector<1x16xf32>
      tpu.vector_store %arg7[%swap3A_300, %swap3A_301], %swap3A_304 {strides = array<i32>} : memref<64x768xf32, #tpu.memory_space<vmem>>, vector<1x16xf32>,
      %get3A_305 = arith.index_cast %add3A_150 : i32 to index
      %get3A_306 = arith.constant 208 : index
      %get3A_307 = tpu.vector_load %arg7[%get3A_305, %get3A_306] {strides = array<i32>} : memref<64x768xf32, #tpu.memory_space<vmem>>, vector<1x16xf32>,
      %get3A_308 = vector.shape_cast %get3A_307 : vector<1x16xf32> to vector<16xf32>
      %mul3A_309 = arith.constant 27.7128124 : f32
      %mul3A_310 = vector.broadcast %mul3A_309 : f32 to vector<16xf32>
      %mul3A_311 = arith.mulf %get3A_308, %mul3A_310 : vector<16xf32>
      %swap3A_312 = arith.index_cast %add3A_150 : i32 to index
      %swap3A_313 = arith.constant 208 : index
      %swap3A_314 = tpu.vector_load %arg7[%swap3A_312, %swap3A_313] {strides = array<i32>} : memref<64x768xf32, #tpu.memory_space<vmem>>, vector<1x16xf32>,
      %swap3A_315 = vector.shape_cast %swap3A_314 : vector<1x16xf32> to vector<16xf32>
      %swap3A_316 = vector.shape_cast %mul3A_311 : vector<16xf32> to vector<1x16xf32>
      tpu.vector_store %arg7[%swap3A_312, %swap3A_313], %swap3A_316 {strides = array<i32>} : memref<64x768xf32, #tpu.memory_space<vmem>>, vector<1x16xf32>,
      %get3A_317 = arith.index_cast %add3A_150 : i32 to index
      %get3A_318 = arith.constant 224 : index
      %get3A_319 = tpu.vector_load %arg7[%get3A_317, %get3A_318] {strides = array<i32>} : memref<64x768xf32, #tpu.memory_space<vmem>>, vector<1x16xf32>,
      %get3A_320 = vector.shape_cast %get3A_319 : vector<1x16xf32> to vector<16xf32>
      %mul3A_321 = arith.constant 27.7128124 : f32
      %mul3A_322 = vector.broadcast %mul3A_321 : f32 to vector<16xf32>
      %mul3A_323 = arith.mulf %get3A_320, %mul3A_322 : vector<16xf32>
      %swap3A_324 = arith.index_cast %add3A_150 : i32 to index
      %swap3A_325 = arith.constant 224 : index
      %swap3A_326 = tpu.vector_load %arg7[%swap3A_324, %swap3A_325] {strides = array<i32>} : memref<64x768xf32, #tpu.memory_space<vmem>>, vector<1x16xf32>,
      %swap3A_327 = vector.shape_cast %swap3A_326 : vector<1x16xf32> to vector<16xf32>
      %swap3A_328 = vector.shape_cast %mul3A_323 : vector<16xf32> to vector<1x16xf32>
      tpu.vector_store %arg7[%swap3A_324, %swap3A_325], %swap3A_328 {strides = array<i32>} : memref<64x768xf32, #tpu.memory_space<vmem>>, vector<1x16xf32>,
      %get3A_329 = arith.index_cast %add3A_150 : i32 to index
      %get3A_330 = arith.constant 240 : index
      %get3A_331 = tpu.vector_load %arg7[%get3A_329, %get3A_330] {strides = array<i32>} : memref<64x768xf32, #tpu.memory_space<vmem>>, vector<1x16xf32>,
      %get3A_332 = vector.shape_cast %get3A_331 : vector<1x16xf32> to vector<16xf32>
      %mul3A_333 = arith.constant 27.7128124 : f32
      %mul3A_334 = vector.broadcast %mul3A_333 : f32 to vector<16xf32>
      %mul3A_335 = arith.mulf %get3A_332, %mul3A_334 : vector<16xf32>
      %swap3A_336 = arith.index_cast %add3A_150 : i32 to index
      %swap3A_337 = arith.constant 240 : index
      %swap3A_338 = tpu.vector_load %arg7[%swap3A_336, %swap3A_337] {strides = array<i32>} : memref<64x768xf32, #tpu.memory_space<vmem>>, vector<1x16xf32>,
      %swap3A_339 = vector.shape_cast %swap3A_338 : vector<1x16xf32> to vector<16xf32>
      %swap3A_340 = vector.shape_cast %mul3A_335 : vector<16xf32> to vector<1x16xf32>
      tpu.vector_store %arg7[%swap3A_336, %swap3A_337], %swap3A_340 {strides = array<i32>} : memref<64x768xf32, #tpu.memory_space<vmem>>, vector<1x16xf32>,
      %get3A_341 = arith.index_cast %add3A_150 : i32 to index
      %get3A_342 = arith.constant 256 : index
      %get3A_343 = tpu.vector_load %arg7[%get3A_341, %get3A_342] {strides = array<i32>} : memref<64x768xf32, #tpu.memory_space<vmem>>, vector<1x16xf32>,
      %get3A_344 = vector.shape_cast %get3A_343 : vector<1x16xf32> to vector<16xf32>
      %mul3A_345 = arith.constant 27.7128124 : f32
      %mul3A_346 = vector.broadcast %mul3A_345 : f32 to vector<16xf32>
      %mul3A_347 = arith.mulf %get3A_344, %mul3A_346 : vector<16xf32>
      %swap3A_348 = arith.index_cast %add3A_150 : i32 to index
      %swap3A_349 = arith.constant 256 : index
      %swap3A_350 = tpu.vector_load %arg7[%swap3A_348, %swap3A_349] {strides = array<i32>} : memref<64x768xf32, #tpu.memory_space<vmem>>, vector<1x16xf32>,
      %swap3A_351 = vector.shape_cast %swap3A_350 : vector<1x16xf32> to vector<16xf32>
      %swap3A_352 = vector.shape_cast %mul3A_347 : vector<16xf32> to vector<1x16xf32>
      tpu.vector_store %arg7[%swap3A_348, %swap3A_349], %swap3A_352 {strides = array<i32>} : memref<64x768xf32, #tpu.memory_space<vmem>>, vector<1x16xf32>,
      %get3A_353 = arith.index_cast %add3A_150 : i32 to index
      %get3A_354 = arith.constant 272 : index
      %get3A_355 = tpu.vector_load %arg7[%get3A_353, %get3A_354] {strides = array<i32>} : memref<64x768xf32, #tpu.memory_space<vmem>>, vector<1x16xf32>,
      %get3A_356 = vector.shape_cast %get3A_355 : vector<1x16xf32> to vector<16xf32>
      %mul3A_357 = arith.constant 27.7128124 : f32
      %mul3A_358 = vector.broadcast %mul3A_357 : f32 to vector<16xf32>
      %mul3A_359 = arith.mulf %get3A_356, %mul3A_358 : vector<16xf32>
      %swap3A_360 = arith.index_cast %add3A_150 : i32 to index
      %swap3A_361 = arith.constant 272 : index
      %swap3A_362 = tpu.vector_load %arg7[%swap3A_360, %swap3A_361] {strides = array<i32>} : memref<64x768xf32, #tpu.memory_space<vmem>>, vector<1x16xf32>,
      %swap3A_363 = vector.shape_cast %swap3A_362 : vector<1x16xf32> to vector<16xf32>
      %swap3A_364 = vector.shape_cast %mul3A_359 : vector<16xf32> to vector<1x16xf32>
      tpu.vector_store %arg7[%swap3A_360, %swap3A_361], %swap3A_364 {strides = array<i32>} : memref<64x768xf32, #tpu.memory_space<vmem>>, vector<1x16xf32>,
      %get3A_365 = arith.index_cast %add3A_150 : i32 to index
      %get3A_366 = arith.constant 288 : index
      %get3A_367 = tpu.vector_load %arg7[%get3A_365, %get3A_366] {strides = array<i32>} : memref<64x768xf32, #tpu.memory_space<vmem>>, vector<1x16xf32>,
      %get3A_368 = vector.shape_cast %get3A_367 : vector<1x16xf32> to vector<16xf32>
      %mul3A_369 = arith.constant 27.7128124 : f32
      %mul3A_370 = vector.broadcast %mul3A_369 : f32 to vector<16xf32>
      %mul3A_371 = arith.mulf %get3A_368, %mul3A_370 : vector<16xf32>
      %swap3A_372 = arith.index_cast %add3A_150 : i32 to index
      %swap3A_373 = arith.constant 288 : index
      %swap3A_374 = tpu.vector_load %arg7[%swap3A_372, %swap3A_373] {strides = array<i32>} : memref<64x768xf32, #tpu.memory_space<vmem>>, vector<1x16xf32>,
      %swap3A_375 = vector.shape_cast %swap3A_374 : vector<1x16xf32> to vector<16xf32>
      %swap3A_376 = vector.shape_cast %mul3A_371 : vector<16xf32> to vector<1x16xf32>
      tpu.vector_store %arg7[%swap3A_372, %swap3A_373], %swap3A_376 {strides = array<i32>} : memref<64x768xf32, #tpu.memory_space<vmem>>, vector<1x16xf32>,
      %get3A_377 = arith.index_cast %add3A_150 : i32 to index
      %get3A_378 = arith.constant 304 : index
      %get3A_379 = tpu.vector_load %arg7[%get3A_377, %get3A_378] {strides = array<i32>} : memref<64x768xf32, #tpu.memory_space<vmem>>, vector<1x16xf32>,
      %get3A_380 = vector.shape_cast %get3A_379 : vector<1x16xf32> to vector<16xf32>
      %mul3A_381 = arith.constant 27.7128124 : f32
      %mul3A_382 = vector.broadcast %mul3A_381 : f32 to vector<16xf32>
      %mul3A_383 = arith.mulf %get3A_380, %mul3A_382 : vector<16xf32>
      %swap3A_384 = arith.index_cast %add3A_150 : i32 to index
      %swap3A_385 = arith.constant 304 : index
      %swap3A_386 = tpu.vector_load %arg7[%swap3A_384, %swap3A_385] {strides = array<i32>} : memref<64x768xf32, #tpu.memory_space<vmem>>, vector<1x16xf32>,
      %swap3A_387 = vector.shape_cast %swap3A_386 : vector<1x16xf32> to vector<16xf32>
      %swap3A_388 = vector.shape_cast %mul3A_383 : vector<16xf32> to vector<1x16xf32>
      tpu.vector_store %arg7[%swap3A_384, %swap3A_385], %swap3A_388 {strides = array<i32>} : memref<64x768xf32, #tpu.memory_space<vmem>>, vector<1x16xf32>,
      %get3A_389 = arith.index_cast %add3A_150 : i32 to index
      %get3A_390 = arith.constant 320 : index
      %get3A_391 = tpu.vector_load %arg7[%get3A_389, %get3A_390] {strides = array<i32>} : memref<64x768xf32, #tpu.memory_space<vmem>>, vector<1x16xf32>,
      %get3A_392 = vector.shape_cast %get3A_391 : vector<1x16xf32> to vector<16xf32>
      %mul3A_393 = arith.constant 27.7128124 : f32
      %mul3A_394 = vector.broadcast %mul3A_393 : f32 to vector<16xf32>
      %mul3A_395 = arith.mulf %get3A_392, %mul3A_394 : vector<16xf32>
      %swap3A_396 = arith.index_cast %add3A_150 : i32 to index
      %swap3A_397 = arith.constant 320 : index
      %swap3A_398 = tpu.vector_load %arg7[%swap3A_396, %swap3A_397] {strides = array<i32>} : memref<64x768xf32, #tpu.memory_space<vmem>>, vector<1x16xf32>,
      %swap3A_399 = vector.shape_cast %swap3A_398 : vector<1x16xf32> to vector<16xf32>
      %swap3A_400 = vector.shape_cast %mul3A_395 : vector<16xf32> to vector<1x16xf32>
      tpu.vector_store %arg7[%swap3A_396, %swap3A_397], %swap3A_400 {strides = array<i32>} : memref<64x768xf32, #tpu.memory_space<vmem>>, vector<1x16xf32>,
      %get3A_401 = arith.index_cast %add3A_150 : i32 to index
      %get3A_402 = arith.constant 336 : index
      %get3A_403 = tpu.vector_load %arg7[%get3A_401, %get3A_402] {strides = array<i32>} : memref<64x768xf32, #tpu.memory_space<vmem>>, vector<1x16xf32>,
      %get3A_404 = vector.shape_cast %get3A_403 : vector<1x16xf32> to vector<16xf32>
      %mul3A_405 = arith.constant 27.7128124 : f32
      %mul3A_406 = vector.broadcast %mul3A_405 : f32 to vector<16xf32>
      %mul3A_407 = arith.mulf %get3A_404, %mul3A_406 : vector<16xf32>
      %swap3A_408 = arith.index_cast %add3A_150 : i32 to index
      %swap3A_409 = arith.constant 336 : index
      %swap3A_410 = tpu.vector_load %arg7[%swap3A_408, %swap3A_409] {strides = array<i32>} : memref<64x768xf32, #tpu.memory_space<vmem>>, vector<1x16xf32>,
      %swap3A_411 = vector.shape_cast %swap3A_410 : vector<1x16xf32> to vector<16xf32>
      %swap3A_412 = vector.shape_cast %mul3A_407 : vector<16xf32> to vector<1x16xf32>
      tpu.vector_store %arg7[%swap3A_408, %swap3A_409], %swap3A_412 {strides = array<i32>} : memref<64x768xf32, #tpu.memory_space<vmem>>, vector<1x16xf32>,
      %get3A_413 = arith.index_cast %add3A_150 : i32 to index
      %get3A_414 = arith.constant 352 : index
      %get3A_415 = tpu.vector_load %arg7[%get3A_413, %get3A_414] {strides = array<i32>} : memref<64x768xf32, #tpu.memory_space<vmem>>, vector<1x16xf32>,
      %get3A_416 = vector.shape_cast %get3A_415 : vector<1x16xf32> to vector<16xf32>
      %mul3A_417 = arith.constant 27.7128124 : f32
      %mul3A_418 = vector.broadcast %mul3A_417 : f32 to vector<16xf32>
      %mul3A_419 = arith.mulf %get3A_416, %mul3A_418 : vector<16xf32>
      %swap3A_420 = arith.index_cast %add3A_150 : i32 to index
      %swap3A_421 = arith.constant 352 : index
      %swap3A_422 = tpu.vector_load %arg7[%swap3A_420, %swap3A_421] {strides = array<i32>} : memref<64x768xf32, #tpu.memory_space<vmem>>, vector<1x16xf32>,
      %swap3A_423 = vector.shape_cast %swap3A_422 : vector<1x16xf32> to vector<16xf32>
      %swap3A_424 = vector.shape_cast %mul3A_419 : vector<16xf32> to vector<1x16xf32>
      tpu.vector_store %arg7[%swap3A_420, %swap3A_421], %swap3A_424 {strides = array<i32>} : memref<64x768xf32, #tpu.memory_space<vmem>>, vector<1x16xf32>,
      %get3A_425 = arith.index_cast %add3A_150 : i32 to index
      %get3A_426 = arith.constant 368 : index
      %get3A_427 = tpu.vector_load %arg7[%get3A_425, %get3A_426] {strides = array<i32>} : memref<64x768xf32, #tpu.memory_space<vmem>>, vector<1x16xf32>,
      %get3A_428 = vector.shape_cast %get3A_427 : vector<1x16xf32> to vector<16xf32>
      %mul3A_429 = arith.constant 27.7128124 : f32
      %mul3A_430 = vector.broadcast %mul3A_429 : f32 to vector<16xf32>
      %mul3A_431 = arith.mulf %get3A_428, %mul3A_430 : vector<16xf32>
      %swap3A_432 = arith.index_cast %add3A_150 : i32 to index
      %swap3A_433 = arith.constant 368 : index
      %swap3A_434 = tpu.vector_load %arg7[%swap3A_432, %swap3A_433] {strides = array<i32>} : memref<64x768xf32, #tpu.memory_space<vmem>>, vector<1x16xf32>,
      %swap3A_435 = vector.shape_cast %swap3A_434 : vector<1x16xf32> to vector<16xf32>
      %swap3A_436 = vector.shape_cast %mul3A_431 : vector<16xf32> to vector<1x16xf32>
      tpu.vector_store %arg7[%swap3A_432, %swap3A_433], %swap3A_436 {strides = array<i32>} : memref<64x768xf32, #tpu.memory_space<vmem>>, vector<1x16xf32>,
      %get3A_437 = arith.index_cast %add3A_150 : i32 to index
      %get3A_438 = arith.constant 384 : index
      %get3A_439 = tpu.vector_load %arg7[%get3A_437, %get3A_438] {strides = array<i32>} : memref<64x768xf32, #tpu.memory_space<vmem>>, vector<1x16xf32>,
      %get3A_440 = vector.shape_cast %get3A_439 : vector<1x16xf32> to vector<16xf32>
      %mul3A_441 = arith.constant 27.7128124 : f32
      %mul3A_442 = vector.broadcast %mul3A_441 : f32 to vector<16xf32>
      %mul3A_443 = arith.mulf %get3A_440, %mul3A_442 : vector<16xf32>
      %swap3A_444 = arith.index_cast %add3A_150 : i32 to index
      %swap3A_445 = arith.constant 384 : index
      %swap3A_446 = tpu.vector_load %arg7[%swap3A_444, %swap3A_445] {strides = array<i32>} : memref<64x768xf32, #tpu.memory_space<vmem>>, vector<1x16xf32>,
      %swap3A_447 = vector.shape_cast %swap3A_446 : vector<1x16xf32> to vector<16xf32>
      %swap3A_448 = vector.shape_cast %mul3A_443 : vector<16xf32> to vector<1x16xf32>
      tpu.vector_store %arg7[%swap3A_444, %swap3A_445], %swap3A_448 {strides = array<i32>} : memref<64x768xf32, #tpu.memory_space<vmem>>, vector<1x16xf32>,
      %get3A_449 = arith.index_cast %add3A_150 : i32 to index
      %get3A_450 = arith.constant 400 : index
      %get3A_451 = tpu.vector_load %arg7[%get3A_449, %get3A_450] {strides = array<i32>} : memref<64x768xf32, #tpu.memory_space<vmem>>, vector<1x16xf32>,
      %get3A_452 = vector.shape_cast %get3A_451 : vector<1x16xf32> to vector<16xf32>
      %mul3A_453 = arith.constant 27.7128124 : f32
      %mul3A_454 = vector.broadcast %mul3A_453 : f32 to vector<16xf32>
      %mul3A_455 = arith.mulf %get3A_452, %mul3A_454 : vector<16xf32>
      %swap3A_456 = arith.index_cast %add3A_150 : i32 to index
      %swap3A_457 = arith.constant 400 : index
      %swap3A_458 = tpu.vector_load %arg7[%swap3A_456, %swap3A_457] {strides = array<i32>} : memref<64x768xf32, #tpu.memory_space<vmem>>, vector<1x16xf32>,
      %swap3A_459 = vector.shape_cast %swap3A_458 : vector<1x16xf32> to vector<16xf32>
      %swap3A_460 = vector.shape_cast %mul3A_455 : vector<16xf32> to vector<1x16xf32>
      tpu.vector_store %arg7[%swap3A_456, %swap3A_457], %swap3A_460 {strides = array<i32>} : memref<64x768xf32, #tpu.memory_space<vmem>>, vector<1x16xf32>,
      %get3A_461 = arith.index_cast %add3A_150 : i32 to index
      %get3A_462 = arith.constant 416 : index
      %get3A_463 = tpu.vector_load %arg7[%get3A_461, %get3A_462] {strides = array<i32>} : memref<64x768xf32, #tpu.memory_space<vmem>>, vector<1x16xf32>,
      %get3A_464 = vector.shape_cast %get3A_463 : vector<1x16xf32> to vector<16xf32>
      %mul3A_465 = arith.constant 27.7128124 : f32
      %mul3A_466 = vector.broadcast %mul3A_465 : f32 to vector<16xf32>
      %mul3A_467 = arith.mulf %get3A_464, %mul3A_466 : vector<16xf32>
      %swap3A_468 = arith.index_cast %add3A_150 : i32 to index
      %swap3A_469 = arith.constant 416 : index
      %swap3A_470 = tpu.vector_load %arg7[%swap3A_468, %swap3A_469] {strides = array<i32>} : memref<64x768xf32, #tpu.memory_space<vmem>>, vector<1x16xf32>,
      %swap3A_471 = vector.shape_cast %swap3A_470 : vector<1x16xf32> to vector<16xf32>
      %swap3A_472 = vector.shape_cast %mul3A_467 : vector<16xf32> to vector<1x16xf32>
      tpu.vector_store %arg7[%swap3A_468, %swap3A_469], %swap3A_472 {strides = array<i32>} : memref<64x768xf32, #tpu.memory_space<vmem>>, vector<1x16xf32>,
      %get3A_473 = arith.index_cast %add3A_150 : i32 to index
      %get3A_474 = arith.constant 432 : index
      %get3A_475 = tpu.vector_load %arg7[%get3A_473, %get3A_474] {strides = array<i32>} : memref<64x768xf32, #tpu.memory_space<vmem>>, vector<1x16xf32>,
      %get3A_476 = vector.shape_cast %get3A_475 : vector<1x16xf32> to vector<16xf32>
      %mul3A_477 = arith.constant 27.7128124 : f32
      %mul3A_478 = vector.broadcast %mul3A_477 : f32 to vector<16xf32>
      %mul3A_479 = arith.mulf %get3A_476, %mul3A_478 : vector<16xf32>
      %swap3A_480 = arith.index_cast %add3A_150 : i32 to index
      %swap3A_481 = arith.constant 432 : index
      %swap3A_482 = tpu.vector_load %arg7[%swap3A_480, %swap3A_481] {strides = array<i32>} : memref<64x768xf32, #tpu.memory_space<vmem>>, vector<1x16xf32>,
      %swap3A_483 = vector.shape_cast %swap3A_482 : vector<1x16xf32> to vector<16xf32>
      %swap3A_484 = vector.shape_cast %mul3A_479 : vector<16xf32> to vector<1x16xf32>
      tpu.vector_store %arg7[%swap3A_480, %swap3A_481], %swap3A_484 {strides = array<i32>} : memref<64x768xf32, #tpu.memory_space<vmem>>, vector<1x16xf32>,
      %get3A_485 = arith.index_cast %add3A_150 : i32 to index
      %get3A_486 = arith.constant 448 : index
      %get3A_487 = tpu.vector_load %arg7[%get3A_485, %get3A_486] {strides = array<i32>} : memref<64x768xf32, #tpu.memory_space<vmem>>, vector<1x16xf32>,
      %get3A_488 = vector.shape_cast %get3A_487 : vector<1x16xf32> to vector<16xf32>
      %mul3A_489 = arith.constant 27.7128124 : f32
      %mul3A_490 = vector.broadcast %mul3A_489 : f32 to vector<16xf32>
      %mul3A_491 = arith.mulf %get3A_488, %mul3A_490 : vector<16xf32>
      %swap3A_492 = arith.index_cast %add3A_150 : i32 to index
      %swap3A_493 = arith.constant 448 : index
      %swap3A_494 = tpu.vector_load %arg7[%swap3A_492, %swap3A_493] {strides = array<i32>} : memref<64x768xf32, #tpu.memory_space<vmem>>, vector<1x16xf32>,
      %swap3A_495 = vector.shape_cast %swap3A_494 : vector<1x16xf32> to vector<16xf32>
      %swap3A_496 = vector.shape_cast %mul3A_491 : vector<16xf32> to vector<1x16xf32>
      tpu.vector_store %arg7[%swap3A_492, %swap3A_493], %swap3A_496 {strides = array<i32>} : memref<64x768xf32, #tpu.memory_space<vmem>>, vector<1x16xf32>,
      %get3A_497 = arith.index_cast %add3A_150 : i32 to index
      %get3A_498 = arith.constant 464 : index
      %get3A_499 = tpu.vector_load %arg7[%get3A_497, %get3A_498] {strides = array<i32>} : memref<64x768xf32, #tpu.memory_space<vmem>>, vector<1x16xf32>,
      %get3A_500 = vector.shape_cast %get3A_499 : vector<1x16xf32> to vector<16xf32>
      %mul3A_501 = arith.constant 27.7128124 : f32
      %mul3A_502 = vector.broadcast %mul3A_501 : f32 to vector<16xf32>
      %mul3A_503 = arith.mulf %get3A_500, %mul3A_502 : vector<16xf32>
      %swap3A_504 = arith.index_cast %add3A_150 : i32 to index
      %swap3A_505 = arith.constant 464 : index
      %swap3A_506 = tpu.vector_load %arg7[%swap3A_504, %swap3A_505] {strides = array<i32>} : memref<64x768xf32, #tpu.memory_space<vmem>>, vector<1x16xf32>,
      %swap3A_507 = vector.shape_cast %swap3A_506 : vector<1x16xf32> to vector<16xf32>
      %swap3A_508 = vector.shape_cast %mul3A_503 : vector<16xf32> to vector<1x16xf32>
      tpu.vector_store %arg7[%swap3A_504, %swap3A_505], %swap3A_508 {strides = array<i32>} : memref<64x768xf32, #tpu.memory_space<vmem>>, vector<1x16xf32>,
      %get3A_509 = arith.index_cast %add3A_150 : i32 to index
      %get3A_510 = arith.constant 480 : index
      %get3A_511 = tpu.vector_load %arg7[%get3A_509, %get3A_510] {strides = array<i32>} : memref<64x768xf32, #tpu.memory_space<vmem>>, vector<1x16xf32>,
      %get3A_512 = vector.shape_cast %get3A_511 : vector<1x16xf32> to vector<16xf32>
      %mul3A_513 = arith.constant 27.7128124 : f32
      %mul3A_514 = vector.broadcast %mul3A_513 : f32 to vector<16xf32>
      %mul3A_515 = arith.mulf %get3A_512, %mul3A_514 : vector<16xf32>
      %swap3A_516 = arith.index_cast %add3A_150 : i32 to index
      %swap3A_517 = arith.constant 480 : index
      %swap3A_518 = tpu.vector_load %arg7[%swap3A_516, %swap3A_517] {strides = array<i32>} : memref<64x768xf32, #tpu.memory_space<vmem>>, vector<1x16xf32>,
      %swap3A_519 = vector.shape_cast %swap3A_518 : vector<1x16xf32> to vector<16xf32>
      %swap3A_520 = vector.shape_cast %mul3A_515 : vector<16xf32> to vector<1x16xf32>
      tpu.vector_store %arg7[%swap3A_516, %swap3A_517], %swap3A_520 {strides = array<i32>} : memref<64x768xf32, #tpu.memory_space<vmem>>, vector<1x16xf32>,
      %get3A_521 = arith.index_cast %add3A_150 : i32 to index
      %get3A_522 = arith.constant 496 : index
      %get3A_523 = tpu.vector_load %arg7[%get3A_521, %get3A_522] {strides = array<i32>} : memref<64x768xf32, #tpu.memory_space<vmem>>, vector<1x16xf32>,
      %get3A_524 = vector.shape_cast %get3A_523 : vector<1x16xf32> to vector<16xf32>
      %mul3A_525 = arith.constant 27.7128124 : f32
      %mul3A_526 = vector.broadcast %mul3A_525 : f32 to vector<16xf32>
      %mul3A_527 = arith.mulf %get3A_524, %mul3A_526 : vector<16xf32>
      %swap3A_528 = arith.index_cast %add3A_150 : i32 to index
      %swap3A_529 = arith.constant 496 : index
      %swap3A_530 = tpu.vector_load %arg7[%swap3A_528, %swap3A_529] {strides = array<i32>} : memref<64x768xf32, #tpu.memory_space<vmem>>, vector<1x16xf32>,
      %swap3A_531 = vector.shape_cast %swap3A_530 : vector<1x16xf32> to vector<16xf32>
      %swap3A_532 = vector.shape_cast %mul3A_527 : vector<16xf32> to vector<1x16xf32>
      tpu.vector_store %arg7[%swap3A_528, %swap3A_529], %swap3A_532 {strides = array<i32>} : memref<64x768xf32, #tpu.memory_space<vmem>>, vector<1x16xf32>,
      %get3A_533 = arith.index_cast %add3A_150 : i32 to index
      %get3A_534 = arith.constant 512 : index
      %get3A_535 = tpu.vector_load %arg7[%get3A_533, %get3A_534] {strides = array<i32>} : memref<64x768xf32, #tpu.memory_space<vmem>>, vector<1x16xf32>,
      %get3A_536 = vector.shape_cast %get3A_535 : vector<1x16xf32> to vector<16xf32>
      %mul3A_537 = arith.constant 27.7128124 : f32
      %mul3A_538 = vector.broadcast %mul3A_537 : f32 to vector<16xf32>
      %mul3A_539 = arith.mulf %get3A_536, %mul3A_538 : vector<16xf32>
      %swap3A_540 = arith.index_cast %add3A_150 : i32 to index
      %swap3A_541 = arith.constant 512 : index
      %swap3A_542 = tpu.vector_load %arg7[%swap3A_540, %swap3A_541] {strides = array<i32>} : memref<64x768xf32, #tpu.memory_space<vmem>>, vector<1x16xf32>,
      %swap3A_543 = vector.shape_cast %swap3A_542 : vector<1x16xf32> to vector<16xf32>
      %swap3A_544 = vector.shape_cast %mul3A_539 : vector<16xf32> to vector<1x16xf32>
      tpu.vector_store %arg7[%swap3A_540, %swap3A_541], %swap3A_544 {strides = array<i32>} : memref<64x768xf32, #tpu.memory_space<vmem>>, vector<1x16xf32>,
      %get3A_545 = arith.index_cast %add3A_150 : i32 to index
      %get3A_546 = arith.constant 528 : index
      %get3A_547 = tpu.vector_load %arg7[%get3A_545, %get3A_546] {strides = array<i32>} : memref<64x768xf32, #tpu.memory_space<vmem>>, vector<1x16xf32>,
      %get3A_548 = vector.shape_cast %get3A_547 : vector<1x16xf32> to vector<16xf32>
      %mul3A_549 = arith.constant 27.7128124 : f32
      %mul3A_550 = vector.broadcast %mul3A_549 : f32 to vector<16xf32>
      %mul3A_551 = arith.mulf %get3A_548, %mul3A_550 : vector<16xf32>
      %swap3A_552 = arith.index_cast %add3A_150 : i32 to index
      %swap3A_553 = arith.constant 528 : index
      %swap3A_554 = tpu.vector_load %arg7[%swap3A_552, %swap3A_553] {strides = array<i32>} : memref<64x768xf32, #tpu.memory_space<vmem>>, vector<1x16xf32>,
      %swap3A_555 = vector.shape_cast %swap3A_554 : vector<1x16xf32> to vector<16xf32>
      %swap3A_556 = vector.shape_cast %mul3A_551 : vector<16xf32> to vector<1x16xf32>
      tpu.vector_store %arg7[%swap3A_552, %swap3A_553], %swap3A_556 {strides = array<i32>} : memref<64x768xf32, #tpu.memory_space<vmem>>, vector<1x16xf32>,
      %get3A_557 = arith.index_cast %add3A_150 : i32 to index
      %get3A_558 = arith.constant 544 : index
      %get3A_559 = tpu.vector_load %arg7[%get3A_557, %get3A_558] {strides = array<i32>} : memref<64x768xf32, #tpu.memory_space<vmem>>, vector<1x16xf32>,
      %get3A_560 = vector.shape_cast %get3A_559 : vector<1x16xf32> to vector<16xf32>
      %mul3A_561 = arith.constant 27.7128124 : f32
      %mul3A_562 = vector.broadcast %mul3A_561 : f32 to vector<16xf32>
      %mul3A_563 = arith.mulf %get3A_560, %mul3A_562 : vector<16xf32>
      %swap3A_564 = arith.index_cast %add3A_150 : i32 to index
      %swap3A_565 = arith.constant 544 : index
      %swap3A_566 = tpu.vector_load %arg7[%swap3A_564, %swap3A_565] {strides = array<i32>} : memref<64x768xf32, #tpu.memory_space<vmem>>, vector<1x16xf32>,
      %swap3A_567 = vector.shape_cast %swap3A_566 : vector<1x16xf32> to vector<16xf32>
      %swap3A_568 = vector.shape_cast %mul3A_563 : vector<16xf32> to vector<1x16xf32>
      tpu.vector_store %arg7[%swap3A_564, %swap3A_565], %swap3A_568 {strides = array<i32>} : memref<64x768xf32, #tpu.memory_space<vmem>>, vector<1x16xf32>,
      %get3A_569 = arith.index_cast %add3A_150 : i32 to index
      %get3A_570 = arith.constant 560 : index
      %get3A_571 = tpu.vector_load %arg7[%get3A_569, %get3A_570] {strides = array<i32>} : memref<64x768xf32, #tpu.memory_space<vmem>>, vector<1x16xf32>,
      %get3A_572 = vector.shape_cast %get3A_571 : vector<1x16xf32> to vector<16xf32>
      %mul3A_573 = arith.constant 27.7128124 : f32
      %mul3A_574 = vector.broadcast %mul3A_573 : f32 to vector<16xf32>
      %mul3A_575 = arith.mulf %get3A_572, %mul3A_574 : vector<16xf32>
      %swap3A_576 = arith.index_cast %add3A_150 : i32 to index
      %swap3A_577 = arith.constant 560 : index
      %swap3A_578 = tpu.vector_load %arg7[%swap3A_576, %swap3A_577] {strides = array<i32>} : memref<64x768xf32, #tpu.memory_space<vmem>>, vector<1x16xf32>,
      %swap3A_579 = vector.shape_cast %swap3A_578 : vector<1x16xf32> to vector<16xf32>
      %swap3A_580 = vector.shape_cast %mul3A_575 : vector<16xf32> to vector<1x16xf32>
      tpu.vector_store %arg7[%swap3A_576, %swap3A_577], %swap3A_580 {strides = array<i32>} : memref<64x768xf32, #tpu.memory_space<vmem>>, vector<1x16xf32>,
      %get3A_581 = arith.index_cast %add3A_150 : i32 to index
      %get3A_582 = arith.constant 576 : index
      %get3A_583 = tpu.vector_load %arg7[%get3A_581, %get3A_582] {strides = array<i32>} : memref<64x768xf32, #tpu.memory_space<vmem>>, vector<1x16xf32>,
      %get3A_584 = vector.shape_cast %get3A_583 : vector<1x16xf32> to vector<16xf32>
      %mul3A_585 = arith.constant 27.7128124 : f32
      %mul3A_586 = vector.broadcast %mul3A_585 : f32 to vector<16xf32>
      %mul3A_587 = arith.mulf %get3A_584, %mul3A_586 : vector<16xf32>
      %swap3A_588 = arith.index_cast %add3A_150 : i32 to index
      %swap3A_589 = arith.constant 576 : index
      %swap3A_590 = tpu.vector_load %arg7[%swap3A_588, %swap3A_589] {strides = array<i32>} : memref<64x768xf32, #tpu.memory_space<vmem>>, vector<1x16xf32>,
      %swap3A_591 = vector.shape_cast %swap3A_590 : vector<1x16xf32> to vector<16xf32>
      %swap3A_592 = vector.shape_cast %mul3A_587 : vector<16xf32> to vector<1x16xf32>
      tpu.vector_store %arg7[%swap3A_588, %swap3A_589], %swap3A_592 {strides = array<i32>} : memref<64x768xf32, #tpu.memory_space<vmem>>, vector<1x16xf32>,
      %get3A_593 = arith.index_cast %add3A_150 : i32 to index
      %get3A_594 = arith.constant 592 : index
      %get3A_595 = tpu.vector_load %arg7[%get3A_593, %get3A_594] {strides = array<i32>} : memref<64x768xf32, #tpu.memory_space<vmem>>, vector<1x16xf32>,
      %get3A_596 = vector.shape_cast %get3A_595 : vector<1x16xf32> to vector<16xf32>
      %mul3A_597 = arith.constant 27.7128124 : f32
      %mul3A_598 = vector.broadcast %mul3A_597 : f32 to vector<16xf32>
      %mul3A_599 = arith.mulf %get3A_596, %mul3A_598 : vector<16xf32>
      %swap3A_600 = arith.index_cast %add3A_150 : i32 to index
      %swap3A_601 = arith.constant 592 : index
      %swap3A_602 = tpu.vector_load %arg7[%swap3A_600, %swap3A_601] {strides = array<i32>} : memref<64x768xf32, #tpu.memory_space<vmem>>, vector<1x16xf32>,
      %swap3A_603 = vector.shape_cast %swap3A_602 : vector<1x16xf32> to vector<16xf32>
      %swap3A_604 = vector.shape_cast %mul3A_599 : vector<16xf32> to vector<1x16xf32>
      tpu.vector_store %arg7[%swap3A_600, %swap3A_601], %swap3A_604 {strides = array<i32>} : memref<64x768xf32, #tpu.memory_space<vmem>>, vector<1x16xf32>,
      %get3A_605 = arith.index_cast %add3A_150 : i32 to index
      %get3A_606 = arith.constant 608 : index
      %get3A_607 = tpu.vector_load %arg7[%get3A_605, %get3A_606] {strides = array<i32>} : memref<64x768xf32, #tpu.memory_space<vmem>>, vector<1x16xf32>,
      %get3A_608 = vector.shape_cast %get3A_607 : vector<1x16xf32> to vector<16xf32>
      %mul3A_609 = arith.constant 27.7128124 : f32
      %mul3A_610 = vector.broadcast %mul3A_609 : f32 to vector<16xf32>
      %mul3A_611 = arith.mulf %get3A_608, %mul3A_610 : vector<16xf32>
      %swap3A_612 = arith.index_cast %add3A_150 : i32 to index
      %swap3A_613 = arith.constant 608 : index
      %swap3A_614 = tpu.vector_load %arg7[%swap3A_612, %swap3A_613] {strides = array<i32>} : memref<64x768xf32, #tpu.memory_space<vmem>>, vector<1x16xf32>,
      %swap3A_615 = vector.shape_cast %swap3A_614 : vector<1x16xf32> to vector<16xf32>
      %swap3A_616 = vector.shape_cast %mul3A_611 : vector<16xf32> to vector<1x16xf32>
      tpu.vector_store %arg7[%swap3A_612, %swap3A_613], %swap3A_616 {strides = array<i32>} : memref<64x768xf32, #tpu.memory_space<vmem>>, vector<1x16xf32>,
      %get3A_617 = arith.index_cast %add3A_150 : i32 to index
      %get3A_618 = arith.constant 624 : index
      %get3A_619 = tpu.vector_load %arg7[%get3A_617, %get3A_618] {strides = array<i32>} : memref<64x768xf32, #tpu.memory_space<vmem>>, vector<1x16xf32>,
      %get3A_620 = vector.shape_cast %get3A_619 : vector<1x16xf32> to vector<16xf32>
      %mul3A_621 = arith.constant 27.7128124 : f32
      %mul3A_622 = vector.broadcast %mul3A_621 : f32 to vector<16xf32>
      %mul3A_623 = arith.mulf %get3A_620, %mul3A_622 : vector<16xf32>
      %swap3A_624 = arith.index_cast %add3A_150 : i32 to index
      %swap3A_625 = arith.constant 624 : index
      %swap3A_626 = tpu.vector_load %arg7[%swap3A_624, %swap3A_625] {strides = array<i32>} : memref<64x768xf32, #tpu.memory_space<vmem>>, vector<1x16xf32>,
      %swap3A_627 = vector.shape_cast %swap3A_626 : vector<1x16xf32> to vector<16xf32>
      %swap3A_628 = vector.shape_cast %mul3A_623 : vector<16xf32> to vector<1x16xf32>
      tpu.vector_store %arg7[%swap3A_624, %swap3A_625], %swap3A_628 {strides = array<i32>} : memref<64x768xf32, #tpu.memory_space<vmem>>, vector<1x16xf32>,
      %get3A_629 = arith.index_cast %add3A_150 : i32 to index
      %get3A_630 = arith.constant 640 : index
      %get3A_631 = tpu.vector_load %arg7[%get3A_629, %get3A_630] {strides = array<i32>} : memref<64x768xf32, #tpu.memory_space<vmem>>, vector<1x16xf32>,
      %get3A_632 = vector.shape_cast %get3A_631 : vector<1x16xf32> to vector<16xf32>
      %mul3A_633 = arith.constant 27.7128124 : f32
      %mul3A_634 = vector.broadcast %mul3A_633 : f32 to vector<16xf32>
      %mul3A_635 = arith.mulf %get3A_632, %mul3A_634 : vector<16xf32>
      %swap3A_636 = arith.index_cast %add3A_150 : i32 to index
      %swap3A_637 = arith.constant 640 : index
      %swap3A_638 = tpu.vector_load %arg7[%swap3A_636, %swap3A_637] {strides = array<i32>} : memref<64x768xf32, #tpu.memory_space<vmem>>, vector<1x16xf32>,
      %swap3A_639 = vector.shape_cast %swap3A_638 : vector<1x16xf32> to vector<16xf32>
      %swap3A_640 = vector.shape_cast %mul3A_635 : vector<16xf32> to vector<1x16xf32>
      tpu.vector_store %arg7[%swap3A_636, %swap3A_637], %swap3A_640 {strides = array<i32>} : memref<64x768xf32, #tpu.memory_space<vmem>>, vector<1x16xf32>,
      %get3A_641 = arith.index_cast %add3A_150 : i32 to index
      %get3A_642 = arith.constant 656 : index
      %get3A_643 = tpu.vector_load %arg7[%get3A_641, %get3A_642] {strides = array<i32>} : memref<64x768xf32, #tpu.memory_space<vmem>>, vector<1x16xf32>,
      %get3A_644 = vector.shape_cast %get3A_643 : vector<1x16xf32> to vector<16xf32>
      %mul3A_645 = arith.constant 27.7128124 : f32
      %mul3A_646 = vector.broadcast %mul3A_645 : f32 to vector<16xf32>
      %mul3A_647 = arith.mulf %get3A_644, %mul3A_646 : vector<16xf32>
      %swap3A_648 = arith.index_cast %add3A_150 : i32 to index
      %swap3A_649 = arith.constant 656 : index
      %swap3A_650 = tpu.vector_load %arg7[%swap3A_648, %swap3A_649] {strides = array<i32>} : memref<64x768xf32, #tpu.memory_space<vmem>>, vector<1x16xf32>,
      %swap3A_651 = vector.shape_cast %swap3A_650 : vector<1x16xf32> to vector<16xf32>
      %swap3A_652 = vector.shape_cast %mul3A_647 : vector<16xf32> to vector<1x16xf32>
      tpu.vector_store %arg7[%swap3A_648, %swap3A_649], %swap3A_652 {strides = array<i32>} : memref<64x768xf32, #tpu.memory_space<vmem>>, vector<1x16xf32>,
      %get3A_653 = arith.index_cast %add3A_150 : i32 to index
      %get3A_654 = arith.constant 672 : index
      %get3A_655 = tpu.vector_load %arg7[%get3A_653, %get3A_654] {strides = array<i32>} : memref<64x768xf32, #tpu.memory_space<vmem>>, vector<1x16xf32>,
      %get3A_656 = vector.shape_cast %get3A_655 : vector<1x16xf32> to vector<16xf32>
      %mul3A_657 = arith.constant 27.7128124 : f32
      %mul3A_658 = vector.broadcast %mul3A_657 : f32 to vector<16xf32>
      %mul3A_659 = arith.mulf %get3A_656, %mul3A_658 : vector<16xf32>
      %swap3A_660 = arith.index_cast %add3A_150 : i32 to index
      %swap3A_661 = arith.constant 672 : index
      %swap3A_662 = tpu.vector_load %arg7[%swap3A_660, %swap3A_661] {strides = array<i32>} : memref<64x768xf32, #tpu.memory_space<vmem>>, vector<1x16xf32>,
      %swap3A_663 = vector.shape_cast %swap3A_662 : vector<1x16xf32> to vector<16xf32>
      %swap3A_664 = vector.shape_cast %mul3A_659 : vector<16xf32> to vector<1x16xf32>
      tpu.vector_store %arg7[%swap3A_660, %swap3A_661], %swap3A_664 {strides = array<i32>} : memref<64x768xf32, #tpu.memory_space<vmem>>, vector<1x16xf32>,
      %get3A_665 = arith.index_cast %add3A_150 : i32 to index
      %get3A_666 = arith.constant 688 : index
      %get3A_667 = tpu.vector_load %arg7[%get3A_665, %get3A_666] {strides = array<i32>} : memref<64x768xf32, #tpu.memory_space<vmem>>, vector<1x16xf32>,
      %get3A_668 = vector.shape_cast %get3A_667 : vector<1x16xf32> to vector<16xf32>
      %mul3A_669 = arith.constant 27.7128124 : f32
      %mul3A_670 = vector.broadcast %mul3A_669 : f32 to vector<16xf32>
      %mul3A_671 = arith.mulf %get3A_668, %mul3A_670 : vector<16xf32>
      %swap3A_672 = arith.index_cast %add3A_150 : i32 to index
      %swap3A_673 = arith.constant 688 : index
      %swap3A_674 = tpu.vector_load %arg7[%swap3A_672, %swap3A_673] {strides = array<i32>} : memref<64x768xf32, #tpu.memory_space<vmem>>, vector<1x16xf32>,
      %swap3A_675 = vector.shape_cast %swap3A_674 : vector<1x16xf32> to vector<16xf32>
      %swap3A_676 = vector.shape_cast %mul3A_671 : vector<16xf32> to vector<1x16xf32>
      tpu.vector_store %arg7[%swap3A_672, %swap3A_673], %swap3A_676 {strides = array<i32>} : memref<64x768xf32, #tpu.memory_space<vmem>>, vector<1x16xf32>,
      %get3A_677 = arith.index_cast %add3A_150 : i32 to index
      %get3A_678 = arith.constant 704 : index
      %get3A_679 = tpu.vector_load %arg7[%get3A_677, %get3A_678] {strides = array<i32>} : memref<64x768xf32, #tpu.memory_space<vmem>>, vector<1x16xf32>,
      %get3A_680 = vector.shape_cast %get3A_679 : vector<1x16xf32> to vector<16xf32>
      %mul3A_681 = arith.constant 27.7128124 : f32
      %mul3A_682 = vector.broadcast %mul3A_681 : f32 to vector<16xf32>
      %mul3A_683 = arith.mulf %get3A_680, %mul3A_682 : vector<16xf32>
      %swap3A_684 = arith.index_cast %add3A_150 : i32 to index
      %swap3A_685 = arith.constant 704 : index
      %swap3A_686 = tpu.vector_load %arg7[%swap3A_684, %swap3A_685] {strides = array<i32>} : memref<64x768xf32, #tpu.memory_space<vmem>>, vector<1x16xf32>,
      %swap3A_687 = vector.shape_cast %swap3A_686 : vector<1x16xf32> to vector<16xf32>
      %swap3A_688 = vector.shape_cast %mul3A_683 : vector<16xf32> to vector<1x16xf32>
      tpu.vector_store %arg7[%swap3A_684, %swap3A_685], %swap3A_688 {strides = array<i32>} : memref<64x768xf32, #tpu.memory_space<vmem>>, vector<1x16xf32>,
      %get3A_689 = arith.index_cast %add3A_150 : i32 to index
      %get3A_690 = arith.constant 720 : index
      %get3A_691 = tpu.vector_load %arg7[%get3A_689, %get3A_690] {strides = array<i32>} : memref<64x768xf32, #tpu.memory_space<vmem>>, vector<1x16xf32>,
      %get3A_692 = vector.shape_cast %get3A_691 : vector<1x16xf32> to vector<16xf32>
      %mul3A_693 = arith.constant 27.7128124 : f32
      %mul3A_694 = vector.broadcast %mul3A_693 : f32 to vector<16xf32>
      %mul3A_695 = arith.mulf %get3A_692, %mul3A_694 : vector<16xf32>
      %swap3A_696 = arith.index_cast %add3A_150 : i32 to index
      %swap3A_697 = arith.constant 720 : index
      %swap3A_698 = tpu.vector_load %arg7[%swap3A_696, %swap3A_697] {strides = array<i32>} : memref<64x768xf32, #tpu.memory_space<vmem>>, vector<1x16xf32>,
      %swap3A_699 = vector.shape_cast %swap3A_698 : vector<1x16xf32> to vector<16xf32>
      %swap3A_700 = vector.shape_cast %mul3A_695 : vector<16xf32> to vector<1x16xf32>
      tpu.vector_store %arg7[%swap3A_696, %swap3A_697], %swap3A_700 {strides = array<i32>} : memref<64x768xf32, #tpu.memory_space<vmem>>, vector<1x16xf32>,
      %get3A_701 = arith.index_cast %add3A_150 : i32 to index
      %get3A_702 = arith.constant 736 : index
      %get3A_703 = tpu.vector_load %arg7[%get3A_701, %get3A_702] {strides = array<i32>} : memref<64x768xf32, #tpu.memory_space<vmem>>, vector<1x16xf32>,
      %get3A_704 = vector.shape_cast %get3A_703 : vector<1x16xf32> to vector<16xf32>
      %mul3A_705 = arith.constant 27.7128124 : f32
      %mul3A_706 = vector.broadcast %mul3A_705 : f32 to vector<16xf32>
      %mul3A_707 = arith.mulf %get3A_704, %mul3A_706 : vector<16xf32>
      %swap3A_708 = arith.index_cast %add3A_150 : i32 to index
      %swap3A_709 = arith.constant 736 : index
      %swap3A_710 = tpu.vector_load %arg7[%swap3A_708, %swap3A_709] {strides = array<i32>} : memref<64x768xf32, #tpu.memory_space<vmem>>, vector<1x16xf32>,
      %swap3A_711 = vector.shape_cast %swap3A_710 : vector<1x16xf32> to vector<16xf32>
      %swap3A_712 = vector.shape_cast %mul3A_707 : vector<16xf32> to vector<1x16xf32>
      tpu.vector_store %arg7[%swap3A_708, %swap3A_709], %swap3A_712 {strides = array<i32>} : memref<64x768xf32, #tpu.memory_space<vmem>>, vector<1x16xf32>,
      %get3A_713 = arith.index_cast %add3A_150 : i32 to index
      %get3A_714 = arith.constant 752 : index
      %get3A_715 = tpu.vector_load %arg7[%get3A_713, %get3A_714] {strides = array<i32>} : memref<64x768xf32, #tpu.memory_space<vmem>>, vector<1x16xf32>,
      %get3A_716 = vector.shape_cast %get3A_715 : vector<1x16xf32> to vector<16xf32>
      %mul3A_717 = arith.constant 27.7128124 : f32
      %mul3A_718 = vector.broadcast %mul3A_717 : f32 to vector<16xf32>
      %mul3A_719 = arith.mulf %get3A_716, %mul3A_718 : vector<16xf32>
      %swap3A_720 = arith.index_cast %add3A_150 : i32 to index
      %swap3A_721 = arith.constant 752 : index
      %swap3A_722 = tpu.vector_load %arg7[%swap3A_720, %swap3A_721] {strides = array<i32>} : memref<64x768xf32, #tpu.memory_space<vmem>>, vector<1x16xf32>,
      %swap3A_723 = vector.shape_cast %swap3A_722 : vector<1x16xf32> to vector<16xf32>
      %swap3A_724 = vector.shape_cast %mul3A_719 : vector<16xf32> to vector<1x16xf32>
      tpu.vector_store %arg7[%swap3A_720, %swap3A_721], %swap3A_724 {strides = array<i32>} : memref<64x768xf32, #tpu.memory_space<vmem>>, vector<1x16xf32>,
    }
    %scan3A_78 = arith.constant 64 : i32
    %add3A_79 = arith.constant 64 : i32
    %add3A_80 = arith.addi %mul3A_32, %add3A_79 : i32
    %dma_start3A_81 = arith.constant 0 : i32
    %dma_start3A_82 = tpu.memref_slice %arg4[%select_n3A, %add3A_80, %dma_start3A_81] : memref<4x2048x768xf32, #tpu.memory_space<hbm>> -> memref<1x64x768xf32, #tpu.memory_space<hbm>>
    %dma_start3A_83 = tpu.memref_squeeze %dma_start3A_82 : memref<1x64x768xf32, #tpu.memory_space<hbm>> -> memref<64x768xf32, #tpu.memory_space<hbm>>
    %dma_start3A_84 = arith.constant 0 : i32
    %dma_start3A_85 = tpu.memref_slice %arg4[%select_n3A, %add3A_80, %dma_start3A_84] : memref<4x2048x768xf32, #tpu.memory_space<hbm>> -> memref<1x64x768xf32, #tpu.memory_space<hbm>>
    %dma_start3A_86 = tpu.memref_squeeze %dma_start3A_85 : memref<1x64x768xf32, #tpu.memory_space<hbm>> -> memref<64x768xf32, #tpu.memory_space<hbm>>
    tpu.enqueue_dma source(%arg7 : memref<64x768xf32, #tpu.memory_space<vmem>>) target(%dma_start3A_86 : memref<64x768xf32, #tpu.memory_space<hbm>>) target_semaphore(%arg11 : memref<!tpu.dma_semaphore, #tpu.memory_space<semaphore_mem>>)
    %dma_wait3A_87 = arith.constant 0 : i32
    %dma_wait3A_88 = tpu.memref_slice %arg4[%select_n3A, %add3A_80, %dma_wait3A_87] : memref<4x2048x768xf32, #tpu.memory_space<hbm>> -> memref<1x64x768xf32, #tpu.memory_space<hbm>>
    %dma_wait3A_89 = tpu.memref_squeeze %dma_wait3A_88 : memref<1x64x768xf32, #tpu.memory_space<hbm>> -> memref<64x768xf32, #tpu.memory_space<hbm>>
    %dma_wait3A_90 = arith.constant 0 : i32
    %dma_wait3A_91 = tpu.memref_slice %arg4[%select_n3A, %add3A_80, %dma_wait3A_90] : memref<4x2048x768xf32, #tpu.memory_space<hbm>> -> memref<1x64x768xf32, #tpu.memory_space<hbm>>
    %dma_wait3A_92 = tpu.memref_squeeze %dma_wait3A_91 : memref<1x64x768xf32, #tpu.memory_space<hbm>> -> memref<64x768xf32, #tpu.memory_space<hbm>>
    tpu.wait_dma2 semaphore(%arg11 : memref<!tpu.dma_semaphore, #tpu.memory_space<semaphore_mem>>) src(%arg7 : memref<64x768xf32, #tpu.memory_space<vmem>>) dst(%dma_wait3A_92 : memref<64x768xf32, #tpu.memory_space<hbm>>)
    %dma_start3A_93 = arith.constant 192 : i32
    %dma_start3A_94 = tpu.memref_slice %arg5[%dma_start3A_93] : memref<256xi32, #tpu.memory_space<vmem>> -> memref<64xi32, #tpu.memory_space<vmem>>
    %dma_start3A_95 = arith.constant 0 : i32
    %dma_start3A_96 = arith.constant 0 : i32
    %dma_start3A_97 = tpu.memref_slice %arg2[%dma_start3A_95, %dma_start3A_96] : memref<100000x768xf32, #tpu.memory_space<hbm>> -> memref<100000x768xf32, #tpu.memory_space<hbm>>
    tpu.enqueue_indirect_dma source(%dma_start3A_97 : memref<100000x768xf32, #tpu.memory_space<hbm>>) target(%arg7 : memref<64x768xf32, #tpu.memory_space<vmem>>) offsets(%dma_start3A_94 : memref<64xi32, #tpu.memory_space<vmem>>) semaphore(%arg9 : memref<!tpu.dma_semaphore, #tpu.memory_space<semaphore_mem>>)
    %dma_wait3A_98 = arith.constant 128 : i32
    %dma_wait3A_99 = tpu.memref_slice %arg5[%dma_wait3A_98] : memref<256xi32, #tpu.memory_space<vmem>> -> memref<64xi32, #tpu.memory_space<vmem>>
    %dma_wait3A_100 = arith.constant 0 : i32
    %dma_wait3A_101 = arith.constant 0 : i32
    %dma_wait3A_102 = tpu.memref_slice %arg2[%dma_wait3A_100, %dma_wait3A_101] : memref<100000x768xf32, #tpu.memory_space<hbm>> -> memref<100000x768xf32, #tpu.memory_space<hbm>>
    tpu.wait_indirect_dma semaphore(%arg8 : memref<!tpu.dma_semaphore, #tpu.memory_space<semaphore_mem>>) src(%dma_wait3A_102 : memref<100000x768xf32, #tpu.memory_space<hbm>>) dst(%arg6 : memref<64x768xf32, #tpu.memory_space<vmem>>)
    %scan3A_103 = arith.constant 0 : i32
    %scan3A_104 = arith.constant 64 : i32
    %scan3A_105 = arith.addi %scan3A_103, %scan3A_104 : i32
    %scan3A_106 = arith.constant 1 : i32
    scf.for %scan3A_146 = %scan3A_103 to %scan3A_105 step %scan3A_106  : i32 {
      %mul3A_147 = arith.constant 1 : i32
      %mul3A_148 = arith.muli %scan3A_146, %mul3A_147 : i32
      %add3A_149 = arith.constant 0 : i32
      %add3A_150 = arith.addi %add3A_149, %mul3A_148 : i32
      %get3A = arith.index_cast %add3A_150 : i32 to index
      %get3A_151 = arith.constant 0 : index
      %get3A_152 = tpu.vector_load %arg6[%get3A, %get3A_151] {strides = array<i32>} : memref<64x768xf32, #tpu.memory_space<vmem>>, vector<1x16xf32>,
      %get3A_153 = vector.shape_cast %get3A_152 : vector<1x16xf32> to vector<16xf32>
      %mul3A_154 = arith.constant 27.7128124 : f32
      %mul3A_155 = vector.broadcast %mul3A_154 : f32 to vector<16xf32>
      %mul3A_156 = arith.mulf %get3A_153, %mul3A_155 : vector<16xf32>
      %swap3A = arith.index_cast %add3A_150 : i32 to index
      %swap3A_157 = arith.constant 0 : index
      %swap3A_158 = tpu.vector_load %arg6[%swap3A, %swap3A_157] {strides = array<i32>} : memref<64x768xf32, #tpu.memory_space<vmem>>, vector<1x16xf32>,
      %swap3A_159 = vector.shape_cast %swap3A_158 : vector<1x16xf32> to vector<16xf32>
      %swap3A_160 = vector.shape_cast %mul3A_156 : vector<16xf32> to vector<1x16xf32>
      tpu.vector_store %arg6[%swap3A, %swap3A_157], %swap3A_160 {strides = array<i32>} : memref<64x768xf32, #tpu.memory_space<vmem>>, vector<1x16xf32>,
      %get3A_161 = arith.index_cast %add3A_150 : i32 to index
      %get3A_162 = arith.constant 16 : index
      %get3A_163 = tpu.vector_load %arg6[%get3A_161, %get3A_162] {strides = array<i32>} : memref<64x768xf32, #tpu.memory_space<vmem>>, vector<1x16xf32>,
      %get3A_164 = vector.shape_cast %get3A_163 : vector<1x16xf32> to vector<16xf32>
      %mul3A_165 = arith.constant 27.7128124 : f32
      %mul3A_166 = vector.broadcast %mul3A_165 : f32 to vector<16xf32>
      %mul3A_167 = arith.mulf %get3A_164, %mul3A_166 : vector<16xf32>
      %swap3A_168 = arith.index_cast %add3A_150 : i32 to index
      %swap3A_169 = arith.constant 16 : index
      %swap3A_170 = tpu.vector_load %arg6[%swap3A_168, %swap3A_169] {strides = array<i32>} : memref<64x768xf32, #tpu.memory_space<vmem>>, vector<1x16xf32>,
      %swap3A_171 = vector.shape_cast %swap3A_170 : vector<1x16xf32> to vector<16xf32>
      %swap3A_172 = vector.shape_cast %mul3A_167 : vector<16xf32> to vector<1x16xf32>
      tpu.vector_store %arg6[%swap3A_168, %swap3A_169], %swap3A_172 {strides = array<i32>} : memref<64x768xf32, #tpu.memory_space<vmem>>, vector<1x16xf32>,
      %get3A_173 = arith.index_cast %add3A_150 : i32 to index
      %get3A_174 = arith.constant 32 : index
      %get3A_175 = tpu.vector_load %arg6[%get3A_173, %get3A_174] {strides = array<i32>} : memref<64x768xf32, #tpu.memory_space<vmem>>, vector<1x16xf32>,
      %get3A_176 = vector.shape_cast %get3A_175 : vector<1x16xf32> to vector<16xf32>
      %mul3A_177 = arith.constant 27.7128124 : f32
      %mul3A_178 = vector.broadcast %mul3A_177 : f32 to vector<16xf32>
      %mul3A_179 = arith.mulf %get3A_176, %mul3A_178 : vector<16xf32>
      %swap3A_180 = arith.index_cast %add3A_150 : i32 to index
      %swap3A_181 = arith.constant 32 : index
      %swap3A_182 = tpu.vector_load %arg6[%swap3A_180, %swap3A_181] {strides = array<i32>} : memref<64x768xf32, #tpu.memory_space<vmem>>, vector<1x16xf32>,
      %swap3A_183 = vector.shape_cast %swap3A_182 : vector<1x16xf32> to vector<16xf32>
      %swap3A_184 = vector.shape_cast %mul3A_179 : vector<16xf32> to vector<1x16xf32>
      tpu.vector_store %arg6[%swap3A_180, %swap3A_181], %swap3A_184 {strides = array<i32>} : memref<64x768xf32, #tpu.memory_space<vmem>>, vector<1x16xf32>,
      %get3A_185 = arith.index_cast %add3A_150 : i32 to index
      %get3A_186 = arith.constant 48 : index
      %get3A_187 = tpu.vector_load %arg6[%get3A_185, %get3A_186] {strides = array<i32>} : memref<64x768xf32, #tpu.memory_space<vmem>>, vector<1x16xf32>,
      %get3A_188 = vector.shape_cast %get3A_187 : vector<1x16xf32> to vector<16xf32>
      %mul3A_189 = arith.constant 27.7128124 : f32
      %mul3A_190 = vector.broadcast %mul3A_189 : f32 to vector<16xf32>
      %mul3A_191 = arith.mulf %get3A_188, %mul3A_190 : vector<16xf32>
      %swap3A_192 = arith.index_cast %add3A_150 : i32 to index
      %swap3A_193 = arith.constant 48 : index
      %swap3A_194 = tpu.vector_load %arg6[%swap3A_192, %swap3A_193] {strides = array<i32>} : memref<64x768xf32, #tpu.memory_space<vmem>>, vector<1x16xf32>,
      %swap3A_195 = vector.shape_cast %swap3A_194 : vector<1x16xf32> to vector<16xf32>
      %swap3A_196 = vector.shape_cast %mul3A_191 : vector<16xf32> to vector<1x16xf32>
      tpu.vector_store %arg6[%swap3A_192, %swap3A_193], %swap3A_196 {strides = array<i32>} : memref<64x768xf32, #tpu.memory_space<vmem>>, vector<1x16xf32>,
      %get3A_197 = arith.index_cast %add3A_150 : i32 to index
      %get3A_198 = arith.constant 64 : index
      %get3A_199 = tpu.vector_load %arg6[%get3A_197, %get3A_198] {strides = array<i32>} : memref<64x768xf32, #tpu.memory_space<vmem>>, vector<1x16xf32>,
      %get3A_200 = vector.shape_cast %get3A_199 : vector<1x16xf32> to vector<16xf32>
      %mul3A_201 = arith.constant 27.7128124 : f32
      %mul3A_202 = vector.broadcast %mul3A_201 : f32 to vector<16xf32>
      %mul3A_203 = arith.mulf %get3A_200, %mul3A_202 : vector<16xf32>
      %swap3A_204 = arith.index_cast %add3A_150 : i32 to index
      %swap3A_205 = arith.constant 64 : index
      %swap3A_206 = tpu.vector_load %arg6[%swap3A_204, %swap3A_205] {strides = array<i32>} : memref<64x768xf32, #tpu.memory_space<vmem>>, vector<1x16xf32>,
      %swap3A_207 = vector.shape_cast %swap3A_206 : vector<1x16xf32> to vector<16xf32>
      %swap3A_208 = vector.shape_cast %mul3A_203 : vector<16xf32> to vector<1x16xf32>
      tpu.vector_store %arg6[%swap3A_204, %swap3A_205], %swap3A_208 {strides = array<i32>} : memref<64x768xf32, #tpu.memory_space<vmem>>, vector<1x16xf32>,
      %get3A_209 = arith.index_cast %add3A_150 : i32 to index
      %get3A_210 = arith.constant 80 : index
      %get3A_211 = tpu.vector_load %arg6[%get3A_209, %get3A_210] {strides = array<i32>} : memref<64x768xf32, #tpu.memory_space<vmem>>, vector<1x16xf32>,
      %get3A_212 = vector.shape_cast %get3A_211 : vector<1x16xf32> to vector<16xf32>
      %mul3A_213 = arith.constant 27.7128124 : f32
      %mul3A_214 = vector.broadcast %mul3A_213 : f32 to vector<16xf32>
      %mul3A_215 = arith.mulf %get3A_212, %mul3A_214 : vector<16xf32>
      %swap3A_216 = arith.index_cast %add3A_150 : i32 to index
      %swap3A_217 = arith.constant 80 : index
      %swap3A_218 = tpu.vector_load %arg6[%swap3A_216, %swap3A_217] {strides = array<i32>} : memref<64x768xf32, #tpu.memory_space<vmem>>, vector<1x16xf32>,
      %swap3A_219 = vector.shape_cast %swap3A_218 : vector<1x16xf32> to vector<16xf32>
      %swap3A_220 = vector.shape_cast %mul3A_215 : vector<16xf32> to vector<1x16xf32>
      tpu.vector_store %arg6[%swap3A_216, %swap3A_217], %swap3A_220 {strides = array<i32>} : memref<64x768xf32, #tpu.memory_space<vmem>>, vector<1x16xf32>,
      %get3A_221 = arith.index_cast %add3A_150 : i32 to index
      %get3A_222 = arith.constant 96 : index
      %get3A_223 = tpu.vector_load %arg6[%get3A_221, %get3A_222] {strides = array<i32>} : memref<64x768xf32, #tpu.memory_space<vmem>>, vector<1x16xf32>,
      %get3A_224 = vector.shape_cast %get3A_223 : vector<1x16xf32> to vector<16xf32>
      %mul3A_225 = arith.constant 27.7128124 : f32
      %mul3A_226 = vector.broadcast %mul3A_225 : f32 to vector<16xf32>
      %mul3A_227 = arith.mulf %get3A_224, %mul3A_226 : vector<16xf32>
      %swap3A_228 = arith.index_cast %add3A_150 : i32 to index
      %swap3A_229 = arith.constant 96 : index
      %swap3A_230 = tpu.vector_load %arg6[%swap3A_228, %swap3A_229] {strides = array<i32>} : memref<64x768xf32, #tpu.memory_space<vmem>>, vector<1x16xf32>,
      %swap3A_231 = vector.shape_cast %swap3A_230 : vector<1x16xf32> to vector<16xf32>
      %swap3A_232 = vector.shape_cast %mul3A_227 : vector<16xf32> to vector<1x16xf32>
      tpu.vector_store %arg6[%swap3A_228, %swap3A_229], %swap3A_232 {strides = array<i32>} : memref<64x768xf32, #tpu.memory_space<vmem>>, vector<1x16xf32>,
      %get3A_233 = arith.index_cast %add3A_150 : i32 to index
      %get3A_234 = arith.constant 112 : index
      %get3A_235 = tpu.vector_load %arg6[%get3A_233, %get3A_234] {strides = array<i32>} : memref<64x768xf32, #tpu.memory_space<vmem>>, vector<1x16xf32>,
      %get3A_236 = vector.shape_cast %get3A_235 : vector<1x16xf32> to vector<16xf32>
      %mul3A_237 = arith.constant 27.7128124 : f32
      %mul3A_238 = vector.broadcast %mul3A_237 : f32 to vector<16xf32>
      %mul3A_239 = arith.mulf %get3A_236, %mul3A_238 : vector<16xf32>
      %swap3A_240 = arith.index_cast %add3A_150 : i32 to index
      %swap3A_241 = arith.constant 112 : index
      %swap3A_242 = tpu.vector_load %arg6[%swap3A_240, %swap3A_241] {strides = array<i32>} : memref<64x768xf32, #tpu.memory_space<vmem>>, vector<1x16xf32>,
      %swap3A_243 = vector.shape_cast %swap3A_242 : vector<1x16xf32> to vector<16xf32>
      %swap3A_244 = vector.shape_cast %mul3A_239 : vector<16xf32> to vector<1x16xf32>
      tpu.vector_store %arg6[%swap3A_240, %swap3A_241], %swap3A_244 {strides = array<i32>} : memref<64x768xf32, #tpu.memory_space<vmem>>, vector<1x16xf32>,
      %get3A_245 = arith.index_cast %add3A_150 : i32 to index
      %get3A_246 = arith.constant 128 : index
      %get3A_247 = tpu.vector_load %arg6[%get3A_245, %get3A_246] {strides = array<i32>} : memref<64x768xf32, #tpu.memory_space<vmem>>, vector<1x16xf32>,
      %get3A_248 = vector.shape_cast %get3A_247 : vector<1x16xf32> to vector<16xf32>
      %mul3A_249 = arith.constant 27.7128124 : f32
      %mul3A_250 = vector.broadcast %mul3A_249 : f32 to vector<16xf32>
      %mul3A_251 = arith.mulf %get3A_248, %mul3A_250 : vector<16xf32>
      %swap3A_252 = arith.index_cast %add3A_150 : i32 to index
      %swap3A_253 = arith.constant 128 : index
      %swap3A_254 = tpu.vector_load %arg6[%swap3A_252, %swap3A_253] {strides = array<i32>} : memref<64x768xf32, #tpu.memory_space<vmem>>, vector<1x16xf32>,
      %swap3A_255 = vector.shape_cast %swap3A_254 : vector<1x16xf32> to vector<16xf32>
      %swap3A_256 = vector.shape_cast %mul3A_251 : vector<16xf32> to vector<1x16xf32>
      tpu.vector_store %arg6[%swap3A_252, %swap3A_253], %swap3A_256 {strides = array<i32>} : memref<64x768xf32, #tpu.memory_space<vmem>>, vector<1x16xf32>,
      %get3A_257 = arith.index_cast %add3A_150 : i32 to index
      %get3A_258 = arith.constant 144 : index
      %get3A_259 = tpu.vector_load %arg6[%get3A_257, %get3A_258] {strides = array<i32>} : memref<64x768xf32, #tpu.memory_space<vmem>>, vector<1x16xf32>,
      %get3A_260 = vector.shape_cast %get3A_259 : vector<1x16xf32> to vector<16xf32>
      %mul3A_261 = arith.constant 27.7128124 : f32
      %mul3A_262 = vector.broadcast %mul3A_261 : f32 to vector<16xf32>
      %mul3A_263 = arith.mulf %get3A_260, %mul3A_262 : vector<16xf32>
      %swap3A_264 = arith.index_cast %add3A_150 : i32 to index
      %swap3A_265 = arith.constant 144 : index
      %swap3A_266 = tpu.vector_load %arg6[%swap3A_264, %swap3A_265] {strides = array<i32>} : memref<64x768xf32, #tpu.memory_space<vmem>>, vector<1x16xf32>,
      %swap3A_267 = vector.shape_cast %swap3A_266 : vector<1x16xf32> to vector<16xf32>
      %swap3A_268 = vector.shape_cast %mul3A_263 : vector<16xf32> to vector<1x16xf32>
      tpu.vector_store %arg6[%swap3A_264, %swap3A_265], %swap3A_268 {strides = array<i32>} : memref<64x768xf32, #tpu.memory_space<vmem>>, vector<1x16xf32>,
      %get3A_269 = arith.index_cast %add3A_150 : i32 to index
      %get3A_270 = arith.constant 160 : index
      %get3A_271 = tpu.vector_load %arg6[%get3A_269, %get3A_270] {strides = array<i32>} : memref<64x768xf32, #tpu.memory_space<vmem>>, vector<1x16xf32>,
      %get3A_272 = vector.shape_cast %get3A_271 : vector<1x16xf32> to vector<16xf32>
      %mul3A_273 = arith.constant 27.7128124 : f32
      %mul3A_274 = vector.broadcast %mul3A_273 : f32 to vector<16xf32>
      %mul3A_275 = arith.mulf %get3A_272, %mul3A_274 : vector<16xf32>
      %swap3A_276 = arith.index_cast %add3A_150 : i32 to index
      %swap3A_277 = arith.constant 160 : index
      %swap3A_278 = tpu.vector_load %arg6[%swap3A_276, %swap3A_277] {strides = array<i32>} : memref<64x768xf32, #tpu.memory_space<vmem>>, vector<1x16xf32>,
      %swap3A_279 = vector.shape_cast %swap3A_278 : vector<1x16xf32> to vector<16xf32>
      %swap3A_280 = vector.shape_cast %mul3A_275 : vector<16xf32> to vector<1x16xf32>
      tpu.vector_store %arg6[%swap3A_276, %swap3A_277], %swap3A_280 {strides = array<i32>} : memref<64x768xf32, #tpu.memory_space<vmem>>, vector<1x16xf32>,
      %get3A_281 = arith.index_cast %add3A_150 : i32 to index
      %get3A_282 = arith.constant 176 : index
      %get3A_283 = tpu.vector_load %arg6[%get3A_281, %get3A_282] {strides = array<i32>} : memref<64x768xf32, #tpu.memory_space<vmem>>, vector<1x16xf32>,
      %get3A_284 = vector.shape_cast %get3A_283 : vector<1x16xf32> to vector<16xf32>
      %mul3A_285 = arith.constant 27.7128124 : f32
      %mul3A_286 = vector.broadcast %mul3A_285 : f32 to vector<16xf32>
      %mul3A_287 = arith.mulf %get3A_284, %mul3A_286 : vector<16xf32>
      %swap3A_288 = arith.index_cast %add3A_150 : i32 to index
      %swap3A_289 = arith.constant 176 : index
      %swap3A_290 = tpu.vector_load %arg6[%swap3A_288, %swap3A_289] {strides = array<i32>} : memref<64x768xf32, #tpu.memory_space<vmem>>, vector<1x16xf32>,
      %swap3A_291 = vector.shape_cast %swap3A_290 : vector<1x16xf32> to vector<16xf32>
      %swap3A_292 = vector.shape_cast %mul3A_287 : vector<16xf32> to vector<1x16xf32>
      tpu.vector_store %arg6[%swap3A_288, %swap3A_289], %swap3A_292 {strides = array<i32>} : memref<64x768xf32, #tpu.memory_space<vmem>>, vector<1x16xf32>,
      %get3A_293 = arith.index_cast %add3A_150 : i32 to index
      %get3A_294 = arith.constant 192 : index
      %get3A_295 = tpu.vector_load %arg6[%get3A_293, %get3A_294] {strides = array<i32>} : memref<64x768xf32, #tpu.memory_space<vmem>>, vector<1x16xf32>,
      %get3A_296 = vector.shape_cast %get3A_295 : vector<1x16xf32> to vector<16xf32>
      %mul3A_297 = arith.constant 27.7128124 : f32
      %mul3A_298 = vector.broadcast %mul3A_297 : f32 to vector<16xf32>
      %mul3A_299 = arith.mulf %get3A_296, %mul3A_298 : vector<16xf32>
      %swap3A_300 = arith.index_cast %add3A_150 : i32 to index
      %swap3A_301 = arith.constant 192 : index
      %swap3A_302 = tpu.vector_load %arg6[%swap3A_300, %swap3A_301] {strides = array<i32>} : memref<64x768xf32, #tpu.memory_space<vmem>>, vector<1x16xf32>,
      %swap3A_303 = vector.shape_cast %swap3A_302 : vector<1x16xf32> to vector<16xf32>
      %swap3A_304 = vector.shape_cast %mul3A_299 : vector<16xf32> to vector<1x16xf32>
      tpu.vector_store %arg6[%swap3A_300, %swap3A_301], %swap3A_304 {strides = array<i32>} : memref<64x768xf32, #tpu.memory_space<vmem>>, vector<1x16xf32>,
      %get3A_305 = arith.index_cast %add3A_150 : i32 to index
      %get3A_306 = arith.constant 208 : index
      %get3A_307 = tpu.vector_load %arg6[%get3A_305, %get3A_306] {strides = array<i32>} : memref<64x768xf32, #tpu.memory_space<vmem>>, vector<1x16xf32>,
      %get3A_308 = vector.shape_cast %get3A_307 : vector<1x16xf32> to vector<16xf32>
      %mul3A_309 = arith.constant 27.7128124 : f32
      %mul3A_310 = vector.broadcast %mul3A_309 : f32 to vector<16xf32>
      %mul3A_311 = arith.mulf %get3A_308, %mul3A_310 : vector<16xf32>
      %swap3A_312 = arith.index_cast %add3A_150 : i32 to index
      %swap3A_313 = arith.constant 208 : index
      %swap3A_314 = tpu.vector_load %arg6[%swap3A_312, %swap3A_313] {strides = array<i32>} : memref<64x768xf32, #tpu.memory_space<vmem>>, vector<1x16xf32>,
      %swap3A_315 = vector.shape_cast %swap3A_314 : vector<1x16xf32> to vector<16xf32>
      %swap3A_316 = vector.shape_cast %mul3A_311 : vector<16xf32> to vector<1x16xf32>
      tpu.vector_store %arg6[%swap3A_312, %swap3A_313], %swap3A_316 {strides = array<i32>} : memref<64x768xf32, #tpu.memory_space<vmem>>, vector<1x16xf32>,
      %get3A_317 = arith.index_cast %add3A_150 : i32 to index
      %get3A_318 = arith.constant 224 : index
      %get3A_319 = tpu.vector_load %arg6[%get3A_317, %get3A_318] {strides = array<i32>} : memref<64x768xf32, #tpu.memory_space<vmem>>, vector<1x16xf32>,
      %get3A_320 = vector.shape_cast %get3A_319 : vector<1x16xf32> to vector<16xf32>
      %mul3A_321 = arith.constant 27.7128124 : f32
      %mul3A_322 = vector.broadcast %mul3A_321 : f32 to vector<16xf32>
      %mul3A_323 = arith.mulf %get3A_320, %mul3A_322 : vector<16xf32>
      %swap3A_324 = arith.index_cast %add3A_150 : i32 to index
      %swap3A_325 = arith.constant 224 : index
      %swap3A_326 = tpu.vector_load %arg6[%swap3A_324, %swap3A_325] {strides = array<i32>} : memref<64x768xf32, #tpu.memory_space<vmem>>, vector<1x16xf32>,
      %swap3A_327 = vector.shape_cast %swap3A_326 : vector<1x16xf32> to vector<16xf32>
      %swap3A_328 = vector.shape_cast %mul3A_323 : vector<16xf32> to vector<1x16xf32>
      tpu.vector_store %arg6[%swap3A_324, %swap3A_325], %swap3A_328 {strides = array<i32>} : memref<64x768xf32, #tpu.memory_space<vmem>>, vector<1x16xf32>,
      %get3A_329 = arith.index_cast %add3A_150 : i32 to index
      %get3A_330 = arith.constant 240 : index
      %get3A_331 = tpu.vector_load %arg6[%get3A_329, %get3A_330] {strides = array<i32>} : memref<64x768xf32, #tpu.memory_space<vmem>>, vector<1x16xf32>,
      %get3A_332 = vector.shape_cast %get3A_331 : vector<1x16xf32> to vector<16xf32>
      %mul3A_333 = arith.constant 27.7128124 : f32
      %mul3A_334 = vector.broadcast %mul3A_333 : f32 to vector<16xf32>
      %mul3A_335 = arith.mulf %get3A_332, %mul3A_334 : vector<16xf32>
      %swap3A_336 = arith.index_cast %add3A_150 : i32 to index
      %swap3A_337 = arith.constant 240 : index
      %swap3A_338 = tpu.vector_load %arg6[%swap3A_336, %swap3A_337] {strides = array<i32>} : memref<64x768xf32, #tpu.memory_space<vmem>>, vector<1x16xf32>,
      %swap3A_339 = vector.shape_cast %swap3A_338 : vector<1x16xf32> to vector<16xf32>
      %swap3A_340 = vector.shape_cast %mul3A_335 : vector<16xf32> to vector<1x16xf32>
      tpu.vector_store %arg6[%swap3A_336, %swap3A_337], %swap3A_340 {strides = array<i32>} : memref<64x768xf32, #tpu.memory_space<vmem>>, vector<1x16xf32>,
      %get3A_341 = arith.index_cast %add3A_150 : i32 to index
      %get3A_342 = arith.constant 256 : index
      %get3A_343 = tpu.vector_load %arg6[%get3A_341, %get3A_342] {strides = array<i32>} : memref<64x768xf32, #tpu.memory_space<vmem>>, vector<1x16xf32>,
      %get3A_344 = vector.shape_cast %get3A_343 : vector<1x16xf32> to vector<16xf32>
      %mul3A_345 = arith.constant 27.7128124 : f32
      %mul3A_346 = vector.broadcast %mul3A_345 : f32 to vector<16xf32>
      %mul3A_347 = arith.mulf %get3A_344, %mul3A_346 : vector<16xf32>
      %swap3A_348 = arith.index_cast %add3A_150 : i32 to index
      %swap3A_349 = arith.constant 256 : index
      %swap3A_350 = tpu.vector_load %arg6[%swap3A_348, %swap3A_349] {strides = array<i32>} : memref<64x768xf32, #tpu.memory_space<vmem>>, vector<1x16xf32>,
      %swap3A_351 = vector.shape_cast %swap3A_350 : vector<1x16xf32> to vector<16xf32>
      %swap3A_352 = vector.shape_cast %mul3A_347 : vector<16xf32> to vector<1x16xf32>
      tpu.vector_store %arg6[%swap3A_348, %swap3A_349], %swap3A_352 {strides = array<i32>} : memref<64x768xf32, #tpu.memory_space<vmem>>, vector<1x16xf32>,
      %get3A_353 = arith.index_cast %add3A_150 : i32 to index
      %get3A_354 = arith.constant 272 : index
      %get3A_355 = tpu.vector_load %arg6[%get3A_353, %get3A_354] {strides = array<i32>} : memref<64x768xf32, #tpu.memory_space<vmem>>, vector<1x16xf32>,
      %get3A_356 = vector.shape_cast %get3A_355 : vector<1x16xf32> to vector<16xf32>
      %mul3A_357 = arith.constant 27.7128124 : f32
      %mul3A_358 = vector.broadcast %mul3A_357 : f32 to vector<16xf32>
      %mul3A_359 = arith.mulf %get3A_356, %mul3A_358 : vector<16xf32>
      %swap3A_360 = arith.index_cast %add3A_150 : i32 to index
      %swap3A_361 = arith.constant 272 : index
      %swap3A_362 = tpu.vector_load %arg6[%swap3A_360, %swap3A_361] {strides = array<i32>} : memref<64x768xf32, #tpu.memory_space<vmem>>, vector<1x16xf32>,
      %swap3A_363 = vector.shape_cast %swap3A_362 : vector<1x16xf32> to vector<16xf32>
      %swap3A_364 = vector.shape_cast %mul3A_359 : vector<16xf32> to vector<1x16xf32>
      tpu.vector_store %arg6[%swap3A_360, %swap3A_361], %swap3A_364 {strides = array<i32>} : memref<64x768xf32, #tpu.memory_space<vmem>>, vector<1x16xf32>,
      %get3A_365 = arith.index_cast %add3A_150 : i32 to index
      %get3A_366 = arith.constant 288 : index
      %get3A_367 = tpu.vector_load %arg6[%get3A_365, %get3A_366] {strides = array<i32>} : memref<64x768xf32, #tpu.memory_space<vmem>>, vector<1x16xf32>,
      %get3A_368 = vector.shape_cast %get3A_367 : vector<1x16xf32> to vector<16xf32>
      %mul3A_369 = arith.constant 27.7128124 : f32
      %mul3A_370 = vector.broadcast %mul3A_369 : f32 to vector<16xf32>
      %mul3A_371 = arith.mulf %get3A_368, %mul3A_370 : vector<16xf32>
      %swap3A_372 = arith.index_cast %add3A_150 : i32 to index
      %swap3A_373 = arith.constant 288 : index
      %swap3A_374 = tpu.vector_load %arg6[%swap3A_372, %swap3A_373] {strides = array<i32>} : memref<64x768xf32, #tpu.memory_space<vmem>>, vector<1x16xf32>,
      %swap3A_375 = vector.shape_cast %swap3A_374 : vector<1x16xf32> to vector<16xf32>
      %swap3A_376 = vector.shape_cast %mul3A_371 : vector<16xf32> to vector<1x16xf32>
      tpu.vector_store %arg6[%swap3A_372, %swap3A_373], %swap3A_376 {strides = array<i32>} : memref<64x768xf32, #tpu.memory_space<vmem>>, vector<1x16xf32>,
      %get3A_377 = arith.index_cast %add3A_150 : i32 to index
      %get3A_378 = arith.constant 304 : index
      %get3A_379 = tpu.vector_load %arg6[%get3A_377, %get3A_378] {strides = array<i32>} : memref<64x768xf32, #tpu.memory_space<vmem>>, vector<1x16xf32>,
      %get3A_380 = vector.shape_cast %get3A_379 : vector<1x16xf32> to vector<16xf32>
      %mul3A_381 = arith.constant 27.7128124 : f32
      %mul3A_382 = vector.broadcast %mul3A_381 : f32 to vector<16xf32>
      %mul3A_383 = arith.mulf %get3A_380, %mul3A_382 : vector<16xf32>
      %swap3A_384 = arith.index_cast %add3A_150 : i32 to index
      %swap3A_385 = arith.constant 304 : index
      %swap3A_386 = tpu.vector_load %arg6[%swap3A_384, %swap3A_385] {strides = array<i32>} : memref<64x768xf32, #tpu.memory_space<vmem>>, vector<1x16xf32>,
      %swap3A_387 = vector.shape_cast %swap3A_386 : vector<1x16xf32> to vector<16xf32>
      %swap3A_388 = vector.shape_cast %mul3A_383 : vector<16xf32> to vector<1x16xf32>
      tpu.vector_store %arg6[%swap3A_384, %swap3A_385], %swap3A_388 {strides = array<i32>} : memref<64x768xf32, #tpu.memory_space<vmem>>, vector<1x16xf32>,
      %get3A_389 = arith.index_cast %add3A_150 : i32 to index
      %get3A_390 = arith.constant 320 : index
      %get3A_391 = tpu.vector_load %arg6[%get3A_389, %get3A_390] {strides = array<i32>} : memref<64x768xf32, #tpu.memory_space<vmem>>, vector<1x16xf32>,
      %get3A_392 = vector.shape_cast %get3A_391 : vector<1x16xf32> to vector<16xf32>
      %mul3A_393 = arith.constant 27.7128124 : f32
      %mul3A_394 = vector.broadcast %mul3A_393 : f32 to vector<16xf32>
      %mul3A_395 = arith.mulf %get3A_392, %mul3A_394 : vector<16xf32>
      %swap3A_396 = arith.index_cast %add3A_150 : i32 to index
      %swap3A_397 = arith.constant 320 : index
      %swap3A_398 = tpu.vector_load %arg6[%swap3A_396, %swap3A_397] {strides = array<i32>} : memref<64x768xf32, #tpu.memory_space<vmem>>, vector<1x16xf32>,
      %swap3A_399 = vector.shape_cast %swap3A_398 : vector<1x16xf32> to vector<16xf32>
      %swap3A_400 = vector.shape_cast %mul3A_395 : vector<16xf32> to vector<1x16xf32>
      tpu.vector_store %arg6[%swap3A_396, %swap3A_397], %swap3A_400 {strides = array<i32>} : memref<64x768xf32, #tpu.memory_space<vmem>>, vector<1x16xf32>,
      %get3A_401 = arith.index_cast %add3A_150 : i32 to index
      %get3A_402 = arith.constant 336 : index
      %get3A_403 = tpu.vector_load %arg6[%get3A_401, %get3A_402] {strides = array<i32>} : memref<64x768xf32, #tpu.memory_space<vmem>>, vector<1x16xf32>,
      %get3A_404 = vector.shape_cast %get3A_403 : vector<1x16xf32> to vector<16xf32>
      %mul3A_405 = arith.constant 27.7128124 : f32
      %mul3A_406 = vector.broadcast %mul3A_405 : f32 to vector<16xf32>
      %mul3A_407 = arith.mulf %get3A_404, %mul3A_406 : vector<16xf32>
      %swap3A_408 = arith.index_cast %add3A_150 : i32 to index
      %swap3A_409 = arith.constant 336 : index
      %swap3A_410 = tpu.vector_load %arg6[%swap3A_408, %swap3A_409] {strides = array<i32>} : memref<64x768xf32, #tpu.memory_space<vmem>>, vector<1x16xf32>,
      %swap3A_411 = vector.shape_cast %swap3A_410 : vector<1x16xf32> to vector<16xf32>
      %swap3A_412 = vector.shape_cast %mul3A_407 : vector<16xf32> to vector<1x16xf32>
      tpu.vector_store %arg6[%swap3A_408, %swap3A_409], %swap3A_412 {strides = array<i32>} : memref<64x768xf32, #tpu.memory_space<vmem>>, vector<1x16xf32>,
      %get3A_413 = arith.index_cast %add3A_150 : i32 to index
      %get3A_414 = arith.constant 352 : index
      %get3A_415 = tpu.vector_load %arg6[%get3A_413, %get3A_414] {strides = array<i32>} : memref<64x768xf32, #tpu.memory_space<vmem>>, vector<1x16xf32>,
      %get3A_416 = vector.shape_cast %get3A_415 : vector<1x16xf32> to vector<16xf32>
      %mul3A_417 = arith.constant 27.7128124 : f32
      %mul3A_418 = vector.broadcast %mul3A_417 : f32 to vector<16xf32>
      %mul3A_419 = arith.mulf %get3A_416, %mul3A_418 : vector<16xf32>
      %swap3A_420 = arith.index_cast %add3A_150 : i32 to index
      %swap3A_421 = arith.constant 352 : index
      %swap3A_422 = tpu.vector_load %arg6[%swap3A_420, %swap3A_421] {strides = array<i32>} : memref<64x768xf32, #tpu.memory_space<vmem>>, vector<1x16xf32>,
      %swap3A_423 = vector.shape_cast %swap3A_422 : vector<1x16xf32> to vector<16xf32>
      %swap3A_424 = vector.shape_cast %mul3A_419 : vector<16xf32> to vector<1x16xf32>
      tpu.vector_store %arg6[%swap3A_420, %swap3A_421], %swap3A_424 {strides = array<i32>} : memref<64x768xf32, #tpu.memory_space<vmem>>, vector<1x16xf32>,
      %get3A_425 = arith.index_cast %add3A_150 : i32 to index
      %get3A_426 = arith.constant 368 : index
      %get3A_427 = tpu.vector_load %arg6[%get3A_425, %get3A_426] {strides = array<i32>} : memref<64x768xf32, #tpu.memory_space<vmem>>, vector<1x16xf32>,
      %get3A_428 = vector.shape_cast %get3A_427 : vector<1x16xf32> to vector<16xf32>
      %mul3A_429 = arith.constant 27.7128124 : f32
      %mul3A_430 = vector.broadcast %mul3A_429 : f32 to vector<16xf32>
      %mul3A_431 = arith.mulf %get3A_428, %mul3A_430 : vector<16xf32>
      %swap3A_432 = arith.index_cast %add3A_150 : i32 to index
      %swap3A_433 = arith.constant 368 : index
      %swap3A_434 = tpu.vector_load %arg6[%swap3A_432, %swap3A_433] {strides = array<i32>} : memref<64x768xf32, #tpu.memory_space<vmem>>, vector<1x16xf32>,
      %swap3A_435 = vector.shape_cast %swap3A_434 : vector<1x16xf32> to vector<16xf32>
      %swap3A_436 = vector.shape_cast %mul3A_431 : vector<16xf32> to vector<1x16xf32>
      tpu.vector_store %arg6[%swap3A_432, %swap3A_433], %swap3A_436 {strides = array<i32>} : memref<64x768xf32, #tpu.memory_space<vmem>>, vector<1x16xf32>,
      %get3A_437 = arith.index_cast %add3A_150 : i32 to index
      %get3A_438 = arith.constant 384 : index
      %get3A_439 = tpu.vector_load %arg6[%get3A_437, %get3A_438] {strides = array<i32>} : memref<64x768xf32, #tpu.memory_space<vmem>>, vector<1x16xf32>,
      %get3A_440 = vector.shape_cast %get3A_439 : vector<1x16xf32> to vector<16xf32>
      %mul3A_441 = arith.constant 27.7128124 : f32
      %mul3A_442 = vector.broadcast %mul3A_441 : f32 to vector<16xf32>
      %mul3A_443 = arith.mulf %get3A_440, %mul3A_442 : vector<16xf32>
      %swap3A_444 = arith.index_cast %add3A_150 : i32 to index
      %swap3A_445 = arith.constant 384 : index
      %swap3A_446 = tpu.vector_load %arg6[%swap3A_444, %swap3A_445] {strides = array<i32>} : memref<64x768xf32, #tpu.memory_space<vmem>>, vector<1x16xf32>,
      %swap3A_447 = vector.shape_cast %swap3A_446 : vector<1x16xf32> to vector<16xf32>
      %swap3A_448 = vector.shape_cast %mul3A_443 : vector<16xf32> to vector<1x16xf32>
      tpu.vector_store %arg6[%swap3A_444, %swap3A_445], %swap3A_448 {strides = array<i32>} : memref<64x768xf32, #tpu.memory_space<vmem>>, vector<1x16xf32>,
      %get3A_449 = arith.index_cast %add3A_150 : i32 to index
      %get3A_450 = arith.constant 400 : index
      %get3A_451 = tpu.vector_load %arg6[%get3A_449, %get3A_450] {strides = array<i32>} : memref<64x768xf32, #tpu.memory_space<vmem>>, vector<1x16xf32>,
      %get3A_452 = vector.shape_cast %get3A_451 : vector<1x16xf32> to vector<16xf32>
      %mul3A_453 = arith.constant 27.7128124 : f32
      %mul3A_454 = vector.broadcast %mul3A_453 : f32 to vector<16xf32>
      %mul3A_455 = arith.mulf %get3A_452, %mul3A_454 : vector<16xf32>
      %swap3A_456 = arith.index_cast %add3A_150 : i32 to index
      %swap3A_457 = arith.constant 400 : index
      %swap3A_458 = tpu.vector_load %arg6[%swap3A_456, %swap3A_457] {strides = array<i32>} : memref<64x768xf32, #tpu.memory_space<vmem>>, vector<1x16xf32>,
      %swap3A_459 = vector.shape_cast %swap3A_458 : vector<1x16xf32> to vector<16xf32>
      %swap3A_460 = vector.shape_cast %mul3A_455 : vector<16xf32> to vector<1x16xf32>
      tpu.vector_store %arg6[%swap3A_456, %swap3A_457], %swap3A_460 {strides = array<i32>} : memref<64x768xf32, #tpu.memory_space<vmem>>, vector<1x16xf32>,
      %get3A_461 = arith.index_cast %add3A_150 : i32 to index
      %get3A_462 = arith.constant 416 : index
      %get3A_463 = tpu.vector_load %arg6[%get3A_461, %get3A_462] {strides = array<i32>} : memref<64x768xf32, #tpu.memory_space<vmem>>, vector<1x16xf32>,
      %get3A_464 = vector.shape_cast %get3A_463 : vector<1x16xf32> to vector<16xf32>
      %mul3A_465 = arith.constant 27.7128124 : f32
      %mul3A_466 = vector.broadcast %mul3A_465 : f32 to vector<16xf32>
      %mul3A_467 = arith.mulf %get3A_464, %mul3A_466 : vector<16xf32>
      %swap3A_468 = arith.index_cast %add3A_150 : i32 to index
      %swap3A_469 = arith.constant 416 : index
      %swap3A_470 = tpu.vector_load %arg6[%swap3A_468, %swap3A_469] {strides = array<i32>} : memref<64x768xf32, #tpu.memory_space<vmem>>, vector<1x16xf32>,
      %swap3A_471 = vector.shape_cast %swap3A_470 : vector<1x16xf32> to vector<16xf32>
      %swap3A_472 = vector.shape_cast %mul3A_467 : vector<16xf32> to vector<1x16xf32>
      tpu.vector_store %arg6[%swap3A_468, %swap3A_469], %swap3A_472 {strides = array<i32>} : memref<64x768xf32, #tpu.memory_space<vmem>>, vector<1x16xf32>,
      %get3A_473 = arith.index_cast %add3A_150 : i32 to index
      %get3A_474 = arith.constant 432 : index
      %get3A_475 = tpu.vector_load %arg6[%get3A_473, %get3A_474] {strides = array<i32>} : memref<64x768xf32, #tpu.memory_space<vmem>>, vector<1x16xf32>,
      %get3A_476 = vector.shape_cast %get3A_475 : vector<1x16xf32> to vector<16xf32>
      %mul3A_477 = arith.constant 27.7128124 : f32
      %mul3A_478 = vector.broadcast %mul3A_477 : f32 to vector<16xf32>
      %mul3A_479 = arith.mulf %get3A_476, %mul3A_478 : vector<16xf32>
      %swap3A_480 = arith.index_cast %add3A_150 : i32 to index
      %swap3A_481 = arith.constant 432 : index
      %swap3A_482 = tpu.vector_load %arg6[%swap3A_480, %swap3A_481] {strides = array<i32>} : memref<64x768xf32, #tpu.memory_space<vmem>>, vector<1x16xf32>,
      %swap3A_483 = vector.shape_cast %swap3A_482 : vector<1x16xf32> to vector<16xf32>
      %swap3A_484 = vector.shape_cast %mul3A_479 : vector<16xf32> to vector<1x16xf32>
      tpu.vector_store %arg6[%swap3A_480, %swap3A_481], %swap3A_484 {strides = array<i32>} : memref<64x768xf32, #tpu.memory_space<vmem>>, vector<1x16xf32>,
      %get3A_485 = arith.index_cast %add3A_150 : i32 to index
      %get3A_486 = arith.constant 448 : index
      %get3A_487 = tpu.vector_load %arg6[%get3A_485, %get3A_486] {strides = array<i32>} : memref<64x768xf32, #tpu.memory_space<vmem>>, vector<1x16xf32>,
      %get3A_488 = vector.shape_cast %get3A_487 : vector<1x16xf32> to vector<16xf32>
      %mul3A_489 = arith.constant 27.7128124 : f32
      %mul3A_490 = vector.broadcast %mul3A_489 : f32 to vector<16xf32>
      %mul3A_491 = arith.mulf %get3A_488, %mul3A_490 : vector<16xf32>
      %swap3A_492 = arith.index_cast %add3A_150 : i32 to index
      %swap3A_493 = arith.constant 448 : index
      %swap3A_494 = tpu.vector_load %arg6[%swap3A_492, %swap3A_493] {strides = array<i32>} : memref<64x768xf32, #tpu.memory_space<vmem>>, vector<1x16xf32>,
      %swap3A_495 = vector.shape_cast %swap3A_494 : vector<1x16xf32> to vector<16xf32>
      %swap3A_496 = vector.shape_cast %mul3A_491 : vector<16xf32> to vector<1x16xf32>
      tpu.vector_store %arg6[%swap3A_492, %swap3A_493], %swap3A_496 {strides = array<i32>} : memref<64x768xf32, #tpu.memory_space<vmem>>, vector<1x16xf32>,
      %get3A_497 = arith.index_cast %add3A_150 : i32 to index
      %get3A_498 = arith.constant 464 : index
      %get3A_499 = tpu.vector_load %arg6[%get3A_497, %get3A_498] {strides = array<i32>} : memref<64x768xf32, #tpu.memory_space<vmem>>, vector<1x16xf32>,
      %get3A_500 = vector.shape_cast %get3A_499 : vector<1x16xf32> to vector<16xf32>
      %mul3A_501 = arith.constant 27.7128124 : f32
      %mul3A_502 = vector.broadcast %mul3A_501 : f32 to vector<16xf32>
      %mul3A_503 = arith.mulf %get3A_500, %mul3A_502 : vector<16xf32>
      %swap3A_504 = arith.index_cast %add3A_150 : i32 to index
      %swap3A_505 = arith.constant 464 : index
      %swap3A_506 = tpu.vector_load %arg6[%swap3A_504, %swap3A_505] {strides = array<i32>} : memref<64x768xf32, #tpu.memory_space<vmem>>, vector<1x16xf32>,
      %swap3A_507 = vector.shape_cast %swap3A_506 : vector<1x16xf32> to vector<16xf32>
      %swap3A_508 = vector.shape_cast %mul3A_503 : vector<16xf32> to vector<1x16xf32>
      tpu.vector_store %arg6[%swap3A_504, %swap3A_505], %swap3A_508 {strides = array<i32>} : memref<64x768xf32, #tpu.memory_space<vmem>>, vector<1x16xf32>,
      %get3A_509 = arith.index_cast %add3A_150 : i32 to index
      %get3A_510 = arith.constant 480 : index
      %get3A_511 = tpu.vector_load %arg6[%get3A_509, %get3A_510] {strides = array<i32>} : memref<64x768xf32, #tpu.memory_space<vmem>>, vector<1x16xf32>,
      %get3A_512 = vector.shape_cast %get3A_511 : vector<1x16xf32> to vector<16xf32>
      %mul3A_513 = arith.constant 27.7128124 : f32
      %mul3A_514 = vector.broadcast %mul3A_513 : f32 to vector<16xf32>
      %mul3A_515 = arith.mulf %get3A_512, %mul3A_514 : vector<16xf32>
      %swap3A_516 = arith.index_cast %add3A_150 : i32 to index
      %swap3A_517 = arith.constant 480 : index
      %swap3A_518 = tpu.vector_load %arg6[%swap3A_516, %swap3A_517] {strides = array<i32>} : memref<64x768xf32, #tpu.memory_space<vmem>>, vector<1x16xf32>,
      %swap3A_519 = vector.shape_cast %swap3A_518 : vector<1x16xf32> to vector<16xf32>
      %swap3A_520 = vector.shape_cast %mul3A_515 : vector<16xf32> to vector<1x16xf32>
      tpu.vector_store %arg6[%swap3A_516, %swap3A_517], %swap3A_520 {strides = array<i32>} : memref<64x768xf32, #tpu.memory_space<vmem>>, vector<1x16xf32>,
      %get3A_521 = arith.index_cast %add3A_150 : i32 to index
      %get3A_522 = arith.constant 496 : index
      %get3A_523 = tpu.vector_load %arg6[%get3A_521, %get3A_522] {strides = array<i32>} : memref<64x768xf32, #tpu.memory_space<vmem>>, vector<1x16xf32>,
      %get3A_524 = vector.shape_cast %get3A_523 : vector<1x16xf32> to vector<16xf32>
      %mul3A_525 = arith.constant 27.7128124 : f32
      %mul3A_526 = vector.broadcast %mul3A_525 : f32 to vector<16xf32>
      %mul3A_527 = arith.mulf %get3A_524, %mul3A_526 : vector<16xf32>
      %swap3A_528 = arith.index_cast %add3A_150 : i32 to index
      %swap3A_529 = arith.constant 496 : index
      %swap3A_530 = tpu.vector_load %arg6[%swap3A_528, %swap3A_529] {strides = array<i32>} : memref<64x768xf32, #tpu.memory_space<vmem>>, vector<1x16xf32>,
      %swap3A_531 = vector.shape_cast %swap3A_530 : vector<1x16xf32> to vector<16xf32>
      %swap3A_532 = vector.shape_cast %mul3A_527 : vector<16xf32> to vector<1x16xf32>
      tpu.vector_store %arg6[%swap3A_528, %swap3A_529], %swap3A_532 {strides = array<i32>} : memref<64x768xf32, #tpu.memory_space<vmem>>, vector<1x16xf32>,
      %get3A_533 = arith.index_cast %add3A_150 : i32 to index
      %get3A_534 = arith.constant 512 : index
      %get3A_535 = tpu.vector_load %arg6[%get3A_533, %get3A_534] {strides = array<i32>} : memref<64x768xf32, #tpu.memory_space<vmem>>, vector<1x16xf32>,
      %get3A_536 = vector.shape_cast %get3A_535 : vector<1x16xf32> to vector<16xf32>
      %mul3A_537 = arith.constant 27.7128124 : f32
      %mul3A_538 = vector.broadcast %mul3A_537 : f32 to vector<16xf32>
      %mul3A_539 = arith.mulf %get3A_536, %mul3A_538 : vector<16xf32>
      %swap3A_540 = arith.index_cast %add3A_150 : i32 to index
      %swap3A_541 = arith.constant 512 : index
      %swap3A_542 = tpu.vector_load %arg6[%swap3A_540, %swap3A_541] {strides = array<i32>} : memref<64x768xf32, #tpu.memory_space<vmem>>, vector<1x16xf32>,
      %swap3A_543 = vector.shape_cast %swap3A_542 : vector<1x16xf32> to vector<16xf32>
      %swap3A_544 = vector.shape_cast %mul3A_539 : vector<16xf32> to vector<1x16xf32>
      tpu.vector_store %arg6[%swap3A_540, %swap3A_541], %swap3A_544 {strides = array<i32>} : memref<64x768xf32, #tpu.memory_space<vmem>>, vector<1x16xf32>,
      %get3A_545 = arith.index_cast %add3A_150 : i32 to index
      %get3A_546 = arith.constant 528 : index
      %get3A_547 = tpu.vector_load %arg6[%get3A_545, %get3A_546] {strides = array<i32>} : memref<64x768xf32, #tpu.memory_space<vmem>>, vector<1x16xf32>,
      %get3A_548 = vector.shape_cast %get3A_547 : vector<1x16xf32> to vector<16xf32>
      %mul3A_549 = arith.constant 27.7128124 : f32
      %mul3A_550 = vector.broadcast %mul3A_549 : f32 to vector<16xf32>
      %mul3A_551 = arith.mulf %get3A_548, %mul3A_550 : vector<16xf32>
      %swap3A_552 = arith.index_cast %add3A_150 : i32 to index
      %swap3A_553 = arith.constant 528 : index
      %swap3A_554 = tpu.vector_load %arg6[%swap3A_552, %swap3A_553] {strides = array<i32>} : memref<64x768xf32, #tpu.memory_space<vmem>>, vector<1x16xf32>,
      %swap3A_555 = vector.shape_cast %swap3A_554 : vector<1x16xf32> to vector<16xf32>
      %swap3A_556 = vector.shape_cast %mul3A_551 : vector<16xf32> to vector<1x16xf32>
      tpu.vector_store %arg6[%swap3A_552, %swap3A_553], %swap3A_556 {strides = array<i32>} : memref<64x768xf32, #tpu.memory_space<vmem>>, vector<1x16xf32>,
      %get3A_557 = arith.index_cast %add3A_150 : i32 to index
      %get3A_558 = arith.constant 544 : index
      %get3A_559 = tpu.vector_load %arg6[%get3A_557, %get3A_558] {strides = array<i32>} : memref<64x768xf32, #tpu.memory_space<vmem>>, vector<1x16xf32>,
      %get3A_560 = vector.shape_cast %get3A_559 : vector<1x16xf32> to vector<16xf32>
      %mul3A_561 = arith.constant 27.7128124 : f32
      %mul3A_562 = vector.broadcast %mul3A_561 : f32 to vector<16xf32>
      %mul3A_563 = arith.mulf %get3A_560, %mul3A_562 : vector<16xf32>
      %swap3A_564 = arith.index_cast %add3A_150 : i32 to index
      %swap3A_565 = arith.constant 544 : index
      %swap3A_566 = tpu.vector_load %arg6[%swap3A_564, %swap3A_565] {strides = array<i32>} : memref<64x768xf32, #tpu.memory_space<vmem>>, vector<1x16xf32>,
      %swap3A_567 = vector.shape_cast %swap3A_566 : vector<1x16xf32> to vector<16xf32>
      %swap3A_568 = vector.shape_cast %mul3A_563 : vector<16xf32> to vector<1x16xf32>
      tpu.vector_store %arg6[%swap3A_564, %swap3A_565], %swap3A_568 {strides = array<i32>} : memref<64x768xf32, #tpu.memory_space<vmem>>, vector<1x16xf32>,
      %get3A_569 = arith.index_cast %add3A_150 : i32 to index
      %get3A_570 = arith.constant 560 : index
      %get3A_571 = tpu.vector_load %arg6[%get3A_569, %get3A_570] {strides = array<i32>} : memref<64x768xf32, #tpu.memory_space<vmem>>, vector<1x16xf32>,
      %get3A_572 = vector.shape_cast %get3A_571 : vector<1x16xf32> to vector<16xf32>
      %mul3A_573 = arith.constant 27.7128124 : f32
      %mul3A_574 = vector.broadcast %mul3A_573 : f32 to vector<16xf32>
      %mul3A_575 = arith.mulf %get3A_572, %mul3A_574 : vector<16xf32>
      %swap3A_576 = arith.index_cast %add3A_150 : i32 to index
      %swap3A_577 = arith.constant 560 : index
      %swap3A_578 = tpu.vector_load %arg6[%swap3A_576, %swap3A_577] {strides = array<i32>} : memref<64x768xf32, #tpu.memory_space<vmem>>, vector<1x16xf32>,
      %swap3A_579 = vector.shape_cast %swap3A_578 : vector<1x16xf32> to vector<16xf32>
      %swap3A_580 = vector.shape_cast %mul3A_575 : vector<16xf32> to vector<1x16xf32>
      tpu.vector_store %arg6[%swap3A_576, %swap3A_577], %swap3A_580 {strides = array<i32>} : memref<64x768xf32, #tpu.memory_space<vmem>>, vector<1x16xf32>,
      %get3A_581 = arith.index_cast %add3A_150 : i32 to index
      %get3A_582 = arith.constant 576 : index
      %get3A_583 = tpu.vector_load %arg6[%get3A_581, %get3A_582] {strides = array<i32>} : memref<64x768xf32, #tpu.memory_space<vmem>>, vector<1x16xf32>,
      %get3A_584 = vector.shape_cast %get3A_583 : vector<1x16xf32> to vector<16xf32>
      %mul3A_585 = arith.constant 27.7128124 : f32
      %mul3A_586 = vector.broadcast %mul3A_585 : f32 to vector<16xf32>
      %mul3A_587 = arith.mulf %get3A_584, %mul3A_586 : vector<16xf32>
      %swap3A_588 = arith.index_cast %add3A_150 : i32 to index
      %swap3A_589 = arith.constant 576 : index
      %swap3A_590 = tpu.vector_load %arg6[%swap3A_588, %swap3A_589] {strides = array<i32>} : memref<64x768xf32, #tpu.memory_space<vmem>>, vector<1x16xf32>,
      %swap3A_591 = vector.shape_cast %swap3A_590 : vector<1x16xf32> to vector<16xf32>
      %swap3A_592 = vector.shape_cast %mul3A_587 : vector<16xf32> to vector<1x16xf32>
      tpu.vector_store %arg6[%swap3A_588, %swap3A_589], %swap3A_592 {strides = array<i32>} : memref<64x768xf32, #tpu.memory_space<vmem>>, vector<1x16xf32>,
      %get3A_593 = arith.index_cast %add3A_150 : i32 to index
      %get3A_594 = arith.constant 592 : index
      %get3A_595 = tpu.vector_load %arg6[%get3A_593, %get3A_594] {strides = array<i32>} : memref<64x768xf32, #tpu.memory_space<vmem>>, vector<1x16xf32>,
      %get3A_596 = vector.shape_cast %get3A_595 : vector<1x16xf32> to vector<16xf32>
      %mul3A_597 = arith.constant 27.7128124 : f32
      %mul3A_598 = vector.broadcast %mul3A_597 : f32 to vector<16xf32>
      %mul3A_599 = arith.mulf %get3A_596, %mul3A_598 : vector<16xf32>
      %swap3A_600 = arith.index_cast %add3A_150 : i32 to index
      %swap3A_601 = arith.constant 592 : index
      %swap3A_602 = tpu.vector_load %arg6[%swap3A_600, %swap3A_601] {strides = array<i32>} : memref<64x768xf32, #tpu.memory_space<vmem>>, vector<1x16xf32>,
      %swap3A_603 = vector.shape_cast %swap3A_602 : vector<1x16xf32> to vector<16xf32>
      %swap3A_604 = vector.shape_cast %mul3A_599 : vector<16xf32> to vector<1x16xf32>
      tpu.vector_store %arg6[%swap3A_600, %swap3A_601], %swap3A_604 {strides = array<i32>} : memref<64x768xf32, #tpu.memory_space<vmem>>, vector<1x16xf32>,
      %get3A_605 = arith.index_cast %add3A_150 : i32 to index
      %get3A_606 = arith.constant 608 : index
      %get3A_607 = tpu.vector_load %arg6[%get3A_605, %get3A_606] {strides = array<i32>} : memref<64x768xf32, #tpu.memory_space<vmem>>, vector<1x16xf32>,
      %get3A_608 = vector.shape_cast %get3A_607 : vector<1x16xf32> to vector<16xf32>
      %mul3A_609 = arith.constant 27.7128124 : f32
      %mul3A_610 = vector.broadcast %mul3A_609 : f32 to vector<16xf32>
      %mul3A_611 = arith.mulf %get3A_608, %mul3A_610 : vector<16xf32>
      %swap3A_612 = arith.index_cast %add3A_150 : i32 to index
      %swap3A_613 = arith.constant 608 : index
      %swap3A_614 = tpu.vector_load %arg6[%swap3A_612, %swap3A_613] {strides = array<i32>} : memref<64x768xf32, #tpu.memory_space<vmem>>, vector<1x16xf32>,
      %swap3A_615 = vector.shape_cast %swap3A_614 : vector<1x16xf32> to vector<16xf32>
      %swap3A_616 = vector.shape_cast %mul3A_611 : vector<16xf32> to vector<1x16xf32>
      tpu.vector_store %arg6[%swap3A_612, %swap3A_613], %swap3A_616 {strides = array<i32>} : memref<64x768xf32, #tpu.memory_space<vmem>>, vector<1x16xf32>,
      %get3A_617 = arith.index_cast %add3A_150 : i32 to index
      %get3A_618 = arith.constant 624 : index
      %get3A_619 = tpu.vector_load %arg6[%get3A_617, %get3A_618] {strides = array<i32>} : memref<64x768xf32, #tpu.memory_space<vmem>>, vector<1x16xf32>,
      %get3A_620 = vector.shape_cast %get3A_619 : vector<1x16xf32> to vector<16xf32>
      %mul3A_621 = arith.constant 27.7128124 : f32
      %mul3A_622 = vector.broadcast %mul3A_621 : f32 to vector<16xf32>
      %mul3A_623 = arith.mulf %get3A_620, %mul3A_622 : vector<16xf32>
      %swap3A_624 = arith.index_cast %add3A_150 : i32 to index
      %swap3A_625 = arith.constant 624 : index
      %swap3A_626 = tpu.vector_load %arg6[%swap3A_624, %swap3A_625] {strides = array<i32>} : memref<64x768xf32, #tpu.memory_space<vmem>>, vector<1x16xf32>,
      %swap3A_627 = vector.shape_cast %swap3A_626 : vector<1x16xf32> to vector<16xf32>
      %swap3A_628 = vector.shape_cast %mul3A_623 : vector<16xf32> to vector<1x16xf32>
      tpu.vector_store %arg6[%swap3A_624, %swap3A_625], %swap3A_628 {strides = array<i32>} : memref<64x768xf32, #tpu.memory_space<vmem>>, vector<1x16xf32>,
      %get3A_629 = arith.index_cast %add3A_150 : i32 to index
      %get3A_630 = arith.constant 640 : index
      %get3A_631 = tpu.vector_load %arg6[%get3A_629, %get3A_630] {strides = array<i32>} : memref<64x768xf32, #tpu.memory_space<vmem>>, vector<1x16xf32>,
      %get3A_632 = vector.shape_cast %get3A_631 : vector<1x16xf32> to vector<16xf32>
      %mul3A_633 = arith.constant 27.7128124 : f32
      %mul3A_634 = vector.broadcast %mul3A_633 : f32 to vector<16xf32>
      %mul3A_635 = arith.mulf %get3A_632, %mul3A_634 : vector<16xf32>
      %swap3A_636 = arith.index_cast %add3A_150 : i32 to index
      %swap3A_637 = arith.constant 640 : index
      %swap3A_638 = tpu.vector_load %arg6[%swap3A_636, %swap3A_637] {strides = array<i32>} : memref<64x768xf32, #tpu.memory_space<vmem>>, vector<1x16xf32>,
      %swap3A_639 = vector.shape_cast %swap3A_638 : vector<1x16xf32> to vector<16xf32>
      %swap3A_640 = vector.shape_cast %mul3A_635 : vector<16xf32> to vector<1x16xf32>
      tpu.vector_store %arg6[%swap3A_636, %swap3A_637], %swap3A_640 {strides = array<i32>} : memref<64x768xf32, #tpu.memory_space<vmem>>, vector<1x16xf32>,
      %get3A_641 = arith.index_cast %add3A_150 : i32 to index
      %get3A_642 = arith.constant 656 : index
      %get3A_643 = tpu.vector_load %arg6[%get3A_641, %get3A_642] {strides = array<i32>} : memref<64x768xf32, #tpu.memory_space<vmem>>, vector<1x16xf32>,
      %get3A_644 = vector.shape_cast %get3A_643 : vector<1x16xf32> to vector<16xf32>
      %mul3A_645 = arith.constant 27.7128124 : f32
      %mul3A_646 = vector.broadcast %mul3A_645 : f32 to vector<16xf32>
      %mul3A_647 = arith.mulf %get3A_644, %mul3A_646 : vector<16xf32>
      %swap3A_648 = arith.index_cast %add3A_150 : i32 to index
      %swap3A_649 = arith.constant 656 : index
      %swap3A_650 = tpu.vector_load %arg6[%swap3A_648, %swap3A_649] {strides = array<i32>} : memref<64x768xf32, #tpu.memory_space<vmem>>, vector<1x16xf32>,
      %swap3A_651 = vector.shape_cast %swap3A_650 : vector<1x16xf32> to vector<16xf32>
      %swap3A_652 = vector.shape_cast %mul3A_647 : vector<16xf32> to vector<1x16xf32>
      tpu.vector_store %arg6[%swap3A_648, %swap3A_649], %swap3A_652 {strides = array<i32>} : memref<64x768xf32, #tpu.memory_space<vmem>>, vector<1x16xf32>,
      %get3A_653 = arith.index_cast %add3A_150 : i32 to index
      %get3A_654 = arith.constant 672 : index
      %get3A_655 = tpu.vector_load %arg6[%get3A_653, %get3A_654] {strides = array<i32>} : memref<64x768xf32, #tpu.memory_space<vmem>>, vector<1x16xf32>,
      %get3A_656 = vector.shape_cast %get3A_655 : vector<1x16xf32> to vector<16xf32>
      %mul3A_657 = arith.constant 27.7128124 : f32
      %mul3A_658 = vector.broadcast %mul3A_657 : f32 to vector<16xf32>
      %mul3A_659 = arith.mulf %get3A_656, %mul3A_658 : vector<16xf32>
      %swap3A_660 = arith.index_cast %add3A_150 : i32 to index
      %swap3A_661 = arith.constant 672 : index
      %swap3A_662 = tpu.vector_load %arg6[%swap3A_660, %swap3A_661] {strides = array<i32>} : memref<64x768xf32, #tpu.memory_space<vmem>>, vector<1x16xf32>,
      %swap3A_663 = vector.shape_cast %swap3A_662 : vector<1x16xf32> to vector<16xf32>
      %swap3A_664 = vector.shape_cast %mul3A_659 : vector<16xf32> to vector<1x16xf32>
      tpu.vector_store %arg6[%swap3A_660, %swap3A_661], %swap3A_664 {strides = array<i32>} : memref<64x768xf32, #tpu.memory_space<vmem>>, vector<1x16xf32>,
      %get3A_665 = arith.index_cast %add3A_150 : i32 to index
      %get3A_666 = arith.constant 688 : index
      %get3A_667 = tpu.vector_load %arg6[%get3A_665, %get3A_666] {strides = array<i32>} : memref<64x768xf32, #tpu.memory_space<vmem>>, vector<1x16xf32>,
      %get3A_668 = vector.shape_cast %get3A_667 : vector<1x16xf32> to vector<16xf32>
      %mul3A_669 = arith.constant 27.7128124 : f32
      %mul3A_670 = vector.broadcast %mul3A_669 : f32 to vector<16xf32>
      %mul3A_671 = arith.mulf %get3A_668, %mul3A_670 : vector<16xf32>
      %swap3A_672 = arith.index_cast %add3A_150 : i32 to index
      %swap3A_673 = arith.constant 688 : index
      %swap3A_674 = tpu.vector_load %arg6[%swap3A_672, %swap3A_673] {strides = array<i32>} : memref<64x768xf32, #tpu.memory_space<vmem>>, vector<1x16xf32>,
      %swap3A_675 = vector.shape_cast %swap3A_674 : vector<1x16xf32> to vector<16xf32>
      %swap3A_676 = vector.shape_cast %mul3A_671 : vector<16xf32> to vector<1x16xf32>
      tpu.vector_store %arg6[%swap3A_672, %swap3A_673], %swap3A_676 {strides = array<i32>} : memref<64x768xf32, #tpu.memory_space<vmem>>, vector<1x16xf32>,
      %get3A_677 = arith.index_cast %add3A_150 : i32 to index
      %get3A_678 = arith.constant 704 : index
      %get3A_679 = tpu.vector_load %arg6[%get3A_677, %get3A_678] {strides = array<i32>} : memref<64x768xf32, #tpu.memory_space<vmem>>, vector<1x16xf32>,
      %get3A_680 = vector.shape_cast %get3A_679 : vector<1x16xf32> to vector<16xf32>
      %mul3A_681 = arith.constant 27.7128124 : f32
      %mul3A_682 = vector.broadcast %mul3A_681 : f32 to vector<16xf32>
      %mul3A_683 = arith.mulf %get3A_680, %mul3A_682 : vector<16xf32>
      %swap3A_684 = arith.index_cast %add3A_150 : i32 to index
      %swap3A_685 = arith.constant 704 : index
      %swap3A_686 = tpu.vector_load %arg6[%swap3A_684, %swap3A_685] {strides = array<i32>} : memref<64x768xf32, #tpu.memory_space<vmem>>, vector<1x16xf32>,
      %swap3A_687 = vector.shape_cast %swap3A_686 : vector<1x16xf32> to vector<16xf32>
      %swap3A_688 = vector.shape_cast %mul3A_683 : vector<16xf32> to vector<1x16xf32>
      tpu.vector_store %arg6[%swap3A_684, %swap3A_685], %swap3A_688 {strides = array<i32>} : memref<64x768xf32, #tpu.memory_space<vmem>>, vector<1x16xf32>,
      %get3A_689 = arith.index_cast %add3A_150 : i32 to index
      %get3A_690 = arith.constant 720 : index
      %get3A_691 = tpu.vector_load %arg6[%get3A_689, %get3A_690] {strides = array<i32>} : memref<64x768xf32, #tpu.memory_space<vmem>>, vector<1x16xf32>,
      %get3A_692 = vector.shape_cast %get3A_691 : vector<1x16xf32> to vector<16xf32>
      %mul3A_693 = arith.constant 27.7128124 : f32
      %mul3A_694 = vector.broadcast %mul3A_693 : f32 to vector<16xf32>
      %mul3A_695 = arith.mulf %get3A_692, %mul3A_694 : vector<16xf32>
      %swap3A_696 = arith.index_cast %add3A_150 : i32 to index
      %swap3A_697 = arith.constant 720 : index
      %swap3A_698 = tpu.vector_load %arg6[%swap3A_696, %swap3A_697] {strides = array<i32>} : memref<64x768xf32, #tpu.memory_space<vmem>>, vector<1x16xf32>,
      %swap3A_699 = vector.shape_cast %swap3A_698 : vector<1x16xf32> to vector<16xf32>
      %swap3A_700 = vector.shape_cast %mul3A_695 : vector<16xf32> to vector<1x16xf32>
      tpu.vector_store %arg6[%swap3A_696, %swap3A_697], %swap3A_700 {strides = array<i32>} : memref<64x768xf32, #tpu.memory_space<vmem>>, vector<1x16xf32>,
      %get3A_701 = arith.index_cast %add3A_150 : i32 to index
      %get3A_702 = arith.constant 736 : index
      %get3A_703 = tpu.vector_load %arg6[%get3A_701, %get3A_702] {strides = array<i32>} : memref<64x768xf32, #tpu.memory_space<vmem>>, vector<1x16xf32>,
      %get3A_704 = vector.shape_cast %get3A_703 : vector<1x16xf32> to vector<16xf32>
      %mul3A_705 = arith.constant 27.7128124 : f32
      %mul3A_706 = vector.broadcast %mul3A_705 : f32 to vector<16xf32>
      %mul3A_707 = arith.mulf %get3A_704, %mul3A_706 : vector<16xf32>
      %swap3A_708 = arith.index_cast %add3A_150 : i32 to index
      %swap3A_709 = arith.constant 736 : index
      %swap3A_710 = tpu.vector_load %arg6[%swap3A_708, %swap3A_709] {strides = array<i32>} : memref<64x768xf32, #tpu.memory_space<vmem>>, vector<1x16xf32>,
      %swap3A_711 = vector.shape_cast %swap3A_710 : vector<1x16xf32> to vector<16xf32>
      %swap3A_712 = vector.shape_cast %mul3A_707 : vector<16xf32> to vector<1x16xf32>
      tpu.vector_store %arg6[%swap3A_708, %swap3A_709], %swap3A_712 {strides = array<i32>} : memref<64x768xf32, #tpu.memory_space<vmem>>, vector<1x16xf32>,
      %get3A_713 = arith.index_cast %add3A_150 : i32 to index
      %get3A_714 = arith.constant 752 : index
      %get3A_715 = tpu.vector_load %arg6[%get3A_713, %get3A_714] {strides = array<i32>} : memref<64x768xf32, #tpu.memory_space<vmem>>, vector<1x16xf32>,
      %get3A_716 = vector.shape_cast %get3A_715 : vector<1x16xf32> to vector<16xf32>
      %mul3A_717 = arith.constant 27.7128124 : f32
      %mul3A_718 = vector.broadcast %mul3A_717 : f32 to vector<16xf32>
      %mul3A_719 = arith.mulf %get3A_716, %mul3A_718 : vector<16xf32>
      %swap3A_720 = arith.index_cast %add3A_150 : i32 to index
      %swap3A_721 = arith.constant 752 : index
      %swap3A_722 = tpu.vector_load %arg6[%swap3A_720, %swap3A_721] {strides = array<i32>} : memref<64x768xf32, #tpu.memory_space<vmem>>, vector<1x16xf32>,
      %swap3A_723 = vector.shape_cast %swap3A_722 : vector<1x16xf32> to vector<16xf32>
      %swap3A_724 = vector.shape_cast %mul3A_719 : vector<16xf32> to vector<1x16xf32>
      tpu.vector_store %arg6[%swap3A_720, %swap3A_721], %swap3A_724 {strides = array<i32>} : memref<64x768xf32, #tpu.memory_space<vmem>>, vector<1x16xf32>,
    }
    %scan3A_107 = arith.constant 64 : i32
    %add3A_108 = arith.constant 128 : i32
    %add3A_109 = arith.addi %mul3A_32, %add3A_108 : i32
    %dma_start3A_110 = arith.constant 0 : i32
    %dma_start3A_111 = tpu.memref_slice %arg4[%select_n3A, %add3A_109, %dma_start3A_110] : memref<4x2048x768xf32, #tpu.memory_space<hbm>> -> memref<1x64x768xf32, #tpu.memory_space<hbm>>
    %dma_start3A_112 = tpu.memref_squeeze %dma_start3A_111 : memref<1x64x768xf32, #tpu.memory_space<hbm>> -> memref<64x768xf32, #tpu.memory_space<hbm>>
    %dma_start3A_113 = arith.constant 0 : i32
    %dma_start3A_114 = tpu.memref_slice %arg4[%select_n3A, %add3A_109, %dma_start3A_113] : memref<4x2048x768xf32, #tpu.memory_space<hbm>> -> memref<1x64x768xf32, #tpu.memory_space<hbm>>
    %dma_start3A_115 = tpu.memref_squeeze %dma_start3A_114 : memref<1x64x768xf32, #tpu.memory_space<hbm>> -> memref<64x768xf32, #tpu.memory_space<hbm>>
    tpu.enqueue_dma source(%arg6 : memref<64x768xf32, #tpu.memory_space<vmem>>) target(%dma_start3A_115 : memref<64x768xf32, #tpu.memory_space<hbm>>) target_semaphore(%arg10 : memref<!tpu.dma_semaphore, #tpu.memory_space<semaphore_mem>>)
    %dma_wait3A_116 = arith.constant 192 : i32
    %dma_wait3A_117 = tpu.memref_slice %arg5[%dma_wait3A_116] : memref<256xi32, #tpu.memory_space<vmem>> -> memref<64xi32, #tpu.memory_space<vmem>>
    %dma_wait3A_118 = arith.constant 0 : i32
    %dma_wait3A_119 = arith.constant 0 : i32
    %dma_wait3A_120 = tpu.memref_slice %arg2[%dma_wait3A_118, %dma_wait3A_119] : memref<100000x768xf32, #tpu.memory_space<hbm>> -> memref<100000x768xf32, #tpu.memory_space<hbm>>
    tpu.wait_indirect_dma semaphore(%arg9 : memref<!tpu.dma_semaphore, #tpu.memory_space<semaphore_mem>>) src(%dma_wait3A_120 : memref<100000x768xf32, #tpu.memory_space<hbm>>) dst(%arg7 : memref<64x768xf32, #tpu.memory_space<vmem>>)
    %scan3A_121 = arith.constant 0 : i32
    %scan3A_122 = arith.constant 64 : i32
    %scan3A_123 = arith.addi %scan3A_121, %scan3A_122 : i32
    %scan3A_124 = arith.constant 1 : i32
    scf.for %scan3A_146 = %scan3A_121 to %scan3A_123 step %scan3A_124  : i32 {
      %mul3A_147 = arith.constant 1 : i32
      %mul3A_148 = arith.muli %scan3A_146, %mul3A_147 : i32
      %add3A_149 = arith.constant 0 : i32
      %add3A_150 = arith.addi %add3A_149, %mul3A_148 : i32
      %get3A = arith.index_cast %add3A_150 : i32 to index
      %get3A_151 = arith.constant 0 : index
      %get3A_152 = tpu.vector_load %arg7[%get3A, %get3A_151] {strides = array<i32>} : memref<64x768xf32, #tpu.memory_space<vmem>>, vector<1x16xf32>,
      %get3A_153 = vector.shape_cast %get3A_152 : vector<1x16xf32> to vector<16xf32>
      %mul3A_154 = arith.constant 27.7128124 : f32
      %mul3A_155 = vector.broadcast %mul3A_154 : f32 to vector<16xf32>
      %mul3A_156 = arith.mulf %get3A_153, %mul3A_155 : vector<16xf32>
      %swap3A = arith.index_cast %add3A_150 : i32 to index
      %swap3A_157 = arith.constant 0 : index
      %swap3A_158 = tpu.vector_load %arg7[%swap3A, %swap3A_157] {strides = array<i32>} : memref<64x768xf32, #tpu.memory_space<vmem>>, vector<1x16xf32>,
      %swap3A_159 = vector.shape_cast %swap3A_158 : vector<1x16xf32> to vector<16xf32>
      %swap3A_160 = vector.shape_cast %mul3A_156 : vector<16xf32> to vector<1x16xf32>
      tpu.vector_store %arg7[%swap3A, %swap3A_157], %swap3A_160 {strides = array<i32>} : memref<64x768xf32, #tpu.memory_space<vmem>>, vector<1x16xf32>,
      %get3A_161 = arith.index_cast %add3A_150 : i32 to index
      %get3A_162 = arith.constant 16 : index
      %get3A_163 = tpu.vector_load %arg7[%get3A_161, %get3A_162] {strides = array<i32>} : memref<64x768xf32, #tpu.memory_space<vmem>>, vector<1x16xf32>,
      %get3A_164 = vector.shape_cast %get3A_163 : vector<1x16xf32> to vector<16xf32>
      %mul3A_165 = arith.constant 27.7128124 : f32
      %mul3A_166 = vector.broadcast %mul3A_165 : f32 to vector<16xf32>
      %mul3A_167 = arith.mulf %get3A_164, %mul3A_166 : vector<16xf32>
      %swap3A_168 = arith.index_cast %add3A_150 : i32 to index
      %swap3A_169 = arith.constant 16 : index
      %swap3A_170 = tpu.vector_load %arg7[%swap3A_168, %swap3A_169] {strides = array<i32>} : memref<64x768xf32, #tpu.memory_space<vmem>>, vector<1x16xf32>,
      %swap3A_171 = vector.shape_cast %swap3A_170 : vector<1x16xf32> to vector<16xf32>
      %swap3A_172 = vector.shape_cast %mul3A_167 : vector<16xf32> to vector<1x16xf32>
      tpu.vector_store %arg7[%swap3A_168, %swap3A_169], %swap3A_172 {strides = array<i32>} : memref<64x768xf32, #tpu.memory_space<vmem>>, vector<1x16xf32>,
      %get3A_173 = arith.index_cast %add3A_150 : i32 to index
      %get3A_174 = arith.constant 32 : index
      %get3A_175 = tpu.vector_load %arg7[%get3A_173, %get3A_174] {strides = array<i32>} : memref<64x768xf32, #tpu.memory_space<vmem>>, vector<1x16xf32>,
      %get3A_176 = vector.shape_cast %get3A_175 : vector<1x16xf32> to vector<16xf32>
      %mul3A_177 = arith.constant 27.7128124 : f32
      %mul3A_178 = vector.broadcast %mul3A_177 : f32 to vector<16xf32>
      %mul3A_179 = arith.mulf %get3A_176, %mul3A_178 : vector<16xf32>
      %swap3A_180 = arith.index_cast %add3A_150 : i32 to index
      %swap3A_181 = arith.constant 32 : index
      %swap3A_182 = tpu.vector_load %arg7[%swap3A_180, %swap3A_181] {strides = array<i32>} : memref<64x768xf32, #tpu.memory_space<vmem>>, vector<1x16xf32>,
      %swap3A_183 = vector.shape_cast %swap3A_182 : vector<1x16xf32> to vector<16xf32>
      %swap3A_184 = vector.shape_cast %mul3A_179 : vector<16xf32> to vector<1x16xf32>
      tpu.vector_store %arg7[%swap3A_180, %swap3A_181], %swap3A_184 {strides = array<i32>} : memref<64x768xf32, #tpu.memory_space<vmem>>, vector<1x16xf32>,
      %get3A_185 = arith.index_cast %add3A_150 : i32 to index
      %get3A_186 = arith.constant 48 : index
      %get3A_187 = tpu.vector_load %arg7[%get3A_185, %get3A_186] {strides = array<i32>} : memref<64x768xf32, #tpu.memory_space<vmem>>, vector<1x16xf32>,
      %get3A_188 = vector.shape_cast %get3A_187 : vector<1x16xf32> to vector<16xf32>
      %mul3A_189 = arith.constant 27.7128124 : f32
      %mul3A_190 = vector.broadcast %mul3A_189 : f32 to vector<16xf32>
      %mul3A_191 = arith.mulf %get3A_188, %mul3A_190 : vector<16xf32>
      %swap3A_192 = arith.index_cast %add3A_150 : i32 to index
      %swap3A_193 = arith.constant 48 : index
      %swap3A_194 = tpu.vector_load %arg7[%swap3A_192, %swap3A_193] {strides = array<i32>} : memref<64x768xf32, #tpu.memory_space<vmem>>, vector<1x16xf32>,
      %swap3A_195 = vector.shape_cast %swap3A_194 : vector<1x16xf32> to vector<16xf32>
      %swap3A_196 = vector.shape_cast %mul3A_191 : vector<16xf32> to vector<1x16xf32>
      tpu.vector_store %arg7[%swap3A_192, %swap3A_193], %swap3A_196 {strides = array<i32>} : memref<64x768xf32, #tpu.memory_space<vmem>>, vector<1x16xf32>,
      %get3A_197 = arith.index_cast %add3A_150 : i32 to index
      %get3A_198 = arith.constant 64 : index
      %get3A_199 = tpu.vector_load %arg7[%get3A_197, %get3A_198] {strides = array<i32>} : memref<64x768xf32, #tpu.memory_space<vmem>>, vector<1x16xf32>,
      %get3A_200 = vector.shape_cast %get3A_199 : vector<1x16xf32> to vector<16xf32>
      %mul3A_201 = arith.constant 27.7128124 : f32
      %mul3A_202 = vector.broadcast %mul3A_201 : f32 to vector<16xf32>
      %mul3A_203 = arith.mulf %get3A_200, %mul3A_202 : vector<16xf32>
      %swap3A_204 = arith.index_cast %add3A_150 : i32 to index
      %swap3A_205 = arith.constant 64 : index
      %swap3A_206 = tpu.vector_load %arg7[%swap3A_204, %swap3A_205] {strides = array<i32>} : memref<64x768xf32, #tpu.memory_space<vmem>>, vector<1x16xf32>,
      %swap3A_207 = vector.shape_cast %swap3A_206 : vector<1x16xf32> to vector<16xf32>
      %swap3A_208 = vector.shape_cast %mul3A_203 : vector<16xf32> to vector<1x16xf32>
      tpu.vector_store %arg7[%swap3A_204, %swap3A_205], %swap3A_208 {strides = array<i32>} : memref<64x768xf32, #tpu.memory_space<vmem>>, vector<1x16xf32>,
      %get3A_209 = arith.index_cast %add3A_150 : i32 to index
      %get3A_210 = arith.constant 80 : index
      %get3A_211 = tpu.vector_load %arg7[%get3A_209, %get3A_210] {strides = array<i32>} : memref<64x768xf32, #tpu.memory_space<vmem>>, vector<1x16xf32>,
      %get3A_212 = vector.shape_cast %get3A_211 : vector<1x16xf32> to vector<16xf32>
      %mul3A_213 = arith.constant 27.7128124 : f32
      %mul3A_214 = vector.broadcast %mul3A_213 : f32 to vector<16xf32>
      %mul3A_215 = arith.mulf %get3A_212, %mul3A_214 : vector<16xf32>
      %swap3A_216 = arith.index_cast %add3A_150 : i32 to index
      %swap3A_217 = arith.constant 80 : index
      %swap3A_218 = tpu.vector_load %arg7[%swap3A_216, %swap3A_217] {strides = array<i32>} : memref<64x768xf32, #tpu.memory_space<vmem>>, vector<1x16xf32>,
      %swap3A_219 = vector.shape_cast %swap3A_218 : vector<1x16xf32> to vector<16xf32>
      %swap3A_220 = vector.shape_cast %mul3A_215 : vector<16xf32> to vector<1x16xf32>
      tpu.vector_store %arg7[%swap3A_216, %swap3A_217], %swap3A_220 {strides = array<i32>} : memref<64x768xf32, #tpu.memory_space<vmem>>, vector<1x16xf32>,
      %get3A_221 = arith.index_cast %add3A_150 : i32 to index
      %get3A_222 = arith.constant 96 : index
      %get3A_223 = tpu.vector_load %arg7[%get3A_221, %get3A_222] {strides = array<i32>} : memref<64x768xf32, #tpu.memory_space<vmem>>, vector<1x16xf32>,
      %get3A_224 = vector.shape_cast %get3A_223 : vector<1x16xf32> to vector<16xf32>
      %mul3A_225 = arith.constant 27.7128124 : f32
      %mul3A_226 = vector.broadcast %mul3A_225 : f32 to vector<16xf32>
      %mul3A_227 = arith.mulf %get3A_224, %mul3A_226 : vector<16xf32>
      %swap3A_228 = arith.index_cast %add3A_150 : i32 to index
      %swap3A_229 = arith.constant 96 : index
      %swap3A_230 = tpu.vector_load %arg7[%swap3A_228, %swap3A_229] {strides = array<i32>} : memref<64x768xf32, #tpu.memory_space<vmem>>, vector<1x16xf32>,
      %swap3A_231 = vector.shape_cast %swap3A_230 : vector<1x16xf32> to vector<16xf32>
      %swap3A_232 = vector.shape_cast %mul3A_227 : vector<16xf32> to vector<1x16xf32>
      tpu.vector_store %arg7[%swap3A_228, %swap3A_229], %swap3A_232 {strides = array<i32>} : memref<64x768xf32, #tpu.memory_space<vmem>>, vector<1x16xf32>,
      %get3A_233 = arith.index_cast %add3A_150 : i32 to index
      %get3A_234 = arith.constant 112 : index
      %get3A_235 = tpu.vector_load %arg7[%get3A_233, %get3A_234] {strides = array<i32>} : memref<64x768xf32, #tpu.memory_space<vmem>>, vector<1x16xf32>,
      %get3A_236 = vector.shape_cast %get3A_235 : vector<1x16xf32> to vector<16xf32>
      %mul3A_237 = arith.constant 27.7128124 : f32
      %mul3A_238 = vector.broadcast %mul3A_237 : f32 to vector<16xf32>
      %mul3A_239 = arith.mulf %get3A_236, %mul3A_238 : vector<16xf32>
      %swap3A_240 = arith.index_cast %add3A_150 : i32 to index
      %swap3A_241 = arith.constant 112 : index
      %swap3A_242 = tpu.vector_load %arg7[%swap3A_240, %swap3A_241] {strides = array<i32>} : memref<64x768xf32, #tpu.memory_space<vmem>>, vector<1x16xf32>,
      %swap3A_243 = vector.shape_cast %swap3A_242 : vector<1x16xf32> to vector<16xf32>
      %swap3A_244 = vector.shape_cast %mul3A_239 : vector<16xf32> to vector<1x16xf32>
      tpu.vector_store %arg7[%swap3A_240, %swap3A_241], %swap3A_244 {strides = array<i32>} : memref<64x768xf32, #tpu.memory_space<vmem>>, vector<1x16xf32>,
      %get3A_245 = arith.index_cast %add3A_150 : i32 to index
      %get3A_246 = arith.constant 128 : index
      %get3A_247 = tpu.vector_load %arg7[%get3A_245, %get3A_246] {strides = array<i32>} : memref<64x768xf32, #tpu.memory_space<vmem>>, vector<1x16xf32>,
      %get3A_248 = vector.shape_cast %get3A_247 : vector<1x16xf32> to vector<16xf32>
      %mul3A_249 = arith.constant 27.7128124 : f32
      %mul3A_250 = vector.broadcast %mul3A_249 : f32 to vector<16xf32>
      %mul3A_251 = arith.mulf %get3A_248, %mul3A_250 : vector<16xf32>
      %swap3A_252 = arith.index_cast %add3A_150 : i32 to index
      %swap3A_253 = arith.constant 128 : index
      %swap3A_254 = tpu.vector_load %arg7[%swap3A_252, %swap3A_253] {strides = array<i32>} : memref<64x768xf32, #tpu.memory_space<vmem>>, vector<1x16xf32>,
      %swap3A_255 = vector.shape_cast %swap3A_254 : vector<1x16xf32> to vector<16xf32>
      %swap3A_256 = vector.shape_cast %mul3A_251 : vector<16xf32> to vector<1x16xf32>
      tpu.vector_store %arg7[%swap3A_252, %swap3A_253], %swap3A_256 {strides = array<i32>} : memref<64x768xf32, #tpu.memory_space<vmem>>, vector<1x16xf32>,
      %get3A_257 = arith.index_cast %add3A_150 : i32 to index
      %get3A_258 = arith.constant 144 : index
      %get3A_259 = tpu.vector_load %arg7[%get3A_257, %get3A_258] {strides = array<i32>} : memref<64x768xf32, #tpu.memory_space<vmem>>, vector<1x16xf32>,
      %get3A_260 = vector.shape_cast %get3A_259 : vector<1x16xf32> to vector<16xf32>
      %mul3A_261 = arith.constant 27.7128124 : f32
      %mul3A_262 = vector.broadcast %mul3A_261 : f32 to vector<16xf32>
      %mul3A_263 = arith.mulf %get3A_260, %mul3A_262 : vector<16xf32>
      %swap3A_264 = arith.index_cast %add3A_150 : i32 to index
      %swap3A_265 = arith.constant 144 : index
      %swap3A_266 = tpu.vector_load %arg7[%swap3A_264, %swap3A_265] {strides = array<i32>} : memref<64x768xf32, #tpu.memory_space<vmem>>, vector<1x16xf32>,
      %swap3A_267 = vector.shape_cast %swap3A_266 : vector<1x16xf32> to vector<16xf32>
      %swap3A_268 = vector.shape_cast %mul3A_263 : vector<16xf32> to vector<1x16xf32>
      tpu.vector_store %arg7[%swap3A_264, %swap3A_265], %swap3A_268 {strides = array<i32>} : memref<64x768xf32, #tpu.memory_space<vmem>>, vector<1x16xf32>,
      %get3A_269 = arith.index_cast %add3A_150 : i32 to index
      %get3A_270 = arith.constant 160 : index
      %get3A_271 = tpu.vector_load %arg7[%get3A_269, %get3A_270] {strides = array<i32>} : memref<64x768xf32, #tpu.memory_space<vmem>>, vector<1x16xf32>,
      %get3A_272 = vector.shape_cast %get3A_271 : vector<1x16xf32> to vector<16xf32>
      %mul3A_273 = arith.constant 27.7128124 : f32
      %mul3A_274 = vector.broadcast %mul3A_273 : f32 to vector<16xf32>
      %mul3A_275 = arith.mulf %get3A_272, %mul3A_274 : vector<16xf32>
      %swap3A_276 = arith.index_cast %add3A_150 : i32 to index
      %swap3A_277 = arith.constant 160 : index
      %swap3A_278 = tpu.vector_load %arg7[%swap3A_276, %swap3A_277] {strides = array<i32>} : memref<64x768xf32, #tpu.memory_space<vmem>>, vector<1x16xf32>,
      %swap3A_279 = vector.shape_cast %swap3A_278 : vector<1x16xf32> to vector<16xf32>
      %swap3A_280 = vector.shape_cast %mul3A_275 : vector<16xf32> to vector<1x16xf32>
      tpu.vector_store %arg7[%swap3A_276, %swap3A_277], %swap3A_280 {strides = array<i32>} : memref<64x768xf32, #tpu.memory_space<vmem>>, vector<1x16xf32>,
      %get3A_281 = arith.index_cast %add3A_150 : i32 to index
      %get3A_282 = arith.constant 176 : index
      %get3A_283 = tpu.vector_load %arg7[%get3A_281, %get3A_282] {strides = array<i32>} : memref<64x768xf32, #tpu.memory_space<vmem>>, vector<1x16xf32>,
      %get3A_284 = vector.shape_cast %get3A_283 : vector<1x16xf32> to vector<16xf32>
      %mul3A_285 = arith.constant 27.7128124 : f32
      %mul3A_286 = vector.broadcast %mul3A_285 : f32 to vector<16xf32>
      %mul3A_287 = arith.mulf %get3A_284, %mul3A_286 : vector<16xf32>
      %swap3A_288 = arith.index_cast %add3A_150 : i32 to index
      %swap3A_289 = arith.constant 176 : index
      %swap3A_290 = tpu.vector_load %arg7[%swap3A_288, %swap3A_289] {strides = array<i32>} : memref<64x768xf32, #tpu.memory_space<vmem>>, vector<1x16xf32>,
      %swap3A_291 = vector.shape_cast %swap3A_290 : vector<1x16xf32> to vector<16xf32>
      %swap3A_292 = vector.shape_cast %mul3A_287 : vector<16xf32> to vector<1x16xf32>
      tpu.vector_store %arg7[%swap3A_288, %swap3A_289], %swap3A_292 {strides = array<i32>} : memref<64x768xf32, #tpu.memory_space<vmem>>, vector<1x16xf32>,
      %get3A_293 = arith.index_cast %add3A_150 : i32 to index
      %get3A_294 = arith.constant 192 : index
      %get3A_295 = tpu.vector_load %arg7[%get3A_293, %get3A_294] {strides = array<i32>} : memref<64x768xf32, #tpu.memory_space<vmem>>, vector<1x16xf32>,
      %get3A_296 = vector.shape_cast %get3A_295 : vector<1x16xf32> to vector<16xf32>
      %mul3A_297 = arith.constant 27.7128124 : f32
      %mul3A_298 = vector.broadcast %mul3A_297 : f32 to vector<16xf32>
      %mul3A_299 = arith.mulf %get3A_296, %mul3A_298 : vector<16xf32>
      %swap3A_300 = arith.index_cast %add3A_150 : i32 to index
      %swap3A_301 = arith.constant 192 : index
      %swap3A_302 = tpu.vector_load %arg7[%swap3A_300, %swap3A_301] {strides = array<i32>} : memref<64x768xf32, #tpu.memory_space<vmem>>, vector<1x16xf32>,
      %swap3A_303 = vector.shape_cast %swap3A_302 : vector<1x16xf32> to vector<16xf32>
      %swap3A_304 = vector.shape_cast %mul3A_299 : vector<16xf32> to vector<1x16xf32>
      tpu.vector_store %arg7[%swap3A_300, %swap3A_301], %swap3A_304 {strides = array<i32>} : memref<64x768xf32, #tpu.memory_space<vmem>>, vector<1x16xf32>,
      %get3A_305 = arith.index_cast %add3A_150 : i32 to index
      %get3A_306 = arith.constant 208 : index
      %get3A_307 = tpu.vector_load %arg7[%get3A_305, %get3A_306] {strides = array<i32>} : memref<64x768xf32, #tpu.memory_space<vmem>>, vector<1x16xf32>,
      %get3A_308 = vector.shape_cast %get3A_307 : vector<1x16xf32> to vector<16xf32>
      %mul3A_309 = arith.constant 27.7128124 : f32
      %mul3A_310 = vector.broadcast %mul3A_309 : f32 to vector<16xf32>
      %mul3A_311 = arith.mulf %get3A_308, %mul3A_310 : vector<16xf32>
      %swap3A_312 = arith.index_cast %add3A_150 : i32 to index
      %swap3A_313 = arith.constant 208 : index
      %swap3A_314 = tpu.vector_load %arg7[%swap3A_312, %swap3A_313] {strides = array<i32>} : memref<64x768xf32, #tpu.memory_space<vmem>>, vector<1x16xf32>,
      %swap3A_315 = vector.shape_cast %swap3A_314 : vector<1x16xf32> to vector<16xf32>
      %swap3A_316 = vector.shape_cast %mul3A_311 : vector<16xf32> to vector<1x16xf32>
      tpu.vector_store %arg7[%swap3A_312, %swap3A_313], %swap3A_316 {strides = array<i32>} : memref<64x768xf32, #tpu.memory_space<vmem>>, vector<1x16xf32>,
      %get3A_317 = arith.index_cast %add3A_150 : i32 to index
      %get3A_318 = arith.constant 224 : index
      %get3A_319 = tpu.vector_load %arg7[%get3A_317, %get3A_318] {strides = array<i32>} : memref<64x768xf32, #tpu.memory_space<vmem>>, vector<1x16xf32>,
      %get3A_320 = vector.shape_cast %get3A_319 : vector<1x16xf32> to vector<16xf32>
      %mul3A_321 = arith.constant 27.7128124 : f32
      %mul3A_322 = vector.broadcast %mul3A_321 : f32 to vector<16xf32>
      %mul3A_323 = arith.mulf %get3A_320, %mul3A_322 : vector<16xf32>
      %swap3A_324 = arith.index_cast %add3A_150 : i32 to index
      %swap3A_325 = arith.constant 224 : index
      %swap3A_326 = tpu.vector_load %arg7[%swap3A_324, %swap3A_325] {strides = array<i32>} : memref<64x768xf32, #tpu.memory_space<vmem>>, vector<1x16xf32>,
      %swap3A_327 = vector.shape_cast %swap3A_326 : vector<1x16xf32> to vector<16xf32>
      %swap3A_328 = vector.shape_cast %mul3A_323 : vector<16xf32> to vector<1x16xf32>
      tpu.vector_store %arg7[%swap3A_324, %swap3A_325], %swap3A_328 {strides = array<i32>} : memref<64x768xf32, #tpu.memory_space<vmem>>, vector<1x16xf32>,
      %get3A_329 = arith.index_cast %add3A_150 : i32 to index
      %get3A_330 = arith.constant 240 : index
      %get3A_331 = tpu.vector_load %arg7[%get3A_329, %get3A_330] {strides = array<i32>} : memref<64x768xf32, #tpu.memory_space<vmem>>, vector<1x16xf32>,
      %get3A_332 = vector.shape_cast %get3A_331 : vector<1x16xf32> to vector<16xf32>
      %mul3A_333 = arith.constant 27.7128124 : f32
      %mul3A_334 = vector.broadcast %mul3A_333 : f32 to vector<16xf32>
      %mul3A_335 = arith.mulf %get3A_332, %mul3A_334 : vector<16xf32>
      %swap3A_336 = arith.index_cast %add3A_150 : i32 to index
      %swap3A_337 = arith.constant 240 : index
      %swap3A_338 = tpu.vector_load %arg7[%swap3A_336, %swap3A_337] {strides = array<i32>} : memref<64x768xf32, #tpu.memory_space<vmem>>, vector<1x16xf32>,
      %swap3A_339 = vector.shape_cast %swap3A_338 : vector<1x16xf32> to vector<16xf32>
      %swap3A_340 = vector.shape_cast %mul3A_335 : vector<16xf32> to vector<1x16xf32>
      tpu.vector_store %arg7[%swap3A_336, %swap3A_337], %swap3A_340 {strides = array<i32>} : memref<64x768xf32, #tpu.memory_space<vmem>>, vector<1x16xf32>,
      %get3A_341 = arith.index_cast %add3A_150 : i32 to index
      %get3A_342 = arith.constant 256 : index
      %get3A_343 = tpu.vector_load %arg7[%get3A_341, %get3A_342] {strides = array<i32>} : memref<64x768xf32, #tpu.memory_space<vmem>>, vector<1x16xf32>,
      %get3A_344 = vector.shape_cast %get3A_343 : vector<1x16xf32> to vector<16xf32>
      %mul3A_345 = arith.constant 27.7128124 : f32
      %mul3A_346 = vector.broadcast %mul3A_345 : f32 to vector<16xf32>
      %mul3A_347 = arith.mulf %get3A_344, %mul3A_346 : vector<16xf32>
      %swap3A_348 = arith.index_cast %add3A_150 : i32 to index
      %swap3A_349 = arith.constant 256 : index
      %swap3A_350 = tpu.vector_load %arg7[%swap3A_348, %swap3A_349] {strides = array<i32>} : memref<64x768xf32, #tpu.memory_space<vmem>>, vector<1x16xf32>,
      %swap3A_351 = vector.shape_cast %swap3A_350 : vector<1x16xf32> to vector<16xf32>
      %swap3A_352 = vector.shape_cast %mul3A_347 : vector<16xf32> to vector<1x16xf32>
      tpu.vector_store %arg7[%swap3A_348, %swap3A_349], %swap3A_352 {strides = array<i32>} : memref<64x768xf32, #tpu.memory_space<vmem>>, vector<1x16xf32>,
      %get3A_353 = arith.index_cast %add3A_150 : i32 to index
      %get3A_354 = arith.constant 272 : index
      %get3A_355 = tpu.vector_load %arg7[%get3A_353, %get3A_354] {strides = array<i32>} : memref<64x768xf32, #tpu.memory_space<vmem>>, vector<1x16xf32>,
      %get3A_356 = vector.shape_cast %get3A_355 : vector<1x16xf32> to vector<16xf32>
      %mul3A_357 = arith.constant 27.7128124 : f32
      %mul3A_358 = vector.broadcast %mul3A_357 : f32 to vector<16xf32>
      %mul3A_359 = arith.mulf %get3A_356, %mul3A_358 : vector<16xf32>
      %swap3A_360 = arith.index_cast %add3A_150 : i32 to index
      %swap3A_361 = arith.constant 272 : index
      %swap3A_362 = tpu.vector_load %arg7[%swap3A_360, %swap3A_361] {strides = array<i32>} : memref<64x768xf32, #tpu.memory_space<vmem>>, vector<1x16xf32>,
      %swap3A_363 = vector.shape_cast %swap3A_362 : vector<1x16xf32> to vector<16xf32>
      %swap3A_364 = vector.shape_cast %mul3A_359 : vector<16xf32> to vector<1x16xf32>
      tpu.vector_store %arg7[%swap3A_360, %swap3A_361], %swap3A_364 {strides = array<i32>} : memref<64x768xf32, #tpu.memory_space<vmem>>, vector<1x16xf32>,
      %get3A_365 = arith.index_cast %add3A_150 : i32 to index
      %get3A_366 = arith.constant 288 : index
      %get3A_367 = tpu.vector_load %arg7[%get3A_365, %get3A_366] {strides = array<i32>} : memref<64x768xf32, #tpu.memory_space<vmem>>, vector<1x16xf32>,
      %get3A_368 = vector.shape_cast %get3A_367 : vector<1x16xf32> to vector<16xf32>
      %mul3A_369 = arith.constant 27.7128124 : f32
      %mul3A_370 = vector.broadcast %mul3A_369 : f32 to vector<16xf32>
      %mul3A_371 = arith.mulf %get3A_368, %mul3A_370 : vector<16xf32>
      %swap3A_372 = arith.index_cast %add3A_150 : i32 to index
      %swap3A_373 = arith.constant 288 : index
      %swap3A_374 = tpu.vector_load %arg7[%swap3A_372, %swap3A_373] {strides = array<i32>} : memref<64x768xf32, #tpu.memory_space<vmem>>, vector<1x16xf32>,
      %swap3A_375 = vector.shape_cast %swap3A_374 : vector<1x16xf32> to vector<16xf32>
      %swap3A_376 = vector.shape_cast %mul3A_371 : vector<16xf32> to vector<1x16xf32>
      tpu.vector_store %arg7[%swap3A_372, %swap3A_373], %swap3A_376 {strides = array<i32>} : memref<64x768xf32, #tpu.memory_space<vmem>>, vector<1x16xf32>,
      %get3A_377 = arith.index_cast %add3A_150 : i32 to index
      %get3A_378 = arith.constant 304 : index
      %get3A_379 = tpu.vector_load %arg7[%get3A_377, %get3A_378] {strides = array<i32>} : memref<64x768xf32, #tpu.memory_space<vmem>>, vector<1x16xf32>,
      %get3A_380 = vector.shape_cast %get3A_379 : vector<1x16xf32> to vector<16xf32>
      %mul3A_381 = arith.constant 27.7128124 : f32
      %mul3A_382 = vector.broadcast %mul3A_381 : f32 to vector<16xf32>
      %mul3A_383 = arith.mulf %get3A_380, %mul3A_382 : vector<16xf32>
      %swap3A_384 = arith.index_cast %add3A_150 : i32 to index
      %swap3A_385 = arith.constant 304 : index
      %swap3A_386 = tpu.vector_load %arg7[%swap3A_384, %swap3A_385] {strides = array<i32>} : memref<64x768xf32, #tpu.memory_space<vmem>>, vector<1x16xf32>,
      %swap3A_387 = vector.shape_cast %swap3A_386 : vector<1x16xf32> to vector<16xf32>
      %swap3A_388 = vector.shape_cast %mul3A_383 : vector<16xf32> to vector<1x16xf32>
      tpu.vector_store %arg7[%swap3A_384, %swap3A_385], %swap3A_388 {strides = array<i32>} : memref<64x768xf32, #tpu.memory_space<vmem>>, vector<1x16xf32>,
      %get3A_389 = arith.index_cast %add3A_150 : i32 to index
      %get3A_390 = arith.constant 320 : index
      %get3A_391 = tpu.vector_load %arg7[%get3A_389, %get3A_390] {strides = array<i32>} : memref<64x768xf32, #tpu.memory_space<vmem>>, vector<1x16xf32>,
      %get3A_392 = vector.shape_cast %get3A_391 : vector<1x16xf32> to vector<16xf32>
      %mul3A_393 = arith.constant 27.7128124 : f32
      %mul3A_394 = vector.broadcast %mul3A_393 : f32 to vector<16xf32>
      %mul3A_395 = arith.mulf %get3A_392, %mul3A_394 : vector<16xf32>
      %swap3A_396 = arith.index_cast %add3A_150 : i32 to index
      %swap3A_397 = arith.constant 320 : index
      %swap3A_398 = tpu.vector_load %arg7[%swap3A_396, %swap3A_397] {strides = array<i32>} : memref<64x768xf32, #tpu.memory_space<vmem>>, vector<1x16xf32>,
      %swap3A_399 = vector.shape_cast %swap3A_398 : vector<1x16xf32> to vector<16xf32>
      %swap3A_400 = vector.shape_cast %mul3A_395 : vector<16xf32> to vector<1x16xf32>
      tpu.vector_store %arg7[%swap3A_396, %swap3A_397], %swap3A_400 {strides = array<i32>} : memref<64x768xf32, #tpu.memory_space<vmem>>, vector<1x16xf32>,
      %get3A_401 = arith.index_cast %add3A_150 : i32 to index
      %get3A_402 = arith.constant 336 : index
      %get3A_403 = tpu.vector_load %arg7[%get3A_401, %get3A_402] {strides = array<i32>} : memref<64x768xf32, #tpu.memory_space<vmem>>, vector<1x16xf32>,
      %get3A_404 = vector.shape_cast %get3A_403 : vector<1x16xf32> to vector<16xf32>
      %mul3A_405 = arith.constant 27.7128124 : f32
      %mul3A_406 = vector.broadcast %mul3A_405 : f32 to vector<16xf32>
      %mul3A_407 = arith.mulf %get3A_404, %mul3A_406 : vector<16xf32>
      %swap3A_408 = arith.index_cast %add3A_150 : i32 to index
      %swap3A_409 = arith.constant 336 : index
      %swap3A_410 = tpu.vector_load %arg7[%swap3A_408, %swap3A_409] {strides = array<i32>} : memref<64x768xf32, #tpu.memory_space<vmem>>, vector<1x16xf32>,
      %swap3A_411 = vector.shape_cast %swap3A_410 : vector<1x16xf32> to vector<16xf32>
      %swap3A_412 = vector.shape_cast %mul3A_407 : vector<16xf32> to vector<1x16xf32>
      tpu.vector_store %arg7[%swap3A_408, %swap3A_409], %swap3A_412 {strides = array<i32>} : memref<64x768xf32, #tpu.memory_space<vmem>>, vector<1x16xf32>,
      %get3A_413 = arith.index_cast %add3A_150 : i32 to index
      %get3A_414 = arith.constant 352 : index
      %get3A_415 = tpu.vector_load %arg7[%get3A_413, %get3A_414] {strides = array<i32>} : memref<64x768xf32, #tpu.memory_space<vmem>>, vector<1x16xf32>,
      %get3A_416 = vector.shape_cast %get3A_415 : vector<1x16xf32> to vector<16xf32>
      %mul3A_417 = arith.constant 27.7128124 : f32
      %mul3A_418 = vector.broadcast %mul3A_417 : f32 to vector<16xf32>
      %mul3A_419 = arith.mulf %get3A_416, %mul3A_418 : vector<16xf32>
      %swap3A_420 = arith.index_cast %add3A_150 : i32 to index
      %swap3A_421 = arith.constant 352 : index
      %swap3A_422 = tpu.vector_load %arg7[%swap3A_420, %swap3A_421] {strides = array<i32>} : memref<64x768xf32, #tpu.memory_space<vmem>>, vector<1x16xf32>,
      %swap3A_423 = vector.shape_cast %swap3A_422 : vector<1x16xf32> to vector<16xf32>
      %swap3A_424 = vector.shape_cast %mul3A_419 : vector<16xf32> to vector<1x16xf32>
      tpu.vector_store %arg7[%swap3A_420, %swap3A_421], %swap3A_424 {strides = array<i32>} : memref<64x768xf32, #tpu.memory_space<vmem>>, vector<1x16xf32>,
      %get3A_425 = arith.index_cast %add3A_150 : i32 to index
      %get3A_426 = arith.constant 368 : index
      %get3A_427 = tpu.vector_load %arg7[%get3A_425, %get3A_426] {strides = array<i32>} : memref<64x768xf32, #tpu.memory_space<vmem>>, vector<1x16xf32>,
      %get3A_428 = vector.shape_cast %get3A_427 : vector<1x16xf32> to vector<16xf32>
      %mul3A_429 = arith.constant 27.7128124 : f32
      %mul3A_430 = vector.broadcast %mul3A_429 : f32 to vector<16xf32>
      %mul3A_431 = arith.mulf %get3A_428, %mul3A_430 : vector<16xf32>
      %swap3A_432 = arith.index_cast %add3A_150 : i32 to index
      %swap3A_433 = arith.constant 368 : index
      %swap3A_434 = tpu.vector_load %arg7[%swap3A_432, %swap3A_433] {strides = array<i32>} : memref<64x768xf32, #tpu.memory_space<vmem>>, vector<1x16xf32>,
      %swap3A_435 = vector.shape_cast %swap3A_434 : vector<1x16xf32> to vector<16xf32>
      %swap3A_436 = vector.shape_cast %mul3A_431 : vector<16xf32> to vector<1x16xf32>
      tpu.vector_store %arg7[%swap3A_432, %swap3A_433], %swap3A_436 {strides = array<i32>} : memref<64x768xf32, #tpu.memory_space<vmem>>, vector<1x16xf32>,
      %get3A_437 = arith.index_cast %add3A_150 : i32 to index
      %get3A_438 = arith.constant 384 : index
      %get3A_439 = tpu.vector_load %arg7[%get3A_437, %get3A_438] {strides = array<i32>} : memref<64x768xf32, #tpu.memory_space<vmem>>, vector<1x16xf32>,
      %get3A_440 = vector.shape_cast %get3A_439 : vector<1x16xf32> to vector<16xf32>
      %mul3A_441 = arith.constant 27.7128124 : f32
      %mul3A_442 = vector.broadcast %mul3A_441 : f32 to vector<16xf32>
      %mul3A_443 = arith.mulf %get3A_440, %mul3A_442 : vector<16xf32>
      %swap3A_444 = arith.index_cast %add3A_150 : i32 to index
      %swap3A_445 = arith.constant 384 : index
      %swap3A_446 = tpu.vector_load %arg7[%swap3A_444, %swap3A_445] {strides = array<i32>} : memref<64x768xf32, #tpu.memory_space<vmem>>, vector<1x16xf32>,
      %swap3A_447 = vector.shape_cast %swap3A_446 : vector<1x16xf32> to vector<16xf32>
      %swap3A_448 = vector.shape_cast %mul3A_443 : vector<16xf32> to vector<1x16xf32>
      tpu.vector_store %arg7[%swap3A_444, %swap3A_445], %swap3A_448 {strides = array<i32>} : memref<64x768xf32, #tpu.memory_space<vmem>>, vector<1x16xf32>,
      %get3A_449 = arith.index_cast %add3A_150 : i32 to index
      %get3A_450 = arith.constant 400 : index
      %get3A_451 = tpu.vector_load %arg7[%get3A_449, %get3A_450] {strides = array<i32>} : memref<64x768xf32, #tpu.memory_space<vmem>>, vector<1x16xf32>,
      %get3A_452 = vector.shape_cast %get3A_451 : vector<1x16xf32> to vector<16xf32>
      %mul3A_453 = arith.constant 27.7128124 : f32
      %mul3A_454 = vector.broadcast %mul3A_453 : f32 to vector<16xf32>
      %mul3A_455 = arith.mulf %get3A_452, %mul3A_454 : vector<16xf32>
      %swap3A_456 = arith.index_cast %add3A_150 : i32 to index
      %swap3A_457 = arith.constant 400 : index
      %swap3A_458 = tpu.vector_load %arg7[%swap3A_456, %swap3A_457] {strides = array<i32>} : memref<64x768xf32, #tpu.memory_space<vmem>>, vector<1x16xf32>,
      %swap3A_459 = vector.shape_cast %swap3A_458 : vector<1x16xf32> to vector<16xf32>
      %swap3A_460 = vector.shape_cast %mul3A_455 : vector<16xf32> to vector<1x16xf32>
      tpu.vector_store %arg7[%swap3A_456, %swap3A_457], %swap3A_460 {strides = array<i32>} : memref<64x768xf32, #tpu.memory_space<vmem>>, vector<1x16xf32>,
      %get3A_461 = arith.index_cast %add3A_150 : i32 to index
      %get3A_462 = arith.constant 416 : index
      %get3A_463 = tpu.vector_load %arg7[%get3A_461, %get3A_462] {strides = array<i32>} : memref<64x768xf32, #tpu.memory_space<vmem>>, vector<1x16xf32>,
      %get3A_464 = vector.shape_cast %get3A_463 : vector<1x16xf32> to vector<16xf32>
      %mul3A_465 = arith.constant 27.7128124 : f32
      %mul3A_466 = vector.broadcast %mul3A_465 : f32 to vector<16xf32>
      %mul3A_467 = arith.mulf %get3A_464, %mul3A_466 : vector<16xf32>
      %swap3A_468 = arith.index_cast %add3A_150 : i32 to index
      %swap3A_469 = arith.constant 416 : index
      %swap3A_470 = tpu.vector_load %arg7[%swap3A_468, %swap3A_469] {strides = array<i32>} : memref<64x768xf32, #tpu.memory_space<vmem>>, vector<1x16xf32>,
      %swap3A_471 = vector.shape_cast %swap3A_470 : vector<1x16xf32> to vector<16xf32>
      %swap3A_472 = vector.shape_cast %mul3A_467 : vector<16xf32> to vector<1x16xf32>
      tpu.vector_store %arg7[%swap3A_468, %swap3A_469], %swap3A_472 {strides = array<i32>} : memref<64x768xf32, #tpu.memory_space<vmem>>, vector<1x16xf32>,
      %get3A_473 = arith.index_cast %add3A_150 : i32 to index
      %get3A_474 = arith.constant 432 : index
      %get3A_475 = tpu.vector_load %arg7[%get3A_473, %get3A_474] {strides = array<i32>} : memref<64x768xf32, #tpu.memory_space<vmem>>, vector<1x16xf32>,
      %get3A_476 = vector.shape_cast %get3A_475 : vector<1x16xf32> to vector<16xf32>
      %mul3A_477 = arith.constant 27.7128124 : f32
      %mul3A_478 = vector.broadcast %mul3A_477 : f32 to vector<16xf32>
      %mul3A_479 = arith.mulf %get3A_476, %mul3A_478 : vector<16xf32>
      %swap3A_480 = arith.index_cast %add3A_150 : i32 to index
      %swap3A_481 = arith.constant 432 : index
      %swap3A_482 = tpu.vector_load %arg7[%swap3A_480, %swap3A_481] {strides = array<i32>} : memref<64x768xf32, #tpu.memory_space<vmem>>, vector<1x16xf32>,
      %swap3A_483 = vector.shape_cast %swap3A_482 : vector<1x16xf32> to vector<16xf32>
      %swap3A_484 = vector.shape_cast %mul3A_479 : vector<16xf32> to vector<1x16xf32>
      tpu.vector_store %arg7[%swap3A_480, %swap3A_481], %swap3A_484 {strides = array<i32>} : memref<64x768xf32, #tpu.memory_space<vmem>>, vector<1x16xf32>,
      %get3A_485 = arith.index_cast %add3A_150 : i32 to index
      %get3A_486 = arith.constant 448 : index
      %get3A_487 = tpu.vector_load %arg7[%get3A_485, %get3A_486] {strides = array<i32>} : memref<64x768xf32, #tpu.memory_space<vmem>>, vector<1x16xf32>,
      %get3A_488 = vector.shape_cast %get3A_487 : vector<1x16xf32> to vector<16xf32>
      %mul3A_489 = arith.constant 27.7128124 : f32
      %mul3A_490 = vector.broadcast %mul3A_489 : f32 to vector<16xf32>
      %mul3A_491 = arith.mulf %get3A_488, %mul3A_490 : vector<16xf32>
      %swap3A_492 = arith.index_cast %add3A_150 : i32 to index
      %swap3A_493 = arith.constant 448 : index
      %swap3A_494 = tpu.vector_load %arg7[%swap3A_492, %swap3A_493] {strides = array<i32>} : memref<64x768xf32, #tpu.memory_space<vmem>>, vector<1x16xf32>,
      %swap3A_495 = vector.shape_cast %swap3A_494 : vector<1x16xf32> to vector<16xf32>
      %swap3A_496 = vector.shape_cast %mul3A_491 : vector<16xf32> to vector<1x16xf32>
      tpu.vector_store %arg7[%swap3A_492, %swap3A_493], %swap3A_496 {strides = array<i32>} : memref<64x768xf32, #tpu.memory_space<vmem>>, vector<1x16xf32>,
      %get3A_497 = arith.index_cast %add3A_150 : i32 to index
      %get3A_498 = arith.constant 464 : index
      %get3A_499 = tpu.vector_load %arg7[%get3A_497, %get3A_498] {strides = array<i32>} : memref<64x768xf32, #tpu.memory_space<vmem>>, vector<1x16xf32>,
      %get3A_500 = vector.shape_cast %get3A_499 : vector<1x16xf32> to vector<16xf32>
      %mul3A_501 = arith.constant 27.7128124 : f32
      %mul3A_502 = vector.broadcast %mul3A_501 : f32 to vector<16xf32>
      %mul3A_503 = arith.mulf %get3A_500, %mul3A_502 : vector<16xf32>
      %swap3A_504 = arith.index_cast %add3A_150 : i32 to index
      %swap3A_505 = arith.constant 464 : index
      %swap3A_506 = tpu.vector_load %arg7[%swap3A_504, %swap3A_505] {strides = array<i32>} : memref<64x768xf32, #tpu.memory_space<vmem>>, vector<1x16xf32>,
      %swap3A_507 = vector.shape_cast %swap3A_506 : vector<1x16xf32> to vector<16xf32>
      %swap3A_508 = vector.shape_cast %mul3A_503 : vector<16xf32> to vector<1x16xf32>
      tpu.vector_store %arg7[%swap3A_504, %swap3A_505], %swap3A_508 {strides = array<i32>} : memref<64x768xf32, #tpu.memory_space<vmem>>, vector<1x16xf32>,
      %get3A_509 = arith.index_cast %add3A_150 : i32 to index
      %get3A_510 = arith.constant 480 : index
      %get3A_511 = tpu.vector_load %arg7[%get3A_509, %get3A_510] {strides = array<i32>} : memref<64x768xf32, #tpu.memory_space<vmem>>, vector<1x16xf32>,
      %get3A_512 = vector.shape_cast %get3A_511 : vector<1x16xf32> to vector<16xf32>
      %mul3A_513 = arith.constant 27.7128124 : f32
      %mul3A_514 = vector.broadcast %mul3A_513 : f32 to vector<16xf32>
      %mul3A_515 = arith.mulf %get3A_512, %mul3A_514 : vector<16xf32>
      %swap3A_516 = arith.index_cast %add3A_150 : i32 to index
      %swap3A_517 = arith.constant 480 : index
      %swap3A_518 = tpu.vector_load %arg7[%swap3A_516, %swap3A_517] {strides = array<i32>} : memref<64x768xf32, #tpu.memory_space<vmem>>, vector<1x16xf32>,
      %swap3A_519 = vector.shape_cast %swap3A_518 : vector<1x16xf32> to vector<16xf32>
      %swap3A_520 = vector.shape_cast %mul3A_515 : vector<16xf32> to vector<1x16xf32>
      tpu.vector_store %arg7[%swap3A_516, %swap3A_517], %swap3A_520 {strides = array<i32>} : memref<64x768xf32, #tpu.memory_space<vmem>>, vector<1x16xf32>,
      %get3A_521 = arith.index_cast %add3A_150 : i32 to index
      %get3A_522 = arith.constant 496 : index
      %get3A_523 = tpu.vector_load %arg7[%get3A_521, %get3A_522] {strides = array<i32>} : memref<64x768xf32, #tpu.memory_space<vmem>>, vector<1x16xf32>,
      %get3A_524 = vector.shape_cast %get3A_523 : vector<1x16xf32> to vector<16xf32>
      %mul3A_525 = arith.constant 27.7128124 : f32
      %mul3A_526 = vector.broadcast %mul3A_525 : f32 to vector<16xf32>
      %mul3A_527 = arith.mulf %get3A_524, %mul3A_526 : vector<16xf32>
      %swap3A_528 = arith.index_cast %add3A_150 : i32 to index
      %swap3A_529 = arith.constant 496 : index
      %swap3A_530 = tpu.vector_load %arg7[%swap3A_528, %swap3A_529] {strides = array<i32>} : memref<64x768xf32, #tpu.memory_space<vmem>>, vector<1x16xf32>,
      %swap3A_531 = vector.shape_cast %swap3A_530 : vector<1x16xf32> to vector<16xf32>
      %swap3A_532 = vector.shape_cast %mul3A_527 : vector<16xf32> to vector<1x16xf32>
      tpu.vector_store %arg7[%swap3A_528, %swap3A_529], %swap3A_532 {strides = array<i32>} : memref<64x768xf32, #tpu.memory_space<vmem>>, vector<1x16xf32>,
      %get3A_533 = arith.index_cast %add3A_150 : i32 to index
      %get3A_534 = arith.constant 512 : index
      %get3A_535 = tpu.vector_load %arg7[%get3A_533, %get3A_534] {strides = array<i32>} : memref<64x768xf32, #tpu.memory_space<vmem>>, vector<1x16xf32>,
      %get3A_536 = vector.shape_cast %get3A_535 : vector<1x16xf32> to vector<16xf32>
      %mul3A_537 = arith.constant 27.7128124 : f32
      %mul3A_538 = vector.broadcast %mul3A_537 : f32 to vector<16xf32>
      %mul3A_539 = arith.mulf %get3A_536, %mul3A_538 : vector<16xf32>
      %swap3A_540 = arith.index_cast %add3A_150 : i32 to index
      %swap3A_541 = arith.constant 512 : index
      %swap3A_542 = tpu.vector_load %arg7[%swap3A_540, %swap3A_541] {strides = array<i32>} : memref<64x768xf32, #tpu.memory_space<vmem>>, vector<1x16xf32>,
      %swap3A_543 = vector.shape_cast %swap3A_542 : vector<1x16xf32> to vector<16xf32>
      %swap3A_544 = vector.shape_cast %mul3A_539 : vector<16xf32> to vector<1x16xf32>
      tpu.vector_store %arg7[%swap3A_540, %swap3A_541], %swap3A_544 {strides = array<i32>} : memref<64x768xf32, #tpu.memory_space<vmem>>, vector<1x16xf32>,
      %get3A_545 = arith.index_cast %add3A_150 : i32 to index
      %get3A_546 = arith.constant 528 : index
      %get3A_547 = tpu.vector_load %arg7[%get3A_545, %get3A_546] {strides = array<i32>} : memref<64x768xf32, #tpu.memory_space<vmem>>, vector<1x16xf32>,
      %get3A_548 = vector.shape_cast %get3A_547 : vector<1x16xf32> to vector<16xf32>
      %mul3A_549 = arith.constant 27.7128124 : f32
      %mul3A_550 = vector.broadcast %mul3A_549 : f32 to vector<16xf32>
      %mul3A_551 = arith.mulf %get3A_548, %mul3A_550 : vector<16xf32>
      %swap3A_552 = arith.index_cast %add3A_150 : i32 to index
      %swap3A_553 = arith.constant 528 : index
      %swap3A_554 = tpu.vector_load %arg7[%swap3A_552, %swap3A_553] {strides = array<i32>} : memref<64x768xf32, #tpu.memory_space<vmem>>, vector<1x16xf32>,
      %swap3A_555 = vector.shape_cast %swap3A_554 : vector<1x16xf32> to vector<16xf32>
      %swap3A_556 = vector.shape_cast %mul3A_551 : vector<16xf32> to vector<1x16xf32>
      tpu.vector_store %arg7[%swap3A_552, %swap3A_553], %swap3A_556 {strides = array<i32>} : memref<64x768xf32, #tpu.memory_space<vmem>>, vector<1x16xf32>,
      %get3A_557 = arith.index_cast %add3A_150 : i32 to index
      %get3A_558 = arith.constant 544 : index
      %get3A_559 = tpu.vector_load %arg7[%get3A_557, %get3A_558] {strides = array<i32>} : memref<64x768xf32, #tpu.memory_space<vmem>>, vector<1x16xf32>,
      %get3A_560 = vector.shape_cast %get3A_559 : vector<1x16xf32> to vector<16xf32>
      %mul3A_561 = arith.constant 27.7128124 : f32
      %mul3A_562 = vector.broadcast %mul3A_561 : f32 to vector<16xf32>
      %mul3A_563 = arith.mulf %get3A_560, %mul3A_562 : vector<16xf32>
      %swap3A_564 = arith.index_cast %add3A_150 : i32 to index
      %swap3A_565 = arith.constant 544 : index
      %swap3A_566 = tpu.vector_load %arg7[%swap3A_564, %swap3A_565] {strides = array<i32>} : memref<64x768xf32, #tpu.memory_space<vmem>>, vector<1x16xf32>,
      %swap3A_567 = vector.shape_cast %swap3A_566 : vector<1x16xf32> to vector<16xf32>
      %swap3A_568 = vector.shape_cast %mul3A_563 : vector<16xf32> to vector<1x16xf32>
      tpu.vector_store %arg7[%swap3A_564, %swap3A_565], %swap3A_568 {strides = array<i32>} : memref<64x768xf32, #tpu.memory_space<vmem>>, vector<1x16xf32>,
      %get3A_569 = arith.index_cast %add3A_150 : i32 to index
      %get3A_570 = arith.constant 560 : index
      %get3A_571 = tpu.vector_load %arg7[%get3A_569, %get3A_570] {strides = array<i32>} : memref<64x768xf32, #tpu.memory_space<vmem>>, vector<1x16xf32>,
      %get3A_572 = vector.shape_cast %get3A_571 : vector<1x16xf32> to vector<16xf32>
      %mul3A_573 = arith.constant 27.7128124 : f32
      %mul3A_574 = vector.broadcast %mul3A_573 : f32 to vector<16xf32>
      %mul3A_575 = arith.mulf %get3A_572, %mul3A_574 : vector<16xf32>
      %swap3A_576 = arith.index_cast %add3A_150 : i32 to index
      %swap3A_577 = arith.constant 560 : index
      %swap3A_578 = tpu.vector_load %arg7[%swap3A_576, %swap3A_577] {strides = array<i32>} : memref<64x768xf32, #tpu.memory_space<vmem>>, vector<1x16xf32>,
      %swap3A_579 = vector.shape_cast %swap3A_578 : vector<1x16xf32> to vector<16xf32>
      %swap3A_580 = vector.shape_cast %mul3A_575 : vector<16xf32> to vector<1x16xf32>
      tpu.vector_store %arg7[%swap3A_576, %swap3A_577], %swap3A_580 {strides = array<i32>} : memref<64x768xf32, #tpu.memory_space<vmem>>, vector<1x16xf32>,
      %get3A_581 = arith.index_cast %add3A_150 : i32 to index
      %get3A_582 = arith.constant 576 : index
      %get3A_583 = tpu.vector_load %arg7[%get3A_581, %get3A_582] {strides = array<i32>} : memref<64x768xf32, #tpu.memory_space<vmem>>, vector<1x16xf32>,
      %get3A_584 = vector.shape_cast %get3A_583 : vector<1x16xf32> to vector<16xf32>
      %mul3A_585 = arith.constant 27.7128124 : f32
      %mul3A_586 = vector.broadcast %mul3A_585 : f32 to vector<16xf32>
      %mul3A_587 = arith.mulf %get3A_584, %mul3A_586 : vector<16xf32>
      %swap3A_588 = arith.index_cast %add3A_150 : i32 to index
      %swap3A_589 = arith.constant 576 : index
      %swap3A_590 = tpu.vector_load %arg7[%swap3A_588, %swap3A_589] {strides = array<i32>} : memref<64x768xf32, #tpu.memory_space<vmem>>, vector<1x16xf32>,
      %swap3A_591 = vector.shape_cast %swap3A_590 : vector<1x16xf32> to vector<16xf32>
      %swap3A_592 = vector.shape_cast %mul3A_587 : vector<16xf32> to vector<1x16xf32>
      tpu.vector_store %arg7[%swap3A_588, %swap3A_589], %swap3A_592 {strides = array<i32>} : memref<64x768xf32, #tpu.memory_space<vmem>>, vector<1x16xf32>,
      %get3A_593 = arith.index_cast %add3A_150 : i32 to index
      %get3A_594 = arith.constant 592 : index
      %get3A_595 = tpu.vector_load %arg7[%get3A_593, %get3A_594] {strides = array<i32>} : memref<64x768xf32, #tpu.memory_space<vmem>>, vector<1x16xf32>,
      %get3A_596 = vector.shape_cast %get3A_595 : vector<1x16xf32> to vector<16xf32>
      %mul3A_597 = arith.constant 27.7128124 : f32
      %mul3A_598 = vector.broadcast %mul3A_597 : f32 to vector<16xf32>
      %mul3A_599 = arith.mulf %get3A_596, %mul3A_598 : vector<16xf32>
      %swap3A_600 = arith.index_cast %add3A_150 : i32 to index
      %swap3A_601 = arith.constant 592 : index
      %swap3A_602 = tpu.vector_load %arg7[%swap3A_600, %swap3A_601] {strides = array<i32>} : memref<64x768xf32, #tpu.memory_space<vmem>>, vector<1x16xf32>,
      %swap3A_603 = vector.shape_cast %swap3A_602 : vector<1x16xf32> to vector<16xf32>
      %swap3A_604 = vector.shape_cast %mul3A_599 : vector<16xf32> to vector<1x16xf32>
      tpu.vector_store %arg7[%swap3A_600, %swap3A_601], %swap3A_604 {strides = array<i32>} : memref<64x768xf32, #tpu.memory_space<vmem>>, vector<1x16xf32>,
      %get3A_605 = arith.index_cast %add3A_150 : i32 to index
      %get3A_606 = arith.constant 608 : index
      %get3A_607 = tpu.vector_load %arg7[%get3A_605, %get3A_606] {strides = array<i32>} : memref<64x768xf32, #tpu.memory_space<vmem>>, vector<1x16xf32>,
      %get3A_608 = vector.shape_cast %get3A_607 : vector<1x16xf32> to vector<16xf32>
      %mul3A_609 = arith.constant 27.7128124 : f32
      %mul3A_610 = vector.broadcast %mul3A_609 : f32 to vector<16xf32>
      %mul3A_611 = arith.mulf %get3A_608, %mul3A_610 : vector<16xf32>
      %swap3A_612 = arith.index_cast %add3A_150 : i32 to index
      %swap3A_613 = arith.constant 608 : index
      %swap3A_614 = tpu.vector_load %arg7[%swap3A_612, %swap3A_613] {strides = array<i32>} : memref<64x768xf32, #tpu.memory_space<vmem>>, vector<1x16xf32>,
      %swap3A_615 = vector.shape_cast %swap3A_614 : vector<1x16xf32> to vector<16xf32>
      %swap3A_616 = vector.shape_cast %mul3A_611 : vector<16xf32> to vector<1x16xf32>
      tpu.vector_store %arg7[%swap3A_612, %swap3A_613], %swap3A_616 {strides = array<i32>} : memref<64x768xf32, #tpu.memory_space<vmem>>, vector<1x16xf32>,
      %get3A_617 = arith.index_cast %add3A_150 : i32 to index
      %get3A_618 = arith.constant 624 : index
      %get3A_619 = tpu.vector_load %arg7[%get3A_617, %get3A_618] {strides = array<i32>} : memref<64x768xf32, #tpu.memory_space<vmem>>, vector<1x16xf32>,
      %get3A_620 = vector.shape_cast %get3A_619 : vector<1x16xf32> to vector<16xf32>
      %mul3A_621 = arith.constant 27.7128124 : f32
      %mul3A_622 = vector.broadcast %mul3A_621 : f32 to vector<16xf32>
      %mul3A_623 = arith.mulf %get3A_620, %mul3A_622 : vector<16xf32>
      %swap3A_624 = arith.index_cast %add3A_150 : i32 to index
      %swap3A_625 = arith.constant 624 : index
      %swap3A_626 = tpu.vector_load %arg7[%swap3A_624, %swap3A_625] {strides = array<i32>} : memref<64x768xf32, #tpu.memory_space<vmem>>, vector<1x16xf32>,
      %swap3A_627 = vector.shape_cast %swap3A_626 : vector<1x16xf32> to vector<16xf32>
      %swap3A_628 = vector.shape_cast %mul3A_623 : vector<16xf32> to vector<1x16xf32>
      tpu.vector_store %arg7[%swap3A_624, %swap3A_625], %swap3A_628 {strides = array<i32>} : memref<64x768xf32, #tpu.memory_space<vmem>>, vector<1x16xf32>,
      %get3A_629 = arith.index_cast %add3A_150 : i32 to index
      %get3A_630 = arith.constant 640 : index
      %get3A_631 = tpu.vector_load %arg7[%get3A_629, %get3A_630] {strides = array<i32>} : memref<64x768xf32, #tpu.memory_space<vmem>>, vector<1x16xf32>,
      %get3A_632 = vector.shape_cast %get3A_631 : vector<1x16xf32> to vector<16xf32>
      %mul3A_633 = arith.constant 27.7128124 : f32
      %mul3A_634 = vector.broadcast %mul3A_633 : f32 to vector<16xf32>
      %mul3A_635 = arith.mulf %get3A_632, %mul3A_634 : vector<16xf32>
      %swap3A_636 = arith.index_cast %add3A_150 : i32 to index
      %swap3A_637 = arith.constant 640 : index
      %swap3A_638 = tpu.vector_load %arg7[%swap3A_636, %swap3A_637] {strides = array<i32>} : memref<64x768xf32, #tpu.memory_space<vmem>>, vector<1x16xf32>,
      %swap3A_639 = vector.shape_cast %swap3A_638 : vector<1x16xf32> to vector<16xf32>
      %swap3A_640 = vector.shape_cast %mul3A_635 : vector<16xf32> to vector<1x16xf32>
      tpu.vector_store %arg7[%swap3A_636, %swap3A_637], %swap3A_640 {strides = array<i32>} : memref<64x768xf32, #tpu.memory_space<vmem>>, vector<1x16xf32>,
      %get3A_641 = arith.index_cast %add3A_150 : i32 to index
      %get3A_642 = arith.constant 656 : index
      %get3A_643 = tpu.vector_load %arg7[%get3A_641, %get3A_642] {strides = array<i32>} : memref<64x768xf32, #tpu.memory_space<vmem>>, vector<1x16xf32>,
      %get3A_644 = vector.shape_cast %get3A_643 : vector<1x16xf32> to vector<16xf32>
      %mul3A_645 = arith.constant 27.7128124 : f32
      %mul3A_646 = vector.broadcast %mul3A_645 : f32 to vector<16xf32>
      %mul3A_647 = arith.mulf %get3A_644, %mul3A_646 : vector<16xf32>
      %swap3A_648 = arith.index_cast %add3A_150 : i32 to index
      %swap3A_649 = arith.constant 656 : index
      %swap3A_650 = tpu.vector_load %arg7[%swap3A_648, %swap3A_649] {strides = array<i32>} : memref<64x768xf32, #tpu.memory_space<vmem>>, vector<1x16xf32>,
      %swap3A_651 = vector.shape_cast %swap3A_650 : vector<1x16xf32> to vector<16xf32>
      %swap3A_652 = vector.shape_cast %mul3A_647 : vector<16xf32> to vector<1x16xf32>
      tpu.vector_store %arg7[%swap3A_648, %swap3A_649], %swap3A_652 {strides = array<i32>} : memref<64x768xf32, #tpu.memory_space<vmem>>, vector<1x16xf32>,
      %get3A_653 = arith.index_cast %add3A_150 : i32 to index
      %get3A_654 = arith.constant 672 : index
      %get3A_655 = tpu.vector_load %arg7[%get3A_653, %get3A_654] {strides = array<i32>} : memref<64x768xf32, #tpu.memory_space<vmem>>, vector<1x16xf32>,
      %get3A_656 = vector.shape_cast %get3A_655 : vector<1x16xf32> to vector<16xf32>
      %mul3A_657 = arith.constant 27.7128124 : f32
      %mul3A_658 = vector.broadcast %mul3A_657 : f32 to vector<16xf32>
      %mul3A_659 = arith.mulf %get3A_656, %mul3A_658 : vector<16xf32>
      %swap3A_660 = arith.index_cast %add3A_150 : i32 to index
      %swap3A_661 = arith.constant 672 : index
      %swap3A_662 = tpu.vector_load %arg7[%swap3A_660, %swap3A_661] {strides = array<i32>} : memref<64x768xf32, #tpu.memory_space<vmem>>, vector<1x16xf32>,
      %swap3A_663 = vector.shape_cast %swap3A_662 : vector<1x16xf32> to vector<16xf32>
      %swap3A_664 = vector.shape_cast %mul3A_659 : vector<16xf32> to vector<1x16xf32>
      tpu.vector_store %arg7[%swap3A_660, %swap3A_661], %swap3A_664 {strides = array<i32>} : memref<64x768xf32, #tpu.memory_space<vmem>>, vector<1x16xf32>,
      %get3A_665 = arith.index_cast %add3A_150 : i32 to index
      %get3A_666 = arith.constant 688 : index
      %get3A_667 = tpu.vector_load %arg7[%get3A_665, %get3A_666] {strides = array<i32>} : memref<64x768xf32, #tpu.memory_space<vmem>>, vector<1x16xf32>,
      %get3A_668 = vector.shape_cast %get3A_667 : vector<1x16xf32> to vector<16xf32>
      %mul3A_669 = arith.constant 27.7128124 : f32
      %mul3A_670 = vector.broadcast %mul3A_669 : f32 to vector<16xf32>
      %mul3A_671 = arith.mulf %get3A_668, %mul3A_670 : vector<16xf32>
      %swap3A_672 = arith.index_cast %add3A_150 : i32 to index
      %swap3A_673 = arith.constant 688 : index
      %swap3A_674 = tpu.vector_load %arg7[%swap3A_672, %swap3A_673] {strides = array<i32>} : memref<64x768xf32, #tpu.memory_space<vmem>>, vector<1x16xf32>,
      %swap3A_675 = vector.shape_cast %swap3A_674 : vector<1x16xf32> to vector<16xf32>
      %swap3A_676 = vector.shape_cast %mul3A_671 : vector<16xf32> to vector<1x16xf32>
      tpu.vector_store %arg7[%swap3A_672, %swap3A_673], %swap3A_676 {strides = array<i32>} : memref<64x768xf32, #tpu.memory_space<vmem>>, vector<1x16xf32>,
      %get3A_677 = arith.index_cast %add3A_150 : i32 to index
      %get3A_678 = arith.constant 704 : index
      %get3A_679 = tpu.vector_load %arg7[%get3A_677, %get3A_678] {strides = array<i32>} : memref<64x768xf32, #tpu.memory_space<vmem>>, vector<1x16xf32>,
      %get3A_680 = vector.shape_cast %get3A_679 : vector<1x16xf32> to vector<16xf32>
      %mul3A_681 = arith.constant 27.7128124 : f32
      %mul3A_682 = vector.broadcast %mul3A_681 : f32 to vector<16xf32>
      %mul3A_683 = arith.mulf %get3A_680, %mul3A_682 : vector<16xf32>
      %swap3A_684 = arith.index_cast %add3A_150 : i32 to index
      %swap3A_685 = arith.constant 704 : index
      %swap3A_686 = tpu.vector_load %arg7[%swap3A_684, %swap3A_685] {strides = array<i32>} : memref<64x768xf32, #tpu.memory_space<vmem>>, vector<1x16xf32>,
      %swap3A_687 = vector.shape_cast %swap3A_686 : vector<1x16xf32> to vector<16xf32>
      %swap3A_688 = vector.shape_cast %mul3A_683 : vector<16xf32> to vector<1x16xf32>
      tpu.vector_store %arg7[%swap3A_684, %swap3A_685], %swap3A_688 {strides = array<i32>} : memref<64x768xf32, #tpu.memory_space<vmem>>, vector<1x16xf32>,
      %get3A_689 = arith.index_cast %add3A_150 : i32 to index
      %get3A_690 = arith.constant 720 : index
      %get3A_691 = tpu.vector_load %arg7[%get3A_689, %get3A_690] {strides = array<i32>} : memref<64x768xf32, #tpu.memory_space<vmem>>, vector<1x16xf32>,
      %get3A_692 = vector.shape_cast %get3A_691 : vector<1x16xf32> to vector<16xf32>
      %mul3A_693 = arith.constant 27.7128124 : f32
      %mul3A_694 = vector.broadcast %mul3A_693 : f32 to vector<16xf32>
      %mul3A_695 = arith.mulf %get3A_692, %mul3A_694 : vector<16xf32>
      %swap3A_696 = arith.index_cast %add3A_150 : i32 to index
      %swap3A_697 = arith.constant 720 : index
      %swap3A_698 = tpu.vector_load %arg7[%swap3A_696, %swap3A_697] {strides = array<i32>} : memref<64x768xf32, #tpu.memory_space<vmem>>, vector<1x16xf32>,
      %swap3A_699 = vector.shape_cast %swap3A_698 : vector<1x16xf32> to vector<16xf32>
      %swap3A_700 = vector.shape_cast %mul3A_695 : vector<16xf32> to vector<1x16xf32>
      tpu.vector_store %arg7[%swap3A_696, %swap3A_697], %swap3A_700 {strides = array<i32>} : memref<64x768xf32, #tpu.memory_space<vmem>>, vector<1x16xf32>,
      %get3A_701 = arith.index_cast %add3A_150 : i32 to index
      %get3A_702 = arith.constant 736 : index
      %get3A_703 = tpu.vector_load %arg7[%get3A_701, %get3A_702] {strides = array<i32>} : memref<64x768xf32, #tpu.memory_space<vmem>>, vector<1x16xf32>,
      %get3A_704 = vector.shape_cast %get3A_703 : vector<1x16xf32> to vector<16xf32>
      %mul3A_705 = arith.constant 27.7128124 : f32
      %mul3A_706 = vector.broadcast %mul3A_705 : f32 to vector<16xf32>
      %mul3A_707 = arith.mulf %get3A_704, %mul3A_706 : vector<16xf32>
      %swap3A_708 = arith.index_cast %add3A_150 : i32 to index
      %swap3A_709 = arith.constant 736 : index
      %swap3A_710 = tpu.vector_load %arg7[%swap3A_708, %swap3A_709] {strides = array<i32>} : memref<64x768xf32, #tpu.memory_space<vmem>>, vector<1x16xf32>,
      %swap3A_711 = vector.shape_cast %swap3A_710 : vector<1x16xf32> to vector<16xf32>
      %swap3A_712 = vector.shape_cast %mul3A_707 : vector<16xf32> to vector<1x16xf32>
      tpu.vector_store %arg7[%swap3A_708, %swap3A_709], %swap3A_712 {strides = array<i32>} : memref<64x768xf32, #tpu.memory_space<vmem>>, vector<1x16xf32>,
      %get3A_713 = arith.index_cast %add3A_150 : i32 to index
      %get3A_714 = arith.constant 752 : index
      %get3A_715 = tpu.vector_load %arg7[%get3A_713, %get3A_714] {strides = array<i32>} : memref<64x768xf32, #tpu.memory_space<vmem>>, vector<1x16xf32>,
      %get3A_716 = vector.shape_cast %get3A_715 : vector<1x16xf32> to vector<16xf32>
      %mul3A_717 = arith.constant 27.7128124 : f32
      %mul3A_718 = vector.broadcast %mul3A_717 : f32 to vector<16xf32>
      %mul3A_719 = arith.mulf %get3A_716, %mul3A_718 : vector<16xf32>
      %swap3A_720 = arith.index_cast %add3A_150 : i32 to index
      %swap3A_721 = arith.constant 752 : index
      %swap3A_722 = tpu.vector_load %arg7[%swap3A_720, %swap3A_721] {strides = array<i32>} : memref<64x768xf32, #tpu.memory_space<vmem>>, vector<1x16xf32>,
      %swap3A_723 = vector.shape_cast %swap3A_722 : vector<1x16xf32> to vector<16xf32>
      %swap3A_724 = vector.shape_cast %mul3A_719 : vector<16xf32> to vector<1x16xf32>
      tpu.vector_store %arg7[%swap3A_720, %swap3A_721], %swap3A_724 {strides = array<i32>} : memref<64x768xf32, #tpu.memory_space<vmem>>, vector<1x16xf32>,
    }
    %scan3A_125 = arith.constant 64 : i32
    %add3A_126 = arith.constant 192 : i32
    %add3A_127 = arith.addi %mul3A_32, %add3A_126 : i32
    %dma_start3A_128 = arith.constant 0 : i32
    %dma_start3A_129 = tpu.memref_slice %arg4[%select_n3A, %add3A_127, %dma_start3A_128] : memref<4x2048x768xf32, #tpu.memory_space<hbm>> -> memref<1x64x768xf32, #tpu.memory_space<hbm>>
    %dma_start3A_130 = tpu.memref_squeeze %dma_start3A_129 : memref<1x64x768xf32, #tpu.memory_space<hbm>> -> memref<64x768xf32, #tpu.memory_space<hbm>>
    %dma_start3A_131 = arith.constant 0 : i32
    %dma_start3A_132 = tpu.memref_slice %arg4[%select_n3A, %add3A_127, %dma_start3A_131] : memref<4x2048x768xf32, #tpu.memory_space<hbm>> -> memref<1x64x768xf32, #tpu.memory_space<hbm>>
    %dma_start3A_133 = tpu.memref_squeeze %dma_start3A_132 : memref<1x64x768xf32, #tpu.memory_space<hbm>> -> memref<64x768xf32, #tpu.memory_space<hbm>>
    tpu.enqueue_dma source(%arg7 : memref<64x768xf32, #tpu.memory_space<vmem>>) target(%dma_start3A_133 : memref<64x768xf32, #tpu.memory_space<hbm>>) target_semaphore(%arg11 : memref<!tpu.dma_semaphore, #tpu.memory_space<semaphore_mem>>)
    %dma_wait3A_134 = arith.constant 0 : i32
    %dma_wait3A_135 = tpu.memref_slice %arg4[%select_n3A, %add3A_109, %dma_wait3A_134] : memref<4x2048x768xf32, #tpu.memory_space<hbm>> -> memref<1x64x768xf32, #tpu.memory_space<hbm>>
    %dma_wait3A_136 = tpu.memref_squeeze %dma_wait3A_135 : memref<1x64x768xf32, #tpu.memory_space<hbm>> -> memref<64x768xf32, #tpu.memory_space<hbm>>
    %dma_wait3A_137 = arith.constant 0 : i32
    %dma_wait3A_138 = tpu.memref_slice %arg4[%select_n3A, %add3A_109, %dma_wait3A_137] : memref<4x2048x768xf32, #tpu.memory_space<hbm>> -> memref<1x64x768xf32, #tpu.memory_space<hbm>>
    %dma_wait3A_139 = tpu.memref_squeeze %dma_wait3A_138 : memref<1x64x768xf32, #tpu.memory_space<hbm>> -> memref<64x768xf32, #tpu.memory_space<hbm>>
    tpu.wait_dma2 semaphore(%arg10 : memref<!tpu.dma_semaphore, #tpu.memory_space<semaphore_mem>>) src(%arg6 : memref<64x768xf32, #tpu.memory_space<vmem>>) dst(%dma_wait3A_139 : memref<64x768xf32, #tpu.memory_space<hbm>>)
    %dma_wait3A_140 = arith.constant 0 : i32
    %dma_wait3A_141 = tpu.memref_slice %arg4[%select_n3A, %add3A_127, %dma_wait3A_140] : memref<4x2048x768xf32, #tpu.memory_space<hbm>> -> memref<1x64x768xf32, #tpu.memory_space<hbm>>
    %dma_wait3A_142 = tpu.memref_squeeze %dma_wait3A_141 : memref<1x64x768xf32, #tpu.memory_space<hbm>> -> memref<64x768xf32, #tpu.memory_space<hbm>>
    %dma_wait3A_143 = arith.constant 0 : i32
    %dma_wait3A_144 = tpu.memref_slice %arg4[%select_n3A, %add3A_127, %dma_wait3A_143] : memref<4x2048x768xf32, #tpu.memory_space<hbm>> -> memref<1x64x768xf32, #tpu.memory_space<hbm>>
    %dma_wait3A_145 = tpu.memref_squeeze %dma_wait3A_144 : memref<1x64x768xf32, #tpu.memory_space<hbm>> -> memref<64x768xf32, #tpu.memory_space<hbm>>
    tpu.wait_dma2 semaphore(%arg11 : memref<!tpu.dma_semaphore, #tpu.memory_space<semaphore_mem>>) src(%arg7 : memref<64x768xf32, #tpu.memory_space<vmem>>) dst(%dma_wait3A_145 : memref<64x768xf32, #tpu.memory_space<hbm>>)
    return
  }
}

</mosaic_0001>

<sc_bundles>
// kernel: wrapper.3.cloned.1.call-start
scs
__scs_entry_jumppad:
0x0: {  	(pc) =	sbr.rel $0x88, $3  }
0x1: {  	(tag) =	ssettag $0x0;
	lr =	simm.s32 $0x1  }
0x2: {  	[smem:$0x3F9F] =	sst lr;
	_ =	strace $0xD0000000  }
0x3: {  	_ = 	snop  }
0x4: {  	_ = 	snop  }
0x5: {  	_ = 	snop  }
0x6: {  	_ = 	snop  }
0x7: {  	_ = 	snop  }
__scs_overlays_trampoline_lowered:
0x8: {  	[smem:$0x3FAE] =	sst s0  }
0x9: {  	[smem:$0x3FAF] =	sst s1  }
0xa: {  	[smem:$0x3FB0] =	sst s2  }
0xb: {  	[smem:$0x3FB1] =	sst s3  }
0xc: {  	[smem:$0x3FB2] =	sst s4  }
0xd: {  	[smem:$0x3FB3] =	sst s5  }
0xe: {  	[smem:$0x3FB4] =	sst s6  }
0xf: {  	[smem:$0x3FB5] =	sst s7  }
0x10: {  	[smem:$0x3FB6] =	sst s8  }
0x11: {  	[smem:$0x3FB7] =	sst s9;
	s0 =	simm.s32 @!p0 $0x0  }
0x12: {  	s1 =	sld [smem:$0x3F9D];
	s0 =	simm.s32 @p0 $0x1  }
0x13: {  	[smem:$0x3FB8] =	sst s0;
	s0 =	simm.s32 @!p1 $0x0  }
0x14: {  	s2 =	sld [smem:$0x3F9C];
	s0 =	simm.s32 @p1 $0x1  }
0x15: {  	[smem:$0x3FB9] =	sst s0;
	s0 =	simm.s32 @!p2 $0x0  }
0x16: {  	s3 =	sld [smem:$0x3FDB];
	s0 =	simm.s32 @p2 $0x1  }
0x17: {  	s4 =	simm.s32 $0x1BF5;
	[smem:$0x3FBB] =	sst s0  }
0x18: {  	s0 =	sld [smem:$0x3F9E];
	_ =	swait.ge [sflag:s4], $0x0  }
0x19: {  	s7 =	sld [smem:$0x3F9F]  }
0x1a: {  	s8 =	sadd.s32 $0xFFFFE003, lr  }
0x1b: {  	s9 =	sadd.s32 $0xFFFFFEF7, lr;
	s5 =	simm.s32 $0xFFFFFFFF;
	p2 =	slt.u32 s8, $0xFFFFF086  }
0x1c: {  	p1 =	slt.u32 s9, $0xF7A;
	s5 =	simm.s32 @!p2 $0x0  }
0x1d: {  	s5 =	simm.s32 @p1 $0x1;
	p0 =	seq.s32 s7, s2  }
0x1e: {  	s7 =	smul.u32 @!p0 $0xF7A, s2;
	p2 =	seq.s32 @!p0 s5, $0x0  }
0x1f: {  	s9 =	smul.u32 $0xF7A, s1;
	s8 =	simm.s32 @!p0 $0x1BF5;
	p2 =	por !p2, p0  }
0x20: {  	[sflag:s8] =	ssyncset.s32 @!p0 $0xFFFFF086;
	s6 =	sadd.s32 @!p0 s3, s7;
	s7 =	simm.s32 @!p0 $0x108  }
0x21: {  	s3 =	sadd.s32 s3, s9;
	s6 =	sadd.s32 @!p0 $0x88, s6;
	s7 =	simm.s32 @p2 $0x1082  }
0x22: {  	[simem:s7], [sflag:s8] =	dma.local @!p0 [hbm:s6], $0xF7A  }
0x23: {  	s9 =	sor.u32 $0xD0000000, s2;
	s6 =	simm.s32 $0x108;
	_ =	swait.ge @!p0 [sflag:s8], $0x0  }
0x24: {  	s3 =	sadd.s32 $0x88, s3;
	s6 =	simm.s32 @!p1 $0x1082;
	[sflag:s4] =	ssyncset.s32 $0xFFFFF086  }
0x25: {  	[simem:s6], [sflag:s4] =	dma.local [hbm:s3], $0xF7A  }
0x26: {  	[smem:$0x3F9F] =	sst s1;
	(tag) =	ssettag s2;
	_ =	strace s9  }
0x27: {  	s1 =	sld [smem:$0x3FAF]  }
0x28: {  	s2 =	sld [smem:$0x3FB0]  }
0x29: {  	s4 =	sld [smem:$0x3FB2]  }
0x2a: {  	p0 =	seq.s32 s5, $0x0;
	s5 =	sld [smem:$0x3FB3]  }
0x2b: {  	s6 =	sld [smem:$0x3FB4]  }
0x2c: {  	s7 =	sld [smem:$0x3FB5]  }
0x2d: {  	s3 =	simm.s32 $0x108;
	s8 =	sld [smem:$0x3FB6]  }
0x2e: {  	s3 =	simm.s32 @!p0 $0x1082;
	s9 =	sld [smem:$0x3FB7]  }
0x2f: {  	lr =	sadd.s32 s0, s3;
	s0 =	sld [smem:$0x3FAE]  }
0x30: {  	s3 =	sld [smem:$0x3FB1]  }
0x31: {  	[smem:$0x3FBA] =	sst s10  }
0x32: {  	s10 =	sld [smem:$0x3FB8];
	_ =	sdelay $0x3  }
0x33: {  	p0 =	seq.s32 s10, $0x1;
	s10 =	sld [smem:$0x3FBA];
	_ =	sdelay $0x3  }
0x34: {  	[smem:$0x3FBA] =	sst s10  }
0x35: {  	s10 =	sld [smem:$0x3FB9];
	_ =	sdelay $0x3  }
0x36: {  	p1 =	seq.s32 s10, $0x1;
	s10 =	sld [smem:$0x3FBA];
	_ =	sdelay $0x3  }
0x37: {  	[smem:$0x3FBA] =	sst s10  }
0x38: {  	s10 =	sld [smem:$0x3FBB]  }
0x39: {  	_ = 	snop;
	(pc) =	sbr.ind lr, $3  }
0x3a: {  	_ = 	snop  }
0x3b: {  	_ = 	snop  }
0x3c: {  	p2 =	seq.s32 s10, $0x1;
	s10 =	sld [smem:$0x3FBA]  }
0x3d: {  	_ =	shalt  }
0x3e: {  	_ =	shalt  }
0x3f: {  	_ =	shalt  }
0x40: {  	_ =	shalt  }
0x41: {  	_ =	shalt  }
0x42: {  	_ =	shalt  }
0x43: {  	_ =	shalt  }
0x44: {  	_ =	shalt  }
0x45: {  	_ =	shalt  }
0x46: {  	_ =	shalt  }
0x47: {  	_ =	shalt  }
0x48: {  	_ =	shalt  }
0x49: {  	_ =	shalt  }
0x4a: {  	_ =	shalt  }
0x4b: {  	_ =	shalt  }
0x4c: {  	_ =	shalt  }
0x4d: {  	_ =	shalt  }
0x4e: {  	_ =	shalt  }
0x4f: {  	_ =	shalt  }
0x50: {  	_ =	shalt  }
0x51: {  	_ =	shalt  }
0x52: {  	_ =	shalt  }
0x53: {  	_ =	shalt  }
0x54: {  	_ =	shalt  }
0x55: {  	_ =	shalt  }
0x56: {  	_ =	shalt  }
0x57: {  	_ =	shalt  }
0x58: {  	_ =	shalt  }
0x59: {  	_ =	shalt  }
0x5a: {  	_ =	shalt  }
0x5b: {  	_ =	shalt  }
0x5c: {  	_ =	shalt  }
0x5d: {  	_ =	shalt  }
0x5e: {  	_ =	shalt  }
0x5f: {  	_ =	shalt  }
0x60: {  	_ =	shalt  }
0x61: {  	_ =	shalt  }
0x62: {  	_ =	shalt  }
0x63: {  	_ =	shalt  }
0x64: {  	_ =	shalt  }
0x65: {  	_ =	shalt  }
0x66: {  	_ =	shalt  }
0x67: {  	_ =	shalt  }
0x68: {  	_ =	shalt  }
0x69: {  	_ =	shalt  }
0x6a: {  	_ =	shalt  }
0x6b: {  	_ =	shalt  }
0x6c: {  	_ =	shalt  }
0x6d: {  	_ =	shalt  }
0x6e: {  	_ =	shalt  }
0x6f: {  	_ =	shalt  }
0x70: {  	_ =	shalt  }
0x71: {  	_ =	shalt  }
0x72: {  	_ =	shalt  }
0x73: {  	_ =	shalt  }
0x74: {  	_ =	shalt  }
0x75: {  	_ =	shalt  }
0x76: {  	_ =	shalt  }
0x77: {  	_ =	shalt  }
0x78: {  	_ =	shalt  }
0x79: {  	_ =	shalt  }
0x7a: {  	_ =	shalt  }
0x7b: {  	_ =	shalt  }
0x7c: {  	_ =	shalt  }
0x7d: {  	_ =	shalt  }
0x7e: {  	_ =	shalt  }
0x7f: {  	_ =	shalt  }
0x80: {  	_ =	shalt  }
0x81: {  	_ =	shalt  }
0x82: {  	_ =	shalt  }
0x83: {  	_ =	shalt  }
0x84: {  	_ =	shalt  }
0x85: {  	_ =	shalt  }
0x86: {  	_ =	shalt  }
0x87: {  	_ =	shalt  }
.Lfunc_end0:
.L_simem_size_0:
called_computation_lowered:
.L_overlay_start_0:
0x88: {  	s2 =	sld [smem:$0x3FD9]  }
0x89: {  	s3 =	sld [smem:$0x3FFE];
	_ =	sdelay $0x1  }
0x8a: {  	s1 =	srdreg.scid  }
0x8b: {  	s0 =	sand.u32 $0x1, s1  }
0x8c: {  	s18 =	sshll.u32 s0, $0xA;
	s2 =	sadd.s32 s3, s2  }
0x8d: {  	s2 =	sadd.s32 s2, s18  }
0x8e: {  	[smem:$0x3FC6] =	sst s2  }
0x8f: {  	_ = 	snop  }
0x90: {  	s2 =	sld [smem:$0x3FC9]  }
0x91: {  	s19 =	sld [smem:$0x3FC8]  }
0x92: {  	s4 =	sld [smem:$0x3FD0];
	(tm) =	ssettm $0x1  }
0x93: {  	s5 =	sld [smem:$0x3FFB];
	_ =	sdelay $0x3  }
0x94: {  	_ =	strace s5  }
0x95: {  	s5 =	sld [smem:$0x3FFC];
	_ =	sdelay $0x3  }
0x96: {  	_ =	strace s5  }
0x97: {  	s5 =	sld [smem:$0x3FFD];
	_ =	sdelay $0x3  }
0x98: {  	_ =	strace s5  }
0x99: {  	_ =	strace $0x8FFFFFFF  }
0x9a: {  	s20 =	sld [smem:$0x3FDB];
	_ =	sdelay $0x1  }
0x9b: {  	s6 =	simm.s32 $_scs_section_size  }
0x9c: {  	s7 =	simm.s32 $_size__tile_overlayer_lowered;
	s8 =	simm.s32 $_tile_overlayer_lowered  }
0x9d: {  	s23 =	simm.s32 $0x1BFF;
	s22 =	sshll.u32 s8, $0x1;
	s5 =	sadd.s32 s6, s20  }
0x9e: {  	s9 =	simm.s32 $0x0;
	s21 =	sshll.u32 s7, $0x1;
	s7 =	sadd.s32 s22, s5  }
0x9f: {  	[timem:s9], [sflag:s23] =	dma.local [hbm:s7], s21  }
0xa0: {  	_ =	swait.ge [sflag:s23], s21  }
0xa1: {  	s6 =	ssub.s32 $0x0, s21;
	[sflag:s23] =	ssyncset.done $0x0  }
0xa2: {  	[sflag:s23] =	ssyncadd.s32 s6;
	_ =	sdelay $0x1  }
0xa3: {  	s24 =	simm.s32 $0x1B8B  }
0xa4: {  	_ =	swait.ge [sflag:s24], $0x1  }
0xa5: {  	[sflag:s24] =	ssyncset.done $0x0  }
0xa6: {  	s25 =	simm.s32 $0x1B8E;
	[sflag:s24] =	ssyncadd.s32 $0xFFFFFFFF  }
0xa7: {  	s26 =	simm.s32 $execute0_lowered;
	[smem:$0x3FD2] =	sst s25  }
0xa8: {  	s6 =	sshll.u32 s26, $0x1;
	_ =	strace $0x80000046;
	[dreg:$0x1] =	wrdreg $0xFFFFFFFF  }
0xa9: {  	s28 =	simm.s32 $_size_execute0_lowered;
	s5 =	sadd.s32 s5, s6;
	[dreg:$0x0] =	wrdreg $0x0  }
0xaa: {  	s6 =	sshll.u32 s28, $0x1;
	[dreg:$0x2] =	wrdreg s5  }
0xab: {  	[dreg:$0x3] =	wrdreg s6  }
0xac: {  	[dreg:$0x4] =	wrdreg $0xC0  }
0xad: {  	_ =	task [dreg:s9], $0x5FFFF  }
0xae: {  	[dreg:$0x1] =	wrdreg $0xFFFFFFFF  }
0xaf: {  	[dreg:$0x0] =	wrdreg $0x60  }
0xb0: {  	[dreg:$0x2] =	wrdreg s2  }
0xb1: {  	[dreg:$0x3] =	wrdreg s19  }
0xb2: {  	[dreg:$0x4] =	wrdreg s4  }
0xb3: {  	[dreg:$0x5] =	wrdreg $0x9  }
0xb4: {  	_ =	task.clear_ibuf [dreg:s9], $0x6FFFF;
	_ =	strace $0x90000046  }
0xb5: {  	s29 =	simm.s32 $0x9;
	_ =	strace $0x80000048  }
0xb6: {  	_ =	swait.ge [sflag:s29], $0x1  }
0xb7: {  	[sflag:s29] =	ssyncadd.s32 $0xFFFFFFFF  }
0xb8: {  	_ =	strace $0x90000048  }
0xb9: {  	_ =	sfence  }
0xba: {  	s30 =	sld [smem:$0x0];
	_ =	sdelay $0x2  }
0xbb: {  	s31 =	sshll.u32 s1, $0xD;
	s1 =	sshrl.u32 s1, $0x2  }
0xbc: {  	s3 =	sand.u32 $0x4000, s31;
	s1 =	sadd.s32 s1, s30  }
0xbd: {  	s0 =	sor.u32 s3, s0;
	s1 =	sshll.u32 s1, $0x11  }
0xbe: {  	s0 =	sor.u32 s1, s0  }
0xbf: {  	s0 =	sadd.s32 $0x8F2B, s0  }
0xc0: {  	[sflag:s0] =	ssyncadd.remote.s32 $0x1  }
0xc1: {  	_ =	sfence.sel $0xFFFF  }
0xc2: {  	[dreg:$0x0] =	wrdreg $0xFFFFFFFF;
	(pc) =	sbr.abs _section_cstart, $3  }
0xc3: {  	[dreg:$0x1] =	wrdreg $0xFFFFFFFF  }
0xc4: {  	_ =	task.clear_ibuf [dreg:s9], $0x2FFFF;
	_ =	strace $0x9FFFFFFF  }
0xc5: {  	(tm) =	ssettm $0x7FFFFFFF  }
tec
execute0_lowered:
.L_overlay_start_1:
0x0: {  	(tag) =	ssettag $0x1  }
0x1: {  	s2 =	rddreg [dreg:$0x0]  }
0x2: {  	s0 =	rddreg [dreg:$0x1]  }
0x3: {  	s1 =	rddreg [dreg:$0x2]  }
0x4: {  	s6 =	stileid.u32;
	s3 =	srdreg.scid;
	s14 =	simm.s32 $0x5  }
0x5: {  	s15 =	simm.s32 $0x100;
	s20 =	simm.s32 $0xC100;
	s12 =	simm.s32 $0x13100  }
0x6: {  	s13 =	simm.s32 $0x13900;
	s16 =	simm.s32 $0x14100;
	s17 =	simm.s32 $0x15100  }
0x7: {  	s18 =	simm.s32 $0x16100;
	s10 =	simm.s32 $0x16900;
	s19 =	simm.s32 $0x17100  }
0x8: {  	s11 =	simm.s32 $0x17900;
	s21 =	simm.s32 $0x1;
	s22 =	simm.s32 $0x3  }
0x9: {  	s23 =	simm.s32 $0x2;
	s24 =	simm.s32 $0x4;
	s4 =	sshll.u32 s6, $0x1  }
0xa: {  	s5 =	sand.u32 $0x1, s3;
	s6 =	sshrl.u32 s6, $0x2;
	s3 =	simm.s32 $0x0  }
0xb: {  	s4 =	sand.u32 $0x6, s4;
	s7 =	smul.u32 $0x180000, s6;
	[smem:$0x7FF] =	sst s3  }
0xc: {  	s6 =	sshll.u32 s6, $0x4;
	s4 =	sor.u32 s5, s4;
	s5 =	ssub.s32 $0x2, s5  }
0xd: {  	_ =	strace $0x80000047;
	s0 =	sadd.s32 s0, s6;
	s8 =	smul.u32 $0x30000, s4  }
0xe: {  	s6 =	sadd.s32 $0x200, s2;
	s9 =	sshrl.u32 s5, $0x1;
	s4 =	sshll.u32 s4, $0x7  }
0xf: {  	s26 =	ssub.s32 s5, s9;
	s0 =	sadd.s32 s4, s0;
	s25 =	sadd.s32 s7, s8  }
0x10: {  	s5 =	sadd.s32 $0x100, s2;
	s4 =	simm.s32 $0x11900;
	s28 =	sshrl.u32 s25, $0x3  }
0x11: {  	[dreg:$0x4] =	wrdreg s0;
	s31 =	smax.u32 s26, $0x1;
	s7 =	sadd.s32 s1, s28  }
0x12: {  	s9 =	simm.s32 $0x15900;
	[dreg:$0x8] =	wrdreg s31;
	s0 =	sadd.s32 $0x1800, s7  }
0x13: {  	v2 =	vlaneseq.u32;
	s8 =	simm.s32 $0x14900;
	s29 =	sadd.s32 $0x3000, s7;
	[dreg:$0x5] =	wrdreg s0  }
0x14: {  	vm0 =	vmmov $0xffff;
	v1 =	vshrl.u32 v2, $0x3;
	s25 =	simm.s32 $0x0;
	s30 =	sadd.s32 $0x4800, s7;
	[dreg:$0x6] =	wrdreg s29  }
0x15: {  	v0 =	vand.u32 $0x7, v2;
	v2 =	vor.u32 $0x8, v2;
	v1 =	vmul.u32 $0x8, v1;
	s1 =	simm.s32 $0x12900;
	[dreg:$0x7] =	wrdreg s30;
	s0 =	simm.s32 $0x12100  }
.LBB2_1:
0x16: {  	s26 =	rddreg [dreg:$0x4];
	s28 =	simm.s32 $0x80;
	s29 =	simm.s32 $0x200  }
0x17: {  	[tilespmem:s3], [sflag:$0x5] =	stream.strided.gather [hbm4b:s26+s28], $0x100, s29, s28, $0x38;
	[tilespmem:$0x18100] =	vst v63  }
0x18: {  	_ =	swait.ge [sflag:s14], $0x100  }
0x19: {  	[sflag:s14] =	ssyncset.done $0x0  }
0x1a: {  	[sflag:s14] =	ssyncadd.s32 $0xFFFFFF00  }
0x1b: {  	v3 =	vld [tilespmem:$0x0];
	_ =	sdelay $0x4  }
0x1c: {  	v4 =	vshrl.u32 v3, $0x3  }
0x1d: {  	v4 =	vmul.u32 $0x30, v4  }
0x1e: {  	v3 =	vand.u32 $0x7, v3  }
0x1f: {  	v3 =	vor.u32 v3, v4  }
0x20: {  	v4 =	vperm.xlane v3, v0;
	_ =	sdelay $0x1  }
0x21: {  	v4 =	vadd.s32 v1, v4;
	_ =	sdelay $0x3  }
0x22: {  	v3 =	vperm.xlane v3, v2  }
0x23: {  	[tilespmem:s15], [sflag:$0x1] =	stream.indirect_vreg.gather [hbm4b:s2+s3], $0x80, v4, vm0, $0xb8;
	[tilespmem:$0x18100] =	vst v63  }
0x24: {  	s30 =	simm.s32 $0x900;
	v3 =	vadd.s32 v1, v3  }
0x25: {  	[tilespmem:s30], [sflag:$0x1] =	stream.indirect_vreg.gather [hbm4b:s5+s3], $0x80, v4, vm0, $0xb8;
	[tilespmem:$0x18100] =	vst v63  }
0x26: {  	s31 =	simm.s32 $0x1100  }
0x27: {  	[tilespmem:s31], [sflag:$0x1] =	stream.indirect_vreg.gather [hbm4b:s6+s3], $0x80, v4, vm0, $0xb8;
	[tilespmem:$0x18100] =	vst v63  }
0x28: {  	s30 =	simm.s32 $0x1900  }
0x29: {  	[tilespmem:s30], [sflag:$0x1] =	stream.indirect_vreg.gather [hbm4b:s2+s3], $0x80, v3, vm0, $0xb8;
	[tilespmem:$0x18100] =	vst v63  }
0x2a: {  	s31 =	simm.s32 $0x2100  }
0x2b: {  	[tilespmem:s31], [sflag:$0x1] =	stream.indirect_vreg.gather [hbm4b:s5+s3], $0x80, v3, vm0, $0xb8;
	[tilespmem:$0x18100] =	vst v63  }
0x2c: {  	s30 =	simm.s32 $0x2900  }
0x2d: {  	[tilespmem:s30], [sflag:$0x1] =	stream.indirect_vreg.gather [hbm4b:s6+s3], $0x80, v3, vm0, $0xb8;
	[tilespmem:$0x18100] =	vst v63  }
0x2e: {  	v3 =	vld [tilespmem:$0x10];
	_ =	sdelay $0x4  }
0x2f: {  	v4 =	vshrl.u32 v3, $0x3  }
0x30: {  	v4 =	vmul.u32 $0x30, v4  }
0x31: {  	v3 =	vand.u32 $0x7, v3  }
0x32: {  	v3 =	vor.u32 v3, v4  }
0x33: {  	v4 =	vperm.xlane v3, v0;
	_ =	sdelay $0x1  }
0x34: {  	v4 =	vadd.s32 v1, v4;
	_ =	sdelay $0x3  }
0x35: {  	s31 =	simm.s32 $0x3100;
	v3 =	vperm.xlane v3, v2  }
0x36: {  	[tilespmem:s31], [sflag:$0x1] =	stream.indirect_vreg.gather [hbm4b:s2+s3], $0x80, v4, vm0, $0xb8;
	[tilespmem:$0x18100] =	vst v63  }
0x37: {  	s30 =	simm.s32 $0x3900;
	v3 =	vadd.s32 v1, v3  }
0x38: {  	[tilespmem:s30], [sflag:$0x1] =	stream.indirect_vreg.gather [hbm4b:s5+s3], $0x80, v4, vm0, $0xb8;
	[tilespmem:$0x18100] =	vst v63  }
0x39: {  	s31 =	simm.s32 $0x4100  }
0x3a: {  	[tilespmem:s31], [sflag:$0x1] =	stream.indirect_vreg.gather [hbm4b:s6+s3], $0x80, v4, vm0, $0xb8;
	[tilespmem:$0x18100] =	vst v63  }
0x3b: {  	s30 =	simm.s32 $0x4900  }
0x3c: {  	[tilespmem:s30], [sflag:$0x1] =	stream.indirect_vreg.gather [hbm4b:s2+s3], $0x80, v3, vm0, $0xb8;
	[tilespmem:$0x18100] =	vst v63  }
0x3d: {  	s31 =	simm.s32 $0x5100  }
0x3e: {  	[tilespmem:s31], [sflag:$0x1] =	stream.indirect_vreg.gather [hbm4b:s5+s3], $0x80, v3, vm0, $0xb8;
	[tilespmem:$0x18100] =	vst v63  }
0x3f: {  	s30 =	simm.s32 $0x5900  }
0x40: {  	[tilespmem:s30], [sflag:$0x1] =	stream.indirect_vreg.gather [hbm4b:s6+s3], $0x80, v3, vm0, $0xb8;
	[tilespmem:$0x18100] =	vst v63  }
0x41: {  	v3 =	vld [tilespmem:$0x20];
	_ =	sdelay $0x4  }
0x42: {  	v4 =	vshrl.u32 v3, $0x3  }
0x43: {  	v4 =	vmul.u32 $0x30, v4  }
0x44: {  	v3 =	vand.u32 $0x7, v3  }
0x45: {  	v3 =	vor.u32 v3, v4  }
0x46: {  	v4 =	vperm.xlane v3, v0;
	_ =	sdelay $0x1  }
0x47: {  	v4 =	vadd.s32 v1, v4;
	_ =	sdelay $0x3  }
0x48: {  	s31 =	simm.s32 $0x6100;
	v3 =	vperm.xlane v3, v2  }
0x49: {  	[tilespmem:s31], [sflag:$0x1] =	stream.indirect_vreg.gather [hbm4b:s2+s3], $0x80, v4, vm0, $0xb8;
	[tilespmem:$0x18100] =	vst v63  }
0x4a: {  	s30 =	simm.s32 $0x6900;
	v3 =	vadd.s32 v1, v3  }
0x4b: {  	[tilespmem:s30], [sflag:$0x1] =	stream.indirect_vreg.gather [hbm4b:s5+s3], $0x80, v4, vm0, $0xb8;
	[tilespmem:$0x18100] =	vst v63  }
0x4c: {  	s31 =	simm.s32 $0x7100  }
0x4d: {  	[tilespmem:s31], [sflag:$0x1] =	stream.indirect_vreg.gather [hbm4b:s6+s3], $0x80, v4, vm0, $0xb8;
	[tilespmem:$0x18100] =	vst v63  }
0x4e: {  	s30 =	simm.s32 $0x7900  }
0x4f: {  	[tilespmem:s30], [sflag:$0x1] =	stream.indirect_vreg.gather [hbm4b:s2+s3], $0x80, v3, vm0, $0xb8;
	[tilespmem:$0x18100] =	vst v63  }
0x50: {  	s31 =	simm.s32 $0x8100  }
0x51: {  	[tilespmem:s31], [sflag:$0x1] =	stream.indirect_vreg.gather [hbm4b:s5+s3], $0x80, v3, vm0, $0xb8;
	[tilespmem:$0x18100] =	vst v63  }
0x52: {  	s30 =	simm.s32 $0x8900  }
0x53: {  	[tilespmem:s30], [sflag:$0x1] =	stream.indirect_vreg.gather [hbm4b:s6+s3], $0x80, v3, vm0, $0xb8;
	[tilespmem:$0x18100] =	vst v63  }
0x54: {  	v3 =	vld [tilespmem:$0x30];
	_ =	sdelay $0x4  }
0x55: {  	v4 =	vshrl.u32 v3, $0x3  }
0x56: {  	v4 =	vmul.u32 $0x30, v4  }
0x57: {  	v3 =	vand.u32 $0x7, v3  }
0x58: {  	v3 =	vor.u32 v3, v4  }
0x59: {  	v4 =	vperm.xlane v3, v0;
	_ =	sdelay $0x1  }
0x5a: {  	v4 =	vadd.s32 v1, v4;
	_ =	sdelay $0x3  }
0x5b: {  	s31 =	simm.s32 $0x9100;
	v3 =	vperm.xlane v3, v2  }
0x5c: {  	[tilespmem:s31], [sflag:$0x1] =	stream.indirect_vreg.gather [hbm4b:s2+s3], $0x80, v4, vm0, $0xb8;
	[tilespmem:$0x18100] =	vst v63  }
0x5d: {  	s30 =	simm.s32 $0x9900;
	v3 =	vadd.s32 v1, v3  }
0x5e: {  	[tilespmem:s30], [sflag:$0x1] =	stream.indirect_vreg.gather [hbm4b:s5+s3], $0x80, v4, vm0, $0xb8;
	[tilespmem:$0x18100] =	vst v63  }
0x5f: {  	s31 =	simm.s32 $0xA100  }
0x60: {  	[tilespmem:s31], [sflag:$0x1] =	stream.indirect_vreg.gather [hbm4b:s6+s3], $0x80, v4, vm0, $0xb8;
	[tilespmem:$0x18100] =	vst v63  }
0x61: {  	s30 =	simm.s32 $0xA900  }
0x62: {  	[tilespmem:s30], [sflag:$0x1] =	stream.indirect_vreg.gather [hbm4b:s2+s3], $0x80, v3, vm0, $0xb8;
	[tilespmem:$0x18100] =	vst v63  }
0x63: {  	s31 =	simm.s32 $0xB100  }
0x64: {  	[tilespmem:s31], [sflag:$0x1] =	stream.indirect_vreg.gather [hbm4b:s5+s3], $0x80, v3, vm0, $0xb8;
	[tilespmem:$0x18100] =	vst v63  }
0x65: {  	s30 =	simm.s32 $0xB900  }
0x66: {  	[tilespmem:s30], [sflag:$0x1] =	stream.indirect_vreg.gather [hbm4b:s6+s3], $0x80, v3, vm0, $0xb8;
	[tilespmem:$0x18100] =	vst v63  }
0x67: {  	v3 =	vld [tilespmem:$0x40];
	_ =	sdelay $0x4  }
0x68: {  	v4 =	vshrl.u32 v3, $0x3  }
0x69: {  	v4 =	vmul.u32 $0x30, v4  }
0x6a: {  	v3 =	vand.u32 $0x7, v3  }
0x6b: {  	v3 =	vor.u32 v3, v4  }
0x6c: {  	v4 =	vperm.xlane v3, v0;
	_ =	sdelay $0x1  }
0x6d: {  	v4 =	vadd.s32 v1, v4;
	_ =	sdelay $0x3  }
0x6e: {  	v3 =	vperm.xlane v3, v2  }
0x6f: {  	[tilespmem:s20], [sflag:$0x2] =	stream.indirect_vreg.gather [hbm4b:s2+s3], $0x80, v4, vm0, $0xb8;
	[tilespmem:$0x18100] =	vst v63  }
0x70: {  	s31 =	simm.s32 $0xC900;
	v3 =	vadd.s32 v1, v3  }
0x71: {  	[tilespmem:s31], [sflag:$0x2] =	stream.indirect_vreg.gather [hbm4b:s5+s3], $0x80, v4, vm0, $0xb8;
	[tilespmem:$0x18100] =	vst v63  }
0x72: {  	s30 =	simm.s32 $0xD100  }
0x73: {  	[tilespmem:s30], [sflag:$0x2] =	stream.indirect_vreg.gather [hbm4b:s6+s3], $0x80, v4, vm0, $0xb8;
	[tilespmem:$0x18100] =	vst v63  }
0x74: {  	s31 =	simm.s32 $0xD900  }
0x75: {  	[tilespmem:s31], [sflag:$0x2] =	stream.indirect_vreg.gather [hbm4b:s2+s3], $0x80, v3, vm0, $0xb8;
	[tilespmem:$0x18100] =	vst v63  }
0x76: {  	s30 =	simm.s32 $0xE100  }
0x77: {  	[tilespmem:s30], [sflag:$0x2] =	stream.indirect_vreg.gather [hbm4b:s5+s3], $0x80, v3, vm0, $0xb8;
	[tilespmem:$0x18100] =	vst v63  }
0x78: {  	s31 =	simm.s32 $0xE900  }
0x79: {  	[tilespmem:s31], [sflag:$0x2] =	stream.indirect_vreg.gather [hbm4b:s6+s3], $0x80, v3, vm0, $0xb8;
	[tilespmem:$0x18100] =	vst v63  }
0x7a: {  	v3 =	vld [tilespmem:$0x50];
	_ =	sdelay $0x4  }
0x7b: {  	v4 =	vshrl.u32 v3, $0x3  }
0x7c: {  	v4 =	vmul.u32 $0x30, v4  }
0x7d: {  	v3 =	vand.u32 $0x7, v3  }
0x7e: {  	v3 =	vor.u32 v3, v4  }
0x7f: {  	v4 =	vperm.xlane v3, v0;
	_ =	sdelay $0x1  }
0x80: {  	v4 =	vadd.s32 v1, v4;
	_ =	sdelay $0x3  }
0x81: {  	s30 =	simm.s32 $0xF100;
	v3 =	vperm.xlane v3, v2  }
0x82: {  	[tilespmem:s30], [sflag:$0x2] =	stream.indirect_vreg.gather [hbm4b:s2+s3], $0x80, v4, vm0, $0xb8;
	[tilespmem:$0x18100] =	vst v63  }
0x83: {  	s31 =	simm.s32 $0xF900;
	v3 =	vadd.s32 v1, v3  }
0x84: {  	[tilespmem:s31], [sflag:$0x2] =	stream.indirect_vreg.gather [hbm4b:s5+s3], $0x80, v4, vm0, $0xb8;
	[tilespmem:$0x18100] =	vst v63  }
0x85: {  	s30 =	simm.s32 $0x10100  }
0x86: {  	[tilespmem:s30], [sflag:$0x2] =	stream.indirect_vreg.gather [hbm4b:s6+s3], $0x80, v4, vm0, $0xb8;
	[tilespmem:$0x18100] =	vst v63  }
0x87: {  	s31 =	simm.s32 $0x10900  }
0x88: {  	[tilespmem:s31], [sflag:$0x2] =	stream.indirect_vreg.gather [hbm4b:s2+s3], $0x80, v3, vm0, $0xb8;
	[tilespmem:$0x18100] =	vst v63  }
0x89: {  	s30 =	simm.s32 $0x11100  }
0x8a: {  	[tilespmem:s30], [sflag:$0x2] =	stream.indirect_vreg.gather [hbm4b:s5+s3], $0x80, v3, vm0, $0xb8;
	[tilespmem:$0x18100] =	vst v63  }
0x8b: {  	_ = 	snop  }
0x8c: {  	[tilespmem:s4], [sflag:$0x2] =	stream.indirect_vreg.gather [hbm4b:s6+s3], $0x80, v3, vm0, $0xb8;
	[tilespmem:$0x18100] =	vst v63  }
0x8d: {  	v3 =	vld [tilespmem:$0x60];
	_ =	sdelay $0x4  }
0x8e: {  	v4 =	vshrl.u32 v3, $0x3  }
0x8f: {  	v4 =	vmul.u32 $0x30, v4  }
0x90: {  	v3 =	vand.u32 $0x7, v3  }
0x91: {  	v3 =	vor.u32 v3, v4  }
0x92: {  	v4 =	vperm.xlane v3, v0;
	_ =	sdelay $0x1  }
0x93: {  	v4 =	vadd.s32 v1, v4;
	_ =	sdelay $0x3  }
0x94: {  	v3 =	vperm.xlane v3, v2  }
0x95: {  	[tilespmem:s0], [sflag:$0x2] =	stream.indirect_vreg.gather [hbm4b:s2+s3], $0x80, v4, vm0, $0xb8;
	[tilespmem:$0x18100] =	vst v63  }
0x96: {  	v3 =	vadd.s32 v1, v3  }
0x97: {  	[tilespmem:s1], [sflag:$0x2] =	stream.indirect_vreg.gather [hbm4b:s5+s3], $0x80, v4, vm0, $0xb8;
	[tilespmem:$0x18100] =	vst v63  }
0x98: {  	_ = 	snop  }
0x99: {  	[tilespmem:s12], [sflag:$0x2] =	stream.indirect_vreg.gather [hbm4b:s6+s3], $0x80, v4, vm0, $0xb8;
	[tilespmem:$0x18100] =	vst v63  }
0x9a: {  	_ = 	snop  }
0x9b: {  	[tilespmem:s13], [sflag:$0x2] =	stream.indirect_vreg.gather [hbm4b:s2+s3], $0x80, v3, vm0, $0xb8;
	[tilespmem:$0x18100] =	vst v63  }
0x9c: {  	_ = 	snop  }
0x9d: {  	[tilespmem:s16], [sflag:$0x2] =	stream.indirect_vreg.gather [hbm4b:s5+s3], $0x80, v3, vm0, $0xb8;
	[tilespmem:$0x18100] =	vst v63  }
0x9e: {  	_ = 	snop  }
0x9f: {  	[tilespmem:s8], [sflag:$0x2] =	stream.indirect_vreg.gather [hbm4b:s6+s3], $0x80, v3, vm0, $0xb8;
	[tilespmem:$0x18100] =	vst v63  }
0xa0: {  	v3 =	vld [tilespmem:$0x70];
	_ =	sdelay $0x4  }
0xa1: {  	v4 =	vshrl.u32 v3, $0x3  }
0xa2: {  	v4 =	vmul.u32 $0x30, v4  }
0xa3: {  	v3 =	vand.u32 $0x7, v3  }
0xa4: {  	v3 =	vor.u32 v3, v4  }
0xa5: {  	v4 =	vperm.xlane v3, v0;
	_ =	sdelay $0x1  }
0xa6: {  	v4 =	vadd.s32 v1, v4;
	_ =	sdelay $0x3  }
0xa7: {  	v3 =	vperm.xlane v3, v2  }
0xa8: {  	[tilespmem:s17], [sflag:$0x2] =	stream.indirect_vreg.gather [hbm4b:s2+s3], $0x80, v4, vm0, $0xb8;
	[tilespmem:$0x18100] =	vst v63  }
0xa9: {  	v3 =	vadd.s32 v1, v3  }
0xaa: {  	[tilespmem:s9], [sflag:$0x2] =	stream.indirect_vreg.gather [hbm4b:s5+s3], $0x80, v4, vm0, $0xb8;
	[tilespmem:$0x18100] =	vst v63  }
0xab: {  	_ = 	snop  }
0xac: {  	[tilespmem:s18], [sflag:$0x2] =	stream.indirect_vreg.gather [hbm4b:s6+s3], $0x80, v4, vm0, $0xb8;
	[tilespmem:$0x18100] =	vst v63  }
0xad: {  	_ = 	snop  }
0xae: {  	[tilespmem:s10], [sflag:$0x2] =	stream.indirect_vreg.gather [hbm4b:s2+s3], $0x80, v3, vm0, $0xb8;
	[tilespmem:$0x18100] =	vst v63  }
0xaf: {  	s31 =	simm.s32 $0x0  }
0xb0: {  	[tilespmem:s19], [sflag:$0x2] =	stream.indirect_vreg.gather [hbm4b:s5+s3], $0x80, v3, vm0, $0xb8;
	[tilespmem:$0x18100] =	vst v63  }
0xb1: {  	s26 =	smul.u32 $0x6000, s31  }
0xb2: {  	[tilespmem:s11], [sflag:$0x2] =	stream.indirect_vreg.gather [hbm4b:s6+s3], $0x80, v3, vm0, $0xb8;
	[tilespmem:$0x18100] =	vst v63  }
0xb3: {  	_ =	swait.ge [sflag:s21], $0xC000  }
0xb4: {  	s28 =	sand.u32 $0x380, s3;
	s26 =	sshra.s32 s26, $0x2;
	[sflag:s21] =	ssyncset.done $0x0  }
0xb5: {  	s26 =	sor.u32 s28, s26;
	[sflag:s21] =	ssyncadd.s32 $0xFFFF4000  }
0xb6: {  	v3 =	vld [tilespmem:s26+$0x100]  }
0xb7: {  	v4 =	vld [tilespmem:s26+$0x110]  }
0xb8: {  	v5 =	vld [tilespmem:s26+$0x120]  }
0xb9: {  	v6 =	vld [tilespmem:s26+$0x130]  }
0xba: {  	v7 =	vld [tilespmem:s26+$0x140]  }
0xbb: {  	v8 =	vld [tilespmem:s26+$0x150];
	v3 =	vmul.f32 $2.771281240e+01, v3  }
0xbc: {  	v9 =	vld [tilespmem:s26+$0x160];
	v4 =	vmul.f32 $2.771281240e+01, v4  }
0xbd: {  	[tilespmem:s26+$0x100] =	vst v3;
	v3 =	vmul.f32 $2.771281240e+01, v5;
	v5 =	vld [tilespmem:s26+$0x170]  }
0xbe: {  	[tilespmem:s26+$0x110] =	vst v4;
	v4 =	vmul.f32 $2.771281240e+01, v6;
	v6 =	vld [tilespmem:s26+$0x500]  }
0xbf: {  	[tilespmem:s26+$0x120] =	vst v3;
	v3 =	vmul.f32 $2.771281240e+01, v7;
	v7 =	vld [tilespmem:s26+$0x510]  }
0xc0: {  	[tilespmem:s26+$0x130] =	vst v4;
	v4 =	vmul.f32 $2.771281240e+01, v8;
	v8 =	vld [tilespmem:s26+$0x520];
	_ =	sdelay $0x1  }
0xc1: {  	[tilespmem:s26+$0x140] =	vst v3;
	v3 =	vmul.f32 $2.771281240e+01, v9;
	v9 =	vld [tilespmem:s26+$0x570]  }
0xc2: {  	[tilespmem:s26+$0x150] =	vst v4;
	v4 =	vmul.f32 $2.771281240e+01, v5;
	v5 =	vld [tilespmem:s26+$0x530]  }
0xc3: {  	[tilespmem:s26+$0x160] =	vst v3;
	v3 =	vmul.f32 $2.771281240e+01, v6;
	v6 =	vld [tilespmem:s26+$0x540]  }
0xc4: {  	[tilespmem:s26+$0x170] =	vst v4;
	v4 =	vmul.f32 $2.771281240e+01, v7;
	v7 =	vmul.f32 $2.771281240e+01, v8;
	v8 =	vld [tilespmem:s26+$0x560]  }
0xc5: {  	[tilespmem:s26+$0x500] =	vst v3;
	v3 =	vld [tilespmem:s26+$0x550]  }
0xc6: {  	[tilespmem:s26+$0x510] =	vst v4;
	v4 =	vld [tilespmem:s26+$0x900];
	v9 =	vmul.f32 $2.771281240e+01, v9  }
0xc7: {  	[tilespmem:s26+$0x520] =	vst v7;
	v7 =	vld [tilespmem:s26+$0x910];
	v5 =	vmul.f32 $2.771281240e+01, v5  }
0xc8: {  	v6 =	vmul.f32 $2.771281240e+01, v6;
	[tilespmem:s26+$0x570] =	vst v9  }
0xc9: {  	[tilespmem:s26+$0x530] =	vst v5;
	v5 =	vld [tilespmem:s26+$0x920];
	v8 =	vmul.f32 $2.771281240e+01, v8  }
0xca: {  	v3 =	vmul.f32 $2.771281240e+01, v3;
	[tilespmem:s26+$0x540] =	vst v6;
	v6 =	vld [tilespmem:s26+$0x930]  }
0xcb: {  	v9 =	vld [tilespmem:s26+$0x970];
	[tilespmem:s26+$0x560] =	vst v8;
	v4 =	vmul.f32 $2.771281240e+01, v4  }
0xcc: {  	v7 =	vmul.f32 $2.771281240e+01, v7;
	[tilespmem:s26+$0x550] =	vst v3;
	v3 =	vld [tilespmem:s26+$0x940]  }
0xcd: {  	v8 =	vld [tilespmem:s26+$0x950];
	[tilespmem:s26+$0x900] =	vst v4  }
0xce: {  	[tilespmem:s26+$0x910] =	vst v7;
	v7 =	vld [tilespmem:s26+$0x960];
	v4 =	vmul.f32 $2.771281240e+01, v5  }
0xcf: {  	v5 =	vld [tilespmem:s26+$0xD00];
	v6 =	vmul.f32 $2.771281240e+01, v6  }
0xd0: {  	[tilespmem:s26+$0x920] =	vst v4;
	v4 =	vld [tilespmem:s26+$0xD10]  }
0xd1: {  	v3 =	vmul.f32 $2.771281240e+01, v3;
	[tilespmem:s26+$0x930] =	vst v6;
	v6 =	vld [tilespmem:s26+$0xD20]  }
0xd2: {  	v8 =	vmul.f32 $2.771281240e+01, v8  }
0xd3: {  	v7 =	vmul.f32 $2.771281240e+01, v7;
	[tilespmem:s26+$0x940] =	vst v3;
	v3 =	vld [tilespmem:s26+$0xD30]  }
0xd4: {  	[tilespmem:s26+$0x950] =	vst v8;
	v8 =	vld [tilespmem:s26+$0xD40];
	v5 =	vmul.f32 $2.771281240e+01, v5  }
0xd5: {  	v9 =	vmul.f32 $2.771281240e+01, v9;
	[tilespmem:s26+$0x960] =	vst v7;
	v7 =	vld [tilespmem:s26+$0xD50]  }
0xd6: {  	v4 =	vmul.f32 $2.771281240e+01, v4;
	[tilespmem:s26+$0xD00] =	vst v5;
	v5 =	vmul.f32 $2.771281240e+01, v6;
	v6 =	vld [tilespmem:s26+$0xD60]  }
0xd7: {  	[tilespmem:s26+$0x970] =	vst v9;
	v9 =	vld [tilespmem:s26+$0xD70]  }
0xd8: {  	[tilespmem:s26+$0xD10] =	vst v4;
	v4 =	vld [tilespmem:s26+$0x1100];
	v3 =	vmul.f32 $2.771281240e+01, v3  }
0xd9: {  	v8 =	vmul.f32 $2.771281240e+01, v8;
	[tilespmem:s26+$0xD20] =	vst v5;
	v5 =	vld [tilespmem:s26+$0x1110]  }
0xda: {  	v7 =	vmul.f32 $2.771281240e+01, v7;
	[tilespmem:s26+$0xD30] =	vst v3;
	v3 =	vld [tilespmem:s26+$0x1120]  }
0xdb: {  	[tilespmem:s26+$0xD40] =	vst v8;
	v8 =	vld [tilespmem:s26+$0x1130];
	v6 =	vmul.f32 $2.771281240e+01, v6  }
0xdc: {  	v10 =	vld [tilespmem:s26+$0x1140];
	[tilespmem:s26+$0xD50] =	vst v7;
	v7 =	vmul.f32 $2.771281240e+01, v9  }
0xdd: {  	v11 =	vld [tilespmem:s26+$0x1150];
	v4 =	vmul.f32 $2.771281240e+01, v4;
	[tilespmem:s26+$0xD60] =	vst v6  }
0xde: {  	[tilespmem:s26+$0xD70] =	vst v7;
	v5 =	vmul.f32 $2.771281240e+01, v5;
	v6 =	vld [tilespmem:s26+$0x1160]  }
0xdf: {  	v7 =	vld [tilespmem:s26+$0x1170];
	[tilespmem:s26+$0x1100] =	vst v4;
	v3 =	vmul.f32 $2.771281240e+01, v3  }
0xe0: {  	v4 =	vld [tilespmem:s26+$0x1500];
	[tilespmem:s26+$0x1110] =	vst v5;
	v5 =	vmul.f32 $2.771281240e+01, v8  }
0xe1: {  	v9 =	vmul.f32 $2.771281240e+01, v10;
	[tilespmem:s26+$0x1120] =	vst v3;
	v3 =	vld [tilespmem:s26+$0x1510]  }
0xe2: {  	s29 =	simm.s32 $0x0;
	s28 =	simm.s32 $0x1;
	v8 =	vmul.f32 $2.771281240e+01, v11;
	[tilespmem:s26+$0x1130] =	vst v5;
	v5 =	vld [tilespmem:s26+$0x1520]  }
.LBB2_2:
0xe3: {  	s30 =	sshrl.u32 s28, $0x3;
	p0 =	sne.s32 s28, $0x3F;
	[tilespmem:s26+$0x1140] =	vst v9;
	v6 =	vmul.f32 $2.771281240e+01, v6;
	v9 =	vld [tilespmem:s26+$0x1530]  }
0xe4: {  	s30 =	smul.u32 $0x6000, s30;
	[tilespmem:s26+$0x1150] =	vst v8;
	v7 =	vmul.f32 $2.771281240e+01, v7;
	v8 =	vld [tilespmem:s26+$0x1540]  }
0xe5: {  	s29 =	sadd.s32 $0x80, s29;
	[tilespmem:s26+$0x1160] =	vst v6;
	v4 =	vmul.f32 $2.771281240e+01, v4;
	v6 =	vld [tilespmem:s26+$0x1550]  }
0xe6: {  	s31 =	sand.u32 $0x380, s29;
	s30 =	sshra.s32 s30, $0x2;
	[tilespmem:s26+$0x1170] =	vst v7;
	v3 =	vmul.f32 $2.771281240e+01, v3;
	v7 =	vld [tilespmem:s26+$0x1560]  }
0xe7: {  	s30 =	sor.u32 s31, s30;
	[tilespmem:s26+$0x1500] =	vst v4;
	v4 =	vmul.f32 $2.771281240e+01, v5;
	v5 =	vld [tilespmem:s26+$0x1570]  }
0xe8: {  	v10 =	vld [tilespmem:s30+$0x100];
	[tilespmem:s26+$0x1510] =	vst v3;
	v3 =	vmul.f32 $2.771281240e+01, v9  }
0xe9: {  	v9 =	vld [tilespmem:s30+$0x110];
	[tilespmem:s26+$0x1520] =	vst v4;
	v4 =	vmul.f32 $2.771281240e+01, v8  }
0xea: {  	v8 =	vld [tilespmem:s30+$0x120];
	[tilespmem:s26+$0x1530] =	vst v3;
	v3 =	vmul.f32 $2.771281240e+01, v6  }
0xeb: {  	v6 =	vld [tilespmem:s30+$0x130];
	[tilespmem:s26+$0x1540] =	vst v4;
	v4 =	vmul.f32 $2.771281240e+01, v7  }
0xec: {  	v7 =	vld [tilespmem:s30+$0x140];
	[tilespmem:s26+$0x1550] =	vst v3;
	v3 =	vmul.f32 $2.771281240e+01, v5  }
0xed: {  	v5 =	vmul.f32 $2.771281240e+01, v10;
	v10 =	vld [tilespmem:s30+$0x150];
	[tilespmem:s26+$0x1560] =	vst v4  }
0xee: {  	v4 =	vmul.f32 $2.771281240e+01, v9;
	v9 =	vld [tilespmem:s30+$0x160];
	[tilespmem:s26+$0x1570] =	vst v3;
	s26 =	smov.u32 s30  }
0xef: {  	[tilespmem:s26+$0x100] =	vst v5;
	v3 =	vmul.f32 $2.771281240e+01, v8;
	v5 =	vld [tilespmem:s26+$0x170]  }
0xf0: {  	[tilespmem:s26+$0x110] =	vst v4;
	v4 =	vmul.f32 $2.771281240e+01, v6;
	v6 =	vld [tilespmem:s26+$0x500]  }
0xf1: {  	[tilespmem:s26+$0x120] =	vst v3;
	v3 =	vmul.f32 $2.771281240e+01, v7;
	v7 =	vld [tilespmem:s26+$0x510]  }
0xf2: {  	[tilespmem:s26+$0x130] =	vst v4;
	v4 =	vmul.f32 $2.771281240e+01, v10;
	v8 =	vld [tilespmem:s26+$0x520]  }
0xf3: {  	[tilespmem:s26+$0x140] =	vst v3;
	v3 =	vmul.f32 $2.771281240e+01, v9;
	v9 =	vld [tilespmem:s26+$0x530]  }
0xf4: {  	[tilespmem:s26+$0x150] =	vst v4;
	v4 =	vmul.f32 $2.771281240e+01, v5;
	v5 =	vld [tilespmem:s26+$0x540]  }
0xf5: {  	[tilespmem:s26+$0x160] =	vst v3;
	v3 =	vmul.f32 $2.771281240e+01, v6;
	v6 =	vld [tilespmem:s26+$0x550]  }
0xf6: {  	[tilespmem:s26+$0x170] =	vst v4;
	v4 =	vmul.f32 $2.771281240e+01, v7;
	v7 =	vld [tilespmem:s26+$0x560]  }
0xf7: {  	[tilespmem:s26+$0x500] =	vst v3;
	v3 =	vmul.f32 $2.771281240e+01, v8;
	v8 =	vld [tilespmem:s26+$0x570]  }
0xf8: {  	[tilespmem:s26+$0x510] =	vst v4;
	v4 =	vmul.f32 $2.771281240e+01, v9;
	v9 =	vld [tilespmem:s26+$0x900]  }
0xf9: {  	[tilespmem:s26+$0x520] =	vst v3;
	v3 =	vmul.f32 $2.771281240e+01, v5;
	v5 =	vld [tilespmem:s26+$0x910]  }
0xfa: {  	[tilespmem:s26+$0x530] =	vst v4;
	v4 =	vmul.f32 $2.771281240e+01, v6;
	v6 =	vld [tilespmem:s26+$0x920]  }
0xfb: {  	[tilespmem:s26+$0x540] =	vst v3;
	v3 =	vmul.f32 $2.771281240e+01, v7;
	v7 =	vld [tilespmem:s26+$0x930]  }
0xfc: {  	[tilespmem:s26+$0x550] =	vst v4;
	v4 =	vmul.f32 $2.771281240e+01, v8;
	v8 =	vld [tilespmem:s26+$0x940]  }
0xfd: {  	[tilespmem:s26+$0x560] =	vst v3;
	v3 =	vmul.f32 $2.771281240e+01, v9;
	v9 =	vld [tilespmem:s26+$0x950]  }
0xfe: {  	[tilespmem:s26+$0x570] =	vst v4;
	v4 =	vmul.f32 $2.771281240e+01, v5;
	v5 =	vld [tilespmem:s26+$0x960]  }
0xff: {  	[tilespmem:s26+$0x900] =	vst v3;
	v3 =	vmul.f32 $2.771281240e+01, v6;
	v6 =	vld [tilespmem:s26+$0x970]  }
0x100: {  	[tilespmem:s26+$0x910] =	vst v4;
	v4 =	vmul.f32 $2.771281240e+01, v7;
	v7 =	vld [tilespmem:s26+$0xD00]  }
0x101: {  	[tilespmem:s26+$0x920] =	vst v3;
	v3 =	vmul.f32 $2.771281240e+01, v8;
	v8 =	vld [tilespmem:s26+$0xD10]  }
0x102: {  	[tilespmem:s26+$0x930] =	vst v4;
	v4 =	vmul.f32 $2.771281240e+01, v9;
	v9 =	vld [tilespmem:s26+$0xD20]  }
0x103: {  	[tilespmem:s26+$0x940] =	vst v3;
	v3 =	vmul.f32 $2.771281240e+01, v5;
	v5 =	vld [tilespmem:s26+$0xD30]  }
0x104: {  	[tilespmem:s26+$0x950] =	vst v4;
	v4 =	vmul.f32 $2.771281240e+01, v6;
	v6 =	vld [tilespmem:s26+$0xD40]  }
0x105: {  	[tilespmem:s26+$0x960] =	vst v3;
	v3 =	vmul.f32 $2.771281240e+01, v7;
	v7 =	vld [tilespmem:s26+$0xD50]  }
0x106: {  	[tilespmem:s26+$0x970] =	vst v4;
	v4 =	vmul.f32 $2.771281240e+01, v8;
	v8 =	vld [tilespmem:s26+$0xD60]  }
0x107: {  	[tilespmem:s26+$0xD00] =	vst v3;
	v3 =	vmul.f32 $2.771281240e+01, v9;
	v9 =	vld [tilespmem:s26+$0xD70]  }
0x108: {  	[tilespmem:s26+$0xD10] =	vst v4;
	v4 =	vmul.f32 $2.771281240e+01, v5;
	v5 =	vld [tilespmem:s26+$0x1100]  }
0x109: {  	[tilespmem:s26+$0xD20] =	vst v3;
	v3 =	vmul.f32 $2.771281240e+01, v6;
	v6 =	vld [tilespmem:s26+$0x1110]  }
0x10a: {  	[tilespmem:s26+$0xD30] =	vst v4;
	v4 =	vmul.f32 $2.771281240e+01, v7;
	v7 =	vld [tilespmem:s26+$0x1120]  }
0x10b: {  	[tilespmem:s26+$0xD40] =	vst v3;
	v3 =	vmul.f32 $2.771281240e+01, v8;
	v8 =	vld [tilespmem:s26+$0x1130]  }
0x10c: {  	[tilespmem:s26+$0xD50] =	vst v4;
	v4 =	vmul.f32 $2.771281240e+01, v9;
	v9 =	vld [tilespmem:s26+$0x1140]  }
0x10d: {  	[tilespmem:s26+$0xD60] =	vst v3;
	v3 =	vmul.f32 $2.771281240e+01, v5;
	v5 =	vld [tilespmem:s26+$0x1150]  }
.Ltmp0:
0x10e: {  	[tilespmem:s26+$0xD70] =	vst v4;
	v4 =	vmul.f32 $2.771281240e+01, v6;
	v6 =	vld [tilespmem:s26+$0x1160];
	(pc) =	sbr.rel @p0 .LBB2_2-.Ltmp0, $4  }
0x10f: {  	[tilespmem:s26+$0x1100] =	vst v3;
	v3 =	vmul.f32 $2.771281240e+01, v7;
	v7 =	vld [tilespmem:s26+$0x1170]  }
0x110: {  	[tilespmem:s26+$0x1110] =	vst v4;
	v8 =	vmul.f32 $2.771281240e+01, v8;
	v4 =	vld [tilespmem:s26+$0x1500]  }
0x111: {  	[tilespmem:s26+$0x1120] =	vst v3;
	v9 =	vmul.f32 $2.771281240e+01, v9;
	v3 =	vld [tilespmem:s26+$0x1510]  }
0x112: {  	s28 =	sadd.s32 $0x1, s28;
	[tilespmem:s26+$0x1130] =	vst v8;
	v8 =	vmul.f32 $2.771281240e+01, v5;
	v5 =	vld [tilespmem:s26+$0x1520]  }
0x113: {  	[tilespmem:s26+$0x1140] =	vst v9;
	v9 =	vld [tilespmem:s26+$0x1530];
	v6 =	vmul.f32 $2.771281240e+01, v6  }
0x114: {  	[tilespmem:s26+$0x1150] =	vst v8;
	v8 =	vld [tilespmem:s26+$0x1540];
	v7 =	vmul.f32 $2.771281240e+01, v7  }
0x115: {  	[tilespmem:s26+$0x1160] =	vst v6;
	v6 =	vld [tilespmem:s26+$0x1550];
	v4 =	vmul.f32 $2.771281240e+01, v4  }
0x116: {  	[tilespmem:s26+$0x1170] =	vst v7;
	v3 =	vmul.f32 $2.771281240e+01, v3;
	v7 =	vld [tilespmem:s26+$0x1560]  }
0x117: {  	[tilespmem:s26+$0x1500] =	vst v4;
	v4 =	vmul.f32 $2.771281240e+01, v5;
	v5 =	vld [tilespmem:s26+$0x1570]  }
0x118: {  	[tilespmem:s26+$0x1510] =	vst v3;
	v3 =	vmul.f32 $2.771281240e+01, v9  }
0x119: {  	[tilespmem:s26+$0x1520] =	vst v4;
	v4 =	vmul.f32 $2.771281240e+01, v8  }
0x11a: {  	[tilespmem:s26+$0x1530] =	vst v3;
	v3 =	vmul.f32 $2.771281240e+01, v6  }
0x11b: {  	[tilespmem:s26+$0x1540] =	vst v4;
	v4 =	vmul.f32 $2.771281240e+01, v7  }
0x11c: {  	[tilespmem:s26+$0x1550] =	vst v3;
	v3 =	vmul.f32 $2.771281240e+01, v5  }
0x11d: {  	[tilespmem:s26+$0x1560] =	vst v4  }
0x11e: {  	[tilespmem:s26+$0x1570] =	vst v3;
	s26 =	simm.s32 $0x0  }
0x11f: {  	[hbm4b:s7+s26] =	stream.linear.scatter [tilespmem:s15], [sflag:$0x3], $0xC000, $0x38;
	[tilespmem:$0x18100] =	vst v63  }
0x120: {  	_ =	swait.ge [sflag:s22], $0xC000  }
0x121: {  	[sflag:s22] =	ssyncset.done $0x0  }
0x122: {  	[sflag:s22] =	ssyncadd.s32 $0xFFFF4000  }
0x123: {  	v3 =	vld [tilespmem:$0x80];
	_ =	sdelay $0x4  }
0x124: {  	v4 =	vshrl.u32 v3, $0x3  }
0x125: {  	v4 =	vmul.u32 $0x30, v4  }
0x126: {  	v3 =	vand.u32 $0x7, v3  }
0x127: {  	v3 =	vor.u32 v3, v4  }
0x128: {  	v4 =	vperm.xlane v3, v0;
	_ =	sdelay $0x1  }
0x129: {  	v4 =	vadd.s32 v1, v4;
	_ =	sdelay $0x3  }
0x12a: {  	v3 =	vperm.xlane v3, v2  }
0x12b: {  	[tilespmem:s15], [sflag:$0x1] =	stream.indirect_vreg.gather [hbm4b:s2+s26], $0x80, v4, vm0, $0xb8;
	[tilespmem:$0x18100] =	vst v63  }
0x12c: {  	s28 =	simm.s32 $0x900;
	v3 =	vadd.s32 v1, v3  }
0x12d: {  	[tilespmem:s28], [sflag:$0x1] =	stream.indirect_vreg.gather [hbm4b:s5+s26], $0x80, v4, vm0, $0xb8;
	[tilespmem:$0x18100] =	vst v63  }
0x12e: {  	s28 =	simm.s32 $0x1100  }
0x12f: {  	[tilespmem:s28], [sflag:$0x1] =	stream.indirect_vreg.gather [hbm4b:s6+s26], $0x80, v4, vm0, $0xb8;
	[tilespmem:$0x18100] =	vst v63  }
0x130: {  	s28 =	simm.s32 $0x1900  }
0x131: {  	[tilespmem:s28], [sflag:$0x1] =	stream.indirect_vreg.gather [hbm4b:s2+s26], $0x80, v3, vm0, $0xb8;
	[tilespmem:$0x18100] =	vst v63  }
0x132: {  	s28 =	simm.s32 $0x2100  }
0x133: {  	[tilespmem:s28], [sflag:$0x1] =	stream.indirect_vreg.gather [hbm4b:s5+s26], $0x80, v3, vm0, $0xb8;
	[tilespmem:$0x18100] =	vst v63  }
0x134: {  	s28 =	simm.s32 $0x2900  }
0x135: {  	[tilespmem:s28], [sflag:$0x1] =	stream.indirect_vreg.gather [hbm4b:s6+s26], $0x80, v3, vm0, $0xb8;
	[tilespmem:$0x18100] =	vst v63  }
0x136: {  	v3 =	vld [tilespmem:$0x90];
	_ =	sdelay $0x4  }
0x137: {  	v4 =	vshrl.u32 v3, $0x3  }
0x138: {  	v4 =	vmul.u32 $0x30, v4  }
0x139: {  	v3 =	vand.u32 $0x7, v3  }
0x13a: {  	v3 =	vor.u32 v3, v4  }
0x13b: {  	v4 =	vperm.xlane v3, v0;
	_ =	sdelay $0x1  }
0x13c: {  	v4 =	vadd.s32 v1, v4;
	_ =	sdelay $0x3  }
0x13d: {  	s28 =	simm.s32 $0x3100;
	v3 =	vperm.xlane v3, v2  }
0x13e: {  	[tilespmem:s28], [sflag:$0x1] =	stream.indirect_vreg.gather [hbm4b:s2+s26], $0x80, v4, vm0, $0xb8;
	[tilespmem:$0x18100] =	vst v63  }
0x13f: {  	v3 =	vadd.s32 v1, v3;
	s28 =	simm.s32 $0x3900  }
0x140: {  	[tilespmem:s28], [sflag:$0x1] =	stream.indirect_vreg.gather [hbm4b:s5+s26], $0x80, v4, vm0, $0xb8;
	[tilespmem:$0x18100] =	vst v63  }
0x141: {  	s28 =	simm.s32 $0x4100  }
0x142: {  	[tilespmem:s28], [sflag:$0x1] =	stream.indirect_vreg.gather [hbm4b:s6+s26], $0x80, v4, vm0, $0xb8;
	[tilespmem:$0x18100] =	vst v63  }
0x143: {  	s28 =	simm.s32 $0x4900  }
0x144: {  	[tilespmem:s28], [sflag:$0x1] =	stream.indirect_vreg.gather [hbm4b:s2+s26], $0x80, v3, vm0, $0xb8;
	[tilespmem:$0x18100] =	vst v63  }
0x145: {  	s28 =	simm.s32 $0x5100  }
0x146: {  	[tilespmem:s28], [sflag:$0x1] =	stream.indirect_vreg.gather [hbm4b:s5+s26], $0x80, v3, vm0, $0xb8;
	[tilespmem:$0x18100] =	vst v63  }
0x147: {  	s28 =	simm.s32 $0x5900  }
0x148: {  	[tilespmem:s28], [sflag:$0x1] =	stream.indirect_vreg.gather [hbm4b:s6+s26], $0x80, v3, vm0, $0xb8;
	[tilespmem:$0x18100] =	vst v63  }
0x149: {  	v3 =	vld [tilespmem:$0xA0];
	_ =	sdelay $0x4  }
0x14a: {  	v4 =	vshrl.u32 v3, $0x3  }
0x14b: {  	v4 =	vmul.u32 $0x30, v4  }
0x14c: {  	v3 =	vand.u32 $0x7, v3  }
0x14d: {  	v3 =	vor.u32 v3, v4  }
0x14e: {  	v4 =	vperm.xlane v3, v0;
	_ =	sdelay $0x1  }
0x14f: {  	v4 =	vadd.s32 v1, v4;
	_ =	sdelay $0x3  }
0x150: {  	s28 =	simm.s32 $0x6100;
	v3 =	vperm.xlane v3, v2  }
0x151: {  	[tilespmem:s28], [sflag:$0x1] =	stream.indirect_vreg.gather [hbm4b:s2+s26], $0x80, v4, vm0, $0xb8;
	[tilespmem:$0x18100] =	vst v63  }
0x152: {  	v3 =	vadd.s32 v1, v3;
	s28 =	simm.s32 $0x6900  }
0x153: {  	[tilespmem:s28], [sflag:$0x1] =	stream.indirect_vreg.gather [hbm4b:s5+s26], $0x80, v4, vm0, $0xb8;
	[tilespmem:$0x18100] =	vst v63  }
0x154: {  	s28 =	simm.s32 $0x7100  }
0x155: {  	[tilespmem:s28], [sflag:$0x1] =	stream.indirect_vreg.gather [hbm4b:s6+s26], $0x80, v4, vm0, $0xb8;
	[tilespmem:$0x18100] =	vst v63  }
0x156: {  	s28 =	simm.s32 $0x7900  }
0x157: {  	[tilespmem:s28], [sflag:$0x1] =	stream.indirect_vreg.gather [hbm4b:s2+s26], $0x80, v3, vm0, $0xb8;
	[tilespmem:$0x18100] =	vst v63  }
0x158: {  	s28 =	simm.s32 $0x8100  }
0x159: {  	[tilespmem:s28], [sflag:$0x1] =	stream.indirect_vreg.gather [hbm4b:s5+s26], $0x80, v3, vm0, $0xb8;
	[tilespmem:$0x18100] =	vst v63  }
0x15a: {  	s28 =	simm.s32 $0x8900  }
0x15b: {  	[tilespmem:s28], [sflag:$0x1] =	stream.indirect_vreg.gather [hbm4b:s6+s26], $0x80, v3, vm0, $0xb8;
	[tilespmem:$0x18100] =	vst v63  }
0x15c: {  	v3 =	vld [tilespmem:$0xB0];
	_ =	sdelay $0x4  }
0x15d: {  	v4 =	vshrl.u32 v3, $0x3  }
0x15e: {  	v4 =	vmul.u32 $0x30, v4  }
0x15f: {  	v3 =	vand.u32 $0x7, v3  }
0x160: {  	v3 =	vor.u32 v3, v4  }
0x161: {  	v4 =	vperm.xlane v3, v0;
	_ =	sdelay $0x1  }
0x162: {  	v4 =	vadd.s32 v1, v4;
	_ =	sdelay $0x3  }
0x163: {  	s28 =	simm.s32 $0x9100;
	v3 =	vperm.xlane v3, v2  }
0x164: {  	[tilespmem:s28], [sflag:$0x1] =	stream.indirect_vreg.gather [hbm4b:s2+s26], $0x80, v4, vm0, $0xb8;
	[tilespmem:$0x18100] =	vst v63  }
0x165: {  	v3 =	vadd.s32 v1, v3;
	s28 =	simm.s32 $0x9900  }
0x166: {  	[tilespmem:s28], [sflag:$0x1] =	stream.indirect_vreg.gather [hbm4b:s5+s26], $0x80, v4, vm0, $0xb8;
	[tilespmem:$0x18100] =	vst v63  }
0x167: {  	s28 =	simm.s32 $0xA100  }
0x168: {  	[tilespmem:s28], [sflag:$0x1] =	stream.indirect_vreg.gather [hbm4b:s6+s26], $0x80, v4, vm0, $0xb8;
	[tilespmem:$0x18100] =	vst v63  }
0x169: {  	s28 =	simm.s32 $0xA900  }
0x16a: {  	[tilespmem:s28], [sflag:$0x1] =	stream.indirect_vreg.gather [hbm4b:s2+s26], $0x80, v3, vm0, $0xb8;
	[tilespmem:$0x18100] =	vst v63  }
0x16b: {  	s28 =	simm.s32 $0xB100  }
0x16c: {  	[tilespmem:s28], [sflag:$0x1] =	stream.indirect_vreg.gather [hbm4b:s5+s26], $0x80, v3, vm0, $0xb8;
	[tilespmem:$0x18100] =	vst v63  }
0x16d: {  	s28 =	simm.s32 $0xB900  }
0x16e: {  	[tilespmem:s28], [sflag:$0x1] =	stream.indirect_vreg.gather [hbm4b:s6+s26], $0x80, v3, vm0, $0xb8;
	[tilespmem:$0x18100] =	vst v63  }
0x16f: {  	s28 =	simm.s32 $0x0  }
0x170: {  	s28 =	smul.u32 $0x6000, s28  }
0x171: {  	_ =	swait.ge [sflag:s23], $0xC000  }
0x172: {  	s29 =	sand.u32 $0x380, s26;
	[sflag:s23] =	ssyncset.done $0x0;
	s28 =	sshra.s32 s28, $0x2  }
0x173: {  	[sflag:s23] =	ssyncadd.s32 $0xFFFF4000;
	s28 =	sor.u32 s29, s28  }
0x174: {  	v3 =	vld [tilespmem:s28+$0xC100]  }
0x175: {  	v4 =	vld [tilespmem:s28+$0xC110]  }
0x176: {  	v5 =	vld [tilespmem:s28+$0xC120]  }
0x177: {  	v6 =	vld [tilespmem:s28+$0xC130]  }
0x178: {  	v7 =	vld [tilespmem:s28+$0xC140]  }
0x179: {  	v8 =	vld [tilespmem:s28+$0xC150];
	v3 =	vmul.f32 $2.771281240e+01, v3  }
0x17a: {  	v9 =	vld [tilespmem:s28+$0xC160];
	v4 =	vmul.f32 $2.771281240e+01, v4  }
0x17b: {  	[tilespmem:s28+$0xC100] =	vst v3;
	v3 =	vmul.f32 $2.771281240e+01, v5;
	v5 =	vld [tilespmem:s28+$0xC170]  }
0x17c: {  	[tilespmem:s28+$0xC110] =	vst v4;
	v4 =	vmul.f32 $2.771281240e+01, v6;
	v6 =	vld [tilespmem:s28+$0xC500]  }
0x17d: {  	[tilespmem:s28+$0xC120] =	vst v3;
	v3 =	vmul.f32 $2.771281240e+01, v7;
	v7 =	vld [tilespmem:s28+$0xC510]  }
0x17e: {  	[tilespmem:s28+$0xC130] =	vst v4;
	v4 =	vmul.f32 $2.771281240e+01, v8;
	v8 =	vld [tilespmem:s28+$0xC520];
	_ =	sdelay $0x1  }
0x17f: {  	[tilespmem:s28+$0xC140] =	vst v3;
	v3 =	vmul.f32 $2.771281240e+01, v9;
	v9 =	vld [tilespmem:s28+$0xC570]  }
0x180: {  	[tilespmem:s28+$0xC150] =	vst v4;
	v4 =	vmul.f32 $2.771281240e+01, v5;
	v5 =	vld [tilespmem:s28+$0xC530]  }
0x181: {  	[tilespmem:s28+$0xC160] =	vst v3;
	v3 =	vmul.f32 $2.771281240e+01, v6;
	v6 =	vld [tilespmem:s28+$0xC540]  }
0x182: {  	[tilespmem:s28+$0xC170] =	vst v4;
	v4 =	vmul.f32 $2.771281240e+01, v7;
	v7 =	vmul.f32 $2.771281240e+01, v8;
	v8 =	vld [tilespmem:s28+$0xC560]  }
0x183: {  	[tilespmem:s28+$0xC500] =	vst v3;
	v3 =	vld [tilespmem:s28+$0xC550]  }
0x184: {  	[tilespmem:s28+$0xC510] =	vst v4;
	v4 =	vld [tilespmem:s28+$0xC900];
	v9 =	vmul.f32 $2.771281240e+01, v9  }
0x185: {  	[tilespmem:s28+$0xC520] =	vst v7;
	v7 =	vld [tilespmem:s28+$0xC910];
	v5 =	vmul.f32 $2.771281240e+01, v5  }
0x186: {  	v6 =	vmul.f32 $2.771281240e+01, v6;
	[tilespmem:s28+$0xC570] =	vst v9  }
0x187: {  	[tilespmem:s28+$0xC530] =	vst v5;
	v5 =	vld [tilespmem:s28+$0xC920];
	v8 =	vmul.f32 $2.771281240e+01, v8  }
0x188: {  	v3 =	vmul.f32 $2.771281240e+01, v3;
	[tilespmem:s28+$0xC540] =	vst v6;
	v6 =	vld [tilespmem:s28+$0xC930]  }
0x189: {  	v9 =	vld [tilespmem:s28+$0xC970];
	[tilespmem:s28+$0xC560] =	vst v8;
	v4 =	vmul.f32 $2.771281240e+01, v4  }
0x18a: {  	v7 =	vmul.f32 $2.771281240e+01, v7;
	[tilespmem:s28+$0xC550] =	vst v3;
	v3 =	vld [tilespmem:s28+$0xC940]  }
0x18b: {  	v8 =	vld [tilespmem:s28+$0xC950];
	[tilespmem:s28+$0xC900] =	vst v4  }
0x18c: {  	[tilespmem:s28+$0xC910] =	vst v7;
	v7 =	vld [tilespmem:s28+$0xC960];
	v4 =	vmul.f32 $2.771281240e+01, v5  }
0x18d: {  	v5 =	vld [tilespmem:s28+$0xCD00];
	v6 =	vmul.f32 $2.771281240e+01, v6  }
0x18e: {  	[tilespmem:s28+$0xC920] =	vst v4;
	v4 =	vld [tilespmem:s28+$0xCD10]  }
0x18f: {  	v3 =	vmul.f32 $2.771281240e+01, v3;
	[tilespmem:s28+$0xC930] =	vst v6;
	v6 =	vld [tilespmem:s28+$0xCD20]  }
0x190: {  	v8 =	vmul.f32 $2.771281240e+01, v8  }
0x191: {  	v7 =	vmul.f32 $2.771281240e+01, v7;
	[tilespmem:s28+$0xC940] =	vst v3;
	v3 =	vld [tilespmem:s28+$0xCD30]  }
0x192: {  	[tilespmem:s28+$0xC950] =	vst v8;
	v8 =	vld [tilespmem:s28+$0xCD40];
	v5 =	vmul.f32 $2.771281240e+01, v5  }
0x193: {  	v9 =	vmul.f32 $2.771281240e+01, v9;
	[tilespmem:s28+$0xC960] =	vst v7;
	v7 =	vld [tilespmem:s28+$0xCD50]  }
0x194: {  	v4 =	vmul.f32 $2.771281240e+01, v4;
	[tilespmem:s28+$0xCD00] =	vst v5;
	v5 =	vmul.f32 $2.771281240e+01, v6;
	v6 =	vld [tilespmem:s28+$0xCD60]  }
0x195: {  	[tilespmem:s28+$0xC970] =	vst v9;
	v9 =	vld [tilespmem:s28+$0xCD70]  }
0x196: {  	[tilespmem:s28+$0xCD10] =	vst v4;
	v4 =	vld [tilespmem:s28+$0xD100];
	v3 =	vmul.f32 $2.771281240e+01, v3  }
0x197: {  	v8 =	vmul.f32 $2.771281240e+01, v8;
	[tilespmem:s28+$0xCD20] =	vst v5;
	v5 =	vld [tilespmem:s28+$0xD110]  }
0x198: {  	v7 =	vmul.f32 $2.771281240e+01, v7;
	[tilespmem:s28+$0xCD30] =	vst v3;
	v3 =	vld [tilespmem:s28+$0xD120]  }
0x199: {  	[tilespmem:s28+$0xCD40] =	vst v8;
	v8 =	vld [tilespmem:s28+$0xD130];
	v6 =	vmul.f32 $2.771281240e+01, v6  }
0x19a: {  	v10 =	vld [tilespmem:s28+$0xD140];
	[tilespmem:s28+$0xCD50] =	vst v7;
	v7 =	vmul.f32 $2.771281240e+01, v9  }
0x19b: {  	v11 =	vld [tilespmem:s28+$0xD150];
	v4 =	vmul.f32 $2.771281240e+01, v4;
	[tilespmem:s28+$0xCD60] =	vst v6  }
0x19c: {  	[tilespmem:s28+$0xCD70] =	vst v7;
	v5 =	vmul.f32 $2.771281240e+01, v5;
	v6 =	vld [tilespmem:s28+$0xD160]  }
0x19d: {  	v7 =	vld [tilespmem:s28+$0xD170];
	[tilespmem:s28+$0xD100] =	vst v4;
	v3 =	vmul.f32 $2.771281240e+01, v3  }
0x19e: {  	v4 =	vld [tilespmem:s28+$0xD500];
	[tilespmem:s28+$0xD110] =	vst v5;
	v5 =	vmul.f32 $2.771281240e+01, v8  }
0x19f: {  	v9 =	vmul.f32 $2.771281240e+01, v10;
	[tilespmem:s28+$0xD120] =	vst v3;
	v3 =	vld [tilespmem:s28+$0xD510]  }
0x1a0: {  	s29 =	simm.s32 $0x1;
	v8 =	vmul.f32 $2.771281240e+01, v11;
	[tilespmem:s28+$0xD130] =	vst v5;
	v5 =	vld [tilespmem:s28+$0xD520]  }
.LBB2_4:
0x1a1: {  	s30 =	sshrl.u32 s29, $0x3;
	p0 =	sne.s32 s29, $0x3F;
	[tilespmem:s28+$0xD140] =	vst v9;
	v6 =	vmul.f32 $2.771281240e+01, v6;
	v9 =	vld [tilespmem:s28+$0xD530]  }
0x1a2: {  	s30 =	smul.u32 $0x6000, s30;
	[tilespmem:s28+$0xD150] =	vst v8;
	v7 =	vmul.f32 $2.771281240e+01, v7;
	v8 =	vld [tilespmem:s28+$0xD540]  }
0x1a3: {  	s26 =	sadd.s32 $0x80, s26;
	[tilespmem:s28+$0xD160] =	vst v6;
	v4 =	vmul.f32 $2.771281240e+01, v4;
	v6 =	vld [tilespmem:s28+$0xD550]  }
0x1a4: {  	s31 =	sand.u32 $0x380, s26;
	s30 =	sshra.s32 s30, $0x2;
	[tilespmem:s28+$0xD170] =	vst v7;
	v3 =	vmul.f32 $2.771281240e+01, v3;
	v7 =	vld [tilespmem:s28+$0xD560]  }
0x1a5: {  	s30 =	sor.u32 s31, s30;
	[tilespmem:s28+$0xD500] =	vst v4;
	v4 =	vmul.f32 $2.771281240e+01, v5;
	v5 =	vld [tilespmem:s28+$0xD570]  }
0x1a6: {  	v10 =	vld [tilespmem:s30+$0xC100];
	[tilespmem:s28+$0xD510] =	vst v3;
	v3 =	vmul.f32 $2.771281240e+01, v9  }
0x1a7: {  	v9 =	vld [tilespmem:s30+$0xC110];
	[tilespmem:s28+$0xD520] =	vst v4;
	v4 =	vmul.f32 $2.771281240e+01, v8  }
0x1a8: {  	v8 =	vld [tilespmem:s30+$0xC120];
	[tilespmem:s28+$0xD530] =	vst v3;
	v3 =	vmul.f32 $2.771281240e+01, v6  }
0x1a9: {  	v6 =	vld [tilespmem:s30+$0xC130];
	[tilespmem:s28+$0xD540] =	vst v4;
	v4 =	vmul.f32 $2.771281240e+01, v7  }
0x1aa: {  	v7 =	vld [tilespmem:s30+$0xC140];
	[tilespmem:s28+$0xD550] =	vst v3;
	v3 =	vmul.f32 $2.771281240e+01, v5  }
0x1ab: {  	v5 =	vmul.f32 $2.771281240e+01, v10;
	v10 =	vld [tilespmem:s30+$0xC150];
	[tilespmem:s28+$0xD560] =	vst v4  }
0x1ac: {  	v4 =	vmul.f32 $2.771281240e+01, v9;
	v9 =	vld [tilespmem:s30+$0xC160];
	[tilespmem:s28+$0xD570] =	vst v3;
	s28 =	smov.u32 s30  }
0x1ad: {  	[tilespmem:s28+$0xC100] =	vst v5;
	v3 =	vmul.f32 $2.771281240e+01, v8;
	v5 =	vld [tilespmem:s28+$0xC170]  }
0x1ae: {  	[tilespmem:s28+$0xC110] =	vst v4;
	v4 =	vmul.f32 $2.771281240e+01, v6;
	v6 =	vld [tilespmem:s28+$0xC500]  }
0x1af: {  	[tilespmem:s28+$0xC120] =	vst v3;
	v3 =	vmul.f32 $2.771281240e+01, v7;
	v7 =	vld [tilespmem:s28+$0xC510]  }
0x1b0: {  	[tilespmem:s28+$0xC130] =	vst v4;
	v4 =	vmul.f32 $2.771281240e+01, v10;
	v8 =	vld [tilespmem:s28+$0xC520]  }
0x1b1: {  	[tilespmem:s28+$0xC140] =	vst v3;
	v3 =	vmul.f32 $2.771281240e+01, v9;
	v9 =	vld [tilespmem:s28+$0xC530]  }
0x1b2: {  	[tilespmem:s28+$0xC150] =	vst v4;
	v4 =	vmul.f32 $2.771281240e+01, v5;
	v5 =	vld [tilespmem:s28+$0xC540]  }
0x1b3: {  	[tilespmem:s28+$0xC160] =	vst v3;
	v3 =	vmul.f32 $2.771281240e+01, v6;
	v6 =	vld [tilespmem:s28+$0xC550]  }
0x1b4: {  	[tilespmem:s28+$0xC170] =	vst v4;
	v4 =	vmul.f32 $2.771281240e+01, v7;
	v7 =	vld [tilespmem:s28+$0xC560]  }
0x1b5: {  	[tilespmem:s28+$0xC500] =	vst v3;
	v3 =	vmul.f32 $2.771281240e+01, v8;
	v8 =	vld [tilespmem:s28+$0xC570]  }
0x1b6: {  	[tilespmem:s28+$0xC510] =	vst v4;
	v4 =	vmul.f32 $2.771281240e+01, v9;
	v9 =	vld [tilespmem:s28+$0xC900]  }
0x1b7: {  	[tilespmem:s28+$0xC520] =	vst v3;
	v3 =	vmul.f32 $2.771281240e+01, v5;
	v5 =	vld [tilespmem:s28+$0xC910]  }
0x1b8: {  	[tilespmem:s28+$0xC530] =	vst v4;
	v4 =	vmul.f32 $2.771281240e+01, v6;
	v6 =	vld [tilespmem:s28+$0xC920]  }
0x1b9: {  	[tilespmem:s28+$0xC540] =	vst v3;
	v3 =	vmul.f32 $2.771281240e+01, v7;
	v7 =	vld [tilespmem:s28+$0xC930]  }
0x1ba: {  	[tilespmem:s28+$0xC550] =	vst v4;
	v4 =	vmul.f32 $2.771281240e+01, v8;
	v8 =	vld [tilespmem:s28+$0xC940]  }
0x1bb: {  	[tilespmem:s28+$0xC560] =	vst v3;
	v3 =	vmul.f32 $2.771281240e+01, v9;
	v9 =	vld [tilespmem:s28+$0xC950]  }
0x1bc: {  	[tilespmem:s28+$0xC570] =	vst v4;
	v4 =	vmul.f32 $2.771281240e+01, v5;
	v5 =	vld [tilespmem:s28+$0xC960]  }
0x1bd: {  	[tilespmem:s28+$0xC900] =	vst v3;
	v3 =	vmul.f32 $2.771281240e+01, v6;
	v6 =	vld [tilespmem:s28+$0xC970]  }
0x1be: {  	[tilespmem:s28+$0xC910] =	vst v4;
	v4 =	vmul.f32 $2.771281240e+01, v7;
	v7 =	vld [tilespmem:s28+$0xCD00]  }
0x1bf: {  	[tilespmem:s28+$0xC920] =	vst v3;
	v3 =	vmul.f32 $2.771281240e+01, v8;
	v8 =	vld [tilespmem:s28+$0xCD10]  }
0x1c0: {  	[tilespmem:s28+$0xC930] =	vst v4;
	v4 =	vmul.f32 $2.771281240e+01, v9;
	v9 =	vld [tilespmem:s28+$0xCD20]  }
0x1c1: {  	[tilespmem:s28+$0xC940] =	vst v3;
	v3 =	vmul.f32 $2.771281240e+01, v5;
	v5 =	vld [tilespmem:s28+$0xCD30]  }
0x1c2: {  	[tilespmem:s28+$0xC950] =	vst v4;
	v4 =	vmul.f32 $2.771281240e+01, v6;
	v6 =	vld [tilespmem:s28+$0xCD40]  }
0x1c3: {  	[tilespmem:s28+$0xC960] =	vst v3;
	v3 =	vmul.f32 $2.771281240e+01, v7;
	v7 =	vld [tilespmem:s28+$0xCD50]  }
0x1c4: {  	[tilespmem:s28+$0xC970] =	vst v4;
	v4 =	vmul.f32 $2.771281240e+01, v8;
	v8 =	vld [tilespmem:s28+$0xCD60]  }
0x1c5: {  	[tilespmem:s28+$0xCD00] =	vst v3;
	v3 =	vmul.f32 $2.771281240e+01, v9;
	v9 =	vld [tilespmem:s28+$0xCD70]  }
0x1c6: {  	[tilespmem:s28+$0xCD10] =	vst v4;
	v4 =	vmul.f32 $2.771281240e+01, v5;
	v5 =	vld [tilespmem:s28+$0xD100]  }
0x1c7: {  	[tilespmem:s28+$0xCD20] =	vst v3;
	v3 =	vmul.f32 $2.771281240e+01, v6;
	v6 =	vld [tilespmem:s28+$0xD110]  }
0x1c8: {  	[tilespmem:s28+$0xCD30] =	vst v4;
	v4 =	vmul.f32 $2.771281240e+01, v7;
	v7 =	vld [tilespmem:s28+$0xD120]  }
0x1c9: {  	[tilespmem:s28+$0xCD40] =	vst v3;
	v3 =	vmul.f32 $2.771281240e+01, v8;
	v8 =	vld [tilespmem:s28+$0xD130]  }
0x1ca: {  	[tilespmem:s28+$0xCD50] =	vst v4;
	v4 =	vmul.f32 $2.771281240e+01, v9;
	v9 =	vld [tilespmem:s28+$0xD140]  }
0x1cb: {  	[tilespmem:s28+$0xCD60] =	vst v3;
	v3 =	vmul.f32 $2.771281240e+01, v5;
	v5 =	vld [tilespmem:s28+$0xD150]  }
.Ltmp1:
0x1cc: {  	[tilespmem:s28+$0xCD70] =	vst v4;
	v4 =	vmul.f32 $2.771281240e+01, v6;
	v6 =	vld [tilespmem:s28+$0xD160];
	(pc) =	sbr.rel @p0 .LBB2_4-.Ltmp1, $4  }
0x1cd: {  	[tilespmem:s28+$0xD100] =	vst v3;
	v3 =	vmul.f32 $2.771281240e+01, v7;
	v7 =	vld [tilespmem:s28+$0xD170]  }
0x1ce: {  	[tilespmem:s28+$0xD110] =	vst v4;
	v8 =	vmul.f32 $2.771281240e+01, v8;
	v4 =	vld [tilespmem:s28+$0xD500]  }
0x1cf: {  	[tilespmem:s28+$0xD120] =	vst v3;
	v9 =	vmul.f32 $2.771281240e+01, v9;
	v3 =	vld [tilespmem:s28+$0xD510]  }
0x1d0: {  	s29 =	sadd.s32 $0x1, s29;
	[tilespmem:s28+$0xD130] =	vst v8;
	v8 =	vmul.f32 $2.771281240e+01, v5;
	v5 =	vld [tilespmem:s28+$0xD520]  }
0x1d1: {  	[tilespmem:s28+$0xD140] =	vst v9;
	v9 =	vld [tilespmem:s28+$0xD530];
	v6 =	vmul.f32 $2.771281240e+01, v6  }
0x1d2: {  	[tilespmem:s28+$0xD150] =	vst v8;
	v8 =	vld [tilespmem:s28+$0xD540];
	v7 =	vmul.f32 $2.771281240e+01, v7  }
0x1d3: {  	[tilespmem:s28+$0xD160] =	vst v6;
	v6 =	vld [tilespmem:s28+$0xD550];
	v4 =	vmul.f32 $2.771281240e+01, v4  }
0x1d4: {  	[tilespmem:s28+$0xD170] =	vst v7;
	v3 =	vmul.f32 $2.771281240e+01, v3;
	v7 =	vld [tilespmem:s28+$0xD560]  }
0x1d5: {  	[tilespmem:s28+$0xD500] =	vst v4;
	v4 =	vmul.f32 $2.771281240e+01, v5;
	v5 =	vld [tilespmem:s28+$0xD570]  }
0x1d6: {  	[tilespmem:s28+$0xD510] =	vst v3;
	v3 =	vmul.f32 $2.771281240e+01, v9  }
0x1d7: {  	[tilespmem:s28+$0xD520] =	vst v4;
	v4 =	vmul.f32 $2.771281240e+01, v8  }
0x1d8: {  	[tilespmem:s28+$0xD530] =	vst v3;
	v3 =	vmul.f32 $2.771281240e+01, v6  }
0x1d9: {  	[tilespmem:s28+$0xD540] =	vst v4;
	v4 =	vmul.f32 $2.771281240e+01, v7  }
0x1da: {  	[tilespmem:s28+$0xD550] =	vst v3;
	v3 =	vmul.f32 $2.771281240e+01, v5  }
0x1db: {  	[tilespmem:s28+$0xD560] =	vst v4  }
0x1dc: {  	s26 =	simm.s32 $0x0;
	[tilespmem:s28+$0xD570] =	vst v3;
	s28 =	rddreg [dreg:$0x5]  }
0x1dd: {  	[hbm4b:s28+s26] =	stream.linear.scatter [tilespmem:s20], [sflag:$0x4], $0xC000, $0x38;
	[tilespmem:$0x18100] =	vst v63  }
0x1de: {  	_ =	swait.ge [sflag:s24], $0xC000  }
0x1df: {  	[sflag:s24] =	ssyncset.done $0x0  }
0x1e0: {  	[sflag:s24] =	ssyncadd.s32 $0xFFFF4000  }
0x1e1: {  	v3 =	vld [tilespmem:$0xC0];
	_ =	sdelay $0x4  }
0x1e2: {  	v4 =	vshrl.u32 v3, $0x3  }
0x1e3: {  	v4 =	vmul.u32 $0x30, v4  }
0x1e4: {  	v3 =	vand.u32 $0x7, v3  }
0x1e5: {  	v3 =	vor.u32 v3, v4  }
0x1e6: {  	v4 =	vperm.xlane v3, v0;
	_ =	sdelay $0x1  }
0x1e7: {  	v4 =	vadd.s32 v1, v4;
	_ =	sdelay $0x3  }
0x1e8: {  	v3 =	vperm.xlane v3, v2  }
0x1e9: {  	[tilespmem:s20], [sflag:$0x2] =	stream.indirect_vreg.gather [hbm4b:s2+s26], $0x80, v4, vm0, $0xb8;
	[tilespmem:$0x18100] =	vst v63  }
0x1ea: {  	s28 =	simm.s32 $0xC900;
	v3 =	vadd.s32 v1, v3  }
0x1eb: {  	[tilespmem:s28], [sflag:$0x2] =	stream.indirect_vreg.gather [hbm4b:s5+s26], $0x80, v4, vm0, $0xb8;
	[tilespmem:$0x18100] =	vst v63  }
0x1ec: {  	s28 =	simm.s32 $0xD100  }
0x1ed: {  	[tilespmem:s28], [sflag:$0x2] =	stream.indirect_vreg.gather [hbm4b:s6+s26], $0x80, v4, vm0, $0xb8;
	[tilespmem:$0x18100] =	vst v63  }
0x1ee: {  	s28 =	simm.s32 $0xD900  }
0x1ef: {  	[tilespmem:s28], [sflag:$0x2] =	stream.indirect_vreg.gather [hbm4b:s2+s26], $0x80, v3, vm0, $0xb8;
	[tilespmem:$0x18100] =	vst v63  }
0x1f0: {  	s28 =	simm.s32 $0xE100  }
0x1f1: {  	[tilespmem:s28], [sflag:$0x2] =	stream.indirect_vreg.gather [hbm4b:s5+s26], $0x80, v3, vm0, $0xb8;
	[tilespmem:$0x18100] =	vst v63  }
0x1f2: {  	s28 =	simm.s32 $0xE900  }
0x1f3: {  	[tilespmem:s28], [sflag:$0x2] =	stream.indirect_vreg.gather [hbm4b:s6+s26], $0x80, v3, vm0, $0xb8;
	[tilespmem:$0x18100] =	vst v63  }
0x1f4: {  	v3 =	vld [tilespmem:$0xD0];
	_ =	sdelay $0x4  }
0x1f5: {  	v4 =	vshrl.u32 v3, $0x3  }
0x1f6: {  	v4 =	vmul.u32 $0x30, v4  }
0x1f7: {  	v3 =	vand.u32 $0x7, v3  }
0x1f8: {  	v3 =	vor.u32 v3, v4  }
0x1f9: {  	v4 =	vperm.xlane v3, v0;
	_ =	sdelay $0x1  }
0x1fa: {  	v4 =	vadd.s32 v1, v4;
	_ =	sdelay $0x3  }
0x1fb: {  	s28 =	simm.s32 $0xF100;
	v3 =	vperm.xlane v3, v2  }
0x1fc: {  	[tilespmem:s28], [sflag:$0x2] =	stream.indirect_vreg.gather [hbm4b:s2+s26], $0x80, v4, vm0, $0xb8;
	[tilespmem:$0x18100] =	vst v63  }
0x1fd: {  	v3 =	vadd.s32 v1, v3;
	s28 =	simm.s32 $0xF900  }
0x1fe: {  	[tilespmem:s28], [sflag:$0x2] =	stream.indirect_vreg.gather [hbm4b:s5+s26], $0x80, v4, vm0, $0xb8;
	[tilespmem:$0x18100] =	vst v63  }
0x1ff: {  	s28 =	simm.s32 $0x10100  }
0x200: {  	[tilespmem:s28], [sflag:$0x2] =	stream.indirect_vreg.gather [hbm4b:s6+s26], $0x80, v4, vm0, $0xb8;
	[tilespmem:$0x18100] =	vst v63  }
0x201: {  	s28 =	simm.s32 $0x10900  }
0x202: {  	[tilespmem:s28], [sflag:$0x2] =	stream.indirect_vreg.gather [hbm4b:s2+s26], $0x80, v3, vm0, $0xb8;
	[tilespmem:$0x18100] =	vst v63  }
0x203: {  	s28 =	simm.s32 $0x11100  }
0x204: {  	[tilespmem:s28], [sflag:$0x2] =	stream.indirect_vreg.gather [hbm4b:s5+s26], $0x80, v3, vm0, $0xb8;
	[tilespmem:$0x18100] =	vst v63  }
0x205: {  	_ = 	snop  }
0x206: {  	[tilespmem:s4], [sflag:$0x2] =	stream.indirect_vreg.gather [hbm4b:s6+s26], $0x80, v3, vm0, $0xb8;
	[tilespmem:$0x18100] =	vst v63  }
0x207: {  	v3 =	vld [tilespmem:$0xE0];
	_ =	sdelay $0x4  }
0x208: {  	v4 =	vshrl.u32 v3, $0x3  }
0x209: {  	v4 =	vmul.u32 $0x30, v4  }
0x20a: {  	v3 =	vand.u32 $0x7, v3  }
0x20b: {  	v3 =	vor.u32 v3, v4  }
0x20c: {  	v4 =	vperm.xlane v3, v0;
	_ =	sdelay $0x1  }
0x20d: {  	v4 =	vadd.s32 v1, v4;
	_ =	sdelay $0x3  }
0x20e: {  	v3 =	vperm.xlane v3, v2  }
0x20f: {  	[tilespmem:s0], [sflag:$0x2] =	stream.indirect_vreg.gather [hbm4b:s2+s26], $0x80, v4, vm0, $0xb8;
	[tilespmem:$0x18100] =	vst v63  }
0x210: {  	v3 =	vadd.s32 v1, v3  }
0x211: {  	[tilespmem:s1], [sflag:$0x2] =	stream.indirect_vreg.gather [hbm4b:s5+s26], $0x80, v4, vm0, $0xb8;
	[tilespmem:$0x18100] =	vst v63  }
0x212: {  	_ = 	snop  }
0x213: {  	[tilespmem:s12], [sflag:$0x2] =	stream.indirect_vreg.gather [hbm4b:s6+s26], $0x80, v4, vm0, $0xb8;
	[tilespmem:$0x18100] =	vst v63  }
0x214: {  	_ = 	snop  }
0x215: {  	[tilespmem:s13], [sflag:$0x2] =	stream.indirect_vreg.gather [hbm4b:s2+s26], $0x80, v3, vm0, $0xb8;
	[tilespmem:$0x18100] =	vst v63  }
0x216: {  	_ = 	snop  }
0x217: {  	[tilespmem:s16], [sflag:$0x2] =	stream.indirect_vreg.gather [hbm4b:s5+s26], $0x80, v3, vm0, $0xb8;
	[tilespmem:$0x18100] =	vst v63  }
0x218: {  	_ = 	snop  }
0x219: {  	[tilespmem:s8], [sflag:$0x2] =	stream.indirect_vreg.gather [hbm4b:s6+s26], $0x80, v3, vm0, $0xb8;
	[tilespmem:$0x18100] =	vst v63  }
0x21a: {  	v3 =	vld [tilespmem:$0xF0];
	_ =	sdelay $0x4  }
0x21b: {  	v4 =	vshrl.u32 v3, $0x3  }
0x21c: {  	v4 =	vmul.u32 $0x30, v4  }
0x21d: {  	v3 =	vand.u32 $0x7, v3  }
0x21e: {  	v3 =	vor.u32 v3, v4  }
0x21f: {  	v4 =	vperm.xlane v3, v0;
	_ =	sdelay $0x1  }
0x220: {  	v4 =	vadd.s32 v1, v4;
	_ =	sdelay $0x3  }
0x221: {  	v3 =	vperm.xlane v3, v2  }
0x222: {  	[tilespmem:s17], [sflag:$0x2] =	stream.indirect_vreg.gather [hbm4b:s2+s26], $0x80, v4, vm0, $0xb8;
	[tilespmem:$0x18100] =	vst v63  }
0x223: {  	v3 =	vadd.s32 v1, v3  }
0x224: {  	[tilespmem:s9], [sflag:$0x2] =	stream.indirect_vreg.gather [hbm4b:s5+s26], $0x80, v4, vm0, $0xb8;
	[tilespmem:$0x18100] =	vst v63  }
0x225: {  	_ = 	snop  }
0x226: {  	[tilespmem:s18], [sflag:$0x2] =	stream.indirect_vreg.gather [hbm4b:s6+s26], $0x80, v4, vm0, $0xb8;
	[tilespmem:$0x18100] =	vst v63  }
0x227: {  	_ = 	snop  }
0x228: {  	[tilespmem:s10], [sflag:$0x2] =	stream.indirect_vreg.gather [hbm4b:s2+s26], $0x80, v3, vm0, $0xb8;
	[tilespmem:$0x18100] =	vst v63  }
0x229: {  	s28 =	simm.s32 $0x0  }
0x22a: {  	[tilespmem:s19], [sflag:$0x2] =	stream.indirect_vreg.gather [hbm4b:s5+s26], $0x80, v3, vm0, $0xb8;
	[tilespmem:$0x18100] =	vst v63  }
0x22b: {  	s28 =	smul.u32 $0x6000, s28  }
0x22c: {  	[tilespmem:s11], [sflag:$0x2] =	stream.indirect_vreg.gather [hbm4b:s6+s26], $0x80, v3, vm0, $0xb8;
	[tilespmem:$0x18100] =	vst v63  }
0x22d: {  	_ =	swait.ge [sflag:s21], $0xC000  }
0x22e: {  	s29 =	sand.u32 $0x380, s26;
	s28 =	sshra.s32 s28, $0x2;
	[sflag:s21] =	ssyncset.done $0x0  }
0x22f: {  	s28 =	sor.u32 s29, s28;
	[sflag:s21] =	ssyncadd.s32 $0xFFFF4000  }
0x230: {  	v3 =	vld [tilespmem:s28+$0x100]  }
0x231: {  	v4 =	vld [tilespmem:s28+$0x110]  }
0x232: {  	v5 =	vld [tilespmem:s28+$0x120]  }
0x233: {  	v6 =	vld [tilespmem:s28+$0x130]  }
0x234: {  	v7 =	vld [tilespmem:s28+$0x140]  }
0x235: {  	v8 =	vld [tilespmem:s28+$0x150];
	v3 =	vmul.f32 $2.771281240e+01, v3  }
0x236: {  	v9 =	vld [tilespmem:s28+$0x160];
	v4 =	vmul.f32 $2.771281240e+01, v4  }
0x237: {  	[tilespmem:s28+$0x100] =	vst v3;
	v3 =	vmul.f32 $2.771281240e+01, v5;
	v5 =	vld [tilespmem:s28+$0x170]  }
0x238: {  	[tilespmem:s28+$0x110] =	vst v4;
	v4 =	vmul.f32 $2.771281240e+01, v6;
	v6 =	vld [tilespmem:s28+$0x500]  }
0x239: {  	[tilespmem:s28+$0x120] =	vst v3;
	v3 =	vmul.f32 $2.771281240e+01, v7;
	v7 =	vld [tilespmem:s28+$0x510]  }
0x23a: {  	[tilespmem:s28+$0x130] =	vst v4;
	v4 =	vmul.f32 $2.771281240e+01, v8;
	v8 =	vld [tilespmem:s28+$0x520];
	_ =	sdelay $0x1  }
0x23b: {  	[tilespmem:s28+$0x140] =	vst v3;
	v3 =	vmul.f32 $2.771281240e+01, v9;
	v9 =	vld [tilespmem:s28+$0x570]  }
0x23c: {  	[tilespmem:s28+$0x150] =	vst v4;
	v4 =	vmul.f32 $2.771281240e+01, v5;
	v5 =	vld [tilespmem:s28+$0x530]  }
0x23d: {  	[tilespmem:s28+$0x160] =	vst v3;
	v3 =	vmul.f32 $2.771281240e+01, v6;
	v6 =	vld [tilespmem:s28+$0x540]  }
0x23e: {  	[tilespmem:s28+$0x170] =	vst v4;
	v4 =	vmul.f32 $2.771281240e+01, v7;
	v7 =	vmul.f32 $2.771281240e+01, v8;
	v8 =	vld [tilespmem:s28+$0x560]  }
0x23f: {  	[tilespmem:s28+$0x500] =	vst v3;
	v3 =	vld [tilespmem:s28+$0x550]  }
0x240: {  	[tilespmem:s28+$0x510] =	vst v4;
	v4 =	vld [tilespmem:s28+$0x900];
	v9 =	vmul.f32 $2.771281240e+01, v9  }
0x241: {  	[tilespmem:s28+$0x520] =	vst v7;
	v7 =	vld [tilespmem:s28+$0x910];
	v5 =	vmul.f32 $2.771281240e+01, v5  }
0x242: {  	v6 =	vmul.f32 $2.771281240e+01, v6;
	[tilespmem:s28+$0x570] =	vst v9  }
0x243: {  	[tilespmem:s28+$0x530] =	vst v5;
	v5 =	vld [tilespmem:s28+$0x920];
	v8 =	vmul.f32 $2.771281240e+01, v8  }
0x244: {  	v3 =	vmul.f32 $2.771281240e+01, v3;
	[tilespmem:s28+$0x540] =	vst v6;
	v6 =	vld [tilespmem:s28+$0x930]  }
0x245: {  	v9 =	vld [tilespmem:s28+$0x970];
	[tilespmem:s28+$0x560] =	vst v8;
	v4 =	vmul.f32 $2.771281240e+01, v4  }
0x246: {  	v7 =	vmul.f32 $2.771281240e+01, v7;
	[tilespmem:s28+$0x550] =	vst v3;
	v3 =	vld [tilespmem:s28+$0x940]  }
0x247: {  	v8 =	vld [tilespmem:s28+$0x950];
	[tilespmem:s28+$0x900] =	vst v4  }
0x248: {  	[tilespmem:s28+$0x910] =	vst v7;
	v7 =	vld [tilespmem:s28+$0x960];
	v4 =	vmul.f32 $2.771281240e+01, v5  }
0x249: {  	v5 =	vld [tilespmem:s28+$0xD00];
	v6 =	vmul.f32 $2.771281240e+01, v6  }
0x24a: {  	[tilespmem:s28+$0x920] =	vst v4;
	v4 =	vld [tilespmem:s28+$0xD10]  }
0x24b: {  	v3 =	vmul.f32 $2.771281240e+01, v3;
	[tilespmem:s28+$0x930] =	vst v6;
	v6 =	vld [tilespmem:s28+$0xD20]  }
0x24c: {  	v8 =	vmul.f32 $2.771281240e+01, v8  }
0x24d: {  	v7 =	vmul.f32 $2.771281240e+01, v7;
	[tilespmem:s28+$0x940] =	vst v3;
	v3 =	vld [tilespmem:s28+$0xD30]  }
0x24e: {  	[tilespmem:s28+$0x950] =	vst v8;
	v8 =	vld [tilespmem:s28+$0xD40];
	v5 =	vmul.f32 $2.771281240e+01, v5  }
0x24f: {  	v9 =	vmul.f32 $2.771281240e+01, v9;
	[tilespmem:s28+$0x960] =	vst v7;
	v7 =	vld [tilespmem:s28+$0xD50]  }
0x250: {  	v4 =	vmul.f32 $2.771281240e+01, v4;
	[tilespmem:s28+$0xD00] =	vst v5;
	v5 =	vmul.f32 $2.771281240e+01, v6;
	v6 =	vld [tilespmem:s28+$0xD60]  }
0x251: {  	[tilespmem:s28+$0x970] =	vst v9;
	v9 =	vld [tilespmem:s28+$0xD70]  }
0x252: {  	[tilespmem:s28+$0xD10] =	vst v4;
	v4 =	vld [tilespmem:s28+$0x1100];
	v3 =	vmul.f32 $2.771281240e+01, v3  }
0x253: {  	v8 =	vmul.f32 $2.771281240e+01, v8;
	[tilespmem:s28+$0xD20] =	vst v5;
	v5 =	vld [tilespmem:s28+$0x1110]  }
0x254: {  	v7 =	vmul.f32 $2.771281240e+01, v7;
	[tilespmem:s28+$0xD30] =	vst v3;
	v3 =	vld [tilespmem:s28+$0x1120]  }
0x255: {  	[tilespmem:s28+$0xD40] =	vst v8;
	v8 =	vld [tilespmem:s28+$0x1130];
	v6 =	vmul.f32 $2.771281240e+01, v6  }
0x256: {  	v10 =	vld [tilespmem:s28+$0x1140];
	[tilespmem:s28+$0xD50] =	vst v7;
	v7 =	vmul.f32 $2.771281240e+01, v9  }
0x257: {  	v11 =	vld [tilespmem:s28+$0x1150];
	v4 =	vmul.f32 $2.771281240e+01, v4;
	[tilespmem:s28+$0xD60] =	vst v6  }
0x258: {  	[tilespmem:s28+$0xD70] =	vst v7;
	v5 =	vmul.f32 $2.771281240e+01, v5;
	v6 =	vld [tilespmem:s28+$0x1160]  }
0x259: {  	v7 =	vld [tilespmem:s28+$0x1170];
	[tilespmem:s28+$0x1100] =	vst v4;
	v3 =	vmul.f32 $2.771281240e+01, v3  }
0x25a: {  	v4 =	vld [tilespmem:s28+$0x1500];
	[tilespmem:s28+$0x1110] =	vst v5;
	v5 =	vmul.f32 $2.771281240e+01, v8  }
0x25b: {  	v9 =	vmul.f32 $2.771281240e+01, v10;
	[tilespmem:s28+$0x1120] =	vst v3;
	v3 =	vld [tilespmem:s28+$0x1510]  }
0x25c: {  	s29 =	simm.s32 $0x1;
	v8 =	vmul.f32 $2.771281240e+01, v11;
	[tilespmem:s28+$0x1130] =	vst v5;
	v5 =	vld [tilespmem:s28+$0x1520]  }
.LBB2_6:
0x25d: {  	s30 =	sshrl.u32 s29, $0x3;
	p0 =	sne.s32 s29, $0x3F;
	[tilespmem:s28+$0x1140] =	vst v9;
	v6 =	vmul.f32 $2.771281240e+01, v6;
	v9 =	vld [tilespmem:s28+$0x1530]  }
0x25e: {  	s30 =	smul.u32 $0x6000, s30;
	[tilespmem:s28+$0x1150] =	vst v8;
	v7 =	vmul.f32 $2.771281240e+01, v7;
	v8 =	vld [tilespmem:s28+$0x1540]  }
0x25f: {  	s26 =	sadd.s32 $0x80, s26;
	[tilespmem:s28+$0x1160] =	vst v6;
	v4 =	vmul.f32 $2.771281240e+01, v4;
	v6 =	vld [tilespmem:s28+$0x1550]  }
0x260: {  	s31 =	sand.u32 $0x380, s26;
	s30 =	sshra.s32 s30, $0x2;
	[tilespmem:s28+$0x1170] =	vst v7;
	v3 =	vmul.f32 $2.771281240e+01, v3;
	v7 =	vld [tilespmem:s28+$0x1560]  }
0x261: {  	s30 =	sor.u32 s31, s30;
	[tilespmem:s28+$0x1500] =	vst v4;
	v4 =	vmul.f32 $2.771281240e+01, v5;
	v5 =	vld [tilespmem:s28+$0x1570]  }
0x262: {  	v10 =	vld [tilespmem:s30+$0x100];
	[tilespmem:s28+$0x1510] =	vst v3;
	v3 =	vmul.f32 $2.771281240e+01, v9  }
0x263: {  	v9 =	vld [tilespmem:s30+$0x110];
	[tilespmem:s28+$0x1520] =	vst v4;
	v4 =	vmul.f32 $2.771281240e+01, v8  }
0x264: {  	v8 =	vld [tilespmem:s30+$0x120];
	[tilespmem:s28+$0x1530] =	vst v3;
	v3 =	vmul.f32 $2.771281240e+01, v6  }
0x265: {  	v6 =	vld [tilespmem:s30+$0x130];
	[tilespmem:s28+$0x1540] =	vst v4;
	v4 =	vmul.f32 $2.771281240e+01, v7  }
0x266: {  	v7 =	vld [tilespmem:s30+$0x140];
	[tilespmem:s28+$0x1550] =	vst v3;
	v3 =	vmul.f32 $2.771281240e+01, v5  }
0x267: {  	v5 =	vmul.f32 $2.771281240e+01, v10;
	v10 =	vld [tilespmem:s30+$0x150];
	[tilespmem:s28+$0x1560] =	vst v4  }
0x268: {  	v4 =	vmul.f32 $2.771281240e+01, v9;
	v9 =	vld [tilespmem:s30+$0x160];
	[tilespmem:s28+$0x1570] =	vst v3;
	s28 =	smov.u32 s30  }
0x269: {  	[tilespmem:s28+$0x100] =	vst v5;
	v3 =	vmul.f32 $2.771281240e+01, v8;
	v5 =	vld [tilespmem:s28+$0x170]  }
0x26a: {  	[tilespmem:s28+$0x110] =	vst v4;
	v4 =	vmul.f32 $2.771281240e+01, v6;
	v6 =	vld [tilespmem:s28+$0x500]  }
0x26b: {  	[tilespmem:s28+$0x120] =	vst v3;
	v3 =	vmul.f32 $2.771281240e+01, v7;
	v7 =	vld [tilespmem:s28+$0x510]  }
0x26c: {  	[tilespmem:s28+$0x130] =	vst v4;
	v4 =	vmul.f32 $2.771281240e+01, v10;
	v8 =	vld [tilespmem:s28+$0x520]  }
0x26d: {  	[tilespmem:s28+$0x140] =	vst v3;
	v3 =	vmul.f32 $2.771281240e+01, v9;
	v9 =	vld [tilespmem:s28+$0x530]  }
0x26e: {  	[tilespmem:s28+$0x150] =	vst v4;
	v4 =	vmul.f32 $2.771281240e+01, v5;
	v5 =	vld [tilespmem:s28+$0x540]  }
0x26f: {  	[tilespmem:s28+$0x160] =	vst v3;
	v3 =	vmul.f32 $2.771281240e+01, v6;
	v6 =	vld [tilespmem:s28+$0x550]  }
0x270: {  	[tilespmem:s28+$0x170] =	vst v4;
	v4 =	vmul.f32 $2.771281240e+01, v7;
	v7 =	vld [tilespmem:s28+$0x560]  }
0x271: {  	[tilespmem:s28+$0x500] =	vst v3;
	v3 =	vmul.f32 $2.771281240e+01, v8;
	v8 =	vld [tilespmem:s28+$0x570]  }
0x272: {  	[tilespmem:s28+$0x510] =	vst v4;
	v4 =	vmul.f32 $2.771281240e+01, v9;
	v9 =	vld [tilespmem:s28+$0x900]  }
0x273: {  	[tilespmem:s28+$0x520] =	vst v3;
	v3 =	vmul.f32 $2.771281240e+01, v5;
	v5 =	vld [tilespmem:s28+$0x910]  }
0x274: {  	[tilespmem:s28+$0x530] =	vst v4;
	v4 =	vmul.f32 $2.771281240e+01, v6;
	v6 =	vld [tilespmem:s28+$0x920]  }
0x275: {  	[tilespmem:s28+$0x540] =	vst v3;
	v3 =	vmul.f32 $2.771281240e+01, v7;
	v7 =	vld [tilespmem:s28+$0x930]  }
0x276: {  	[tilespmem:s28+$0x550] =	vst v4;
	v4 =	vmul.f32 $2.771281240e+01, v8;
	v8 =	vld [tilespmem:s28+$0x940]  }
0x277: {  	[tilespmem:s28+$0x560] =	vst v3;
	v3 =	vmul.f32 $2.771281240e+01, v9;
	v9 =	vld [tilespmem:s28+$0x950]  }
0x278: {  	[tilespmem:s28+$0x570] =	vst v4;
	v4 =	vmul.f32 $2.771281240e+01, v5;
	v5 =	vld [tilespmem:s28+$0x960]  }
0x279: {  	[tilespmem:s28+$0x900] =	vst v3;
	v3 =	vmul.f32 $2.771281240e+01, v6;
	v6 =	vld [tilespmem:s28+$0x970]  }
0x27a: {  	[tilespmem:s28+$0x910] =	vst v4;
	v4 =	vmul.f32 $2.771281240e+01, v7;
	v7 =	vld [tilespmem:s28+$0xD00]  }
0x27b: {  	[tilespmem:s28+$0x920] =	vst v3;
	v3 =	vmul.f32 $2.771281240e+01, v8;
	v8 =	vld [tilespmem:s28+$0xD10]  }
0x27c: {  	[tilespmem:s28+$0x930] =	vst v4;
	v4 =	vmul.f32 $2.771281240e+01, v9;
	v9 =	vld [tilespmem:s28+$0xD20]  }
0x27d: {  	[tilespmem:s28+$0x940] =	vst v3;
	v3 =	vmul.f32 $2.771281240e+01, v5;
	v5 =	vld [tilespmem:s28+$0xD30]  }
0x27e: {  	[tilespmem:s28+$0x950] =	vst v4;
	v4 =	vmul.f32 $2.771281240e+01, v6;
	v6 =	vld [tilespmem:s28+$0xD40]  }
0x27f: {  	[tilespmem:s28+$0x960] =	vst v3;
	v3 =	vmul.f32 $2.771281240e+01, v7;
	v7 =	vld [tilespmem:s28+$0xD50]  }
0x280: {  	[tilespmem:s28+$0x970] =	vst v4;
	v4 =	vmul.f32 $2.771281240e+01, v8;
	v8 =	vld [tilespmem:s28+$0xD60]  }
0x281: {  	[tilespmem:s28+$0xD00] =	vst v3;
	v3 =	vmul.f32 $2.771281240e+01, v9;
	v9 =	vld [tilespmem:s28+$0xD70]  }
0x282: {  	[tilespmem:s28+$0xD10] =	vst v4;
	v4 =	vmul.f32 $2.771281240e+01, v5;
	v5 =	vld [tilespmem:s28+$0x1100]  }
0x283: {  	[tilespmem:s28+$0xD20] =	vst v3;
	v3 =	vmul.f32 $2.771281240e+01, v6;
	v6 =	vld [tilespmem:s28+$0x1110]  }
0x284: {  	[tilespmem:s28+$0xD30] =	vst v4;
	v4 =	vmul.f32 $2.771281240e+01, v7;
	v7 =	vld [tilespmem:s28+$0x1120]  }
0x285: {  	[tilespmem:s28+$0xD40] =	vst v3;
	v3 =	vmul.f32 $2.771281240e+01, v8;
	v8 =	vld [tilespmem:s28+$0x1130]  }
0x286: {  	[tilespmem:s28+$0xD50] =	vst v4;
	v4 =	vmul.f32 $2.771281240e+01, v9;
	v9 =	vld [tilespmem:s28+$0x1140]  }
0x287: {  	[tilespmem:s28+$0xD60] =	vst v3;
	v3 =	vmul.f32 $2.771281240e+01, v5;
	v5 =	vld [tilespmem:s28+$0x1150]  }
.Ltmp2:
0x288: {  	[tilespmem:s28+$0xD70] =	vst v4;
	v4 =	vmul.f32 $2.771281240e+01, v6;
	v6 =	vld [tilespmem:s28+$0x1160];
	(pc) =	sbr.rel @p0 .LBB2_6-.Ltmp2, $4  }
0x289: {  	[tilespmem:s28+$0x1100] =	vst v3;
	v3 =	vmul.f32 $2.771281240e+01, v7;
	v7 =	vld [tilespmem:s28+$0x1170]  }
0x28a: {  	[tilespmem:s28+$0x1110] =	vst v4;
	v8 =	vmul.f32 $2.771281240e+01, v8;
	v4 =	vld [tilespmem:s28+$0x1500]  }
0x28b: {  	[tilespmem:s28+$0x1120] =	vst v3;
	v9 =	vmul.f32 $2.771281240e+01, v9;
	v3 =	vld [tilespmem:s28+$0x1510]  }
0x28c: {  	s29 =	sadd.s32 $0x1, s29;
	[tilespmem:s28+$0x1130] =	vst v8;
	v8 =	vmul.f32 $2.771281240e+01, v5;
	v5 =	vld [tilespmem:s28+$0x1520]  }
0x28d: {  	[tilespmem:s28+$0x1140] =	vst v9;
	v9 =	vld [tilespmem:s28+$0x1530];
	v6 =	vmul.f32 $2.771281240e+01, v6  }
0x28e: {  	[tilespmem:s28+$0x1150] =	vst v8;
	v8 =	vld [tilespmem:s28+$0x1540];
	v7 =	vmul.f32 $2.771281240e+01, v7  }
0x28f: {  	[tilespmem:s28+$0x1160] =	vst v6;
	v6 =	vld [tilespmem:s28+$0x1550];
	v4 =	vmul.f32 $2.771281240e+01, v4  }
0x290: {  	[tilespmem:s28+$0x1170] =	vst v7;
	v3 =	vmul.f32 $2.771281240e+01, v3;
	v7 =	vld [tilespmem:s28+$0x1560]  }
0x291: {  	[tilespmem:s28+$0x1500] =	vst v4;
	v4 =	vmul.f32 $2.771281240e+01, v5;
	v5 =	vld [tilespmem:s28+$0x1570]  }
0x292: {  	[tilespmem:s28+$0x1510] =	vst v3;
	v3 =	vmul.f32 $2.771281240e+01, v9  }
0x293: {  	[tilespmem:s28+$0x1520] =	vst v4;
	v4 =	vmul.f32 $2.771281240e+01, v8  }
0x294: {  	[tilespmem:s28+$0x1530] =	vst v3;
	v3 =	vmul.f32 $2.771281240e+01, v6  }
0x295: {  	[tilespmem:s28+$0x1540] =	vst v4;
	v4 =	vmul.f32 $2.771281240e+01, v7  }
0x296: {  	[tilespmem:s28+$0x1550] =	vst v3;
	v3 =	vmul.f32 $2.771281240e+01, v5  }
0x297: {  	[tilespmem:s28+$0x1560] =	vst v4  }
0x298: {  	s26 =	rddreg [dreg:$0x6];
	s31 =	simm.s32 $0x0;
	[tilespmem:s28+$0x1570] =	vst v3;
	s28 =	simm.s32 $0x0  }
0x299: {  	[hbm4b:s26+s28] =	stream.linear.scatter [tilespmem:s15], [sflag:$0x3], $0xC000, $0x38;
	[tilespmem:$0x18100] =	vst v63  }
0x29a: {  	s26 =	smul.u32 $0x6000, s31  }
0x29b: {  	_ =	swait.ge [sflag:s23], $0xC000  }
0x29c: {  	s29 =	sand.u32 $0x380, s28;
	[sflag:s23] =	ssyncset.done $0x0;
	s26 =	sshra.s32 s26, $0x2  }
0x29d: {  	[sflag:s23] =	ssyncadd.s32 $0xFFFF4000;
	s26 =	sor.u32 s29, s26  }
0x29e: {  	v3 =	vld [tilespmem:s26+$0xC100]  }
0x29f: {  	v4 =	vld [tilespmem:s26+$0xC110]  }
0x2a0: {  	v5 =	vld [tilespmem:s26+$0xC120]  }
0x2a1: {  	v6 =	vld [tilespmem:s26+$0xC130]  }
0x2a2: {  	v7 =	vld [tilespmem:s26+$0xC140]  }
0x2a3: {  	v8 =	vld [tilespmem:s26+$0xC150];
	v3 =	vmul.f32 $2.771281240e+01, v3  }
0x2a4: {  	v9 =	vld [tilespmem:s26+$0xC160];
	v4 =	vmul.f32 $2.771281240e+01, v4  }
0x2a5: {  	[tilespmem:s26+$0xC100] =	vst v3;
	v3 =	vmul.f32 $2.771281240e+01, v5;
	v5 =	vld [tilespmem:s26+$0xC170]  }
0x2a6: {  	[tilespmem:s26+$0xC110] =	vst v4;
	v4 =	vmul.f32 $2.771281240e+01, v6;
	v6 =	vld [tilespmem:s26+$0xC500]  }
0x2a7: {  	[tilespmem:s26+$0xC120] =	vst v3;
	v3 =	vmul.f32 $2.771281240e+01, v7;
	v7 =	vld [tilespmem:s26+$0xC510]  }
0x2a8: {  	[tilespmem:s26+$0xC130] =	vst v4;
	v4 =	vmul.f32 $2.771281240e+01, v8;
	v8 =	vld [tilespmem:s26+$0xC520];
	_ =	sdelay $0x1  }
0x2a9: {  	[tilespmem:s26+$0xC140] =	vst v3;
	v3 =	vmul.f32 $2.771281240e+01, v9;
	v9 =	vld [tilespmem:s26+$0xC570]  }
0x2aa: {  	[tilespmem:s26+$0xC150] =	vst v4;
	v4 =	vmul.f32 $2.771281240e+01, v5;
	v5 =	vld [tilespmem:s26+$0xC530]  }
0x2ab: {  	[tilespmem:s26+$0xC160] =	vst v3;
	v3 =	vmul.f32 $2.771281240e+01, v6;
	v6 =	vld [tilespmem:s26+$0xC540]  }
0x2ac: {  	[tilespmem:s26+$0xC170] =	vst v4;
	v4 =	vmul.f32 $2.771281240e+01, v7;
	v7 =	vmul.f32 $2.771281240e+01, v8;
	v8 =	vld [tilespmem:s26+$0xC560]  }
0x2ad: {  	[tilespmem:s26+$0xC500] =	vst v3;
	v3 =	vld [tilespmem:s26+$0xC550]  }
0x2ae: {  	[tilespmem:s26+$0xC510] =	vst v4;
	v4 =	vld [tilespmem:s26+$0xC900];
	v9 =	vmul.f32 $2.771281240e+01, v9  }
0x2af: {  	[tilespmem:s26+$0xC520] =	vst v7;
	v7 =	vld [tilespmem:s26+$0xC910];
	v5 =	vmul.f32 $2.771281240e+01, v5  }
0x2b0: {  	v6 =	vmul.f32 $2.771281240e+01, v6;
	[tilespmem:s26+$0xC570] =	vst v9  }
0x2b1: {  	[tilespmem:s26+$0xC530] =	vst v5;
	v5 =	vld [tilespmem:s26+$0xC920];
	v8 =	vmul.f32 $2.771281240e+01, v8  }
0x2b2: {  	v3 =	vmul.f32 $2.771281240e+01, v3;
	[tilespmem:s26+$0xC540] =	vst v6;
	v6 =	vld [tilespmem:s26+$0xC930]  }
0x2b3: {  	v9 =	vld [tilespmem:s26+$0xC970];
	[tilespmem:s26+$0xC560] =	vst v8;
	v4 =	vmul.f32 $2.771281240e+01, v4  }
0x2b4: {  	v7 =	vmul.f32 $2.771281240e+01, v7;
	[tilespmem:s26+$0xC550] =	vst v3;
	v3 =	vld [tilespmem:s26+$0xC940]  }
0x2b5: {  	v8 =	vld [tilespmem:s26+$0xC950];
	[tilespmem:s26+$0xC900] =	vst v4  }
0x2b6: {  	[tilespmem:s26+$0xC910] =	vst v7;
	v7 =	vld [tilespmem:s26+$0xC960];
	v4 =	vmul.f32 $2.771281240e+01, v5  }
0x2b7: {  	v5 =	vld [tilespmem:s26+$0xCD00];
	v6 =	vmul.f32 $2.771281240e+01, v6  }
0x2b8: {  	[tilespmem:s26+$0xC920] =	vst v4;
	v4 =	vld [tilespmem:s26+$0xCD10]  }
0x2b9: {  	v3 =	vmul.f32 $2.771281240e+01, v3;
	[tilespmem:s26+$0xC930] =	vst v6;
	v6 =	vld [tilespmem:s26+$0xCD20]  }
0x2ba: {  	v8 =	vmul.f32 $2.771281240e+01, v8  }
0x2bb: {  	v7 =	vmul.f32 $2.771281240e+01, v7;
	[tilespmem:s26+$0xC940] =	vst v3;
	v3 =	vld [tilespmem:s26+$0xCD30]  }
0x2bc: {  	[tilespmem:s26+$0xC950] =	vst v8;
	v8 =	vld [tilespmem:s26+$0xCD40];
	v5 =	vmul.f32 $2.771281240e+01, v5  }
0x2bd: {  	v9 =	vmul.f32 $2.771281240e+01, v9;
	[tilespmem:s26+$0xC960] =	vst v7;
	v7 =	vld [tilespmem:s26+$0xCD50]  }
0x2be: {  	v4 =	vmul.f32 $2.771281240e+01, v4;
	[tilespmem:s26+$0xCD00] =	vst v5;
	v5 =	vmul.f32 $2.771281240e+01, v6;
	v6 =	vld [tilespmem:s26+$0xCD60]  }
0x2bf: {  	[tilespmem:s26+$0xC970] =	vst v9;
	v9 =	vld [tilespmem:s26+$0xCD70]  }
0x2c0: {  	[tilespmem:s26+$0xCD10] =	vst v4;
	v4 =	vld [tilespmem:s26+$0xD100];
	v3 =	vmul.f32 $2.771281240e+01, v3  }
0x2c1: {  	v8 =	vmul.f32 $2.771281240e+01, v8;
	[tilespmem:s26+$0xCD20] =	vst v5;
	v5 =	vld [tilespmem:s26+$0xD110]  }
0x2c2: {  	v7 =	vmul.f32 $2.771281240e+01, v7;
	[tilespmem:s26+$0xCD30] =	vst v3;
	v3 =	vld [tilespmem:s26+$0xD120]  }
0x2c3: {  	[tilespmem:s26+$0xCD40] =	vst v8;
	v8 =	vld [tilespmem:s26+$0xD130];
	v6 =	vmul.f32 $2.771281240e+01, v6  }
0x2c4: {  	v10 =	vld [tilespmem:s26+$0xD140];
	[tilespmem:s26+$0xCD50] =	vst v7;
	v7 =	vmul.f32 $2.771281240e+01, v9  }
0x2c5: {  	v11 =	vld [tilespmem:s26+$0xD150];
	v4 =	vmul.f32 $2.771281240e+01, v4;
	[tilespmem:s26+$0xCD60] =	vst v6  }
0x2c6: {  	[tilespmem:s26+$0xCD70] =	vst v7;
	v5 =	vmul.f32 $2.771281240e+01, v5;
	v6 =	vld [tilespmem:s26+$0xD160]  }
0x2c7: {  	v7 =	vld [tilespmem:s26+$0xD170];
	[tilespmem:s26+$0xD100] =	vst v4;
	v3 =	vmul.f32 $2.771281240e+01, v3  }
0x2c8: {  	v4 =	vld [tilespmem:s26+$0xD500];
	[tilespmem:s26+$0xD110] =	vst v5;
	v5 =	vmul.f32 $2.771281240e+01, v8  }
0x2c9: {  	v9 =	vmul.f32 $2.771281240e+01, v10;
	[tilespmem:s26+$0xD120] =	vst v3;
	v3 =	vld [tilespmem:s26+$0xD510]  }
0x2ca: {  	s29 =	simm.s32 $0x1;
	v8 =	vmul.f32 $2.771281240e+01, v11;
	[tilespmem:s26+$0xD130] =	vst v5;
	v5 =	vld [tilespmem:s26+$0xD520]  }
.LBB2_8:
0x2cb: {  	s30 =	sshrl.u32 s29, $0x3;
	p0 =	sne.s32 s29, $0x3F;
	[tilespmem:s26+$0xD140] =	vst v9;
	v6 =	vmul.f32 $2.771281240e+01, v6;
	v9 =	vld [tilespmem:s26+$0xD530]  }
0x2cc: {  	s30 =	smul.u32 $0x6000, s30;
	[tilespmem:s26+$0xD150] =	vst v8;
	v7 =	vmul.f32 $2.771281240e+01, v7;
	v8 =	vld [tilespmem:s26+$0xD540]  }
0x2cd: {  	s28 =	sadd.s32 $0x80, s28;
	[tilespmem:s26+$0xD160] =	vst v6;
	v4 =	vmul.f32 $2.771281240e+01, v4;
	v6 =	vld [tilespmem:s26+$0xD550]  }
0x2ce: {  	s31 =	sand.u32 $0x380, s28;
	s30 =	sshra.s32 s30, $0x2;
	[tilespmem:s26+$0xD170] =	vst v7;
	v3 =	vmul.f32 $2.771281240e+01, v3;
	v7 =	vld [tilespmem:s26+$0xD560]  }
0x2cf: {  	s30 =	sor.u32 s31, s30;
	[tilespmem:s26+$0xD500] =	vst v4;
	v4 =	vmul.f32 $2.771281240e+01, v5;
	v5 =	vld [tilespmem:s26+$0xD570]  }
0x2d0: {  	v10 =	vld [tilespmem:s30+$0xC100];
	[tilespmem:s26+$0xD510] =	vst v3;
	v3 =	vmul.f32 $2.771281240e+01, v9  }
0x2d1: {  	v9 =	vld [tilespmem:s30+$0xC110];
	[tilespmem:s26+$0xD520] =	vst v4;
	v4 =	vmul.f32 $2.771281240e+01, v8  }
0x2d2: {  	v8 =	vld [tilespmem:s30+$0xC120];
	[tilespmem:s26+$0xD530] =	vst v3;
	v3 =	vmul.f32 $2.771281240e+01, v6  }
0x2d3: {  	v6 =	vld [tilespmem:s30+$0xC130];
	[tilespmem:s26+$0xD540] =	vst v4;
	v4 =	vmul.f32 $2.771281240e+01, v7  }
0x2d4: {  	v7 =	vld [tilespmem:s30+$0xC140];
	[tilespmem:s26+$0xD550] =	vst v3;
	v3 =	vmul.f32 $2.771281240e+01, v5  }
0x2d5: {  	v5 =	vmul.f32 $2.771281240e+01, v10;
	v10 =	vld [tilespmem:s30+$0xC150];
	[tilespmem:s26+$0xD560] =	vst v4  }
0x2d6: {  	v4 =	vmul.f32 $2.771281240e+01, v9;
	v9 =	vld [tilespmem:s30+$0xC160];
	[tilespmem:s26+$0xD570] =	vst v3;
	s26 =	smov.u32 s30  }
0x2d7: {  	[tilespmem:s26+$0xC100] =	vst v5;
	v3 =	vmul.f32 $2.771281240e+01, v8;
	v5 =	vld [tilespmem:s26+$0xC170]  }
0x2d8: {  	[tilespmem:s26+$0xC110] =	vst v4;
	v4 =	vmul.f32 $2.771281240e+01, v6;
	v6 =	vld [tilespmem:s26+$0xC500]  }
0x2d9: {  	[tilespmem:s26+$0xC120] =	vst v3;
	v3 =	vmul.f32 $2.771281240e+01, v7;
	v7 =	vld [tilespmem:s26+$0xC510]  }
0x2da: {  	[tilespmem:s26+$0xC130] =	vst v4;
	v4 =	vmul.f32 $2.771281240e+01, v10;
	v8 =	vld [tilespmem:s26+$0xC520]  }
0x2db: {  	[tilespmem:s26+$0xC140] =	vst v3;
	v3 =	vmul.f32 $2.771281240e+01, v9;
	v9 =	vld [tilespmem:s26+$0xC530]  }
0x2dc: {  	[tilespmem:s26+$0xC150] =	vst v4;
	v4 =	vmul.f32 $2.771281240e+01, v5;
	v5 =	vld [tilespmem:s26+$0xC540]  }
0x2dd: {  	[tilespmem:s26+$0xC160] =	vst v3;
	v3 =	vmul.f32 $2.771281240e+01, v6;
	v6 =	vld [tilespmem:s26+$0xC550]  }
0x2de: {  	[tilespmem:s26+$0xC170] =	vst v4;
	v4 =	vmul.f32 $2.771281240e+01, v7;
	v7 =	vld [tilespmem:s26+$0xC560]  }
0x2df: {  	[tilespmem:s26+$0xC500] =	vst v3;
	v3 =	vmul.f32 $2.771281240e+01, v8;
	v8 =	vld [tilespmem:s26+$0xC570]  }
0x2e0: {  	[tilespmem:s26+$0xC510] =	vst v4;
	v4 =	vmul.f32 $2.771281240e+01, v9;
	v9 =	vld [tilespmem:s26+$0xC900]  }
0x2e1: {  	[tilespmem:s26+$0xC520] =	vst v3;
	v3 =	vmul.f32 $2.771281240e+01, v5;
	v5 =	vld [tilespmem:s26+$0xC910]  }
0x2e2: {  	[tilespmem:s26+$0xC530] =	vst v4;
	v4 =	vmul.f32 $2.771281240e+01, v6;
	v6 =	vld [tilespmem:s26+$0xC920]  }
0x2e3: {  	[tilespmem:s26+$0xC540] =	vst v3;
	v3 =	vmul.f32 $2.771281240e+01, v7;
	v7 =	vld [tilespmem:s26+$0xC930]  }
0x2e4: {  	[tilespmem:s26+$0xC550] =	vst v4;
	v4 =	vmul.f32 $2.771281240e+01, v8;
	v8 =	vld [tilespmem:s26+$0xC940]  }
0x2e5: {  	[tilespmem:s26+$0xC560] =	vst v3;
	v3 =	vmul.f32 $2.771281240e+01, v9;
	v9 =	vld [tilespmem:s26+$0xC950]  }
0x2e6: {  	[tilespmem:s26+$0xC570] =	vst v4;
	v4 =	vmul.f32 $2.771281240e+01, v5;
	v5 =	vld [tilespmem:s26+$0xC960]  }
0x2e7: {  	[tilespmem:s26+$0xC900] =	vst v3;
	v3 =	vmul.f32 $2.771281240e+01, v6;
	v6 =	vld [tilespmem:s26+$0xC970]  }
0x2e8: {  	[tilespmem:s26+$0xC910] =	vst v4;
	v4 =	vmul.f32 $2.771281240e+01, v7;
	v7 =	vld [tilespmem:s26+$0xCD00]  }
0x2e9: {  	[tilespmem:s26+$0xC920] =	vst v3;
	v3 =	vmul.f32 $2.771281240e+01, v8;
	v8 =	vld [tilespmem:s26+$0xCD10]  }
0x2ea: {  	[tilespmem:s26+$0xC930] =	vst v4;
	v4 =	vmul.f32 $2.771281240e+01, v9;
	v9 =	vld [tilespmem:s26+$0xCD20]  }
0x2eb: {  	[tilespmem:s26+$0xC940] =	vst v3;
	v3 =	vmul.f32 $2.771281240e+01, v5;
	v5 =	vld [tilespmem:s26+$0xCD30]  }
0x2ec: {  	[tilespmem:s26+$0xC950] =	vst v4;
	v4 =	vmul.f32 $2.771281240e+01, v6;
	v6 =	vld [tilespmem:s26+$0xCD40]  }
0x2ed: {  	[tilespmem:s26+$0xC960] =	vst v3;
	v3 =	vmul.f32 $2.771281240e+01, v7;
	v7 =	vld [tilespmem:s26+$0xCD50]  }
0x2ee: {  	[tilespmem:s26+$0xC970] =	vst v4;
	v4 =	vmul.f32 $2.771281240e+01, v8;
	v8 =	vld [tilespmem:s26+$0xCD60]  }
0x2ef: {  	[tilespmem:s26+$0xCD00] =	vst v3;
	v3 =	vmul.f32 $2.771281240e+01, v9;
	v9 =	vld [tilespmem:s26+$0xCD70]  }
0x2f0: {  	[tilespmem:s26+$0xCD10] =	vst v4;
	v4 =	vmul.f32 $2.771281240e+01, v5;
	v5 =	vld [tilespmem:s26+$0xD100]  }
0x2f1: {  	[tilespmem:s26+$0xCD20] =	vst v3;
	v3 =	vmul.f32 $2.771281240e+01, v6;
	v6 =	vld [tilespmem:s26+$0xD110]  }
0x2f2: {  	[tilespmem:s26+$0xCD30] =	vst v4;
	v4 =	vmul.f32 $2.771281240e+01, v7;
	v7 =	vld [tilespmem:s26+$0xD120]  }
0x2f3: {  	[tilespmem:s26+$0xCD40] =	vst v3;
	v3 =	vmul.f32 $2.771281240e+01, v8;
	v8 =	vld [tilespmem:s26+$0xD130]  }
0x2f4: {  	[tilespmem:s26+$0xCD50] =	vst v4;
	v4 =	vmul.f32 $2.771281240e+01, v9;
	v9 =	vld [tilespmem:s26+$0xD140]  }
0x2f5: {  	[tilespmem:s26+$0xCD60] =	vst v3;
	v3 =	vmul.f32 $2.771281240e+01, v5;
	v5 =	vld [tilespmem:s26+$0xD150]  }
.Ltmp3:
0x2f6: {  	[tilespmem:s26+$0xCD70] =	vst v4;
	v4 =	vmul.f32 $2.771281240e+01, v6;
	v6 =	vld [tilespmem:s26+$0xD160];
	(pc) =	sbr.rel @p0 .LBB2_8-.Ltmp3, $4  }
0x2f7: {  	[tilespmem:s26+$0xD100] =	vst v3;
	v3 =	vmul.f32 $2.771281240e+01, v7;
	v7 =	vld [tilespmem:s26+$0xD170]  }
0x2f8: {  	[tilespmem:s26+$0xD110] =	vst v4;
	v8 =	vmul.f32 $2.771281240e+01, v8;
	v4 =	vld [tilespmem:s26+$0xD500]  }
0x2f9: {  	[tilespmem:s26+$0xD120] =	vst v3;
	v9 =	vmul.f32 $2.771281240e+01, v9;
	v3 =	vld [tilespmem:s26+$0xD510]  }
0x2fa: {  	s29 =	sadd.s32 $0x1, s29;
	[tilespmem:s26+$0xD130] =	vst v8;
	v8 =	vmul.f32 $2.771281240e+01, v5;
	v5 =	vld [tilespmem:s26+$0xD520]  }
0x2fb: {  	[tilespmem:s26+$0xD140] =	vst v9;
	v56 =	vld [tilespmem:s26+$0xD530];
	v6 =	vmul.f32 $2.771281240e+01, v6  }
0x2fc: {  	v57 =	vld [tilespmem:s26+$0xD540];
	[tilespmem:s26+$0xD150] =	vst v8;
	v7 =	vmul.f32 $2.771281240e+01, v7  }
0x2fd: {  	v58 =	vld [tilespmem:s26+$0xD550];
	[tilespmem:s26+$0xD160] =	vst v6;
	v4 =	vmul.f32 $2.771281240e+01, v4  }
0x2fe: {  	v59 =	vld [tilespmem:s26+$0xD560];
	[tilespmem:s26+$0xD170] =	vst v7;
	v3 =	vmul.f32 $2.771281240e+01, v3  }
0x2ff: {  	v61 =	vld [tilespmem:s26+$0xD570];
	[tilespmem:s26+$0xD500] =	vst v4;
	v60 =	vmul.f32 $2.771281240e+01, v5  }
0x300: {  	[tilespmem:s26+$0xD510] =	vst v3;
	v3 =	vmul.f32 $2.771281240e+01, v56  }
0x301: {  	v62 =	vmul.f32 $2.771281240e+01, v57;
	[tilespmem:s26+$0xD520] =	vst v60  }
0x302: {  	[tilespmem:s26+$0xD530] =	vst v3;
	v3 =	vmul.f32 $2.771281240e+01, v58  }
0x303: {  	v63 =	vmul.f32 $2.771281240e+01, v59;
	[tilespmem:s26+$0xD540] =	vst v62  }
0x304: {  	[tilespmem:s26+$0xD550] =	vst v3;
	v3 =	vmul.f32 $2.771281240e+01, v61  }
0x305: {  	[tilespmem:s26+$0xD560] =	vst v63  }
0x306: {  	s30 =	rddreg [dreg:$0x7];
	[tilespmem:s26+$0xD570] =	vst v3  }
0x307: {  	[hbm4b:s30+s3] =	stream.linear.scatter [tilespmem:s20], [sflag:$0x4], $0xC000, $0x38;
	[tilespmem:$0x18100] =	vst v63  }
0x308: {  	_ =	swait.ge [sflag:s22], $0xC000  }
0x309: {  	[sflag:s22] =	ssyncset.done $0x0  }
0x30a: {  	[sflag:s22] =	ssyncadd.s32 $0xFFFF4000  }
0x30b: {  	_ =	swait.ge [sflag:s24], $0xC000  }
0x30c: {  	s25 =	sadd.s32 $0x1, s25;
	s31 =	rddreg [dreg:$0x8]  }
0x30d: {  	p0 =	sne.s32 s25, s31  }
.Ltmp4:
0x30e: {  	_ = 	snop;
	(pc) =	sbr.rel @p0 .LBB2_1-.Ltmp4, $3  }
0x30f: {  	_ =	sdelay $0x1  }
0x310: {  	[sflag:s24] =	ssyncset.done $0x0  }
0x311: {  	[sflag:s24] =	ssyncadd.s32 $0xFFFF4000  }
0x312: {  	_ =	sfence.sel $0x180000  }
0x313: {  	[bflag:$0x0] =	sbarrier.arrive $0xFFFF  }
0x314: {  	_ =	strace $0x90000047  }
0x315: {  	s0 =	stileid.u32;
	[bflag:$0x2] =	sbarrier.arrive $0xFFFF  }
0x316: {  	p0 =	sne.s32 s0, $0x0;
	s0 =	rddreg [dreg:$0x3]  }
0x317: {  	s0 =	sadd.s32 @!p0 $0x100000, s0  }
0x318: {  	[sflag:s0] =	ssyncadd.tile.s32 @!p0 $0x1;
	_ =	shalt  }
.Lfunc_end2:
_tile_overlayer_lowered:
.L_overlay_start_2:
0x319: {  	(tag) =	ssettag $0x2  }
0x31a: {  	s0 =	rddreg [dreg:$0x0];
	s2 =	stileid.u32  }
0x31b: {  	s1 =	rddreg [dreg:$0x1];
	p0 =	sne.s32 s2, $0x0  }
0x31c: {  	s3 =	rddreg [dreg:$0x2];
	[bflag:$0x3] =	sbarrier.arrive $0xFFFF;
	s2 =	simm.s32 @!p0 $0x1C05  }
0x31d: {  	[timem:s3], [sflag:s2] =	dma.local @!p0 [hbm:s0], s1  }
0x31e: {  	s0 =	simm.s32 @!p0 $0x5  }
0x31f: {  	_ =	swait.ge @!p0 [sflag:s0], s1  }
0x320: {  	s1 =	ssub.s32 @!p0 $0x0, s1;
	[sflag:s0] =	ssyncset.done @!p0 $0x0  }
0x321: {  	[sflag:s0] =	ssyncadd.s32 @!p0 s1  }
0x322: {  	[bflag:$0x3] =	sbarrier.arrive $0xFFFF  }
0x323: {  	_ =	shalt  }

</sc_bundles>
